<compile_context>
chip_gen: v7x
topology: tpu7x:2x2x1
jax: 0.10.2.dev20260603
libtpu: 0.0.44.dev20260713+nightly
codegen_flags: <defaults>
</compile_context>

<pallas_src>
import functools

import jax
import jax.numpy as jnp
from jax import lax
from jax.experimental import pallas as pl
from jax.experimental.pallas import tpu as pltpu
from jax.experimental.pallas import tpu_sc as plsc
from jax.experimental import layout as jax_layout

DIM = 32
BATCH = 16384
N_NEG = 20
ALPHA = 0.5
GAMMA = 0.3

NC = 2
NS = 16
L = 16
NW = NC * NS
BPW = BATCH // NW
RPW = BPW * N_NEG
IROW = 128
CHUNK = 256
NCHUNK = RPW // CHUNK
IDXROWS = BPW // IROW
NIROWS = RPW // IROW
CPI = CHUNK // IROW
GPC = CHUNK // L


def _sc_body(uidx_hbm, pidx_hbm, nidx_hbm, uemb, p2p, n2p,
             dp_out, dn_out, posp_out, posn_out,
             uidx_v, pidx_v, nidx_v, u_v, pp_v, pn_v,
             negp_v, negn_v, sp_v, sn_v, dp_v, dn_v,
             sem, sem0, sem1):
    wid = lax.axis_index("s") * NC + lax.axis_index("c")
    sems = (sem0, sem1)

    pltpu.sync_copy(uidx_hbm.at[wid], uidx_v)
    pltpu.sync_copy(pidx_hbm.at[wid], pidx_v)
    pltpu.sync_copy(nidx_hbm.at[wid], nidx_v)

    def chunk_dmas(c, s):
        out = []
        for tab, buf in ((p2p, negp_v), (n2p, negn_v)):
            for j in range(CPI):
                src = tab.at[nidx_v.at[CPI * c + j]]
                dst = buf.at[s].at[pl.ds(j * IROW, IROW)]
                out.append((src, dst, sems[s]))
        return out

    cps = []
    for j in range(IDXROWS):
        dst = pl.ds(j * IROW, IROW)
        cps.append(pltpu.async_copy(uemb.at[uidx_v.at[j]], u_v.at[dst], sem))
        cps.append(pltpu.async_copy(p2p.at[pidx_v.at[j]], pp_v.at[dst], sem))
        cps.append(pltpu.async_copy(n2p.at[pidx_v.at[j]], pn_v.at[dst], sem))
    for s in range(2):
        for src, dst, sm in chunk_dmas(s, s):
            pltpu.async_copy(src, dst, sm)
    for cp in cps:
        cp.wait()

    iota = lax.iota(jnp.int32, L)
    zeros = jnp.zeros((L,), jnp.float32)

    def pos_group(g, carry):
        rows = g * L + iota
        accp = zeros
        accn = zeros
        for d in range(DIM):
            col = jnp.full((L,), d, jnp.int32)
            uv = plsc.load_gather(u_v, [rows, col])
            pv = plsc.load_gather(pp_v, [rows, col])
            nv = plsc.load_gather(pn_v, [rows, col])
            accp = accp + uv * pv
            accn = accn + uv * nv
        sp_v[pl.ds(g * L, L)] = accp
        sn_v[pl.ds(g * L, L)] = accn
        return carry

    lax.fori_loop(0, BPW // L, pos_group, 0)

    def chunk_compute(c, s):
        for src, dst, sm in chunk_dmas(c, s):
            pltpu.make_async_copy(src, dst, sm).wait()

        def neg_group(g, c2):
            lrow = g * L + iota
            rflat = c * CHUNK + lrow
            bloc = rflat // N_NEG
            accp = zeros
            accn = zeros
            for d in range(DIM):
                col = jnp.full((L,), d, jnp.int32)
                uv = plsc.load_gather(u_v, [bloc, col])
                pv = plsc.load_gather(negp_v.at[s], [lrow, col])
                nv = plsc.load_gather(negn_v.at[s], [lrow, col])
                accp = accp + uv * pv
                accn = accn + uv * nv
            posp = plsc.load_gather(sp_v, [bloc])
            posn = plsc.load_gather(sn_v, [bloc])
            off = c * CHUNK + g * L
            dp_v[pl.ds(off, L)] = posp - accp
            dn_v[pl.ds(off, L)] = posn - accn
            return c2

        lax.fori_loop(0, GPC, neg_group, 0)

    def chunk_pair(k, carry):
        for s in range(2):
            c = 2 * k + s
            chunk_compute(c, s)
            cnext = c + 2

            @pl.when(cnext < NCHUNK)
            def _():
                for src, dst, sm in chunk_dmas(cnext, s):
                    pltpu.async_copy(src, dst, sm)

        return carry

    lax.fori_loop(0, NCHUNK // 2, chunk_pair, 0)

    pltpu.sync_copy(dp_v, dp_out.at[pl.ds(wid * RPW, RPW)])
    pltpu.sync_copy(dn_v, dn_out.at[pl.ds(wid * RPW, RPW)])
    pltpu.sync_copy(pp_v, posp_out.at[pl.ds(wid * BPW, BPW)])
    pltpu.sync_copy(pn_v, posn_out.at[pl.ds(wid * BPW, BPW)])


@jax.jit
def _sc_call(uidx, pidx, nidx, uemb, p2p, n2p):
    mesh = plsc.VectorSubcoreMesh(
        core_axis_name="c", subcore_axis_name="s", num_cores=NC, num_subcores=NS
    )
    f = pl.kernel(
        _sc_body,
        out_type=[
            jax.ShapeDtypeStruct((BATCH * N_NEG,), jnp.float32),
            jax.ShapeDtypeStruct((BATCH * N_NEG,), jnp.float32),
            jax.ShapeDtypeStruct((BATCH, DIM), jnp.float32),
            jax.ShapeDtypeStruct((BATCH, DIM), jnp.float32),
        ],
        mesh=mesh,
        scratch_types=[
            pltpu.VMEM((IDXROWS, IROW), jnp.int32),
            pltpu.VMEM((IDXROWS, IROW), jnp.int32),
            pltpu.VMEM((NIROWS, IROW), jnp.int32),
            pltpu.VMEM((BPW, DIM), jnp.float32),
            pltpu.VMEM((BPW, DIM), jnp.float32),
            pltpu.VMEM((BPW, DIM), jnp.float32),
            pltpu.VMEM((2, CHUNK, DIM), jnp.float32),
            pltpu.VMEM((2, CHUNK, DIM), jnp.float32),
            pltpu.VMEM((BPW,), jnp.float32),
            pltpu.VMEM((BPW,), jnp.float32),
            pltpu.VMEM((RPW,), jnp.float32),
            pltpu.VMEM((RPW,), jnp.float32),
            pltpu.SemaphoreType.DMA,
            pltpu.SemaphoreType.DMA,
            pltpu.SemaphoreType.DMA,
        ],
        compiler_params=pltpu.CompilerParams(
            needs_layout_passes=False, use_tc_tiling_on_sc=False
        ),
    )
    return f(uidx, pidx, nidx, uemb, p2p, n2p)


def _tc_body(dp_ref, dn_ref, pp_ref, pn_ref, w_ref, out_ref):
    lp = jnp.mean(jnp.log(jax.nn.sigmoid(dp_ref[...]) + 1e-10))
    ln = jnp.mean(jnp.log(jax.nn.sigmoid(dn_ref[...]) + 1e-10))
    t = lax.dot_general(
        pn_ref[...], w_ref[...], (((1,), (1,)), ((), ())),
        preferred_element_type=jnp.float32,
        precision=lax.Precision.HIGHEST,
    )
    inter = jnp.sum(pp_ref[...] * t, axis=1)
    li = jnp.mean(jnp.log(jax.nn.sigmoid(inter) + 1e-10))
    out_ref[0, 0] = -(lp + ALPHA * ln + GAMMA * li)


@jax.jit
def _tc_call(dp, dn, posp, posn, W):
    return pl.pallas_call(
        _tc_body,
        out_shape=jax.ShapeDtypeStruct((1, 1), jnp.float32),
        out_specs=pl.BlockSpec(memory_space=pltpu.SMEM),
    )(dp, dn, posp, posn, W)


def kernel(users, items_pos, items_neg, user_emb, item_p2p, item_n2p, W):
    uidx = users.astype(jnp.int32).reshape(NW, IDXROWS, IROW)
    pidx = items_pos.astype(jnp.int32).reshape(NW, IDXROWS, IROW)
    nidx = items_neg.astype(jnp.int32).reshape(NW, NIROWS, IROW)
    row_major = jax_layout.Layout(major_to_minor=(0, 1))
    uemb = jax_layout.with_layout_constraint(user_emb, row_major)
    p2p = jax_layout.with_layout_constraint(item_p2p, row_major)
    n2p = jax_layout.with_layout_constraint(item_n2p, row_major)
    dp, dn, posp, posn = _sc_call(uidx, pidx, nidx, uemb, p2p, n2p)
    dp = dp.reshape(BATCH * N_NEG // 128, 128)
    dn = dn.reshape(BATCH * N_NEG // 128, 128)
    out = _tc_call(dp, dn, posp, posn, W)
    return out[0, 0]

# --- scband reference (transcript-rebuilt; emitter-appended) ---
"""Pipeline reference for scband-hinetwork-45311904972940 (READ-ONLY COPY).

The authoritative reference and input builder live on the scoring server;
editing this copy changes nothing except your own understanding.
"""

import jax, jax.numpy as jnp
import numpy as np

N_USERS = 1000000
N_ITEMS = 1000000
DIM = 32
BATCH = 16384
N_NEG = 20
ALPHA = 0.5
GAMMA = 0.3


def setup_inputs(seed: int = 0) -> dict:
    key = jax.random.key(seed)
    ks = jax.random.split(key, 7)
    users = jax.random.randint(ks[0], (BATCH,), 0, N_USERS)
    items_pos = jax.random.randint(ks[1], (BATCH,), 0, N_ITEMS)
    items_neg = jax.random.randint(ks[2], (BATCH, N_NEG), 0, N_ITEMS)
    user_emb = 0.01 * jax.random.normal(ks[3], (N_USERS, DIM), dtype=jnp.float32)
    item_p2p = 0.01 * jax.random.normal(ks[4], (N_ITEMS, DIM), dtype=jnp.float32)
    item_n2p = 0.01 * jax.random.normal(ks[5], (N_ITEMS, DIM), dtype=jnp.float32)
    W = jax.random.normal(ks[6], (DIM, DIM), dtype=jnp.float32)
    return {
        "users": users,
        "items_pos": items_pos,
        "items_neg": items_neg,
        "user_emb": user_emb,
        "item_p2p": item_p2p,
        "item_n2p": item_n2p,
        "W": W,
    }


def reference(users, items_pos, items_neg, user_emb, item_p2p, item_n2p, W):
    # embedding lookups (SparseCore gathers)
    u = jnp.take(user_emb, users, axis=0)
    i_pos_p2p = jnp.take(item_p2p, items_pos, axis=0)
    i_pos_n2p = jnp.take(item_n2p, items_pos, axis=0)

    score_p2p_pos = jnp.sum(u * i_pos_p2p, axis=1)
    score_n2p_pos = jnp.sum(u * i_pos_n2p, axis=1)

    batch_size, n_neg = items_neg.shape
    neg_items_flat = items_neg.reshape(-1)
    i_neg_p2p = jnp.take(item_p2p, neg_items_flat, axis=0).reshape(batch_size, n_neg, -1)
    i_neg_n2p = jnp.take(item_n2p, neg_items_flat, axis=0).reshape(batch_size, n_neg, -1)

    u_expanded = u[:, None, :]
    score_neg_p2p = jnp.sum(u_expanded * i_neg_p2p, axis=2)
    score_neg_n2p = jnp.sum(u_expanded * i_neg_n2p, axis=2)

    loss_p2p = -jnp.mean(jnp.log(jax.nn.sigmoid(score_p2p_pos[:, None] - score_neg_p2p) + 1e-10))
    loss_n2p = -jnp.mean(jnp.log(jax.nn.sigmoid(score_n2p_pos[:, None] - score_neg_n2p) + 1e-10))

    interaction = jnp.sum(i_pos_p2p * (i_pos_n2p @ W.T), axis=1)
    loss_inter = -jnp.mean(jnp.log(jax.nn.sigmoid(interaction) + 1e-10))

    return loss_p2p + ALPHA * loss_n2p + GAMMA * loss_inter

if __name__ == "__main__":
    import jax
    _d = setup_inputs()
    print(jax.jit(kernel)(*tuple(_d.values())))

</pallas_src>

<mosaic_0001>
#map = affine_map<(d0, d1) -> (0, 0, 0)>
#map1 = affine_map<(d0, d1) -> (0, 0)>
#map2 = affine_map<(d0, d1) -> (0)>
module attributes {stable_mosaic.version = 14 : i64} {
  func.func @_sc_body(%arg0: i32, %arg1: i32, %arg2: memref<32x4x128xi32, #tpu.memory_space<hbm>>, %arg3: memref<32x4x128xi32, #tpu.memory_space<hbm>>, %arg4: memref<32x80x128xi32, #tpu.memory_space<hbm>>, %arg5: memref<1000000x32xf32, #tpu.memory_space<hbm>>, %arg6: memref<1000000x32xf32, #tpu.memory_space<hbm>>, %arg7: memref<1000000x32xf32, #tpu.memory_space<hbm>>, %arg8: memref<327680xf32, #tpu.memory_space<hbm>>, %arg9: memref<327680xf32, #tpu.memory_space<hbm>>, %arg10: memref<16384x32xf32, #tpu.memory_space<hbm>>, %arg11: memref<16384x32xf32, #tpu.memory_space<hbm>>, %arg12: memref<4x128xi32, #tpu.memory_space<vmem>>, %arg13: memref<4x128xi32, #tpu.memory_space<vmem>>, %arg14: memref<80x128xi32, #tpu.memory_space<vmem>>, %arg15: memref<512x32xf32, #tpu.memory_space<vmem>>, %arg16: memref<512x32xf32, #tpu.memory_space<vmem>>, %arg17: memref<512x32xf32, #tpu.memory_space<vmem>>, %arg18: memref<2x256x32xf32, #tpu.memory_space<vmem>>, %arg19: memref<2x256x32xf32, #tpu.memory_space<vmem>>, %arg20: memref<512xf32, #tpu.memory_space<vmem>>, %arg21: memref<512xf32, #tpu.memory_space<vmem>>, %arg22: memref<10240xf32, #tpu.memory_space<vmem>>, %arg23: memref<10240xf32, #tpu.memory_space<vmem>>, %arg24: memref<!tpu.dma_semaphore, #tpu.memory_space<semaphore_mem>>, %arg25: memref<!tpu.dma_semaphore, #tpu.memory_space<semaphore_mem>>, %arg26: memref<!tpu.dma_semaphore, #tpu.memory_space<semaphore_mem>>) attributes {dimension_semantics = [#tpu.dimension_semantics<core_parallel>, #tpu.dimension_semantics<subcore_parallel>], iteration_bounds = array<i64: 2, 16>, scalar_prefetch = 0 : i64, scratch_operands = 15 : i64, tpu.core_type = #tpu.core_type<sc_vector_subcore>, window_params = [{transform_indices = #map}, {transform_indices = #map}, {transform_indices = #map}, {transform_indices = #map1}, {transform_indices = #map1}, {transform_indices = #map1}, {transform_indices = #map2}, {transform_indices = #map2}, {transform_indices = #map1}, {transform_indices = #map1}]} {
    %mul3A = arith.constant 2 : i32
    %mul3A_0 = arith.muli %arg1, %mul3A : i32
    %add3A = arith.addi %mul3A_0, %arg0 : i32
    "tpu.region"() ({
      %run_scoped3A = tpu.sem_alloc : memref<!tpu.dma_semaphore, #tpu.memory_space<semaphore_mem>>
      %dma_start3A_379 = arith.constant 0 : i32
      %dma_start3A_380 = arith.constant 0 : i32
      %dma_start3A_381 = tpu.memref_slice %arg2[%add3A, %dma_start3A_379, %dma_start3A_380] : memref<32x4x128xi32, #tpu.memory_space<hbm>> -> memref<1x4x128xi32, #tpu.memory_space<hbm>>
      %dma_start3A_382 = tpu.memref_squeeze %dma_start3A_381 : memref<1x4x128xi32, #tpu.memory_space<hbm>> -> memref<4x128xi32, #tpu.memory_space<hbm>>
      %dma_start3A_383 = arith.constant 0 : i32
      %dma_start3A_384 = arith.constant 0 : i32
      %dma_start3A_385 = tpu.memref_slice %arg2[%add3A, %dma_start3A_383, %dma_start3A_384] : memref<32x4x128xi32, #tpu.memory_space<hbm>> -> memref<1x4x128xi32, #tpu.memory_space<hbm>>
      %dma_start3A_386 = tpu.memref_squeeze %dma_start3A_385 : memref<1x4x128xi32, #tpu.memory_space<hbm>> -> memref<4x128xi32, #tpu.memory_space<hbm>>
      tpu.enqueue_dma source(%dma_start3A_386 : memref<4x128xi32, #tpu.memory_space<hbm>>) target(%arg12 : memref<4x128xi32, #tpu.memory_space<vmem>>) target_semaphore(%run_scoped3A : memref<!tpu.dma_semaphore, #tpu.memory_space<semaphore_mem>>)
      %dma_wait3A_387 = arith.constant 0 : i32
      %dma_wait3A_388 = arith.constant 0 : i32
      %dma_wait3A_389 = tpu.memref_slice %arg2[%add3A, %dma_wait3A_387, %dma_wait3A_388] : memref<32x4x128xi32, #tpu.memory_space<hbm>> -> memref<1x4x128xi32, #tpu.memory_space<hbm>>
      %dma_wait3A_390 = tpu.memref_squeeze %dma_wait3A_389 : memref<1x4x128xi32, #tpu.memory_space<hbm>> -> memref<4x128xi32, #tpu.memory_space<hbm>>
      %dma_wait3A_391 = arith.constant 0 : i32
      %dma_wait3A_392 = arith.constant 0 : i32
      %dma_wait3A_393 = tpu.memref_slice %arg2[%add3A, %dma_wait3A_391, %dma_wait3A_392] : memref<32x4x128xi32, #tpu.memory_space<hbm>> -> memref<1x4x128xi32, #tpu.memory_space<hbm>>
      %dma_wait3A_394 = tpu.memref_squeeze %dma_wait3A_393 : memref<1x4x128xi32, #tpu.memory_space<hbm>> -> memref<4x128xi32, #tpu.memory_space<hbm>>
      tpu.wait_dma2 semaphore(%run_scoped3A : memref<!tpu.dma_semaphore, #tpu.memory_space<semaphore_mem>>) src(%dma_wait3A_394 : memref<4x128xi32, #tpu.memory_space<hbm>>) dst(%arg12 : memref<4x128xi32, #tpu.memory_space<vmem>>)
      tpu.yield
    }) : () -> ()
    "tpu.region"() ({
      %run_scoped3A = tpu.sem_alloc : memref<!tpu.dma_semaphore, #tpu.memory_space<semaphore_mem>>
      %dma_start3A_379 = arith.constant 0 : i32
      %dma_start3A_380 = arith.constant 0 : i32
      %dma_start3A_381 = tpu.memref_slice %arg3[%add3A, %dma_start3A_379, %dma_start3A_380] : memref<32x4x128xi32, #tpu.memory_space<hbm>> -> memref<1x4x128xi32, #tpu.memory_space<hbm>>
      %dma_start3A_382 = tpu.memref_squeeze %dma_start3A_381 : memref<1x4x128xi32, #tpu.memory_space<hbm>> -> memref<4x128xi32, #tpu.memory_space<hbm>>
      %dma_start3A_383 = arith.constant 0 : i32
      %dma_start3A_384 = arith.constant 0 : i32
      %dma_start3A_385 = tpu.memref_slice %arg3[%add3A, %dma_start3A_383, %dma_start3A_384] : memref<32x4x128xi32, #tpu.memory_space<hbm>> -> memref<1x4x128xi32, #tpu.memory_space<hbm>>
      %dma_start3A_386 = tpu.memref_squeeze %dma_start3A_385 : memref<1x4x128xi32, #tpu.memory_space<hbm>> -> memref<4x128xi32, #tpu.memory_space<hbm>>
      tpu.enqueue_dma source(%dma_start3A_386 : memref<4x128xi32, #tpu.memory_space<hbm>>) target(%arg13 : memref<4x128xi32, #tpu.memory_space<vmem>>) target_semaphore(%run_scoped3A : memref<!tpu.dma_semaphore, #tpu.memory_space<semaphore_mem>>)
      %dma_wait3A_387 = arith.constant 0 : i32
      %dma_wait3A_388 = arith.constant 0 : i32
      %dma_wait3A_389 = tpu.memref_slice %arg3[%add3A, %dma_wait3A_387, %dma_wait3A_388] : memref<32x4x128xi32, #tpu.memory_space<hbm>> -> memref<1x4x128xi32, #tpu.memory_space<hbm>>
      %dma_wait3A_390 = tpu.memref_squeeze %dma_wait3A_389 : memref<1x4x128xi32, #tpu.memory_space<hbm>> -> memref<4x128xi32, #tpu.memory_space<hbm>>
      %dma_wait3A_391 = arith.constant 0 : i32
      %dma_wait3A_392 = arith.constant 0 : i32
      %dma_wait3A_393 = tpu.memref_slice %arg3[%add3A, %dma_wait3A_391, %dma_wait3A_392] : memref<32x4x128xi32, #tpu.memory_space<hbm>> -> memref<1x4x128xi32, #tpu.memory_space<hbm>>
      %dma_wait3A_394 = tpu.memref_squeeze %dma_wait3A_393 : memref<1x4x128xi32, #tpu.memory_space<hbm>> -> memref<4x128xi32, #tpu.memory_space<hbm>>
      tpu.wait_dma2 semaphore(%run_scoped3A : memref<!tpu.dma_semaphore, #tpu.memory_space<semaphore_mem>>) src(%dma_wait3A_394 : memref<4x128xi32, #tpu.memory_space<hbm>>) dst(%arg13 : memref<4x128xi32, #tpu.memory_space<vmem>>)
      tpu.yield
    }) : () -> ()
    "tpu.region"() ({
      %run_scoped3A = tpu.sem_alloc : memref<!tpu.dma_semaphore, #tpu.memory_space<semaphore_mem>>
      %dma_start3A_379 = arith.constant 0 : i32
      %dma_start3A_380 = arith.constant 0 : i32
      %dma_start3A_381 = tpu.memref_slice %arg4[%add3A, %dma_start3A_379, %dma_start3A_380] : memref<32x80x128xi32, #tpu.memory_space<hbm>> -> memref<1x80x128xi32, #tpu.memory_space<hbm>>
      %dma_start3A_382 = tpu.memref_squeeze %dma_start3A_381 : memref<1x80x128xi32, #tpu.memory_space<hbm>> -> memref<80x128xi32, #tpu.memory_space<hbm>>
      %dma_start3A_383 = arith.constant 0 : i32
      %dma_start3A_384 = arith.constant 0 : i32
      %dma_start3A_385 = tpu.memref_slice %arg4[%add3A, %dma_start3A_383, %dma_start3A_384] : memref<32x80x128xi32, #tpu.memory_space<hbm>> -> memref<1x80x128xi32, #tpu.memory_space<hbm>>
      %dma_start3A_386 = tpu.memref_squeeze %dma_start3A_385 : memref<1x80x128xi32, #tpu.memory_space<hbm>> -> memref<80x128xi32, #tpu.memory_space<hbm>>
      tpu.enqueue_dma source(%dma_start3A_386 : memref<80x128xi32, #tpu.memory_space<hbm>>) target(%arg14 : memref<80x128xi32, #tpu.memory_space<vmem>>) target_semaphore(%run_scoped3A : memref<!tpu.dma_semaphore, #tpu.memory_space<semaphore_mem>>)
      %dma_wait3A_387 = arith.constant 0 : i32
      %dma_wait3A_388 = arith.constant 0 : i32
      %dma_wait3A_389 = tpu.memref_slice %arg4[%add3A, %dma_wait3A_387, %dma_wait3A_388] : memref<32x80x128xi32, #tpu.memory_space<hbm>> -> memref<1x80x128xi32, #tpu.memory_space<hbm>>
      %dma_wait3A_390 = tpu.memref_squeeze %dma_wait3A_389 : memref<1x80x128xi32, #tpu.memory_space<hbm>> -> memref<80x128xi32, #tpu.memory_space<hbm>>
      %dma_wait3A_391 = arith.constant 0 : i32
      %dma_wait3A_392 = arith.constant 0 : i32
      %dma_wait3A_393 = tpu.memref_slice %arg4[%add3A, %dma_wait3A_391, %dma_wait3A_392] : memref<32x80x128xi32, #tpu.memory_space<hbm>> -> memref<1x80x128xi32, #tpu.memory_space<hbm>>
      %dma_wait3A_394 = tpu.memref_squeeze %dma_wait3A_393 : memref<1x80x128xi32, #tpu.memory_space<hbm>> -> memref<80x128xi32, #tpu.memory_space<hbm>>
      tpu.wait_dma2 semaphore(%run_scoped3A : memref<!tpu.dma_semaphore, #tpu.memory_space<semaphore_mem>>) src(%dma_wait3A_394 : memref<80x128xi32, #tpu.memory_space<hbm>>) dst(%arg14 : memref<80x128xi32, #tpu.memory_space<vmem>>)
      tpu.yield
    }) : () -> ()
    %dma_start3A = arith.constant 0 : i32
    %dma_start3A_1 = arith.constant 0 : i32
    %dma_start3A_2 = arith.constant 0 : i32
    %dma_start3A_3 = tpu.memref_slice %arg15[%dma_start3A_1, %dma_start3A_2] : memref<512x32xf32, #tpu.memory_space<vmem>> -> memref<128x32xf32, #tpu.memory_space<vmem>>
    %dma_start3A_4 = arith.constant 0 : i32
    %dma_start3A_5 = tpu.memref_slice %arg12[%dma_start3A, %dma_start3A_4] : memref<4x128xi32, #tpu.memory_space<vmem>> -> memref<1x128xi32, #tpu.memory_space<vmem>>
    %dma_start3A_6 = tpu.memref_squeeze %dma_start3A_5 : memref<1x128xi32, #tpu.memory_space<vmem>> -> memref<128xi32, #tpu.memory_space<vmem>>
    %dma_start3A_7 = arith.constant 0 : i32
    %dma_start3A_8 = arith.constant 0 : i32
    %dma_start3A_9 = tpu.memref_slice %arg5[%dma_start3A_7, %dma_start3A_8] : memref<1000000x32xf32, #tpu.memory_space<hbm>> -> memref<1000000x32xf32, #tpu.memory_space<hbm>>
    tpu.enqueue_indirect_dma source(%dma_start3A_9 : memref<1000000x32xf32, #tpu.memory_space<hbm>>) target(%dma_start3A_3 : memref<128x32xf32, #tpu.memory_space<vmem>>) offsets(%dma_start3A_6 : memref<128xi32, #tpu.memory_space<vmem>>) semaphore(%arg24 : memref<!tpu.dma_semaphore, #tpu.memory_space<semaphore_mem>>)
    %dma_start3A_10 = arith.constant 0 : i32
    %dma_start3A_11 = arith.constant 0 : i32
    %dma_start3A_12 = arith.constant 0 : i32
    %dma_start3A_13 = tpu.memref_slice %arg16[%dma_start3A_11, %dma_start3A_12] : memref<512x32xf32, #tpu.memory_space<vmem>> -> memref<128x32xf32, #tpu.memory_space<vmem>>
    %dma_start3A_14 = arith.constant 0 : i32
    %dma_start3A_15 = tpu.memref_slice %arg13[%dma_start3A_10, %dma_start3A_14] : memref<4x128xi32, #tpu.memory_space<vmem>> -> memref<1x128xi32, #tpu.memory_space<vmem>>
    %dma_start3A_16 = tpu.memref_squeeze %dma_start3A_15 : memref<1x128xi32, #tpu.memory_space<vmem>> -> memref<128xi32, #tpu.memory_space<vmem>>
    %dma_start3A_17 = arith.constant 0 : i32
    %dma_start3A_18 = arith.constant 0 : i32
    %dma_start3A_19 = tpu.memref_slice %arg6[%dma_start3A_17, %dma_start3A_18] : memref<1000000x32xf32, #tpu.memory_space<hbm>> -> memref<1000000x32xf32, #tpu.memory_space<hbm>>
    tpu.enqueue_indirect_dma source(%dma_start3A_19 : memref<1000000x32xf32, #tpu.memory_space<hbm>>) target(%dma_start3A_13 : memref<128x32xf32, #tpu.memory_space<vmem>>) offsets(%dma_start3A_16 : memref<128xi32, #tpu.memory_space<vmem>>) semaphore(%arg24 : memref<!tpu.dma_semaphore, #tpu.memory_space<semaphore_mem>>)
    %dma_start3A_20 = arith.constant 0 : i32
    %dma_start3A_21 = arith.constant 0 : i32
    %dma_start3A_22 = arith.constant 0 : i32
    %dma_start3A_23 = tpu.memref_slice %arg17[%dma_start3A_21, %dma_start3A_22] : memref<512x32xf32, #tpu.memory_space<vmem>> -> memref<128x32xf32, #tpu.memory_space<vmem>>
    %dma_start3A_24 = arith.constant 0 : i32
    %dma_start3A_25 = tpu.memref_slice %arg13[%dma_start3A_20, %dma_start3A_24] : memref<4x128xi32, #tpu.memory_space<vmem>> -> memref<1x128xi32, #tpu.memory_space<vmem>>
    %dma_start3A_26 = tpu.memref_squeeze %dma_start3A_25 : memref<1x128xi32, #tpu.memory_space<vmem>> -> memref<128xi32, #tpu.memory_space<vmem>>
    %dma_start3A_27 = arith.constant 0 : i32
    %dma_start3A_28 = arith.constant 0 : i32
    %dma_start3A_29 = tpu.memref_slice %arg7[%dma_start3A_27, %dma_start3A_28] : memref<1000000x32xf32, #tpu.memory_space<hbm>> -> memref<1000000x32xf32, #tpu.memory_space<hbm>>
    tpu.enqueue_indirect_dma source(%dma_start3A_29 : memref<1000000x32xf32, #tpu.memory_space<hbm>>) target(%dma_start3A_23 : memref<128x32xf32, #tpu.memory_space<vmem>>) offsets(%dma_start3A_26 : memref<128xi32, #tpu.memory_space<vmem>>) semaphore(%arg24 : memref<!tpu.dma_semaphore, #tpu.memory_space<semaphore_mem>>)
    %dma_start3A_30 = arith.constant 1 : i32
    %dma_start3A_31 = arith.constant 128 : i32
    %dma_start3A_32 = arith.constant 0 : i32
    %dma_start3A_33 = tpu.memref_slice %arg15[%dma_start3A_31, %dma_start3A_32] : memref<512x32xf32, #tpu.memory_space<vmem>> -> memref<128x32xf32, #tpu.memory_space<vmem>>
    %dma_start3A_34 = arith.constant 0 : i32
    %dma_start3A_35 = tpu.memref_slice %arg12[%dma_start3A_30, %dma_start3A_34] : memref<4x128xi32, #tpu.memory_space<vmem>> -> memref<1x128xi32, #tpu.memory_space<vmem>>
    %dma_start3A_36 = tpu.memref_squeeze %dma_start3A_35 : memref<1x128xi32, #tpu.memory_space<vmem>> -> memref<128xi32, #tpu.memory_space<vmem>>
    %dma_start3A_37 = arith.constant 0 : i32
    %dma_start3A_38 = arith.constant 0 : i32
    %dma_start3A_39 = tpu.memref_slice %arg5[%dma_start3A_37, %dma_start3A_38] : memref<1000000x32xf32, #tpu.memory_space<hbm>> -> memref<1000000x32xf32, #tpu.memory_space<hbm>>
    tpu.enqueue_indirect_dma source(%dma_start3A_39 : memref<1000000x32xf32, #tpu.memory_space<hbm>>) target(%dma_start3A_33 : memref<128x32xf32, #tpu.memory_space<vmem>>) offsets(%dma_start3A_36 : memref<128xi32, #tpu.memory_space<vmem>>) semaphore(%arg24 : memref<!tpu.dma_semaphore, #tpu.memory_space<semaphore_mem>>)
    %dma_start3A_40 = arith.constant 1 : i32
    %dma_start3A_41 = arith.constant 128 : i32
    %dma_start3A_42 = arith.constant 0 : i32
    %dma_start3A_43 = tpu.memref_slice %arg16[%dma_start3A_41, %dma_start3A_42] : memref<512x32xf32, #tpu.memory_space<vmem>> -> memref<128x32xf32, #tpu.memory_space<vmem>>
    %dma_start3A_44 = arith.constant 0 : i32
    %dma_start3A_45 = tpu.memref_slice %arg13[%dma_start3A_40, %dma_start3A_44] : memref<4x128xi32, #tpu.memory_space<vmem>> -> memref<1x128xi32, #tpu.memory_space<vmem>>
    %dma_start3A_46 = tpu.memref_squeeze %dma_start3A_45 : memref<1x128xi32, #tpu.memory_space<vmem>> -> memref<128xi32, #tpu.memory_space<vmem>>
    %dma_start3A_47 = arith.constant 0 : i32
    %dma_start3A_48 = arith.constant 0 : i32
    %dma_start3A_49 = tpu.memref_slice %arg6[%dma_start3A_47, %dma_start3A_48] : memref<1000000x32xf32, #tpu.memory_space<hbm>> -> memref<1000000x32xf32, #tpu.memory_space<hbm>>
    tpu.enqueue_indirect_dma source(%dma_start3A_49 : memref<1000000x32xf32, #tpu.memory_space<hbm>>) target(%dma_start3A_43 : memref<128x32xf32, #tpu.memory_space<vmem>>) offsets(%dma_start3A_46 : memref<128xi32, #tpu.memory_space<vmem>>) semaphore(%arg24 : memref<!tpu.dma_semaphore, #tpu.memory_space<semaphore_mem>>)
    %dma_start3A_50 = arith.constant 1 : i32
    %dma_start3A_51 = arith.constant 128 : i32
    %dma_start3A_52 = arith.constant 0 : i32
    %dma_start3A_53 = tpu.memref_slice %arg17[%dma_start3A_51, %dma_start3A_52] : memref<512x32xf32, #tpu.memory_space<vmem>> -> memref<128x32xf32, #tpu.memory_space<vmem>>
    %dma_start3A_54 = arith.constant 0 : i32
    %dma_start3A_55 = tpu.memref_slice %arg13[%dma_start3A_50, %dma_start3A_54] : memref<4x128xi32, #tpu.memory_space<vmem>> -> memref<1x128xi32, #tpu.memory_space<vmem>>
    %dma_start3A_56 = tpu.memref_squeeze %dma_start3A_55 : memref<1x128xi32, #tpu.memory_space<vmem>> -> memref<128xi32, #tpu.memory_space<vmem>>
    %dma_start3A_57 = arith.constant 0 : i32
    %dma_start3A_58 = arith.constant 0 : i32
    %dma_start3A_59 = tpu.memref_slice %arg7[%dma_start3A_57, %dma_start3A_58] : memref<1000000x32xf32, #tpu.memory_space<hbm>> -> memref<1000000x32xf32, #tpu.memory_space<hbm>>
    tpu.enqueue_indirect_dma source(%dma_start3A_59 : memref<1000000x32xf32, #tpu.memory_space<hbm>>) target(%dma_start3A_53 : memref<128x32xf32, #tpu.memory_space<vmem>>) offsets(%dma_start3A_56 : memref<128xi32, #tpu.memory_space<vmem>>) semaphore(%arg24 : memref<!tpu.dma_semaphore, #tpu.memory_space<semaphore_mem>>)
    %dma_start3A_60 = arith.constant 2 : i32
    %dma_start3A_61 = arith.constant 256 : i32
    %dma_start3A_62 = arith.constant 0 : i32
    %dma_start3A_63 = tpu.memref_slice %arg15[%dma_start3A_61, %dma_start3A_62] : memref<512x32xf32, #tpu.memory_space<vmem>> -> memref<128x32xf32, #tpu.memory_space<vmem>>
    %dma_start3A_64 = arith.constant 0 : i32
    %dma_start3A_65 = tpu.memref_slice %arg12[%dma_start3A_60, %dma_start3A_64] : memref<4x128xi32, #tpu.memory_space<vmem>> -> memref<1x128xi32, #tpu.memory_space<vmem>>
    %dma_start3A_66 = tpu.memref_squeeze %dma_start3A_65 : memref<1x128xi32, #tpu.memory_space<vmem>> -> memref<128xi32, #tpu.memory_space<vmem>>
    %dma_start3A_67 = arith.constant 0 : i32
    %dma_start3A_68 = arith.constant 0 : i32
    %dma_start3A_69 = tpu.memref_slice %arg5[%dma_start3A_67, %dma_start3A_68] : memref<1000000x32xf32, #tpu.memory_space<hbm>> -> memref<1000000x32xf32, #tpu.memory_space<hbm>>
    tpu.enqueue_indirect_dma source(%dma_start3A_69 : memref<1000000x32xf32, #tpu.memory_space<hbm>>) target(%dma_start3A_63 : memref<128x32xf32, #tpu.memory_space<vmem>>) offsets(%dma_start3A_66 : memref<128xi32, #tpu.memory_space<vmem>>) semaphore(%arg24 : memref<!tpu.dma_semaphore, #tpu.memory_space<semaphore_mem>>)
    %dma_start3A_70 = arith.constant 2 : i32
    %dma_start3A_71 = arith.constant 256 : i32
    %dma_start3A_72 = arith.constant 0 : i32
    %dma_start3A_73 = tpu.memref_slice %arg16[%dma_start3A_71, %dma_start3A_72] : memref<512x32xf32, #tpu.memory_space<vmem>> -> memref<128x32xf32, #tpu.memory_space<vmem>>
    %dma_start3A_74 = arith.constant 0 : i32
    %dma_start3A_75 = tpu.memref_slice %arg13[%dma_start3A_70, %dma_start3A_74] : memref<4x128xi32, #tpu.memory_space<vmem>> -> memref<1x128xi32, #tpu.memory_space<vmem>>
    %dma_start3A_76 = tpu.memref_squeeze %dma_start3A_75 : memref<1x128xi32, #tpu.memory_space<vmem>> -> memref<128xi32, #tpu.memory_space<vmem>>
    %dma_start3A_77 = arith.constant 0 : i32
    %dma_start3A_78 = arith.constant 0 : i32
    %dma_start3A_79 = tpu.memref_slice %arg6[%dma_start3A_77, %dma_start3A_78] : memref<1000000x32xf32, #tpu.memory_space<hbm>> -> memref<1000000x32xf32, #tpu.memory_space<hbm>>
    tpu.enqueue_indirect_dma source(%dma_start3A_79 : memref<1000000x32xf32, #tpu.memory_space<hbm>>) target(%dma_start3A_73 : memref<128x32xf32, #tpu.memory_space<vmem>>) offsets(%dma_start3A_76 : memref<128xi32, #tpu.memory_space<vmem>>) semaphore(%arg24 : memref<!tpu.dma_semaphore, #tpu.memory_space<semaphore_mem>>)
    %dma_start3A_80 = arith.constant 2 : i32
    %dma_start3A_81 = arith.constant 256 : i32
    %dma_start3A_82 = arith.constant 0 : i32
    %dma_start3A_83 = tpu.memref_slice %arg17[%dma_start3A_81, %dma_start3A_82] : memref<512x32xf32, #tpu.memory_space<vmem>> -> memref<128x32xf32, #tpu.memory_space<vmem>>
    %dma_start3A_84 = arith.constant 0 : i32
    %dma_start3A_85 = tpu.memref_slice %arg13[%dma_start3A_80, %dma_start3A_84] : memref<4x128xi32, #tpu.memory_space<vmem>> -> memref<1x128xi32, #tpu.memory_space<vmem>>
    %dma_start3A_86 = tpu.memref_squeeze %dma_start3A_85 : memref<1x128xi32, #tpu.memory_space<vmem>> -> memref<128xi32, #tpu.memory_space<vmem>>
    %dma_start3A_87 = arith.constant 0 : i32
    %dma_start3A_88 = arith.constant 0 : i32
    %dma_start3A_89 = tpu.memref_slice %arg7[%dma_start3A_87, %dma_start3A_88] : memref<1000000x32xf32, #tpu.memory_space<hbm>> -> memref<1000000x32xf32, #tpu.memory_space<hbm>>
    tpu.enqueue_indirect_dma source(%dma_start3A_89 : memref<1000000x32xf32, #tpu.memory_space<hbm>>) target(%dma_start3A_83 : memref<128x32xf32, #tpu.memory_space<vmem>>) offsets(%dma_start3A_86 : memref<128xi32, #tpu.memory_space<vmem>>) semaphore(%arg24 : memref<!tpu.dma_semaphore, #tpu.memory_space<semaphore_mem>>)
    %dma_start3A_90 = arith.constant 3 : i32
    %dma_start3A_91 = arith.constant 384 : i32
    %dma_start3A_92 = arith.constant 0 : i32
    %dma_start3A_93 = tpu.memref_slice %arg15[%dma_start3A_91, %dma_start3A_92] : memref<512x32xf32, #tpu.memory_space<vmem>> -> memref<128x32xf32, #tpu.memory_space<vmem>>
    %dma_start3A_94 = arith.constant 0 : i32
    %dma_start3A_95 = tpu.memref_slice %arg12[%dma_start3A_90, %dma_start3A_94] : memref<4x128xi32, #tpu.memory_space<vmem>> -> memref<1x128xi32, #tpu.memory_space<vmem>>
    %dma_start3A_96 = tpu.memref_squeeze %dma_start3A_95 : memref<1x128xi32, #tpu.memory_space<vmem>> -> memref<128xi32, #tpu.memory_space<vmem>>
    %dma_start3A_97 = arith.constant 0 : i32
    %dma_start3A_98 = arith.constant 0 : i32
    %dma_start3A_99 = tpu.memref_slice %arg5[%dma_start3A_97, %dma_start3A_98] : memref<1000000x32xf32, #tpu.memory_space<hbm>> -> memref<1000000x32xf32, #tpu.memory_space<hbm>>
    tpu.enqueue_indirect_dma source(%dma_start3A_99 : memref<1000000x32xf32, #tpu.memory_space<hbm>>) target(%dma_start3A_93 : memref<128x32xf32, #tpu.memory_space<vmem>>) offsets(%dma_start3A_96 : memref<128xi32, #tpu.memory_space<vmem>>) semaphore(%arg24 : memref<!tpu.dma_semaphore, #tpu.memory_space<semaphore_mem>>)
    %dma_start3A_100 = arith.constant 3 : i32
    %dma_start3A_101 = arith.constant 384 : i32
    %dma_start3A_102 = arith.constant 0 : i32
    %dma_start3A_103 = tpu.memref_slice %arg16[%dma_start3A_101, %dma_start3A_102] : memref<512x32xf32, #tpu.memory_space<vmem>> -> memref<128x32xf32, #tpu.memory_space<vmem>>
    %dma_start3A_104 = arith.constant 0 : i32
    %dma_start3A_105 = tpu.memref_slice %arg13[%dma_start3A_100, %dma_start3A_104] : memref<4x128xi32, #tpu.memory_space<vmem>> -> memref<1x128xi32, #tpu.memory_space<vmem>>
    %dma_start3A_106 = tpu.memref_squeeze %dma_start3A_105 : memref<1x128xi32, #tpu.memory_space<vmem>> -> memref<128xi32, #tpu.memory_space<vmem>>
    %dma_start3A_107 = arith.constant 0 : i32
    %dma_start3A_108 = arith.constant 0 : i32
    %dma_start3A_109 = tpu.memref_slice %arg6[%dma_start3A_107, %dma_start3A_108] : memref<1000000x32xf32, #tpu.memory_space<hbm>> -> memref<1000000x32xf32, #tpu.memory_space<hbm>>
    tpu.enqueue_indirect_dma source(%dma_start3A_109 : memref<1000000x32xf32, #tpu.memory_space<hbm>>) target(%dma_start3A_103 : memref<128x32xf32, #tpu.memory_space<vmem>>) offsets(%dma_start3A_106 : memref<128xi32, #tpu.memory_space<vmem>>) semaphore(%arg24 : memref<!tpu.dma_semaphore, #tpu.memory_space<semaphore_mem>>)
    %dma_start3A_110 = arith.constant 3 : i32
    %dma_start3A_111 = arith.constant 384 : i32
    %dma_start3A_112 = arith.constant 0 : i32
    %dma_start3A_113 = tpu.memref_slice %arg17[%dma_start3A_111, %dma_start3A_112] : memref<512x32xf32, #tpu.memory_space<vmem>> -> memref<128x32xf32, #tpu.memory_space<vmem>>
    %dma_start3A_114 = arith.constant 0 : i32
    %dma_start3A_115 = tpu.memref_slice %arg13[%dma_start3A_110, %dma_start3A_114] : memref<4x128xi32, #tpu.memory_space<vmem>> -> memref<1x128xi32, #tpu.memory_space<vmem>>
    %dma_start3A_116 = tpu.memref_squeeze %dma_start3A_115 : memref<1x128xi32, #tpu.memory_space<vmem>> -> memref<128xi32, #tpu.memory_space<vmem>>
    %dma_start3A_117 = arith.constant 0 : i32
    %dma_start3A_118 = arith.constant 0 : i32
    %dma_start3A_119 = tpu.memref_slice %arg7[%dma_start3A_117, %dma_start3A_118] : memref<1000000x32xf32, #tpu.memory_space<hbm>> -> memref<1000000x32xf32, #tpu.memory_space<hbm>>
    tpu.enqueue_indirect_dma source(%dma_start3A_119 : memref<1000000x32xf32, #tpu.memory_space<hbm>>) target(%dma_start3A_113 : memref<128x32xf32, #tpu.memory_space<vmem>>) offsets(%dma_start3A_116 : memref<128xi32, #tpu.memory_space<vmem>>) semaphore(%arg24 : memref<!tpu.dma_semaphore, #tpu.memory_space<semaphore_mem>>)
    %dma_start3A_120 = arith.constant 0 : i32
    %dma_start3A_121 = arith.constant 0 : i32
    %dma_start3A_122 = arith.constant 0 : i32
    %dma_start3A_123 = arith.constant 0 : i32
    %dma_start3A_124 = tpu.memref_slice %arg18[%dma_start3A_121, %dma_start3A_122, %dma_start3A_123] : memref<2x256x32xf32, #tpu.memory_space<vmem>> -> memref<1x256x32xf32, #tpu.memory_space<vmem>>
    %dma_start3A_125 = tpu.memref_squeeze %dma_start3A_124 : memref<1x256x32xf32, #tpu.memory_space<vmem>> -> memref<256x32xf32, #tpu.memory_space<vmem>>
    %dma_start3A_126 = arith.constant 0 : i32
    %dma_start3A_127 = arith.constant 0 : i32
    %dma_start3A_128 = tpu.memref_slice %dma_start3A_125[%dma_start3A_126, %dma_start3A_127] : memref<256x32xf32, #tpu.memory_space<vmem>> -> memref<128x32xf32, #tpu.memory_space<vmem>>
    %dma_start3A_129 = arith.constant 0 : i32
    %dma_start3A_130 = tpu.memref_slice %arg14[%dma_start3A_120, %dma_start3A_129] : memref<80x128xi32, #tpu.memory_space<vmem>> -> memref<1x128xi32, #tpu.memory_space<vmem>>
    %dma_start3A_131 = tpu.memref_squeeze %dma_start3A_130 : memref<1x128xi32, #tpu.memory_space<vmem>> -> memref<128xi32, #tpu.memory_space<vmem>>
    %dma_start3A_132 = arith.constant 0 : i32
    %dma_start3A_133 = arith.constant 0 : i32
    %dma_start3A_134 = tpu.memref_slice %arg6[%dma_start3A_132, %dma_start3A_133] : memref<1000000x32xf32, #tpu.memory_space<hbm>> -> memref<1000000x32xf32, #tpu.memory_space<hbm>>
    tpu.enqueue_indirect_dma source(%dma_start3A_134 : memref<1000000x32xf32, #tpu.memory_space<hbm>>) target(%dma_start3A_128 : memref<128x32xf32, #tpu.memory_space<vmem>>) offsets(%dma_start3A_131 : memref<128xi32, #tpu.memory_space<vmem>>) semaphore(%arg25 : memref<!tpu.dma_semaphore, #tpu.memory_space<semaphore_mem>>)
    %dma_start3A_135 = arith.constant 1 : i32
    %dma_start3A_136 = arith.constant 0 : i32
    %dma_start3A_137 = arith.constant 0 : i32
    %dma_start3A_138 = arith.constant 0 : i32
    %dma_start3A_139 = tpu.memref_slice %arg18[%dma_start3A_136, %dma_start3A_137, %dma_start3A_138] : memref<2x256x32xf32, #tpu.memory_space<vmem>> -> memref<1x256x32xf32, #tpu.memory_space<vmem>>
    %dma_start3A_140 = tpu.memref_squeeze %dma_start3A_139 : memref<1x256x32xf32, #tpu.memory_space<vmem>> -> memref<256x32xf32, #tpu.memory_space<vmem>>
    %dma_start3A_141 = arith.constant 128 : i32
    %dma_start3A_142 = arith.constant 0 : i32
    %dma_start3A_143 = tpu.memref_slice %dma_start3A_140[%dma_start3A_141, %dma_start3A_142] : memref<256x32xf32, #tpu.memory_space<vmem>> -> memref<128x32xf32, #tpu.memory_space<vmem>>
    %dma_start3A_144 = arith.constant 0 : i32
    %dma_start3A_145 = tpu.memref_slice %arg14[%dma_start3A_135, %dma_start3A_144] : memref<80x128xi32, #tpu.memory_space<vmem>> -> memref<1x128xi32, #tpu.memory_space<vmem>>
    %dma_start3A_146 = tpu.memref_squeeze %dma_start3A_145 : memref<1x128xi32, #tpu.memory_space<vmem>> -> memref<128xi32, #tpu.memory_space<vmem>>
    %dma_start3A_147 = arith.constant 0 : i32
    %dma_start3A_148 = arith.constant 0 : i32
    %dma_start3A_149 = tpu.memref_slice %arg6[%dma_start3A_147, %dma_start3A_148] : memref<1000000x32xf32, #tpu.memory_space<hbm>> -> memref<1000000x32xf32, #tpu.memory_space<hbm>>
    tpu.enqueue_indirect_dma source(%dma_start3A_149 : memref<1000000x32xf32, #tpu.memory_space<hbm>>) target(%dma_start3A_143 : memref<128x32xf32, #tpu.memory_space<vmem>>) offsets(%dma_start3A_146 : memref<128xi32, #tpu.memory_space<vmem>>) semaphore(%arg25 : memref<!tpu.dma_semaphore, #tpu.memory_space<semaphore_mem>>)
    %dma_start3A_150 = arith.constant 0 : i32
    %dma_start3A_151 = arith.constant 0 : i32
    %dma_start3A_152 = arith.constant 0 : i32
    %dma_start3A_153 = arith.constant 0 : i32
    %dma_start3A_154 = tpu.memref_slice %arg19[%dma_start3A_151, %dma_start3A_152, %dma_start3A_153] : memref<2x256x32xf32, #tpu.memory_space<vmem>> -> memref<1x256x32xf32, #tpu.memory_space<vmem>>
    %dma_start3A_155 = tpu.memref_squeeze %dma_start3A_154 : memref<1x256x32xf32, #tpu.memory_space<vmem>> -> memref<256x32xf32, #tpu.memory_space<vmem>>
    %dma_start3A_156 = arith.constant 0 : i32
    %dma_start3A_157 = arith.constant 0 : i32
    %dma_start3A_158 = tpu.memref_slice %dma_start3A_155[%dma_start3A_156, %dma_start3A_157] : memref<256x32xf32, #tpu.memory_space<vmem>> -> memref<128x32xf32, #tpu.memory_space<vmem>>
    %dma_start3A_159 = arith.constant 0 : i32
    %dma_start3A_160 = tpu.memref_slice %arg14[%dma_start3A_150, %dma_start3A_159] : memref<80x128xi32, #tpu.memory_space<vmem>> -> memref<1x128xi32, #tpu.memory_space<vmem>>
    %dma_start3A_161 = tpu.memref_squeeze %dma_start3A_160 : memref<1x128xi32, #tpu.memory_space<vmem>> -> memref<128xi32, #tpu.memory_space<vmem>>
    %dma_start3A_162 = arith.constant 0 : i32
    %dma_start3A_163 = arith.constant 0 : i32
    %dma_start3A_164 = tpu.memref_slice %arg7[%dma_start3A_162, %dma_start3A_163] : memref<1000000x32xf32, #tpu.memory_space<hbm>> -> memref<1000000x32xf32, #tpu.memory_space<hbm>>
    tpu.enqueue_indirect_dma source(%dma_start3A_164 : memref<1000000x32xf32, #tpu.memory_space<hbm>>) target(%dma_start3A_158 : memref<128x32xf32, #tpu.memory_space<vmem>>) offsets(%dma_start3A_161 : memref<128xi32, #tpu.memory_space<vmem>>) semaphore(%arg25 : memref<!tpu.dma_semaphore, #tpu.memory_space<semaphore_mem>>)
    %dma_start3A_165 = arith.constant 1 : i32
    %dma_start3A_166 = arith.constant 0 : i32
    %dma_start3A_167 = arith.constant 0 : i32
    %dma_start3A_168 = arith.constant 0 : i32
    %dma_start3A_169 = tpu.memref_slice %arg19[%dma_start3A_166, %dma_start3A_167, %dma_start3A_168] : memref<2x256x32xf32, #tpu.memory_space<vmem>> -> memref<1x256x32xf32, #tpu.memory_space<vmem>>
    %dma_start3A_170 = tpu.memref_squeeze %dma_start3A_169 : memref<1x256x32xf32, #tpu.memory_space<vmem>> -> memref<256x32xf32, #tpu.memory_space<vmem>>
    %dma_start3A_171 = arith.constant 128 : i32
    %dma_start3A_172 = arith.constant 0 : i32
    %dma_start3A_173 = tpu.memref_slice %dma_start3A_170[%dma_start3A_171, %dma_start3A_172] : memref<256x32xf32, #tpu.memory_space<vmem>> -> memref<128x32xf32, #tpu.memory_space<vmem>>
    %dma_start3A_174 = arith.constant 0 : i32
    %dma_start3A_175 = tpu.memref_slice %arg14[%dma_start3A_165, %dma_start3A_174] : memref<80x128xi32, #tpu.memory_space<vmem>> -> memref<1x128xi32, #tpu.memory_space<vmem>>
    %dma_start3A_176 = tpu.memref_squeeze %dma_start3A_175 : memref<1x128xi32, #tpu.memory_space<vmem>> -> memref<128xi32, #tpu.memory_space<vmem>>
    %dma_start3A_177 = arith.constant 0 : i32
    %dma_start3A_178 = arith.constant 0 : i32
    %dma_start3A_179 = tpu.memref_slice %arg7[%dma_start3A_177, %dma_start3A_178] : memref<1000000x32xf32, #tpu.memory_space<hbm>> -> memref<1000000x32xf32, #tpu.memory_space<hbm>>
    tpu.enqueue_indirect_dma source(%dma_start3A_179 : memref<1000000x32xf32, #tpu.memory_space<hbm>>) target(%dma_start3A_173 : memref<128x32xf32, #tpu.memory_space<vmem>>) offsets(%dma_start3A_176 : memref<128xi32, #tpu.memory_space<vmem>>) semaphore(%arg25 : memref<!tpu.dma_semaphore, #tpu.memory_space<semaphore_mem>>)
    %dma_start3A_180 = arith.constant 2 : i32
    %dma_start3A_181 = arith.constant 1 : i32
    %dma_start3A_182 = arith.constant 0 : i32
    %dma_start3A_183 = arith.constant 0 : i32
    %dma_start3A_184 = tpu.memref_slice %arg18[%dma_start3A_181, %dma_start3A_182, %dma_start3A_183] : memref<2x256x32xf32, #tpu.memory_space<vmem>> -> memref<1x256x32xf32, #tpu.memory_space<vmem>>
    %dma_start3A_185 = tpu.memref_squeeze %dma_start3A_184 : memref<1x256x32xf32, #tpu.memory_space<vmem>> -> memref<256x32xf32, #tpu.memory_space<vmem>>
    %dma_start3A_186 = arith.constant 0 : i32
    %dma_start3A_187 = arith.constant 0 : i32
    %dma_start3A_188 = tpu.memref_slice %dma_start3A_185[%dma_start3A_186, %dma_start3A_187] : memref<256x32xf32, #tpu.memory_space<vmem>> -> memref<128x32xf32, #tpu.memory_space<vmem>>
    %dma_start3A_189 = arith.constant 0 : i32
    %dma_start3A_190 = tpu.memref_slice %arg14[%dma_start3A_180, %dma_start3A_189] : memref<80x128xi32, #tpu.memory_space<vmem>> -> memref<1x128xi32, #tpu.memory_space<vmem>>
    %dma_start3A_191 = tpu.memref_squeeze %dma_start3A_190 : memref<1x128xi32, #tpu.memory_space<vmem>> -> memref<128xi32, #tpu.memory_space<vmem>>
    %dma_start3A_192 = arith.constant 0 : i32
    %dma_start3A_193 = arith.constant 0 : i32
    %dma_start3A_194 = tpu.memref_slice %arg6[%dma_start3A_192, %dma_start3A_193] : memref<1000000x32xf32, #tpu.memory_space<hbm>> -> memref<1000000x32xf32, #tpu.memory_space<hbm>>
    tpu.enqueue_indirect_dma source(%dma_start3A_194 : memref<1000000x32xf32, #tpu.memory_space<hbm>>) target(%dma_start3A_188 : memref<128x32xf32, #tpu.memory_space<vmem>>) offsets(%dma_start3A_191 : memref<128xi32, #tpu.memory_space<vmem>>) semaphore(%arg26 : memref<!tpu.dma_semaphore, #tpu.memory_space<semaphore_mem>>)
    %dma_start3A_195 = arith.constant 3 : i32
    %dma_start3A_196 = arith.constant 1 : i32
    %dma_start3A_197 = arith.constant 0 : i32
    %dma_start3A_198 = arith.constant 0 : i32
    %dma_start3A_199 = tpu.memref_slice %arg18[%dma_start3A_196, %dma_start3A_197, %dma_start3A_198] : memref<2x256x32xf32, #tpu.memory_space<vmem>> -> memref<1x256x32xf32, #tpu.memory_space<vmem>>
    %dma_start3A_200 = tpu.memref_squeeze %dma_start3A_199 : memref<1x256x32xf32, #tpu.memory_space<vmem>> -> memref<256x32xf32, #tpu.memory_space<vmem>>
    %dma_start3A_201 = arith.constant 128 : i32
    %dma_start3A_202 = arith.constant 0 : i32
    %dma_start3A_203 = tpu.memref_slice %dma_start3A_200[%dma_start3A_201, %dma_start3A_202] : memref<256x32xf32, #tpu.memory_space<vmem>> -> memref<128x32xf32, #tpu.memory_space<vmem>>
    %dma_start3A_204 = arith.constant 0 : i32
    %dma_start3A_205 = tpu.memref_slice %arg14[%dma_start3A_195, %dma_start3A_204] : memref<80x128xi32, #tpu.memory_space<vmem>> -> memref<1x128xi32, #tpu.memory_space<vmem>>
    %dma_start3A_206 = tpu.memref_squeeze %dma_start3A_205 : memref<1x128xi32, #tpu.memory_space<vmem>> -> memref<128xi32, #tpu.memory_space<vmem>>
    %dma_start3A_207 = arith.constant 0 : i32
    %dma_start3A_208 = arith.constant 0 : i32
    %dma_start3A_209 = tpu.memref_slice %arg6[%dma_start3A_207, %dma_start3A_208] : memref<1000000x32xf32, #tpu.memory_space<hbm>> -> memref<1000000x32xf32, #tpu.memory_space<hbm>>
    tpu.enqueue_indirect_dma source(%dma_start3A_209 : memref<1000000x32xf32, #tpu.memory_space<hbm>>) target(%dma_start3A_203 : memref<128x32xf32, #tpu.memory_space<vmem>>) offsets(%dma_start3A_206 : memref<128xi32, #tpu.memory_space<vmem>>) semaphore(%arg26 : memref<!tpu.dma_semaphore, #tpu.memory_space<semaphore_mem>>)
    %dma_start3A_210 = arith.constant 2 : i32
    %dma_start3A_211 = arith.constant 1 : i32
    %dma_start3A_212 = arith.constant 0 : i32
    %dma_start3A_213 = arith.constant 0 : i32
    %dma_start3A_214 = tpu.memref_slice %arg19[%dma_start3A_211, %dma_start3A_212, %dma_start3A_213] : memref<2x256x32xf32, #tpu.memory_space<vmem>> -> memref<1x256x32xf32, #tpu.memory_space<vmem>>
    %dma_start3A_215 = tpu.memref_squeeze %dma_start3A_214 : memref<1x256x32xf32, #tpu.memory_space<vmem>> -> memref<256x32xf32, #tpu.memory_space<vmem>>
    %dma_start3A_216 = arith.constant 0 : i32
    %dma_start3A_217 = arith.constant 0 : i32
    %dma_start3A_218 = tpu.memref_slice %dma_start3A_215[%dma_start3A_216, %dma_start3A_217] : memref<256x32xf32, #tpu.memory_space<vmem>> -> memref<128x32xf32, #tpu.memory_space<vmem>>
    %dma_start3A_219 = arith.constant 0 : i32
    %dma_start3A_220 = tpu.memref_slice %arg14[%dma_start3A_210, %dma_start3A_219] : memref<80x128xi32, #tpu.memory_space<vmem>> -> memref<1x128xi32, #tpu.memory_space<vmem>>
    %dma_start3A_221 = tpu.memref_squeeze %dma_start3A_220 : memref<1x128xi32, #tpu.memory_space<vmem>> -> memref<128xi32, #tpu.memory_space<vmem>>
    %dma_start3A_222 = arith.constant 0 : i32
    %dma_start3A_223 = arith.constant 0 : i32
    %dma_start3A_224 = tpu.memref_slice %arg7[%dma_start3A_222, %dma_start3A_223] : memref<1000000x32xf32, #tpu.memory_space<hbm>> -> memref<1000000x32xf32, #tpu.memory_space<hbm>>
    tpu.enqueue_indirect_dma source(%dma_start3A_224 : memref<1000000x32xf32, #tpu.memory_space<hbm>>) target(%dma_start3A_218 : memref<128x32xf32, #tpu.memory_space<vmem>>) offsets(%dma_start3A_221 : memref<128xi32, #tpu.memory_space<vmem>>) semaphore(%arg26 : memref<!tpu.dma_semaphore, #tpu.memory_space<semaphore_mem>>)
    %dma_start3A_225 = arith.constant 3 : i32
    %dma_start3A_226 = arith.constant 1 : i32
    %dma_start3A_227 = arith.constant 0 : i32
    %dma_start3A_228 = arith.constant 0 : i32
    %dma_start3A_229 = tpu.memref_slice %arg19[%dma_start3A_226, %dma_start3A_227, %dma_start3A_228] : memref<2x256x32xf32, #tpu.memory_space<vmem>> -> memref<1x256x32xf32, #tpu.memory_space<vmem>>
    %dma_start3A_230 = tpu.memref_squeeze %dma_start3A_229 : memref<1x256x32xf32, #tpu.memory_space<vmem>> -> memref<256x32xf32, #tpu.memory_space<vmem>>
    %dma_start3A_231 = arith.constant 128 : i32
    %dma_start3A_232 = arith.constant 0 : i32
    %dma_start3A_233 = tpu.memref_slice %dma_start3A_230[%dma_start3A_231, %dma_start3A_232] : memref<256x32xf32, #tpu.memory_space<vmem>> -> memref<128x32xf32, #tpu.memory_space<vmem>>
    %dma_start3A_234 = arith.constant 0 : i32
    %dma_start3A_235 = tpu.memref_slice %arg14[%dma_start3A_225, %dma_start3A_234] : memref<80x128xi32, #tpu.memory_space<vmem>> -> memref<1x128xi32, #tpu.memory_space<vmem>>
    %dma_start3A_236 = tpu.memref_squeeze %dma_start3A_235 : memref<1x128xi32, #tpu.memory_space<vmem>> -> memref<128xi32, #tpu.memory_space<vmem>>
    %dma_start3A_237 = arith.constant 0 : i32
    %dma_start3A_238 = arith.constant 0 : i32
    %dma_start3A_239 = tpu.memref_slice %arg7[%dma_start3A_237, %dma_start3A_238] : memref<1000000x32xf32, #tpu.memory_space<hbm>> -> memref<1000000x32xf32, #tpu.memory_space<hbm>>
    tpu.enqueue_indirect_dma source(%dma_start3A_239 : memref<1000000x32xf32, #tpu.memory_space<hbm>>) target(%dma_start3A_233 : memref<128x32xf32, #tpu.memory_space<vmem>>) offsets(%dma_start3A_236 : memref<128xi32, #tpu.memory_space<vmem>>) semaphore(%arg26 : memref<!tpu.dma_semaphore, #tpu.memory_space<semaphore_mem>>)
    %dma_wait3A = arith.constant 0 : i32
    %dma_wait3A_240 = arith.constant 0 : i32
    %dma_wait3A_241 = arith.constant 0 : i32
    %dma_wait3A_242 = tpu.memref_slice %arg15[%dma_wait3A_240, %dma_wait3A_241] : memref<512x32xf32, #tpu.memory_space<vmem>> -> memref<128x32xf32, #tpu.memory_space<vmem>>
    %dma_wait3A_243 = arith.constant 0 : i32
    %dma_wait3A_244 = tpu.memref_slice %arg12[%dma_wait3A, %dma_wait3A_243] : memref<4x128xi32, #tpu.memory_space<vmem>> -> memref<1x128xi32, #tpu.memory_space<vmem>>
    %dma_wait3A_245 = tpu.memref_squeeze %dma_wait3A_244 : memref<1x128xi32, #tpu.memory_space<vmem>> -> memref<128xi32, #tpu.memory_space<vmem>>
    %dma_wait3A_246 = arith.constant 0 : i32
    %dma_wait3A_247 = arith.constant 0 : i32
    %dma_wait3A_248 = tpu.memref_slice %arg5[%dma_wait3A_246, %dma_wait3A_247] : memref<1000000x32xf32, #tpu.memory_space<hbm>> -> memref<1000000x32xf32, #tpu.memory_space<hbm>>
    tpu.wait_indirect_dma semaphore(%arg24 : memref<!tpu.dma_semaphore, #tpu.memory_space<semaphore_mem>>) src(%dma_wait3A_248 : memref<1000000x32xf32, #tpu.memory_space<hbm>>) dst(%dma_wait3A_242 : memref<128x32xf32, #tpu.memory_space<vmem>>)
    %dma_wait3A_249 = arith.constant 0 : i32
    %dma_wait3A_250 = arith.constant 0 : i32
    %dma_wait3A_251 = arith.constant 0 : i32
    %dma_wait3A_252 = tpu.memref_slice %arg16[%dma_wait3A_250, %dma_wait3A_251] : memref<512x32xf32, #tpu.memory_space<vmem>> -> memref<128x32xf32, #tpu.memory_space<vmem>>
    %dma_wait3A_253 = arith.constant 0 : i32
    %dma_wait3A_254 = tpu.memref_slice %arg13[%dma_wait3A_249, %dma_wait3A_253] : memref<4x128xi32, #tpu.memory_space<vmem>> -> memref<1x128xi32, #tpu.memory_space<vmem>>
    %dma_wait3A_255 = tpu.memref_squeeze %dma_wait3A_254 : memref<1x128xi32, #tpu.memory_space<vmem>> -> memref<128xi32, #tpu.memory_space<vmem>>
    %dma_wait3A_256 = arith.constant 0 : i32
    %dma_wait3A_257 = arith.constant 0 : i32
    %dma_wait3A_258 = tpu.memref_slice %arg6[%dma_wait3A_256, %dma_wait3A_257] : memref<1000000x32xf32, #tpu.memory_space<hbm>> -> memref<1000000x32xf32, #tpu.memory_space<hbm>>
    tpu.wait_indirect_dma semaphore(%arg24 : memref<!tpu.dma_semaphore, #tpu.memory_space<semaphore_mem>>) src(%dma_wait3A_258 : memref<1000000x32xf32, #tpu.memory_space<hbm>>) dst(%dma_wait3A_252 : memref<128x32xf32, #tpu.memory_space<vmem>>)
    %dma_wait3A_259 = arith.constant 0 : i32
    %dma_wait3A_260 = arith.constant 0 : i32
    %dma_wait3A_261 = arith.constant 0 : i32
    %dma_wait3A_262 = tpu.memref_slice %arg17[%dma_wait3A_260, %dma_wait3A_261] : memref<512x32xf32, #tpu.memory_space<vmem>> -> memref<128x32xf32, #tpu.memory_space<vmem>>
    %dma_wait3A_263 = arith.constant 0 : i32
    %dma_wait3A_264 = tpu.memref_slice %arg13[%dma_wait3A_259, %dma_wait3A_263] : memref<4x128xi32, #tpu.memory_space<vmem>> -> memref<1x128xi32, #tpu.memory_space<vmem>>
    %dma_wait3A_265 = tpu.memref_squeeze %dma_wait3A_264 : memref<1x128xi32, #tpu.memory_space<vmem>> -> memref<128xi32, #tpu.memory_space<vmem>>
    %dma_wait3A_266 = arith.constant 0 : i32
    %dma_wait3A_267 = arith.constant 0 : i32
    %dma_wait3A_268 = tpu.memref_slice %arg7[%dma_wait3A_266, %dma_wait3A_267] : memref<1000000x32xf32, #tpu.memory_space<hbm>> -> memref<1000000x32xf32, #tpu.memory_space<hbm>>
    tpu.wait_indirect_dma semaphore(%arg24 : memref<!tpu.dma_semaphore, #tpu.memory_space<semaphore_mem>>) src(%dma_wait3A_268 : memref<1000000x32xf32, #tpu.memory_space<hbm>>) dst(%dma_wait3A_262 : memref<128x32xf32, #tpu.memory_space<vmem>>)
    %dma_wait3A_269 = arith.constant 1 : i32
    %dma_wait3A_270 = arith.constant 128 : i32
    %dma_wait3A_271 = arith.constant 0 : i32
    %dma_wait3A_272 = tpu.memref_slice %arg15[%dma_wait3A_270, %dma_wait3A_271] : memref<512x32xf32, #tpu.memory_space<vmem>> -> memref<128x32xf32, #tpu.memory_space<vmem>>
    %dma_wait3A_273 = arith.constant 0 : i32
    %dma_wait3A_274 = tpu.memref_slice %arg12[%dma_wait3A_269, %dma_wait3A_273] : memref<4x128xi32, #tpu.memory_space<vmem>> -> memref<1x128xi32, #tpu.memory_space<vmem>>
    %dma_wait3A_275 = tpu.memref_squeeze %dma_wait3A_274 : memref<1x128xi32, #tpu.memory_space<vmem>> -> memref<128xi32, #tpu.memory_space<vmem>>
    %dma_wait3A_276 = arith.constant 0 : i32
    %dma_wait3A_277 = arith.constant 0 : i32
    %dma_wait3A_278 = tpu.memref_slice %arg5[%dma_wait3A_276, %dma_wait3A_277] : memref<1000000x32xf32, #tpu.memory_space<hbm>> -> memref<1000000x32xf32, #tpu.memory_space<hbm>>
    tpu.wait_indirect_dma semaphore(%arg24 : memref<!tpu.dma_semaphore, #tpu.memory_space<semaphore_mem>>) src(%dma_wait3A_278 : memref<1000000x32xf32, #tpu.memory_space<hbm>>) dst(%dma_wait3A_272 : memref<128x32xf32, #tpu.memory_space<vmem>>)
    %dma_wait3A_279 = arith.constant 1 : i32
    %dma_wait3A_280 = arith.constant 128 : i32
    %dma_wait3A_281 = arith.constant 0 : i32
    %dma_wait3A_282 = tpu.memref_slice %arg16[%dma_wait3A_280, %dma_wait3A_281] : memref<512x32xf32, #tpu.memory_space<vmem>> -> memref<128x32xf32, #tpu.memory_space<vmem>>
    %dma_wait3A_283 = arith.constant 0 : i32
    %dma_wait3A_284 = tpu.memref_slice %arg13[%dma_wait3A_279, %dma_wait3A_283] : memref<4x128xi32, #tpu.memory_space<vmem>> -> memref<1x128xi32, #tpu.memory_space<vmem>>
    %dma_wait3A_285 = tpu.memref_squeeze %dma_wait3A_284 : memref<1x128xi32, #tpu.memory_space<vmem>> -> memref<128xi32, #tpu.memory_space<vmem>>
    %dma_wait3A_286 = arith.constant 0 : i32
    %dma_wait3A_287 = arith.constant 0 : i32
    %dma_wait3A_288 = tpu.memref_slice %arg6[%dma_wait3A_286, %dma_wait3A_287] : memref<1000000x32xf32, #tpu.memory_space<hbm>> -> memref<1000000x32xf32, #tpu.memory_space<hbm>>
    tpu.wait_indirect_dma semaphore(%arg24 : memref<!tpu.dma_semaphore, #tpu.memory_space<semaphore_mem>>) src(%dma_wait3A_288 : memref<1000000x32xf32, #tpu.memory_space<hbm>>) dst(%dma_wait3A_282 : memref<128x32xf32, #tpu.memory_space<vmem>>)
    %dma_wait3A_289 = arith.constant 1 : i32
    %dma_wait3A_290 = arith.constant 128 : i32
    %dma_wait3A_291 = arith.constant 0 : i32
    %dma_wait3A_292 = tpu.memref_slice %arg17[%dma_wait3A_290, %dma_wait3A_291] : memref<512x32xf32, #tpu.memory_space<vmem>> -> memref<128x32xf32, #tpu.memory_space<vmem>>
    %dma_wait3A_293 = arith.constant 0 : i32
    %dma_wait3A_294 = tpu.memref_slice %arg13[%dma_wait3A_289, %dma_wait3A_293] : memref<4x128xi32, #tpu.memory_space<vmem>> -> memref<1x128xi32, #tpu.memory_space<vmem>>
    %dma_wait3A_295 = tpu.memref_squeeze %dma_wait3A_294 : memref<1x128xi32, #tpu.memory_space<vmem>> -> memref<128xi32, #tpu.memory_space<vmem>>
    %dma_wait3A_296 = arith.constant 0 : i32
    %dma_wait3A_297 = arith.constant 0 : i32
    %dma_wait3A_298 = tpu.memref_slice %arg7[%dma_wait3A_296, %dma_wait3A_297] : memref<1000000x32xf32, #tpu.memory_space<hbm>> -> memref<1000000x32xf32, #tpu.memory_space<hbm>>
    tpu.wait_indirect_dma semaphore(%arg24 : memref<!tpu.dma_semaphore, #tpu.memory_space<semaphore_mem>>) src(%dma_wait3A_298 : memref<1000000x32xf32, #tpu.memory_space<hbm>>) dst(%dma_wait3A_292 : memref<128x32xf32, #tpu.memory_space<vmem>>)
    %dma_wait3A_299 = arith.constant 2 : i32
    %dma_wait3A_300 = arith.constant 256 : i32
    %dma_wait3A_301 = arith.constant 0 : i32
    %dma_wait3A_302 = tpu.memref_slice %arg15[%dma_wait3A_300, %dma_wait3A_301] : memref<512x32xf32, #tpu.memory_space<vmem>> -> memref<128x32xf32, #tpu.memory_space<vmem>>
    %dma_wait3A_303 = arith.constant 0 : i32
    %dma_wait3A_304 = tpu.memref_slice %arg12[%dma_wait3A_299, %dma_wait3A_303] : memref<4x128xi32, #tpu.memory_space<vmem>> -> memref<1x128xi32, #tpu.memory_space<vmem>>
    %dma_wait3A_305 = tpu.memref_squeeze %dma_wait3A_304 : memref<1x128xi32, #tpu.memory_space<vmem>> -> memref<128xi32, #tpu.memory_space<vmem>>
    %dma_wait3A_306 = arith.constant 0 : i32
    %dma_wait3A_307 = arith.constant 0 : i32
    %dma_wait3A_308 = tpu.memref_slice %arg5[%dma_wait3A_306, %dma_wait3A_307] : memref<1000000x32xf32, #tpu.memory_space<hbm>> -> memref<1000000x32xf32, #tpu.memory_space<hbm>>
    tpu.wait_indirect_dma semaphore(%arg24 : memref<!tpu.dma_semaphore, #tpu.memory_space<semaphore_mem>>) src(%dma_wait3A_308 : memref<1000000x32xf32, #tpu.memory_space<hbm>>) dst(%dma_wait3A_302 : memref<128x32xf32, #tpu.memory_space<vmem>>)
    %dma_wait3A_309 = arith.constant 2 : i32
    %dma_wait3A_310 = arith.constant 256 : i32
    %dma_wait3A_311 = arith.constant 0 : i32
    %dma_wait3A_312 = tpu.memref_slice %arg16[%dma_wait3A_310, %dma_wait3A_311] : memref<512x32xf32, #tpu.memory_space<vmem>> -> memref<128x32xf32, #tpu.memory_space<vmem>>
    %dma_wait3A_313 = arith.constant 0 : i32
    %dma_wait3A_314 = tpu.memref_slice %arg13[%dma_wait3A_309, %dma_wait3A_313] : memref<4x128xi32, #tpu.memory_space<vmem>> -> memref<1x128xi32, #tpu.memory_space<vmem>>
    %dma_wait3A_315 = tpu.memref_squeeze %dma_wait3A_314 : memref<1x128xi32, #tpu.memory_space<vmem>> -> memref<128xi32, #tpu.memory_space<vmem>>
    %dma_wait3A_316 = arith.constant 0 : i32
    %dma_wait3A_317 = arith.constant 0 : i32
    %dma_wait3A_318 = tpu.memref_slice %arg6[%dma_wait3A_316, %dma_wait3A_317] : memref<1000000x32xf32, #tpu.memory_space<hbm>> -> memref<1000000x32xf32, #tpu.memory_space<hbm>>
    tpu.wait_indirect_dma semaphore(%arg24 : memref<!tpu.dma_semaphore, #tpu.memory_space<semaphore_mem>>) src(%dma_wait3A_318 : memref<1000000x32xf32, #tpu.memory_space<hbm>>) dst(%dma_wait3A_312 : memref<128x32xf32, #tpu.memory_space<vmem>>)
    %dma_wait3A_319 = arith.constant 2 : i32
    %dma_wait3A_320 = arith.constant 256 : i32
    %dma_wait3A_321 = arith.constant 0 : i32
    %dma_wait3A_322 = tpu.memref_slice %arg17[%dma_wait3A_320, %dma_wait3A_321] : memref<512x32xf32, #tpu.memory_space<vmem>> -> memref<128x32xf32, #tpu.memory_space<vmem>>
    %dma_wait3A_323 = arith.constant 0 : i32
    %dma_wait3A_324 = tpu.memref_slice %arg13[%dma_wait3A_319, %dma_wait3A_323] : memref<4x128xi32, #tpu.memory_space<vmem>> -> memref<1x128xi32, #tpu.memory_space<vmem>>
    %dma_wait3A_325 = tpu.memref_squeeze %dma_wait3A_324 : memref<1x128xi32, #tpu.memory_space<vmem>> -> memref<128xi32, #tpu.memory_space<vmem>>
    %dma_wait3A_326 = arith.constant 0 : i32
    %dma_wait3A_327 = arith.constant 0 : i32
    %dma_wait3A_328 = tpu.memref_slice %arg7[%dma_wait3A_326, %dma_wait3A_327] : memref<1000000x32xf32, #tpu.memory_space<hbm>> -> memref<1000000x32xf32, #tpu.memory_space<hbm>>
    tpu.wait_indirect_dma semaphore(%arg24 : memref<!tpu.dma_semaphore, #tpu.memory_space<semaphore_mem>>) src(%dma_wait3A_328 : memref<1000000x32xf32, #tpu.memory_space<hbm>>) dst(%dma_wait3A_322 : memref<128x32xf32, #tpu.memory_space<vmem>>)
    %dma_wait3A_329 = arith.constant 3 : i32
    %dma_wait3A_330 = arith.constant 384 : i32
    %dma_wait3A_331 = arith.constant 0 : i32
    %dma_wait3A_332 = tpu.memref_slice %arg15[%dma_wait3A_330, %dma_wait3A_331] : memref<512x32xf32, #tpu.memory_space<vmem>> -> memref<128x32xf32, #tpu.memory_space<vmem>>
    %dma_wait3A_333 = arith.constant 0 : i32
    %dma_wait3A_334 = tpu.memref_slice %arg12[%dma_wait3A_329, %dma_wait3A_333] : memref<4x128xi32, #tpu.memory_space<vmem>> -> memref<1x128xi32, #tpu.memory_space<vmem>>
    %dma_wait3A_335 = tpu.memref_squeeze %dma_wait3A_334 : memref<1x128xi32, #tpu.memory_space<vmem>> -> memref<128xi32, #tpu.memory_space<vmem>>
    %dma_wait3A_336 = arith.constant 0 : i32
    %dma_wait3A_337 = arith.constant 0 : i32
    %dma_wait3A_338 = tpu.memref_slice %arg5[%dma_wait3A_336, %dma_wait3A_337] : memref<1000000x32xf32, #tpu.memory_space<hbm>> -> memref<1000000x32xf32, #tpu.memory_space<hbm>>
    tpu.wait_indirect_dma semaphore(%arg24 : memref<!tpu.dma_semaphore, #tpu.memory_space<semaphore_mem>>) src(%dma_wait3A_338 : memref<1000000x32xf32, #tpu.memory_space<hbm>>) dst(%dma_wait3A_332 : memref<128x32xf32, #tpu.memory_space<vmem>>)
    %dma_wait3A_339 = arith.constant 3 : i32
    %dma_wait3A_340 = arith.constant 384 : i32
    %dma_wait3A_341 = arith.constant 0 : i32
    %dma_wait3A_342 = tpu.memref_slice %arg16[%dma_wait3A_340, %dma_wait3A_341] : memref<512x32xf32, #tpu.memory_space<vmem>> -> memref<128x32xf32, #tpu.memory_space<vmem>>
    %dma_wait3A_343 = arith.constant 0 : i32
    %dma_wait3A_344 = tpu.memref_slice %arg13[%dma_wait3A_339, %dma_wait3A_343] : memref<4x128xi32, #tpu.memory_space<vmem>> -> memref<1x128xi32, #tpu.memory_space<vmem>>
    %dma_wait3A_345 = tpu.memref_squeeze %dma_wait3A_344 : memref<1x128xi32, #tpu.memory_space<vmem>> -> memref<128xi32, #tpu.memory_space<vmem>>
    %dma_wait3A_346 = arith.constant 0 : i32
    %dma_wait3A_347 = arith.constant 0 : i32
    %dma_wait3A_348 = tpu.memref_slice %arg6[%dma_wait3A_346, %dma_wait3A_347] : memref<1000000x32xf32, #tpu.memory_space<hbm>> -> memref<1000000x32xf32, #tpu.memory_space<hbm>>
    tpu.wait_indirect_dma semaphore(%arg24 : memref<!tpu.dma_semaphore, #tpu.memory_space<semaphore_mem>>) src(%dma_wait3A_348 : memref<1000000x32xf32, #tpu.memory_space<hbm>>) dst(%dma_wait3A_342 : memref<128x32xf32, #tpu.memory_space<vmem>>)
    %dma_wait3A_349 = arith.constant 3 : i32
    %dma_wait3A_350 = arith.constant 384 : i32
    %dma_wait3A_351 = arith.constant 0 : i32
    %dma_wait3A_352 = tpu.memref_slice %arg17[%dma_wait3A_350, %dma_wait3A_351] : memref<512x32xf32, #tpu.memory_space<vmem>> -> memref<128x32xf32, #tpu.memory_space<vmem>>
    %dma_wait3A_353 = arith.constant 0 : i32
    %dma_wait3A_354 = tpu.memref_slice %arg13[%dma_wait3A_349, %dma_wait3A_353] : memref<4x128xi32, #tpu.memory_space<vmem>> -> memref<1x128xi32, #tpu.memory_space<vmem>>
    %dma_wait3A_355 = tpu.memref_squeeze %dma_wait3A_354 : memref<1x128xi32, #tpu.memory_space<vmem>> -> memref<128xi32, #tpu.memory_space<vmem>>
    %dma_wait3A_356 = arith.constant 0 : i32
    %dma_wait3A_357 = arith.constant 0 : i32
    %dma_wait3A_358 = tpu.memref_slice %arg7[%dma_wait3A_356, %dma_wait3A_357] : memref<1000000x32xf32, #tpu.memory_space<hbm>> -> memref<1000000x32xf32, #tpu.memory_space<hbm>>
    tpu.wait_indirect_dma semaphore(%arg24 : memref<!tpu.dma_semaphore, #tpu.memory_space<semaphore_mem>>) src(%dma_wait3A_358 : memref<1000000x32xf32, #tpu.memory_space<hbm>>) dst(%dma_wait3A_352 : memref<128x32xf32, #tpu.memory_space<vmem>>)
    %iota3A = tpu.iota {dimensions = array<i32: 0>} : vector<16xi32>
    %broadcast_in_dim3A = arith.constant 0.000000e+00 : f32
    %broadcast_in_dim3A_359 = vector.broadcast %broadcast_in_dim3A : f32 to vector<16xf32>
    %scan3A = arith.constant 0 : i32
    %scan3A_360 = arith.constant 0 : i32
    %scan3A_361 = arith.constant 32 : i32
    %scan3A_362 = arith.addi %scan3A_360, %scan3A_361 : i32
    %scan3A_363 = arith.constant 1 : i32
    scf.for %scan3A_379 = %scan3A_360 to %scan3A_362 step %scan3A_363  : i32 {
      %mul3A_380 = arith.constant 16 : i32
      %mul3A_381 = arith.muli %scan3A_379, %mul3A_380 : i32
      %add3A_382 = vector.broadcast %mul3A_381 : i32 to vector<16xi32>
      %add3A_383 = arith.addi %add3A_382, %iota3A : vector<16xi32>
      %broadcast_in_dim3A_384 = arith.constant 0 : i32
      %broadcast_in_dim3A_385 = vector.broadcast %broadcast_in_dim3A_384 : i32 to vector<16xi32>
      %gather3A = tpu.vector_load_idx %arg15[%add3A_383, %broadcast_in_dim3A_385] : memref<512x32xf32, #tpu.memory_space<vmem>>[vector<16xi32>, vector<16xi32>], vector<16xf32>,
      %gather3A_386 = tpu.vector_load_idx %arg16[%add3A_383, %broadcast_in_dim3A_385] : memref<512x32xf32, #tpu.memory_space<vmem>>[vector<16xi32>, vector<16xi32>], vector<16xf32>,
      %gather3A_387 = tpu.vector_load_idx %arg17[%add3A_383, %broadcast_in_dim3A_385] : memref<512x32xf32, #tpu.memory_space<vmem>>[vector<16xi32>, vector<16xi32>], vector<16xf32>,
      %mul3A_388 = arith.mulf %gather3A, %gather3A_386 : vector<16xf32>
      %add3A_389 = arith.addf %broadcast_in_dim3A_359, %mul3A_388 : vector<16xf32>
      %mul3A_390 = arith.mulf %gather3A, %gather3A_387 : vector<16xf32>
      %add3A_391 = arith.addf %broadcast_in_dim3A_359, %mul3A_390 : vector<16xf32>
      %broadcast_in_dim3A_392 = arith.constant 1 : i32
      %broadcast_in_dim3A_393 = vector.broadcast %broadcast_in_dim3A_392 : i32 to vector<16xi32>
      %gather3A_394 = tpu.vector_load_idx %arg15[%add3A_383, %broadcast_in_dim3A_393] : memref<512x32xf32, #tpu.memory_space<vmem>>[vector<16xi32>, vector<16xi32>], vector<16xf32>,
      %gather3A_395 = tpu.vector_load_idx %arg16[%add3A_383, %broadcast_in_dim3A_393] : memref<512x32xf32, #tpu.memory_space<vmem>>[vector<16xi32>, vector<16xi32>], vector<16xf32>,
      %gather3A_396 = tpu.vector_load_idx %arg17[%add3A_383, %broadcast_in_dim3A_393] : memref<512x32xf32, #tpu.memory_space<vmem>>[vector<16xi32>, vector<16xi32>], vector<16xf32>,
      %mul3A_397 = arith.mulf %gather3A_394, %gather3A_395 : vector<16xf32>
      %add3A_398 = arith.addf %add3A_389, %mul3A_397 : vector<16xf32>
      %mul3A_399 = arith.mulf %gather3A_394, %gather3A_396 : vector<16xf32>
      %add3A_400 = arith.addf %add3A_391, %mul3A_399 : vector<16xf32>
      %broadcast_in_dim3A_401 = arith.constant 2 : i32
      %broadcast_in_dim3A_402 = vector.broadcast %broadcast_in_dim3A_401 : i32 to vector<16xi32>
      %gather3A_403 = tpu.vector_load_idx %arg15[%add3A_383, %broadcast_in_dim3A_402] : memref<512x32xf32, #tpu.memory_space<vmem>>[vector<16xi32>, vector<16xi32>], vector<16xf32>,
      %gather3A_404 = tpu.vector_load_idx %arg16[%add3A_383, %broadcast_in_dim3A_402] : memref<512x32xf32, #tpu.memory_space<vmem>>[vector<16xi32>, vector<16xi32>], vector<16xf32>,
      %gather3A_405 = tpu.vector_load_idx %arg17[%add3A_383, %broadcast_in_dim3A_402] : memref<512x32xf32, #tpu.memory_space<vmem>>[vector<16xi32>, vector<16xi32>], vector<16xf32>,
      %mul3A_406 = arith.mulf %gather3A_403, %gather3A_404 : vector<16xf32>
      %add3A_407 = arith.addf %add3A_398, %mul3A_406 : vector<16xf32>
      %mul3A_408 = arith.mulf %gather3A_403, %gather3A_405 : vector<16xf32>
      %add3A_409 = arith.addf %add3A_400, %mul3A_408 : vector<16xf32>
      %broadcast_in_dim3A_410 = arith.constant 3 : i32
      %broadcast_in_dim3A_411 = vector.broadcast %broadcast_in_dim3A_410 : i32 to vector<16xi32>
      %gather3A_412 = tpu.vector_load_idx %arg15[%add3A_383, %broadcast_in_dim3A_411] : memref<512x32xf32, #tpu.memory_space<vmem>>[vector<16xi32>, vector<16xi32>], vector<16xf32>,
      %gather3A_413 = tpu.vector_load_idx %arg16[%add3A_383, %broadcast_in_dim3A_411] : memref<512x32xf32, #tpu.memory_space<vmem>>[vector<16xi32>, vector<16xi32>], vector<16xf32>,
      %gather3A_414 = tpu.vector_load_idx %arg17[%add3A_383, %broadcast_in_dim3A_411] : memref<512x32xf32, #tpu.memory_space<vmem>>[vector<16xi32>, vector<16xi32>], vector<16xf32>,
      %mul3A_415 = arith.mulf %gather3A_412, %gather3A_413 : vector<16xf32>
      %add3A_416 = arith.addf %add3A_407, %mul3A_415 : vector<16xf32>
      %mul3A_417 = arith.mulf %gather3A_412, %gather3A_414 : vector<16xf32>
      %add3A_418 = arith.addf %add3A_409, %mul3A_417 : vector<16xf32>
      %broadcast_in_dim3A_419 = arith.constant 4 : i32
      %broadcast_in_dim3A_420 = vector.broadcast %broadcast_in_dim3A_419 : i32 to vector<16xi32>
      %gather3A_421 = tpu.vector_load_idx %arg15[%add3A_383, %broadcast_in_dim3A_420] : memref<512x32xf32, #tpu.memory_space<vmem>>[vector<16xi32>, vector<16xi32>], vector<16xf32>,
      %gather3A_422 = tpu.vector_load_idx %arg16[%add3A_383, %broadcast_in_dim3A_420] : memref<512x32xf32, #tpu.memory_space<vmem>>[vector<16xi32>, vector<16xi32>], vector<16xf32>,
      %gather3A_423 = tpu.vector_load_idx %arg17[%add3A_383, %broadcast_in_dim3A_420] : memref<512x32xf32, #tpu.memory_space<vmem>>[vector<16xi32>, vector<16xi32>], vector<16xf32>,
      %mul3A_424 = arith.mulf %gather3A_421, %gather3A_422 : vector<16xf32>
      %add3A_425 = arith.addf %add3A_416, %mul3A_424 : vector<16xf32>
      %mul3A_426 = arith.mulf %gather3A_421, %gather3A_423 : vector<16xf32>
      %add3A_427 = arith.addf %add3A_418, %mul3A_426 : vector<16xf32>
      %broadcast_in_dim3A_428 = arith.constant 5 : i32
      %broadcast_in_dim3A_429 = vector.broadcast %broadcast_in_dim3A_428 : i32 to vector<16xi32>
      %gather3A_430 = tpu.vector_load_idx %arg15[%add3A_383, %broadcast_in_dim3A_429] : memref<512x32xf32, #tpu.memory_space<vmem>>[vector<16xi32>, vector<16xi32>], vector<16xf32>,
      %gather3A_431 = tpu.vector_load_idx %arg16[%add3A_383, %broadcast_in_dim3A_429] : memref<512x32xf32, #tpu.memory_space<vmem>>[vector<16xi32>, vector<16xi32>], vector<16xf32>,
      %gather3A_432 = tpu.vector_load_idx %arg17[%add3A_383, %broadcast_in_dim3A_429] : memref<512x32xf32, #tpu.memory_space<vmem>>[vector<16xi32>, vector<16xi32>], vector<16xf32>,
      %mul3A_433 = arith.mulf %gather3A_430, %gather3A_431 : vector<16xf32>
      %add3A_434 = arith.addf %add3A_425, %mul3A_433 : vector<16xf32>
      %mul3A_435 = arith.mulf %gather3A_430, %gather3A_432 : vector<16xf32>
      %add3A_436 = arith.addf %add3A_427, %mul3A_435 : vector<16xf32>
      %broadcast_in_dim3A_437 = arith.constant 6 : i32
      %broadcast_in_dim3A_438 = vector.broadcast %broadcast_in_dim3A_437 : i32 to vector<16xi32>
      %gather3A_439 = tpu.vector_load_idx %arg15[%add3A_383, %broadcast_in_dim3A_438] : memref<512x32xf32, #tpu.memory_space<vmem>>[vector<16xi32>, vector<16xi32>], vector<16xf32>,
      %gather3A_440 = tpu.vector_load_idx %arg16[%add3A_383, %broadcast_in_dim3A_438] : memref<512x32xf32, #tpu.memory_space<vmem>>[vector<16xi32>, vector<16xi32>], vector<16xf32>,
      %gather3A_441 = tpu.vector_load_idx %arg17[%add3A_383, %broadcast_in_dim3A_438] : memref<512x32xf32, #tpu.memory_space<vmem>>[vector<16xi32>, vector<16xi32>], vector<16xf32>,
      %mul3A_442 = arith.mulf %gather3A_439, %gather3A_440 : vector<16xf32>
      %add3A_443 = arith.addf %add3A_434, %mul3A_442 : vector<16xf32>
      %mul3A_444 = arith.mulf %gather3A_439, %gather3A_441 : vector<16xf32>
      %add3A_445 = arith.addf %add3A_436, %mul3A_444 : vector<16xf32>
      %broadcast_in_dim3A_446 = arith.constant 7 : i32
      %broadcast_in_dim3A_447 = vector.broadcast %broadcast_in_dim3A_446 : i32 to vector<16xi32>
      %gather3A_448 = tpu.vector_load_idx %arg15[%add3A_383, %broadcast_in_dim3A_447] : memref<512x32xf32, #tpu.memory_space<vmem>>[vector<16xi32>, vector<16xi32>], vector<16xf32>,
      %gather3A_449 = tpu.vector_load_idx %arg16[%add3A_383, %broadcast_in_dim3A_447] : memref<512x32xf32, #tpu.memory_space<vmem>>[vector<16xi32>, vector<16xi32>], vector<16xf32>,
      %gather3A_450 = tpu.vector_load_idx %arg17[%add3A_383, %broadcast_in_dim3A_447] : memref<512x32xf32, #tpu.memory_space<vmem>>[vector<16xi32>, vector<16xi32>], vector<16xf32>,
      %mul3A_451 = arith.mulf %gather3A_448, %gather3A_449 : vector<16xf32>
      %add3A_452 = arith.addf %add3A_443, %mul3A_451 : vector<16xf32>
      %mul3A_453 = arith.mulf %gather3A_448, %gather3A_450 : vector<16xf32>
      %add3A_454 = arith.addf %add3A_445, %mul3A_453 : vector<16xf32>
      %broadcast_in_dim3A_455 = arith.constant 8 : i32
      %broadcast_in_dim3A_456 = vector.broadcast %broadcast_in_dim3A_455 : i32 to vector<16xi32>
      %gather3A_457 = tpu.vector_load_idx %arg15[%add3A_383, %broadcast_in_dim3A_456] : memref<512x32xf32, #tpu.memory_space<vmem>>[vector<16xi32>, vector<16xi32>], vector<16xf32>,
      %gather3A_458 = tpu.vector_load_idx %arg16[%add3A_383, %broadcast_in_dim3A_456] : memref<512x32xf32, #tpu.memory_space<vmem>>[vector<16xi32>, vector<16xi32>], vector<16xf32>,
      %gather3A_459 = tpu.vector_load_idx %arg17[%add3A_383, %broadcast_in_dim3A_456] : memref<512x32xf32, #tpu.memory_space<vmem>>[vector<16xi32>, vector<16xi32>], vector<16xf32>,
      %mul3A_460 = arith.mulf %gather3A_457, %gather3A_458 : vector<16xf32>
      %add3A_461 = arith.addf %add3A_452, %mul3A_460 : vector<16xf32>
      %mul3A_462 = arith.mulf %gather3A_457, %gather3A_459 : vector<16xf32>
      %add3A_463 = arith.addf %add3A_454, %mul3A_462 : vector<16xf32>
      %broadcast_in_dim3A_464 = arith.constant 9 : i32
      %broadcast_in_dim3A_465 = vector.broadcast %broadcast_in_dim3A_464 : i32 to vector<16xi32>
      %gather3A_466 = tpu.vector_load_idx %arg15[%add3A_383, %broadcast_in_dim3A_465] : memref<512x32xf32, #tpu.memory_space<vmem>>[vector<16xi32>, vector<16xi32>], vector<16xf32>,
      %gather3A_467 = tpu.vector_load_idx %arg16[%add3A_383, %broadcast_in_dim3A_465] : memref<512x32xf32, #tpu.memory_space<vmem>>[vector<16xi32>, vector<16xi32>], vector<16xf32>,
      %gather3A_468 = tpu.vector_load_idx %arg17[%add3A_383, %broadcast_in_dim3A_465] : memref<512x32xf32, #tpu.memory_space<vmem>>[vector<16xi32>, vector<16xi32>], vector<16xf32>,
      %mul3A_469 = arith.mulf %gather3A_466, %gather3A_467 : vector<16xf32>
      %add3A_470 = arith.addf %add3A_461, %mul3A_469 : vector<16xf32>
      %mul3A_471 = arith.mulf %gather3A_466, %gather3A_468 : vector<16xf32>
      %add3A_472 = arith.addf %add3A_463, %mul3A_471 : vector<16xf32>
      %broadcast_in_dim3A_473 = arith.constant 10 : i32
      %broadcast_in_dim3A_474 = vector.broadcast %broadcast_in_dim3A_473 : i32 to vector<16xi32>
      %gather3A_475 = tpu.vector_load_idx %arg15[%add3A_383, %broadcast_in_dim3A_474] : memref<512x32xf32, #tpu.memory_space<vmem>>[vector<16xi32>, vector<16xi32>], vector<16xf32>,
      %gather3A_476 = tpu.vector_load_idx %arg16[%add3A_383, %broadcast_in_dim3A_474] : memref<512x32xf32, #tpu.memory_space<vmem>>[vector<16xi32>, vector<16xi32>], vector<16xf32>,
      %gather3A_477 = tpu.vector_load_idx %arg17[%add3A_383, %broadcast_in_dim3A_474] : memref<512x32xf32, #tpu.memory_space<vmem>>[vector<16xi32>, vector<16xi32>], vector<16xf32>,
      %mul3A_478 = arith.mulf %gather3A_475, %gather3A_476 : vector<16xf32>
      %add3A_479 = arith.addf %add3A_470, %mul3A_478 : vector<16xf32>
      %mul3A_480 = arith.mulf %gather3A_475, %gather3A_477 : vector<16xf32>
      %add3A_481 = arith.addf %add3A_472, %mul3A_480 : vector<16xf32>
      %broadcast_in_dim3A_482 = arith.constant 11 : i32
      %broadcast_in_dim3A_483 = vector.broadcast %broadcast_in_dim3A_482 : i32 to vector<16xi32>
      %gather3A_484 = tpu.vector_load_idx %arg15[%add3A_383, %broadcast_in_dim3A_483] : memref<512x32xf32, #tpu.memory_space<vmem>>[vector<16xi32>, vector<16xi32>], vector<16xf32>,
      %gather3A_485 = tpu.vector_load_idx %arg16[%add3A_383, %broadcast_in_dim3A_483] : memref<512x32xf32, #tpu.memory_space<vmem>>[vector<16xi32>, vector<16xi32>], vector<16xf32>,
      %gather3A_486 = tpu.vector_load_idx %arg17[%add3A_383, %broadcast_in_dim3A_483] : memref<512x32xf32, #tpu.memory_space<vmem>>[vector<16xi32>, vector<16xi32>], vector<16xf32>,
      %mul3A_487 = arith.mulf %gather3A_484, %gather3A_485 : vector<16xf32>
      %add3A_488 = arith.addf %add3A_479, %mul3A_487 : vector<16xf32>
      %mul3A_489 = arith.mulf %gather3A_484, %gather3A_486 : vector<16xf32>
      %add3A_490 = arith.addf %add3A_481, %mul3A_489 : vector<16xf32>
      %broadcast_in_dim3A_491 = arith.constant 12 : i32
      %broadcast_in_dim3A_492 = vector.broadcast %broadcast_in_dim3A_491 : i32 to vector<16xi32>
      %gather3A_493 = tpu.vector_load_idx %arg15[%add3A_383, %broadcast_in_dim3A_492] : memref<512x32xf32, #tpu.memory_space<vmem>>[vector<16xi32>, vector<16xi32>], vector<16xf32>,
      %gather3A_494 = tpu.vector_load_idx %arg16[%add3A_383, %broadcast_in_dim3A_492] : memref<512x32xf32, #tpu.memory_space<vmem>>[vector<16xi32>, vector<16xi32>], vector<16xf32>,
      %gather3A_495 = tpu.vector_load_idx %arg17[%add3A_383, %broadcast_in_dim3A_492] : memref<512x32xf32, #tpu.memory_space<vmem>>[vector<16xi32>, vector<16xi32>], vector<16xf32>,
      %mul3A_496 = arith.mulf %gather3A_493, %gather3A_494 : vector<16xf32>
      %add3A_497 = arith.addf %add3A_488, %mul3A_496 : vector<16xf32>
      %mul3A_498 = arith.mulf %gather3A_493, %gather3A_495 : vector<16xf32>
      %add3A_499 = arith.addf %add3A_490, %mul3A_498 : vector<16xf32>
      %broadcast_in_dim3A_500 = arith.constant 13 : i32
      %broadcast_in_dim3A_501 = vector.broadcast %broadcast_in_dim3A_500 : i32 to vector<16xi32>
      %gather3A_502 = tpu.vector_load_idx %arg15[%add3A_383, %broadcast_in_dim3A_501] : memref<512x32xf32, #tpu.memory_space<vmem>>[vector<16xi32>, vector<16xi32>], vector<16xf32>,
      %gather3A_503 = tpu.vector_load_idx %arg16[%add3A_383, %broadcast_in_dim3A_501] : memref<512x32xf32, #tpu.memory_space<vmem>>[vector<16xi32>, vector<16xi32>], vector<16xf32>,
      %gather3A_504 = tpu.vector_load_idx %arg17[%add3A_383, %broadcast_in_dim3A_501] : memref<512x32xf32, #tpu.memory_space<vmem>>[vector<16xi32>, vector<16xi32>], vector<16xf32>,
      %mul3A_505 = arith.mulf %gather3A_502, %gather3A_503 : vector<16xf32>
      %add3A_506 = arith.addf %add3A_497, %mul3A_505 : vector<16xf32>
      %mul3A_507 = arith.mulf %gather3A_502, %gather3A_504 : vector<16xf32>
      %add3A_508 = arith.addf %add3A_499, %mul3A_507 : vector<16xf32>
      %broadcast_in_dim3A_509 = arith.constant 14 : i32
      %broadcast_in_dim3A_510 = vector.broadcast %broadcast_in_dim3A_509 : i32 to vector<16xi32>
      %gather3A_511 = tpu.vector_load_idx %arg15[%add3A_383, %broadcast_in_dim3A_510] : memref<512x32xf32, #tpu.memory_space<vmem>>[vector<16xi32>, vector<16xi32>], vector<16xf32>,
      %gather3A_512 = tpu.vector_load_idx %arg16[%add3A_383, %broadcast_in_dim3A_510] : memref<512x32xf32, #tpu.memory_space<vmem>>[vector<16xi32>, vector<16xi32>], vector<16xf32>,
      %gather3A_513 = tpu.vector_load_idx %arg17[%add3A_383, %broadcast_in_dim3A_510] : memref<512x32xf32, #tpu.memory_space<vmem>>[vector<16xi32>, vector<16xi32>], vector<16xf32>,
      %mul3A_514 = arith.mulf %gather3A_511, %gather3A_512 : vector<16xf32>
      %add3A_515 = arith.addf %add3A_506, %mul3A_514 : vector<16xf32>
      %mul3A_516 = arith.mulf %gather3A_511, %gather3A_513 : vector<16xf32>
      %add3A_517 = arith.addf %add3A_508, %mul3A_516 : vector<16xf32>
      %broadcast_in_dim3A_518 = arith.constant 15 : i32
      %broadcast_in_dim3A_519 = vector.broadcast %broadcast_in_dim3A_518 : i32 to vector<16xi32>
      %gather3A_520 = tpu.vector_load_idx %arg15[%add3A_383, %broadcast_in_dim3A_519] : memref<512x32xf32, #tpu.memory_space<vmem>>[vector<16xi32>, vector<16xi32>], vector<16xf32>,
      %gather3A_521 = tpu.vector_load_idx %arg16[%add3A_383, %broadcast_in_dim3A_519] : memref<512x32xf32, #tpu.memory_space<vmem>>[vector<16xi32>, vector<16xi32>], vector<16xf32>,
      %gather3A_522 = tpu.vector_load_idx %arg17[%add3A_383, %broadcast_in_dim3A_519] : memref<512x32xf32, #tpu.memory_space<vmem>>[vector<16xi32>, vector<16xi32>], vector<16xf32>,
      %mul3A_523 = arith.mulf %gather3A_520, %gather3A_521 : vector<16xf32>
      %add3A_524 = arith.addf %add3A_515, %mul3A_523 : vector<16xf32>
      %mul3A_525 = arith.mulf %gather3A_520, %gather3A_522 : vector<16xf32>
      %add3A_526 = arith.addf %add3A_517, %mul3A_525 : vector<16xf32>
      %broadcast_in_dim3A_527 = arith.constant 16 : i32
      %broadcast_in_dim3A_528 = vector.broadcast %broadcast_in_dim3A_527 : i32 to vector<16xi32>
      %gather3A_529 = tpu.vector_load_idx %arg15[%add3A_383, %broadcast_in_dim3A_528] : memref<512x32xf32, #tpu.memory_space<vmem>>[vector<16xi32>, vector<16xi32>], vector<16xf32>,
      %gather3A_530 = tpu.vector_load_idx %arg16[%add3A_383, %broadcast_in_dim3A_528] : memref<512x32xf32, #tpu.memory_space<vmem>>[vector<16xi32>, vector<16xi32>], vector<16xf32>,
      %gather3A_531 = tpu.vector_load_idx %arg17[%add3A_383, %broadcast_in_dim3A_528] : memref<512x32xf32, #tpu.memory_space<vmem>>[vector<16xi32>, vector<16xi32>], vector<16xf32>,
      %mul3A_532 = arith.mulf %gather3A_529, %gather3A_530 : vector<16xf32>
      %add3A_533 = arith.addf %add3A_524, %mul3A_532 : vector<16xf32>
      %mul3A_534 = arith.mulf %gather3A_529, %gather3A_531 : vector<16xf32>
      %add3A_535 = arith.addf %add3A_526, %mul3A_534 : vector<16xf32>
      %broadcast_in_dim3A_536 = arith.constant 17 : i32
      %broadcast_in_dim3A_537 = vector.broadcast %broadcast_in_dim3A_536 : i32 to vector<16xi32>
      %gather3A_538 = tpu.vector_load_idx %arg15[%add3A_383, %broadcast_in_dim3A_537] : memref<512x32xf32, #tpu.memory_space<vmem>>[vector<16xi32>, vector<16xi32>], vector<16xf32>,
      %gather3A_539 = tpu.vector_load_idx %arg16[%add3A_383, %broadcast_in_dim3A_537] : memref<512x32xf32, #tpu.memory_space<vmem>>[vector<16xi32>, vector<16xi32>], vector<16xf32>,
      %gather3A_540 = tpu.vector_load_idx %arg17[%add3A_383, %broadcast_in_dim3A_537] : memref<512x32xf32, #tpu.memory_space<vmem>>[vector<16xi32>, vector<16xi32>], vector<16xf32>,
      %mul3A_541 = arith.mulf %gather3A_538, %gather3A_539 : vector<16xf32>
      %add3A_542 = arith.addf %add3A_533, %mul3A_541 : vector<16xf32>
      %mul3A_543 = arith.mulf %gather3A_538, %gather3A_540 : vector<16xf32>
      %add3A_544 = arith.addf %add3A_535, %mul3A_543 : vector<16xf32>
      %broadcast_in_dim3A_545 = arith.constant 18 : i32
      %broadcast_in_dim3A_546 = vector.broadcast %broadcast_in_dim3A_545 : i32 to vector<16xi32>
      %gather3A_547 = tpu.vector_load_idx %arg15[%add3A_383, %broadcast_in_dim3A_546] : memref<512x32xf32, #tpu.memory_space<vmem>>[vector<16xi32>, vector<16xi32>], vector<16xf32>,
      %gather3A_548 = tpu.vector_load_idx %arg16[%add3A_383, %broadcast_in_dim3A_546] : memref<512x32xf32, #tpu.memory_space<vmem>>[vector<16xi32>, vector<16xi32>], vector<16xf32>,
      %gather3A_549 = tpu.vector_load_idx %arg17[%add3A_383, %broadcast_in_dim3A_546] : memref<512x32xf32, #tpu.memory_space<vmem>>[vector<16xi32>, vector<16xi32>], vector<16xf32>,
      %mul3A_550 = arith.mulf %gather3A_547, %gather3A_548 : vector<16xf32>
      %add3A_551 = arith.addf %add3A_542, %mul3A_550 : vector<16xf32>
      %mul3A_552 = arith.mulf %gather3A_547, %gather3A_549 : vector<16xf32>
      %add3A_553 = arith.addf %add3A_544, %mul3A_552 : vector<16xf32>
      %broadcast_in_dim3A_554 = arith.constant 19 : i32
      %broadcast_in_dim3A_555 = vector.broadcast %broadcast_in_dim3A_554 : i32 to vector<16xi32>
      %gather3A_556 = tpu.vector_load_idx %arg15[%add3A_383, %broadcast_in_dim3A_555] : memref<512x32xf32, #tpu.memory_space<vmem>>[vector<16xi32>, vector<16xi32>], vector<16xf32>,
      %gather3A_557 = tpu.vector_load_idx %arg16[%add3A_383, %broadcast_in_dim3A_555] : memref<512x32xf32, #tpu.memory_space<vmem>>[vector<16xi32>, vector<16xi32>], vector<16xf32>,
      %gather3A_558 = tpu.vector_load_idx %arg17[%add3A_383, %broadcast_in_dim3A_555] : memref<512x32xf32, #tpu.memory_space<vmem>>[vector<16xi32>, vector<16xi32>], vector<16xf32>,
      %mul3A_559 = arith.mulf %gather3A_556, %gather3A_557 : vector<16xf32>
      %add3A_560 = arith.addf %add3A_551, %mul3A_559 : vector<16xf32>
      %mul3A_561 = arith.mulf %gather3A_556, %gather3A_558 : vector<16xf32>
      %add3A_562 = arith.addf %add3A_553, %mul3A_561 : vector<16xf32>
      %broadcast_in_dim3A_563 = arith.constant 20 : i32
      %broadcast_in_dim3A_564 = vector.broadcast %broadcast_in_dim3A_563 : i32 to vector<16xi32>
      %gather3A_565 = tpu.vector_load_idx %arg15[%add3A_383, %broadcast_in_dim3A_564] : memref<512x32xf32, #tpu.memory_space<vmem>>[vector<16xi32>, vector<16xi32>], vector<16xf32>,
      %gather3A_566 = tpu.vector_load_idx %arg16[%add3A_383, %broadcast_in_dim3A_564] : memref<512x32xf32, #tpu.memory_space<vmem>>[vector<16xi32>, vector<16xi32>], vector<16xf32>,
      %gather3A_567 = tpu.vector_load_idx %arg17[%add3A_383, %broadcast_in_dim3A_564] : memref<512x32xf32, #tpu.memory_space<vmem>>[vector<16xi32>, vector<16xi32>], vector<16xf32>,
      %mul3A_568 = arith.mulf %gather3A_565, %gather3A_566 : vector<16xf32>
      %add3A_569 = arith.addf %add3A_560, %mul3A_568 : vector<16xf32>
      %mul3A_570 = arith.mulf %gather3A_565, %gather3A_567 : vector<16xf32>
      %add3A_571 = arith.addf %add3A_562, %mul3A_570 : vector<16xf32>
      %broadcast_in_dim3A_572 = arith.constant 21 : i32
      %broadcast_in_dim3A_573 = vector.broadcast %broadcast_in_dim3A_572 : i32 to vector<16xi32>
      %gather3A_574 = tpu.vector_load_idx %arg15[%add3A_383, %broadcast_in_dim3A_573] : memref<512x32xf32, #tpu.memory_space<vmem>>[vector<16xi32>, vector<16xi32>], vector<16xf32>,
      %gather3A_575 = tpu.vector_load_idx %arg16[%add3A_383, %broadcast_in_dim3A_573] : memref<512x32xf32, #tpu.memory_space<vmem>>[vector<16xi32>, vector<16xi32>], vector<16xf32>,
      %gather3A_576 = tpu.vector_load_idx %arg17[%add3A_383, %broadcast_in_dim3A_573] : memref<512x32xf32, #tpu.memory_space<vmem>>[vector<16xi32>, vector<16xi32>], vector<16xf32>,
      %mul3A_577 = arith.mulf %gather3A_574, %gather3A_575 : vector<16xf32>
      %add3A_578 = arith.addf %add3A_569, %mul3A_577 : vector<16xf32>
      %mul3A_579 = arith.mulf %gather3A_574, %gather3A_576 : vector<16xf32>
      %add3A_580 = arith.addf %add3A_571, %mul3A_579 : vector<16xf32>
      %broadcast_in_dim3A_581 = arith.constant 22 : i32
      %broadcast_in_dim3A_582 = vector.broadcast %broadcast_in_dim3A_581 : i32 to vector<16xi32>
      %gather3A_583 = tpu.vector_load_idx %arg15[%add3A_383, %broadcast_in_dim3A_582] : memref<512x32xf32, #tpu.memory_space<vmem>>[vector<16xi32>, vector<16xi32>], vector<16xf32>,
      %gather3A_584 = tpu.vector_load_idx %arg16[%add3A_383, %broadcast_in_dim3A_582] : memref<512x32xf32, #tpu.memory_space<vmem>>[vector<16xi32>, vector<16xi32>], vector<16xf32>,
      %gather3A_585 = tpu.vector_load_idx %arg17[%add3A_383, %broadcast_in_dim3A_582] : memref<512x32xf32, #tpu.memory_space<vmem>>[vector<16xi32>, vector<16xi32>], vector<16xf32>,
      %mul3A_586 = arith.mulf %gather3A_583, %gather3A_584 : vector<16xf32>
      %add3A_587 = arith.addf %add3A_578, %mul3A_586 : vector<16xf32>
      %mul3A_588 = arith.mulf %gather3A_583, %gather3A_585 : vector<16xf32>
      %add3A_589 = arith.addf %add3A_580, %mul3A_588 : vector<16xf32>
      %broadcast_in_dim3A_590 = arith.constant 23 : i32
      %broadcast_in_dim3A_591 = vector.broadcast %broadcast_in_dim3A_590 : i32 to vector<16xi32>
      %gather3A_592 = tpu.vector_load_idx %arg15[%add3A_383, %broadcast_in_dim3A_591] : memref<512x32xf32, #tpu.memory_space<vmem>>[vector<16xi32>, vector<16xi32>], vector<16xf32>,
      %gather3A_593 = tpu.vector_load_idx %arg16[%add3A_383, %broadcast_in_dim3A_591] : memref<512x32xf32, #tpu.memory_space<vmem>>[vector<16xi32>, vector<16xi32>], vector<16xf32>,
      %gather3A_594 = tpu.vector_load_idx %arg17[%add3A_383, %broadcast_in_dim3A_591] : memref<512x32xf32, #tpu.memory_space<vmem>>[vector<16xi32>, vector<16xi32>], vector<16xf32>,
      %mul3A_595 = arith.mulf %gather3A_592, %gather3A_593 : vector<16xf32>
      %add3A_596 = arith.addf %add3A_587, %mul3A_595 : vector<16xf32>
      %mul3A_597 = arith.mulf %gather3A_592, %gather3A_594 : vector<16xf32>
      %add3A_598 = arith.addf %add3A_589, %mul3A_597 : vector<16xf32>
      %broadcast_in_dim3A_599 = arith.constant 24 : i32
      %broadcast_in_dim3A_600 = vector.broadcast %broadcast_in_dim3A_599 : i32 to vector<16xi32>
      %gather3A_601 = tpu.vector_load_idx %arg15[%add3A_383, %broadcast_in_dim3A_600] : memref<512x32xf32, #tpu.memory_space<vmem>>[vector<16xi32>, vector<16xi32>], vector<16xf32>,
      %gather3A_602 = tpu.vector_load_idx %arg16[%add3A_383, %broadcast_in_dim3A_600] : memref<512x32xf32, #tpu.memory_space<vmem>>[vector<16xi32>, vector<16xi32>], vector<16xf32>,
      %gather3A_603 = tpu.vector_load_idx %arg17[%add3A_383, %broadcast_in_dim3A_600] : memref<512x32xf32, #tpu.memory_space<vmem>>[vector<16xi32>, vector<16xi32>], vector<16xf32>,
      %mul3A_604 = arith.mulf %gather3A_601, %gather3A_602 : vector<16xf32>
      %add3A_605 = arith.addf %add3A_596, %mul3A_604 : vector<16xf32>
      %mul3A_606 = arith.mulf %gather3A_601, %gather3A_603 : vector<16xf32>
      %add3A_607 = arith.addf %add3A_598, %mul3A_606 : vector<16xf32>
      %broadcast_in_dim3A_608 = arith.constant 25 : i32
      %broadcast_in_dim3A_609 = vector.broadcast %broadcast_in_dim3A_608 : i32 to vector<16xi32>
      %gather3A_610 = tpu.vector_load_idx %arg15[%add3A_383, %broadcast_in_dim3A_609] : memref<512x32xf32, #tpu.memory_space<vmem>>[vector<16xi32>, vector<16xi32>], vector<16xf32>,
      %gather3A_611 = tpu.vector_load_idx %arg16[%add3A_383, %broadcast_in_dim3A_609] : memref<512x32xf32, #tpu.memory_space<vmem>>[vector<16xi32>, vector<16xi32>], vector<16xf32>,
      %gather3A_612 = tpu.vector_load_idx %arg17[%add3A_383, %broadcast_in_dim3A_609] : memref<512x32xf32, #tpu.memory_space<vmem>>[vector<16xi32>, vector<16xi32>], vector<16xf32>,
      %mul3A_613 = arith.mulf %gather3A_610, %gather3A_611 : vector<16xf32>
      %add3A_614 = arith.addf %add3A_605, %mul3A_613 : vector<16xf32>
      %mul3A_615 = arith.mulf %gather3A_610, %gather3A_612 : vector<16xf32>
      %add3A_616 = arith.addf %add3A_607, %mul3A_615 : vector<16xf32>
      %broadcast_in_dim3A_617 = arith.constant 26 : i32
      %broadcast_in_dim3A_618 = vector.broadcast %broadcast_in_dim3A_617 : i32 to vector<16xi32>
      %gather3A_619 = tpu.vector_load_idx %arg15[%add3A_383, %broadcast_in_dim3A_618] : memref<512x32xf32, #tpu.memory_space<vmem>>[vector<16xi32>, vector<16xi32>], vector<16xf32>,
      %gather3A_620 = tpu.vector_load_idx %arg16[%add3A_383, %broadcast_in_dim3A_618] : memref<512x32xf32, #tpu.memory_space<vmem>>[vector<16xi32>, vector<16xi32>], vector<16xf32>,
      %gather3A_621 = tpu.vector_load_idx %arg17[%add3A_383, %broadcast_in_dim3A_618] : memref<512x32xf32, #tpu.memory_space<vmem>>[vector<16xi32>, vector<16xi32>], vector<16xf32>,
      %mul3A_622 = arith.mulf %gather3A_619, %gather3A_620 : vector<16xf32>
      %add3A_623 = arith.addf %add3A_614, %mul3A_622 : vector<16xf32>
      %mul3A_624 = arith.mulf %gather3A_619, %gather3A_621 : vector<16xf32>
      %add3A_625 = arith.addf %add3A_616, %mul3A_624 : vector<16xf32>
      %broadcast_in_dim3A_626 = arith.constant 27 : i32
      %broadcast_in_dim3A_627 = vector.broadcast %broadcast_in_dim3A_626 : i32 to vector<16xi32>
      %gather3A_628 = tpu.vector_load_idx %arg15[%add3A_383, %broadcast_in_dim3A_627] : memref<512x32xf32, #tpu.memory_space<vmem>>[vector<16xi32>, vector<16xi32>], vector<16xf32>,
      %gather3A_629 = tpu.vector_load_idx %arg16[%add3A_383, %broadcast_in_dim3A_627] : memref<512x32xf32, #tpu.memory_space<vmem>>[vector<16xi32>, vector<16xi32>], vector<16xf32>,
      %gather3A_630 = tpu.vector_load_idx %arg17[%add3A_383, %broadcast_in_dim3A_627] : memref<512x32xf32, #tpu.memory_space<vmem>>[vector<16xi32>, vector<16xi32>], vector<16xf32>,
      %mul3A_631 = arith.mulf %gather3A_628, %gather3A_629 : vector<16xf32>
      %add3A_632 = arith.addf %add3A_623, %mul3A_631 : vector<16xf32>
      %mul3A_633 = arith.mulf %gather3A_628, %gather3A_630 : vector<16xf32>
      %add3A_634 = arith.addf %add3A_625, %mul3A_633 : vector<16xf32>
      %broadcast_in_dim3A_635 = arith.constant 28 : i32
      %broadcast_in_dim3A_636 = vector.broadcast %broadcast_in_dim3A_635 : i32 to vector<16xi32>
      %gather3A_637 = tpu.vector_load_idx %arg15[%add3A_383, %broadcast_in_dim3A_636] : memref<512x32xf32, #tpu.memory_space<vmem>>[vector<16xi32>, vector<16xi32>], vector<16xf32>,
      %gather3A_638 = tpu.vector_load_idx %arg16[%add3A_383, %broadcast_in_dim3A_636] : memref<512x32xf32, #tpu.memory_space<vmem>>[vector<16xi32>, vector<16xi32>], vector<16xf32>,
      %gather3A_639 = tpu.vector_load_idx %arg17[%add3A_383, %broadcast_in_dim3A_636] : memref<512x32xf32, #tpu.memory_space<vmem>>[vector<16xi32>, vector<16xi32>], vector<16xf32>,
      %mul3A_640 = arith.mulf %gather3A_637, %gather3A_638 : vector<16xf32>
      %add3A_641 = arith.addf %add3A_632, %mul3A_640 : vector<16xf32>
      %mul3A_642 = arith.mulf %gather3A_637, %gather3A_639 : vector<16xf32>
      %add3A_643 = arith.addf %add3A_634, %mul3A_642 : vector<16xf32>
      %broadcast_in_dim3A_644 = arith.constant 29 : i32
      %broadcast_in_dim3A_645 = vector.broadcast %broadcast_in_dim3A_644 : i32 to vector<16xi32>
      %gather3A_646 = tpu.vector_load_idx %arg15[%add3A_383, %broadcast_in_dim3A_645] : memref<512x32xf32, #tpu.memory_space<vmem>>[vector<16xi32>, vector<16xi32>], vector<16xf32>,
      %gather3A_647 = tpu.vector_load_idx %arg16[%add3A_383, %broadcast_in_dim3A_645] : memref<512x32xf32, #tpu.memory_space<vmem>>[vector<16xi32>, vector<16xi32>], vector<16xf32>,
      %gather3A_648 = tpu.vector_load_idx %arg17[%add3A_383, %broadcast_in_dim3A_645] : memref<512x32xf32, #tpu.memory_space<vmem>>[vector<16xi32>, vector<16xi32>], vector<16xf32>,
      %mul3A_649 = arith.mulf %gather3A_646, %gather3A_647 : vector<16xf32>
      %add3A_650 = arith.addf %add3A_641, %mul3A_649 : vector<16xf32>
      %mul3A_651 = arith.mulf %gather3A_646, %gather3A_648 : vector<16xf32>
      %add3A_652 = arith.addf %add3A_643, %mul3A_651 : vector<16xf32>
      %broadcast_in_dim3A_653 = arith.constant 30 : i32
      %broadcast_in_dim3A_654 = vector.broadcast %broadcast_in_dim3A_653 : i32 to vector<16xi32>
      %gather3A_655 = tpu.vector_load_idx %arg15[%add3A_383, %broadcast_in_dim3A_654] : memref<512x32xf32, #tpu.memory_space<vmem>>[vector<16xi32>, vector<16xi32>], vector<16xf32>,
      %gather3A_656 = tpu.vector_load_idx %arg16[%add3A_383, %broadcast_in_dim3A_654] : memref<512x32xf32, #tpu.memory_space<vmem>>[vector<16xi32>, vector<16xi32>], vector<16xf32>,
      %gather3A_657 = tpu.vector_load_idx %arg17[%add3A_383, %broadcast_in_dim3A_654] : memref<512x32xf32, #tpu.memory_space<vmem>>[vector<16xi32>, vector<16xi32>], vector<16xf32>,
      %mul3A_658 = arith.mulf %gather3A_655, %gather3A_656 : vector<16xf32>
      %add3A_659 = arith.addf %add3A_650, %mul3A_658 : vector<16xf32>
      %mul3A_660 = arith.mulf %gather3A_655, %gather3A_657 : vector<16xf32>
      %add3A_661 = arith.addf %add3A_652, %mul3A_660 : vector<16xf32>
      %broadcast_in_dim3A_662 = arith.constant 31 : i32
      %broadcast_in_dim3A_663 = vector.broadcast %broadcast_in_dim3A_662 : i32 to vector<16xi32>
      %gather3A_664 = tpu.vector_load_idx %arg15[%add3A_383, %broadcast_in_dim3A_663] : memref<512x32xf32, #tpu.memory_space<vmem>>[vector<16xi32>, vector<16xi32>], vector<16xf32>,
      %gather3A_665 = tpu.vector_load_idx %arg16[%add3A_383, %broadcast_in_dim3A_663] : memref<512x32xf32, #tpu.memory_space<vmem>>[vector<16xi32>, vector<16xi32>], vector<16xf32>,
      %gather3A_666 = tpu.vector_load_idx %arg17[%add3A_383, %broadcast_in_dim3A_663] : memref<512x32xf32, #tpu.memory_space<vmem>>[vector<16xi32>, vector<16xi32>], vector<16xf32>,
      %mul3A_667 = arith.mulf %gather3A_664, %gather3A_665 : vector<16xf32>
      %add3A_668 = arith.addf %add3A_659, %mul3A_667 : vector<16xf32>
      %mul3A_669 = arith.mulf %gather3A_664, %gather3A_666 : vector<16xf32>
      %add3A_670 = arith.addf %add3A_661, %mul3A_669 : vector<16xf32>
      %mul3A_671 = arith.constant 16 : i32
      %mul3A_672 = arith.muli %scan3A_379, %mul3A_671 : i32
      %swap3A = arith.index_cast %mul3A_672 : i32 to index
      %swap3A_673 = tpu.vector_load %arg20[%swap3A] {strides = array<i32>} : memref<512xf32, #tpu.memory_space<vmem>>, vector<16xf32>,
      tpu.vector_store %arg20[%swap3A], %add3A_668 {strides = array<i32>} : memref<512xf32, #tpu.memory_space<vmem>>, vector<16xf32>,
      %mul3A_674 = arith.constant 16 : i32
      %mul3A_675 = arith.muli %scan3A_379, %mul3A_674 : i32
      %swap3A_676 = arith.index_cast %mul3A_675 : i32 to index
      %swap3A_677 = tpu.vector_load %arg21[%swap3A_676] {strides = array<i32>} : memref<512xf32, #tpu.memory_space<vmem>>, vector<16xf32>,
      tpu.vector_store %arg21[%swap3A_676], %add3A_670 {strides = array<i32>} : memref<512xf32, #tpu.memory_space<vmem>>, vector<16xf32>,
    }
    %scan3A_364 = arith.constant 32 : i32
    %scan3A_365 = arith.constant 0 : i32
    %scan3A_366 = arith.constant 0 : i32
    %scan3A_367 = arith.constant 20 : i32
    %scan3A_368 = arith.addi %scan3A_366, %scan3A_367 : i32
    %scan3A_369 = arith.constant 1 : i32
    scf.for %scan3A_379 = %scan3A_366 to %scan3A_368 step %scan3A_369  : i32 {
      %mul3A_380 = arith.constant 2 : i32
      %mul3A_381 = arith.muli %mul3A_380, %scan3A_379 : i32
      %add3A_382 = arith.constant 0 : i32
      %add3A_383 = arith.addi %mul3A_381, %add3A_382 : i32
      %mul3A_384 = arith.constant 2 : i32
      %mul3A_385 = arith.muli %mul3A_384, %add3A_383 : i32
      %add3A_386 = arith.constant 0 : i32
      %add3A_387 = arith.addi %mul3A_385, %add3A_386 : i32
      %mul3A_388 = arith.constant 2 : i32
      %mul3A_389 = arith.muli %mul3A_388, %add3A_383 : i32
      %add3A_390 = arith.constant 1 : i32
      %add3A_391 = arith.addi %mul3A_389, %add3A_390 : i32
      %mul3A_392 = arith.constant 2 : i32
      %mul3A_393 = arith.muli %mul3A_392, %add3A_383 : i32
      %add3A_394 = arith.constant 0 : i32
      %add3A_395 = arith.addi %mul3A_393, %add3A_394 : i32
      %mul3A_396 = arith.constant 2 : i32
      %mul3A_397 = arith.muli %mul3A_396, %add3A_383 : i32
      %add3A_398 = arith.constant 1 : i32
      %add3A_399 = arith.addi %mul3A_397, %add3A_398 : i32
      %dma_wait3A_400 = arith.constant 0 : i32
      %dma_wait3A_401 = arith.constant 0 : i32
      %dma_wait3A_402 = arith.constant 0 : i32
      %dma_wait3A_403 = tpu.memref_slice %arg18[%dma_wait3A_400, %dma_wait3A_401, %dma_wait3A_402] : memref<2x256x32xf32, #tpu.memory_space<vmem>> -> memref<1x256x32xf32, #tpu.memory_space<vmem>>
      %dma_wait3A_404 = tpu.memref_squeeze %dma_wait3A_403 : memref<1x256x32xf32, #tpu.memory_space<vmem>> -> memref<256x32xf32, #tpu.memory_space<vmem>>
      %dma_wait3A_405 = arith.constant 0 : i32
      %dma_wait3A_406 = arith.constant 0 : i32
      %dma_wait3A_407 = tpu.memref_slice %dma_wait3A_404[%dma_wait3A_405, %dma_wait3A_406] : memref<256x32xf32, #tpu.memory_space<vmem>> -> memref<128x32xf32, #tpu.memory_space<vmem>>
      %dma_wait3A_408 = arith.constant 0 : i32
      %dma_wait3A_409 = tpu.memref_slice %arg14[%add3A_387, %dma_wait3A_408] : memref<80x128xi32, #tpu.memory_space<vmem>> -> memref<1x128xi32, #tpu.memory_space<vmem>>
      %dma_wait3A_410 = tpu.memref_squeeze %dma_wait3A_409 : memref<1x128xi32, #tpu.memory_space<vmem>> -> memref<128xi32, #tpu.memory_space<vmem>>
      %dma_wait3A_411 = arith.constant 0 : i32
      %dma_wait3A_412 = arith.constant 0 : i32
      %dma_wait3A_413 = tpu.memref_slice %arg6[%dma_wait3A_411, %dma_wait3A_412] : memref<1000000x32xf32, #tpu.memory_space<hbm>> -> memref<1000000x32xf32, #tpu.memory_space<hbm>>
      tpu.wait_indirect_dma semaphore(%arg25 : memref<!tpu.dma_semaphore, #tpu.memory_space<semaphore_mem>>) src(%dma_wait3A_413 : memref<1000000x32xf32, #tpu.memory_space<hbm>>) dst(%dma_wait3A_407 : memref<128x32xf32, #tpu.memory_space<vmem>>)
      %dma_wait3A_414 = arith.constant 0 : i32
      %dma_wait3A_415 = arith.constant 0 : i32
      %dma_wait3A_416 = arith.constant 0 : i32
      %dma_wait3A_417 = tpu.memref_slice %arg18[%dma_wait3A_414, %dma_wait3A_415, %dma_wait3A_416] : memref<2x256x32xf32, #tpu.memory_space<vmem>> -> memref<1x256x32xf32, #tpu.memory_space<vmem>>
      %dma_wait3A_418 = tpu.memref_squeeze %dma_wait3A_417 : memref<1x256x32xf32, #tpu.memory_space<vmem>> -> memref<256x32xf32, #tpu.memory_space<vmem>>
      %dma_wait3A_419 = arith.constant 128 : i32
      %dma_wait3A_420 = arith.constant 0 : i32
      %dma_wait3A_421 = tpu.memref_slice %dma_wait3A_418[%dma_wait3A_419, %dma_wait3A_420] : memref<256x32xf32, #tpu.memory_space<vmem>> -> memref<128x32xf32, #tpu.memory_space<vmem>>
      %dma_wait3A_422 = arith.constant 0 : i32
      %dma_wait3A_423 = tpu.memref_slice %arg14[%add3A_391, %dma_wait3A_422] : memref<80x128xi32, #tpu.memory_space<vmem>> -> memref<1x128xi32, #tpu.memory_space<vmem>>
      %dma_wait3A_424 = tpu.memref_squeeze %dma_wait3A_423 : memref<1x128xi32, #tpu.memory_space<vmem>> -> memref<128xi32, #tpu.memory_space<vmem>>
      %dma_wait3A_425 = arith.constant 0 : i32
      %dma_wait3A_426 = arith.constant 0 : i32
      %dma_wait3A_427 = tpu.memref_slice %arg6[%dma_wait3A_425, %dma_wait3A_426] : memref<1000000x32xf32, #tpu.memory_space<hbm>> -> memref<1000000x32xf32, #tpu.memory_space<hbm>>
      tpu.wait_indirect_dma semaphore(%arg25 : memref<!tpu.dma_semaphore, #tpu.memory_space<semaphore_mem>>) src(%dma_wait3A_427 : memref<1000000x32xf32, #tpu.memory_space<hbm>>) dst(%dma_wait3A_421 : memref<128x32xf32, #tpu.memory_space<vmem>>)
      %dma_wait3A_428 = arith.constant 0 : i32
      %dma_wait3A_429 = arith.constant 0 : i32
      %dma_wait3A_430 = arith.constant 0 : i32
      %dma_wait3A_431 = tpu.memref_slice %arg19[%dma_wait3A_428, %dma_wait3A_429, %dma_wait3A_430] : memref<2x256x32xf32, #tpu.memory_space<vmem>> -> memref<1x256x32xf32, #tpu.memory_space<vmem>>
      %dma_wait3A_432 = tpu.memref_squeeze %dma_wait3A_431 : memref<1x256x32xf32, #tpu.memory_space<vmem>> -> memref<256x32xf32, #tpu.memory_space<vmem>>
      %dma_wait3A_433 = arith.constant 0 : i32
      %dma_wait3A_434 = arith.constant 0 : i32
      %dma_wait3A_435 = tpu.memref_slice %dma_wait3A_432[%dma_wait3A_433, %dma_wait3A_434] : memref<256x32xf32, #tpu.memory_space<vmem>> -> memref<128x32xf32, #tpu.memory_space<vmem>>
      %dma_wait3A_436 = arith.constant 0 : i32
      %dma_wait3A_437 = tpu.memref_slice %arg14[%add3A_395, %dma_wait3A_436] : memref<80x128xi32, #tpu.memory_space<vmem>> -> memref<1x128xi32, #tpu.memory_space<vmem>>
      %dma_wait3A_438 = tpu.memref_squeeze %dma_wait3A_437 : memref<1x128xi32, #tpu.memory_space<vmem>> -> memref<128xi32, #tpu.memory_space<vmem>>
      %dma_wait3A_439 = arith.constant 0 : i32
      %dma_wait3A_440 = arith.constant 0 : i32
      %dma_wait3A_441 = tpu.memref_slice %arg7[%dma_wait3A_439, %dma_wait3A_440] : memref<1000000x32xf32, #tpu.memory_space<hbm>> -> memref<1000000x32xf32, #tpu.memory_space<hbm>>
      tpu.wait_indirect_dma semaphore(%arg25 : memref<!tpu.dma_semaphore, #tpu.memory_space<semaphore_mem>>) src(%dma_wait3A_441 : memref<1000000x32xf32, #tpu.memory_space<hbm>>) dst(%dma_wait3A_435 : memref<128x32xf32, #tpu.memory_space<vmem>>)
      %dma_wait3A_442 = arith.constant 0 : i32
      %dma_wait3A_443 = arith.constant 0 : i32
      %dma_wait3A_444 = arith.constant 0 : i32
      %dma_wait3A_445 = tpu.memref_slice %arg19[%dma_wait3A_442, %dma_wait3A_443, %dma_wait3A_444] : memref<2x256x32xf32, #tpu.memory_space<vmem>> -> memref<1x256x32xf32, #tpu.memory_space<vmem>>
      %dma_wait3A_446 = tpu.memref_squeeze %dma_wait3A_445 : memref<1x256x32xf32, #tpu.memory_space<vmem>> -> memref<256x32xf32, #tpu.memory_space<vmem>>
      %dma_wait3A_447 = arith.constant 128 : i32
      %dma_wait3A_448 = arith.constant 0 : i32
      %dma_wait3A_449 = tpu.memref_slice %dma_wait3A_446[%dma_wait3A_447, %dma_wait3A_448] : memref<256x32xf32, #tpu.memory_space<vmem>> -> memref<128x32xf32, #tpu.memory_space<vmem>>
      %dma_wait3A_450 = arith.constant 0 : i32
      %dma_wait3A_451 = tpu.memref_slice %arg14[%add3A_399, %dma_wait3A_450] : memref<80x128xi32, #tpu.memory_space<vmem>> -> memref<1x128xi32, #tpu.memory_space<vmem>>
      %dma_wait3A_452 = tpu.memref_squeeze %dma_wait3A_451 : memref<1x128xi32, #tpu.memory_space<vmem>> -> memref<128xi32, #tpu.memory_space<vmem>>
      %dma_wait3A_453 = arith.constant 0 : i32
      %dma_wait3A_454 = arith.constant 0 : i32
      %dma_wait3A_455 = tpu.memref_slice %arg7[%dma_wait3A_453, %dma_wait3A_454] : memref<1000000x32xf32, #tpu.memory_space<hbm>> -> memref<1000000x32xf32, #tpu.memory_space<hbm>>
      tpu.wait_indirect_dma semaphore(%arg25 : memref<!tpu.dma_semaphore, #tpu.memory_space<semaphore_mem>>) src(%dma_wait3A_455 : memref<1000000x32xf32, #tpu.memory_space<hbm>>) dst(%dma_wait3A_449 : memref<128x32xf32, #tpu.memory_space<vmem>>)
      %scan3A_456 = arith.constant 0 : i32
      %scan3A_457 = arith.constant 0 : i32
      %scan3A_458 = arith.constant 16 : i32
      %scan3A_459 = arith.addi %scan3A_457, %scan3A_458 : i32
      %scan3A_460 = arith.constant 1 : i32
      scf.for %scan3A_555 = %scan3A_457 to %scan3A_459 step %scan3A_460  : i32 {
        %mul3A_556 = arith.constant 16 : i32
        %mul3A_557 = arith.muli %scan3A_555, %mul3A_556 : i32
        %add3A_558 = vector.broadcast %mul3A_557 : i32 to vector<16xi32>
        %add3A_559 = arith.addi %add3A_558, %iota3A : vector<16xi32>
        %mul3A_560 = arith.constant 256 : i32
        %mul3A_561 = arith.muli %add3A_383, %mul3A_560 : i32
        %add3A_562 = vector.broadcast %mul3A_561 : i32 to vector<16xi32>
        %add3A_563 = arith.addi %add3A_562, %add3A_559 : vector<16xi32>
        %jit3A = arith.constant 20 : i32
        %div3A = vector.broadcast %jit3A : i32 to vector<16xi32>
        %div3A_564 = arith.divsi %add3A_563, %div3A : vector<16xi32>
        %sign3A = arith.constant 0 : i32
        %sign3A_565 = vector.broadcast %sign3A : i32 to vector<16xi32>
        %sign3A_566 = arith.cmpi sgt, %add3A_563, %sign3A_565 : vector<16xi32>
        %sign3A_567 = arith.extui %sign3A_566 : vector<16xi1> to vector<16xi32>
        %sign3A_568 = arith.constant 0 : i32
        %sign3A_569 = vector.broadcast %sign3A_568 : i32 to vector<16xi32>
        %sign3A_570 = arith.cmpi slt, %add3A_563, %sign3A_569 : vector<16xi32>
        %sign3A_571 = arith.extui %sign3A_570 : vector<16xi1> to vector<16xi32>
        %sign3A_572 = arith.subi %sign3A_567, %sign3A_571 : vector<16xi32>
        %sign3A_573 = arith.constant 0 : i32
        %sign3A_574 = arith.cmpi sgt, %jit3A, %sign3A_573 : i32
        %sign3A_575 = arith.extui %sign3A_574 : i1 to i32
        %sign3A_576 = arith.constant 0 : i32
        %sign3A_577 = arith.cmpi slt, %jit3A, %sign3A_576 : i32
        %sign3A_578 = arith.extui %sign3A_577 : i1 to i32
        %sign3A_579 = arith.subi %sign3A_575, %sign3A_578 : i32
        %ne3A = vector.broadcast %sign3A_579 : i32 to vector<16xi32>
        %ne3A_580 = arith.cmpi ne, %sign3A_572, %ne3A : vector<16xi32>
        %rem3A = vector.broadcast %jit3A : i32 to vector<16xi32>
        %rem3A_581 = arith.remsi %add3A_563, %rem3A : vector<16xi32>
        %ne3A_582 = arith.constant 0 : i32
        %ne3A_583 = vector.broadcast %ne3A_582 : i32 to vector<16xi32>
        %ne3A_584 = arith.cmpi ne, %rem3A_581, %ne3A_583 : vector<16xi32>
        %and3A = arith.andi %ne3A_580, %ne3A_584 : vector<16xi1>
        %sub3A = arith.constant 1 : i32
        %sub3A_585 = vector.broadcast %sub3A : i32 to vector<16xi32>
        %sub3A_586 = arith.subi %div3A_564, %sub3A_585 : vector<16xi32>
        %select_n3A = arith.select %and3A, %sub3A_586, %div3A_564 : vector<16xi1>, vector<16xi32>
        %broadcast_in_dim3A_587 = arith.constant 0 : i32
        %broadcast_in_dim3A_588 = vector.broadcast %broadcast_in_dim3A_587 : i32 to vector<16xi32>
        %gather3A = tpu.vector_load_idx %arg15[%select_n3A, %broadcast_in_dim3A_588] : memref<512x32xf32, #tpu.memory_space<vmem>>[vector<16xi32>, vector<16xi32>], vector<16xf32>,
        %gather3A_589 = arith.constant 0 : i32
        %gather3A_590 = arith.constant 0 : i32
        %gather3A_591 = arith.constant 0 : i32
        %gather3A_592 = tpu.memref_slice %arg18[%gather3A_589, %gather3A_590, %gather3A_591] : memref<2x256x32xf32, #tpu.memory_space<vmem>> -> memref<1x256x32xf32, #tpu.memory_space<vmem>>
        %gather3A_593 = tpu.memref_squeeze %gather3A_592 : memref<1x256x32xf32, #tpu.memory_space<vmem>> -> memref<256x32xf32, #tpu.memory_space<vmem>>
        %gather3A_594 = tpu.vector_load_idx %gather3A_593[%add3A_559, %broadcast_in_dim3A_588] : memref<256x32xf32, #tpu.memory_space<vmem>>[vector<16xi32>, vector<16xi32>], vector<16xf32>,
        %gather3A_595 = arith.constant 0 : i32
        %gather3A_596 = arith.constant 0 : i32
        %gather3A_597 = arith.constant 0 : i32
        %gather3A_598 = tpu.memref_slice %arg19[%gather3A_595, %gather3A_596, %gather3A_597] : memref<2x256x32xf32, #tpu.memory_space<vmem>> -> memref<1x256x32xf32, #tpu.memory_space<vmem>>
        %gather3A_599 = tpu.memref_squeeze %gather3A_598 : memref<1x256x32xf32, #tpu.memory_space<vmem>> -> memref<256x32xf32, #tpu.memory_space<vmem>>
        %gather3A_600 = tpu.vector_load_idx %gather3A_599[%add3A_559, %broadcast_in_dim3A_588] : memref<256x32xf32, #tpu.memory_space<vmem>>[vector<16xi32>, vector<16xi32>], vector<16xf32>,
        %mul3A_601 = arith.mulf %gather3A, %gather3A_594 : vector<16xf32>
        %add3A_602 = arith.addf %broadcast_in_dim3A_359, %mul3A_601 : vector<16xf32>
        %mul3A_603 = arith.mulf %gather3A, %gather3A_600 : vector<16xf32>
        %add3A_604 = arith.addf %broadcast_in_dim3A_359, %mul3A_603 : vector<16xf32>
        %broadcast_in_dim3A_605 = arith.constant 1 : i32
        %broadcast_in_dim3A_606 = vector.broadcast %broadcast_in_dim3A_605 : i32 to vector<16xi32>
        %gather3A_607 = tpu.vector_load_idx %arg15[%select_n3A, %broadcast_in_dim3A_606] : memref<512x32xf32, #tpu.memory_space<vmem>>[vector<16xi32>, vector<16xi32>], vector<16xf32>,
        %gather3A_608 = arith.constant 0 : i32
        %gather3A_609 = arith.constant 0 : i32
        %gather3A_610 = arith.constant 0 : i32
        %gather3A_611 = tpu.memref_slice %arg18[%gather3A_608, %gather3A_609, %gather3A_610] : memref<2x256x32xf32, #tpu.memory_space<vmem>> -> memref<1x256x32xf32, #tpu.memory_space<vmem>>
        %gather3A_612 = tpu.memref_squeeze %gather3A_611 : memref<1x256x32xf32, #tpu.memory_space<vmem>> -> memref<256x32xf32, #tpu.memory_space<vmem>>
        %gather3A_613 = tpu.vector_load_idx %gather3A_612[%add3A_559, %broadcast_in_dim3A_606] : memref<256x32xf32, #tpu.memory_space<vmem>>[vector<16xi32>, vector<16xi32>], vector<16xf32>,
        %gather3A_614 = arith.constant 0 : i32
        %gather3A_615 = arith.constant 0 : i32
        %gather3A_616 = arith.constant 0 : i32
        %gather3A_617 = tpu.memref_slice %arg19[%gather3A_614, %gather3A_615, %gather3A_616] : memref<2x256x32xf32, #tpu.memory_space<vmem>> -> memref<1x256x32xf32, #tpu.memory_space<vmem>>
        %gather3A_618 = tpu.memref_squeeze %gather3A_617 : memref<1x256x32xf32, #tpu.memory_space<vmem>> -> memref<256x32xf32, #tpu.memory_space<vmem>>
        %gather3A_619 = tpu.vector_load_idx %gather3A_618[%add3A_559, %broadcast_in_dim3A_606] : memref<256x32xf32, #tpu.memory_space<vmem>>[vector<16xi32>, vector<16xi32>], vector<16xf32>,
        %mul3A_620 = arith.mulf %gather3A_607, %gather3A_613 : vector<16xf32>
        %add3A_621 = arith.addf %add3A_602, %mul3A_620 : vector<16xf32>
        %mul3A_622 = arith.mulf %gather3A_607, %gather3A_619 : vector<16xf32>
        %add3A_623 = arith.addf %add3A_604, %mul3A_622 : vector<16xf32>
        %broadcast_in_dim3A_624 = arith.constant 2 : i32
        %broadcast_in_dim3A_625 = vector.broadcast %broadcast_in_dim3A_624 : i32 to vector<16xi32>
        %gather3A_626 = tpu.vector_load_idx %arg15[%select_n3A, %broadcast_in_dim3A_625] : memref<512x32xf32, #tpu.memory_space<vmem>>[vector<16xi32>, vector<16xi32>], vector<16xf32>,
        %gather3A_627 = arith.constant 0 : i32
        %gather3A_628 = arith.constant 0 : i32
        %gather3A_629 = arith.constant 0 : i32
        %gather3A_630 = tpu.memref_slice %arg18[%gather3A_627, %gather3A_628, %gather3A_629] : memref<2x256x32xf32, #tpu.memory_space<vmem>> -> memref<1x256x32xf32, #tpu.memory_space<vmem>>
        %gather3A_631 = tpu.memref_squeeze %gather3A_630 : memref<1x256x32xf32, #tpu.memory_space<vmem>> -> memref<256x32xf32, #tpu.memory_space<vmem>>
        %gather3A_632 = tpu.vector_load_idx %gather3A_631[%add3A_559, %broadcast_in_dim3A_625] : memref<256x32xf32, #tpu.memory_space<vmem>>[vector<16xi32>, vector<16xi32>], vector<16xf32>,
        %gather3A_633 = arith.constant 0 : i32
        %gather3A_634 = arith.constant 0 : i32
        %gather3A_635 = arith.constant 0 : i32
        %gather3A_636 = tpu.memref_slice %arg19[%gather3A_633, %gather3A_634, %gather3A_635] : memref<2x256x32xf32, #tpu.memory_space<vmem>> -> memref<1x256x32xf32, #tpu.memory_space<vmem>>
        %gather3A_637 = tpu.memref_squeeze %gather3A_636 : memref<1x256x32xf32, #tpu.memory_space<vmem>> -> memref<256x32xf32, #tpu.memory_space<vmem>>
        %gather3A_638 = tpu.vector_load_idx %gather3A_637[%add3A_559, %broadcast_in_dim3A_625] : memref<256x32xf32, #tpu.memory_space<vmem>>[vector<16xi32>, vector<16xi32>], vector<16xf32>,
        %mul3A_639 = arith.mulf %gather3A_626, %gather3A_632 : vector<16xf32>
        %add3A_640 = arith.addf %add3A_621, %mul3A_639 : vector<16xf32>
        %mul3A_641 = arith.mulf %gather3A_626, %gather3A_638 : vector<16xf32>
        %add3A_642 = arith.addf %add3A_623, %mul3A_641 : vector<16xf32>
        %broadcast_in_dim3A_643 = arith.constant 3 : i32
        %broadcast_in_dim3A_644 = vector.broadcast %broadcast_in_dim3A_643 : i32 to vector<16xi32>
        %gather3A_645 = tpu.vector_load_idx %arg15[%select_n3A, %broadcast_in_dim3A_644] : memref<512x32xf32, #tpu.memory_space<vmem>>[vector<16xi32>, vector<16xi32>], vector<16xf32>,
        %gather3A_646 = arith.constant 0 : i32
        %gather3A_647 = arith.constant 0 : i32
        %gather3A_648 = arith.constant 0 : i32
        %gather3A_649 = tpu.memref_slice %arg18[%gather3A_646, %gather3A_647, %gather3A_648] : memref<2x256x32xf32, #tpu.memory_space<vmem>> -> memref<1x256x32xf32, #tpu.memory_space<vmem>>
        %gather3A_650 = tpu.memref_squeeze %gather3A_649 : memref<1x256x32xf32, #tpu.memory_space<vmem>> -> memref<256x32xf32, #tpu.memory_space<vmem>>
        %gather3A_651 = tpu.vector_load_idx %gather3A_650[%add3A_559, %broadcast_in_dim3A_644] : memref<256x32xf32, #tpu.memory_space<vmem>>[vector<16xi32>, vector<16xi32>], vector<16xf32>,
        %gather3A_652 = arith.constant 0 : i32
        %gather3A_653 = arith.constant 0 : i32
        %gather3A_654 = arith.constant 0 : i32
        %gather3A_655 = tpu.memref_slice %arg19[%gather3A_652, %gather3A_653, %gather3A_654] : memref<2x256x32xf32, #tpu.memory_space<vmem>> -> memref<1x256x32xf32, #tpu.memory_space<vmem>>
        %gather3A_656 = tpu.memref_squeeze %gather3A_655 : memref<1x256x32xf32, #tpu.memory_space<vmem>> -> memref<256x32xf32, #tpu.memory_space<vmem>>
        %gather3A_657 = tpu.vector_load_idx %gather3A_656[%add3A_559, %broadcast_in_dim3A_644] : memref<256x32xf32, #tpu.memory_space<vmem>>[vector<16xi32>, vector<16xi32>], vector<16xf32>,
        %mul3A_658 = arith.mulf %gather3A_645, %gather3A_651 : vector<16xf32>
        %add3A_659 = arith.addf %add3A_640, %mul3A_658 : vector<16xf32>
        %mul3A_660 = arith.mulf %gather3A_645, %gather3A_657 : vector<16xf32>
        %add3A_661 = arith.addf %add3A_642, %mul3A_660 : vector<16xf32>
        %broadcast_in_dim3A_662 = arith.constant 4 : i32
        %broadcast_in_dim3A_663 = vector.broadcast %broadcast_in_dim3A_662 : i32 to vector<16xi32>
        %gather3A_664 = tpu.vector_load_idx %arg15[%select_n3A, %broadcast_in_dim3A_663] : memref<512x32xf32, #tpu.memory_space<vmem>>[vector<16xi32>, vector<16xi32>], vector<16xf32>,
        %gather3A_665 = arith.constant 0 : i32
        %gather3A_666 = arith.constant 0 : i32
        %gather3A_667 = arith.constant 0 : i32
        %gather3A_668 = tpu.memref_slice %arg18[%gather3A_665, %gather3A_666, %gather3A_667] : memref<2x256x32xf32, #tpu.memory_space<vmem>> -> memref<1x256x32xf32, #tpu.memory_space<vmem>>
        %gather3A_669 = tpu.memref_squeeze %gather3A_668 : memref<1x256x32xf32, #tpu.memory_space<vmem>> -> memref<256x32xf32, #tpu.memory_space<vmem>>
        %gather3A_670 = tpu.vector_load_idx %gather3A_669[%add3A_559, %broadcast_in_dim3A_663] : memref<256x32xf32, #tpu.memory_space<vmem>>[vector<16xi32>, vector<16xi32>], vector<16xf32>,
        %gather3A_671 = arith.constant 0 : i32
        %gather3A_672 = arith.constant 0 : i32
        %gather3A_673 = arith.constant 0 : i32
        %gather3A_674 = tpu.memref_slice %arg19[%gather3A_671, %gather3A_672, %gather3A_673] : memref<2x256x32xf32, #tpu.memory_space<vmem>> -> memref<1x256x32xf32, #tpu.memory_space<vmem>>
        %gather3A_675 = tpu.memref_squeeze %gather3A_674 : memref<1x256x32xf32, #tpu.memory_space<vmem>> -> memref<256x32xf32, #tpu.memory_space<vmem>>
        %gather3A_676 = tpu.vector_load_idx %gather3A_675[%add3A_559, %broadcast_in_dim3A_663] : memref<256x32xf32, #tpu.memory_space<vmem>>[vector<16xi32>, vector<16xi32>], vector<16xf32>,
        %mul3A_677 = arith.mulf %gather3A_664, %gather3A_670 : vector<16xf32>
        %add3A_678 = arith.addf %add3A_659, %mul3A_677 : vector<16xf32>
        %mul3A_679 = arith.mulf %gather3A_664, %gather3A_676 : vector<16xf32>
        %add3A_680 = arith.addf %add3A_661, %mul3A_679 : vector<16xf32>
        %broadcast_in_dim3A_681 = arith.constant 5 : i32
        %broadcast_in_dim3A_682 = vector.broadcast %broadcast_in_dim3A_681 : i32 to vector<16xi32>
        %gather3A_683 = tpu.vector_load_idx %arg15[%select_n3A, %broadcast_in_dim3A_682] : memref<512x32xf32, #tpu.memory_space<vmem>>[vector<16xi32>, vector<16xi32>], vector<16xf32>,
        %gather3A_684 = arith.constant 0 : i32
        %gather3A_685 = arith.constant 0 : i32
        %gather3A_686 = arith.constant 0 : i32
        %gather3A_687 = tpu.memref_slice %arg18[%gather3A_684, %gather3A_685, %gather3A_686] : memref<2x256x32xf32, #tpu.memory_space<vmem>> -> memref<1x256x32xf32, #tpu.memory_space<vmem>>
        %gather3A_688 = tpu.memref_squeeze %gather3A_687 : memref<1x256x32xf32, #tpu.memory_space<vmem>> -> memref<256x32xf32, #tpu.memory_space<vmem>>
        %gather3A_689 = tpu.vector_load_idx %gather3A_688[%add3A_559, %broadcast_in_dim3A_682] : memref<256x32xf32, #tpu.memory_space<vmem>>[vector<16xi32>, vector<16xi32>], vector<16xf32>,
        %gather3A_690 = arith.constant 0 : i32
        %gather3A_691 = arith.constant 0 : i32
        %gather3A_692 = arith.constant 0 : i32
        %gather3A_693 = tpu.memref_slice %arg19[%gather3A_690, %gather3A_691, %gather3A_692] : memref<2x256x32xf32, #tpu.memory_space<vmem>> -> memref<1x256x32xf32, #tpu.memory_space<vmem>>
        %gather3A_694 = tpu.memref_squeeze %gather3A_693 : memref<1x256x32xf32, #tpu.memory_space<vmem>> -> memref<256x32xf32, #tpu.memory_space<vmem>>
        %gather3A_695 = tpu.vector_load_idx %gather3A_694[%add3A_559, %broadcast_in_dim3A_682] : memref<256x32xf32, #tpu.memory_space<vmem>>[vector<16xi32>, vector<16xi32>], vector<16xf32>,
        %mul3A_696 = arith.mulf %gather3A_683, %gather3A_689 : vector<16xf32>
        %add3A_697 = arith.addf %add3A_678, %mul3A_696 : vector<16xf32>
        %mul3A_698 = arith.mulf %gather3A_683, %gather3A_695 : vector<16xf32>
        %add3A_699 = arith.addf %add3A_680, %mul3A_698 : vector<16xf32>
        %broadcast_in_dim3A_700 = arith.constant 6 : i32
        %broadcast_in_dim3A_701 = vector.broadcast %broadcast_in_dim3A_700 : i32 to vector<16xi32>
        %gather3A_702 = tpu.vector_load_idx %arg15[%select_n3A, %broadcast_in_dim3A_701] : memref<512x32xf32, #tpu.memory_space<vmem>>[vector<16xi32>, vector<16xi32>], vector<16xf32>,
        %gather3A_703 = arith.constant 0 : i32
        %gather3A_704 = arith.constant 0 : i32
        %gather3A_705 = arith.constant 0 : i32
        %gather3A_706 = tpu.memref_slice %arg18[%gather3A_703, %gather3A_704, %gather3A_705] : memref<2x256x32xf32, #tpu.memory_space<vmem>> -> memref<1x256x32xf32, #tpu.memory_space<vmem>>
        %gather3A_707 = tpu.memref_squeeze %gather3A_706 : memref<1x256x32xf32, #tpu.memory_space<vmem>> -> memref<256x32xf32, #tpu.memory_space<vmem>>
        %gather3A_708 = tpu.vector_load_idx %gather3A_707[%add3A_559, %broadcast_in_dim3A_701] : memref<256x32xf32, #tpu.memory_space<vmem>>[vector<16xi32>, vector<16xi32>], vector<16xf32>,
        %gather3A_709 = arith.constant 0 : i32
        %gather3A_710 = arith.constant 0 : i32
        %gather3A_711 = arith.constant 0 : i32
        %gather3A_712 = tpu.memref_slice %arg19[%gather3A_709, %gather3A_710, %gather3A_711] : memref<2x256x32xf32, #tpu.memory_space<vmem>> -> memref<1x256x32xf32, #tpu.memory_space<vmem>>
        %gather3A_713 = tpu.memref_squeeze %gather3A_712 : memref<1x256x32xf32, #tpu.memory_space<vmem>> -> memref<256x32xf32, #tpu.memory_space<vmem>>
        %gather3A_714 = tpu.vector_load_idx %gather3A_713[%add3A_559, %broadcast_in_dim3A_701] : memref<256x32xf32, #tpu.memory_space<vmem>>[vector<16xi32>, vector<16xi32>], vector<16xf32>,
        %mul3A_715 = arith.mulf %gather3A_702, %gather3A_708 : vector<16xf32>
        %add3A_716 = arith.addf %add3A_697, %mul3A_715 : vector<16xf32>
        %mul3A_717 = arith.mulf %gather3A_702, %gather3A_714 : vector<16xf32>
        %add3A_718 = arith.addf %add3A_699, %mul3A_717 : vector<16xf32>
        %broadcast_in_dim3A_719 = arith.constant 7 : i32
        %broadcast_in_dim3A_720 = vector.broadcast %broadcast_in_dim3A_719 : i32 to vector<16xi32>
        %gather3A_721 = tpu.vector_load_idx %arg15[%select_n3A, %broadcast_in_dim3A_720] : memref<512x32xf32, #tpu.memory_space<vmem>>[vector<16xi32>, vector<16xi32>], vector<16xf32>,
        %gather3A_722 = arith.constant 0 : i32
        %gather3A_723 = arith.constant 0 : i32
        %gather3A_724 = arith.constant 0 : i32
        %gather3A_725 = tpu.memref_slice %arg18[%gather3A_722, %gather3A_723, %gather3A_724] : memref<2x256x32xf32, #tpu.memory_space<vmem>> -> memref<1x256x32xf32, #tpu.memory_space<vmem>>
        %gather3A_726 = tpu.memref_squeeze %gather3A_725 : memref<1x256x32xf32, #tpu.memory_space<vmem>> -> memref<256x32xf32, #tpu.memory_space<vmem>>
        %gather3A_727 = tpu.vector_load_idx %gather3A_726[%add3A_559, %broadcast_in_dim3A_720] : memref<256x32xf32, #tpu.memory_space<vmem>>[vector<16xi32>, vector<16xi32>], vector<16xf32>,
        %gather3A_728 = arith.constant 0 : i32
        %gather3A_729 = arith.constant 0 : i32
        %gather3A_730 = arith.constant 0 : i32
        %gather3A_731 = tpu.memref_slice %arg19[%gather3A_728, %gather3A_729, %gather3A_730] : memref<2x256x32xf32, #tpu.memory_space<vmem>> -> memref<1x256x32xf32, #tpu.memory_space<vmem>>
        %gather3A_732 = tpu.memref_squeeze %gather3A_731 : memref<1x256x32xf32, #tpu.memory_space<vmem>> -> memref<256x32xf32, #tpu.memory_space<vmem>>
        %gather3A_733 = tpu.vector_load_idx %gather3A_732[%add3A_559, %broadcast_in_dim3A_720] : memref<256x32xf32, #tpu.memory_space<vmem>>[vector<16xi32>, vector<16xi32>], vector<16xf32>,
        %mul3A_734 = arith.mulf %gather3A_721, %gather3A_727 : vector<16xf32>
        %add3A_735 = arith.addf %add3A_716, %mul3A_734 : vector<16xf32>
        %mul3A_736 = arith.mulf %gather3A_721, %gather3A_733 : vector<16xf32>
        %add3A_737 = arith.addf %add3A_718, %mul3A_736 : vector<16xf32>
        %broadcast_in_dim3A_738 = arith.constant 8 : i32
        %broadcast_in_dim3A_739 = vector.broadcast %broadcast_in_dim3A_738 : i32 to vector<16xi32>
        %gather3A_740 = tpu.vector_load_idx %arg15[%select_n3A, %broadcast_in_dim3A_739] : memref<512x32xf32, #tpu.memory_space<vmem>>[vector<16xi32>, vector<16xi32>], vector<16xf32>,
        %gather3A_741 = arith.constant 0 : i32
        %gather3A_742 = arith.constant 0 : i32
        %gather3A_743 = arith.constant 0 : i32
        %gather3A_744 = tpu.memref_slice %arg18[%gather3A_741, %gather3A_742, %gather3A_743] : memref<2x256x32xf32, #tpu.memory_space<vmem>> -> memref<1x256x32xf32, #tpu.memory_space<vmem>>
        %gather3A_745 = tpu.memref_squeeze %gather3A_744 : memref<1x256x32xf32, #tpu.memory_space<vmem>> -> memref<256x32xf32, #tpu.memory_space<vmem>>
        %gather3A_746 = tpu.vector_load_idx %gather3A_745[%add3A_559, %broadcast_in_dim3A_739] : memref<256x32xf32, #tpu.memory_space<vmem>>[vector<16xi32>, vector<16xi32>], vector<16xf32>,
        %gather3A_747 = arith.constant 0 : i32
        %gather3A_748 = arith.constant 0 : i32
        %gather3A_749 = arith.constant 0 : i32
        %gather3A_750 = tpu.memref_slice %arg19[%gather3A_747, %gather3A_748, %gather3A_749] : memref<2x256x32xf32, #tpu.memory_space<vmem>> -> memref<1x256x32xf32, #tpu.memory_space<vmem>>
        %gather3A_751 = tpu.memref_squeeze %gather3A_750 : memref<1x256x32xf32, #tpu.memory_space<vmem>> -> memref<256x32xf32, #tpu.memory_space<vmem>>
        %gather3A_752 = tpu.vector_load_idx %gather3A_751[%add3A_559, %broadcast_in_dim3A_739] : memref<256x32xf32, #tpu.memory_space<vmem>>[vector<16xi32>, vector<16xi32>], vector<16xf32>,
        %mul3A_753 = arith.mulf %gather3A_740, %gather3A_746 : vector<16xf32>
        %add3A_754 = arith.addf %add3A_735, %mul3A_753 : vector<16xf32>
        %mul3A_755 = arith.mulf %gather3A_740, %gather3A_752 : vector<16xf32>
        %add3A_756 = arith.addf %add3A_737, %mul3A_755 : vector<16xf32>
        %broadcast_in_dim3A_757 = arith.constant 9 : i32
        %broadcast_in_dim3A_758 = vector.broadcast %broadcast_in_dim3A_757 : i32 to vector<16xi32>
        %gather3A_759 = tpu.vector_load_idx %arg15[%select_n3A, %broadcast_in_dim3A_758] : memref<512x32xf32, #tpu.memory_space<vmem>>[vector<16xi32>, vector<16xi32>], vector<16xf32>,
        %gather3A_760 = arith.constant 0 : i32
        %gather3A_761 = arith.constant 0 : i32
        %gather3A_762 = arith.constant 0 : i32
        %gather3A_763 = tpu.memref_slice %arg18[%gather3A_760, %gather3A_761, %gather3A_762] : memref<2x256x32xf32, #tpu.memory_space<vmem>> -> memref<1x256x32xf32, #tpu.memory_space<vmem>>
        %gather3A_764 = tpu.memref_squeeze %gather3A_763 : memref<1x256x32xf32, #tpu.memory_space<vmem>> -> memref<256x32xf32, #tpu.memory_space<vmem>>
        %gather3A_765 = tpu.vector_load_idx %gather3A_764[%add3A_559, %broadcast_in_dim3A_758] : memref<256x32xf32, #tpu.memory_space<vmem>>[vector<16xi32>, vector<16xi32>], vector<16xf32>,
        %gather3A_766 = arith.constant 0 : i32
        %gather3A_767 = arith.constant 0 : i32
        %gather3A_768 = arith.constant 0 : i32
        %gather3A_769 = tpu.memref_slice %arg19[%gather3A_766, %gather3A_767, %gather3A_768] : memref<2x256x32xf32, #tpu.memory_space<vmem>> -> memref<1x256x32xf32, #tpu.memory_space<vmem>>
        %gather3A_770 = tpu.memref_squeeze %gather3A_769 : memref<1x256x32xf32, #tpu.memory_space<vmem>> -> memref<256x32xf32, #tpu.memory_space<vmem>>
        %gather3A_771 = tpu.vector_load_idx %gather3A_770[%add3A_559, %broadcast_in_dim3A_758] : memref<256x32xf32, #tpu.memory_space<vmem>>[vector<16xi32>, vector<16xi32>], vector<16xf32>,
        %mul3A_772 = arith.mulf %gather3A_759, %gather3A_765 : vector<16xf32>
        %add3A_773 = arith.addf %add3A_754, %mul3A_772 : vector<16xf32>
        %mul3A_774 = arith.mulf %gather3A_759, %gather3A_771 : vector<16xf32>
        %add3A_775 = arith.addf %add3A_756, %mul3A_774 : vector<16xf32>
        %broadcast_in_dim3A_776 = arith.constant 10 : i32
        %broadcast_in_dim3A_777 = vector.broadcast %broadcast_in_dim3A_776 : i32 to vector<16xi32>
        %gather3A_778 = tpu.vector_load_idx %arg15[%select_n3A, %broadcast_in_dim3A_777] : memref<512x32xf32, #tpu.memory_space<vmem>>[vector<16xi32>, vector<16xi32>], vector<16xf32>,
        %gather3A_779 = arith.constant 0 : i32
        %gather3A_780 = arith.constant 0 : i32
        %gather3A_781 = arith.constant 0 : i32
        %gather3A_782 = tpu.memref_slice %arg18[%gather3A_779, %gather3A_780, %gather3A_781] : memref<2x256x32xf32, #tpu.memory_space<vmem>> -> memref<1x256x32xf32, #tpu.memory_space<vmem>>
        %gather3A_783 = tpu.memref_squeeze %gather3A_782 : memref<1x256x32xf32, #tpu.memory_space<vmem>> -> memref<256x32xf32, #tpu.memory_space<vmem>>
        %gather3A_784 = tpu.vector_load_idx %gather3A_783[%add3A_559, %broadcast_in_dim3A_777] : memref<256x32xf32, #tpu.memory_space<vmem>>[vector<16xi32>, vector<16xi32>], vector<16xf32>,
        %gather3A_785 = arith.constant 0 : i32
        %gather3A_786 = arith.constant 0 : i32
        %gather3A_787 = arith.constant 0 : i32
        %gather3A_788 = tpu.memref_slice %arg19[%gather3A_785, %gather3A_786, %gather3A_787] : memref<2x256x32xf32, #tpu.memory_space<vmem>> -> memref<1x256x32xf32, #tpu.memory_space<vmem>>
        %gather3A_789 = tpu.memref_squeeze %gather3A_788 : memref<1x256x32xf32, #tpu.memory_space<vmem>> -> memref<256x32xf32, #tpu.memory_space<vmem>>
        %gather3A_790 = tpu.vector_load_idx %gather3A_789[%add3A_559, %broadcast_in_dim3A_777] : memref<256x32xf32, #tpu.memory_space<vmem>>[vector<16xi32>, vector<16xi32>], vector<16xf32>,
        %mul3A_791 = arith.mulf %gather3A_778, %gather3A_784 : vector<16xf32>
        %add3A_792 = arith.addf %add3A_773, %mul3A_791 : vector<16xf32>
        %mul3A_793 = arith.mulf %gather3A_778, %gather3A_790 : vector<16xf32>
        %add3A_794 = arith.addf %add3A_775, %mul3A_793 : vector<16xf32>
        %broadcast_in_dim3A_795 = arith.constant 11 : i32
        %broadcast_in_dim3A_796 = vector.broadcast %broadcast_in_dim3A_795 : i32 to vector<16xi32>
        %gather3A_797 = tpu.vector_load_idx %arg15[%select_n3A, %broadcast_in_dim3A_796] : memref<512x32xf32, #tpu.memory_space<vmem>>[vector<16xi32>, vector<16xi32>], vector<16xf32>,
        %gather3A_798 = arith.constant 0 : i32
        %gather3A_799 = arith.constant 0 : i32
        %gather3A_800 = arith.constant 0 : i32
        %gather3A_801 = tpu.memref_slice %arg18[%gather3A_798, %gather3A_799, %gather3A_800] : memref<2x256x32xf32, #tpu.memory_space<vmem>> -> memref<1x256x32xf32, #tpu.memory_space<vmem>>
        %gather3A_802 = tpu.memref_squeeze %gather3A_801 : memref<1x256x32xf32, #tpu.memory_space<vmem>> -> memref<256x32xf32, #tpu.memory_space<vmem>>
        %gather3A_803 = tpu.vector_load_idx %gather3A_802[%add3A_559, %broadcast_in_dim3A_796] : memref<256x32xf32, #tpu.memory_space<vmem>>[vector<16xi32>, vector<16xi32>], vector<16xf32>,
        %gather3A_804 = arith.constant 0 : i32
        %gather3A_805 = arith.constant 0 : i32
        %gather3A_806 = arith.constant 0 : i32
        %gather3A_807 = tpu.memref_slice %arg19[%gather3A_804, %gather3A_805, %gather3A_806] : memref<2x256x32xf32, #tpu.memory_space<vmem>> -> memref<1x256x32xf32, #tpu.memory_space<vmem>>
        %gather3A_808 = tpu.memref_squeeze %gather3A_807 : memref<1x256x32xf32, #tpu.memory_space<vmem>> -> memref<256x32xf32, #tpu.memory_space<vmem>>
        %gather3A_809 = tpu.vector_load_idx %gather3A_808[%add3A_559, %broadcast_in_dim3A_796] : memref<256x32xf32, #tpu.memory_space<vmem>>[vector<16xi32>, vector<16xi32>], vector<16xf32>,
        %mul3A_810 = arith.mulf %gather3A_797, %gather3A_803 : vector<16xf32>
        %add3A_811 = arith.addf %add3A_792, %mul3A_810 : vector<16xf32>
        %mul3A_812 = arith.mulf %gather3A_797, %gather3A_809 : vector<16xf32>
        %add3A_813 = arith.addf %add3A_794, %mul3A_812 : vector<16xf32>
        %broadcast_in_dim3A_814 = arith.constant 12 : i32
        %broadcast_in_dim3A_815 = vector.broadcast %broadcast_in_dim3A_814 : i32 to vector<16xi32>
        %gather3A_816 = tpu.vector_load_idx %arg15[%select_n3A, %broadcast_in_dim3A_815] : memref<512x32xf32, #tpu.memory_space<vmem>>[vector<16xi32>, vector<16xi32>], vector<16xf32>,
        %gather3A_817 = arith.constant 0 : i32
        %gather3A_818 = arith.constant 0 : i32
        %gather3A_819 = arith.constant 0 : i32
        %gather3A_820 = tpu.memref_slice %arg18[%gather3A_817, %gather3A_818, %gather3A_819] : memref<2x256x32xf32, #tpu.memory_space<vmem>> -> memref<1x256x32xf32, #tpu.memory_space<vmem>>
        %gather3A_821 = tpu.memref_squeeze %gather3A_820 : memref<1x256x32xf32, #tpu.memory_space<vmem>> -> memref<256x32xf32, #tpu.memory_space<vmem>>
        %gather3A_822 = tpu.vector_load_idx %gather3A_821[%add3A_559, %broadcast_in_dim3A_815] : memref<256x32xf32, #tpu.memory_space<vmem>>[vector<16xi32>, vector<16xi32>], vector<16xf32>,
        %gather3A_823 = arith.constant 0 : i32
        %gather3A_824 = arith.constant 0 : i32
        %gather3A_825 = arith.constant 0 : i32
        %gather3A_826 = tpu.memref_slice %arg19[%gather3A_823, %gather3A_824, %gather3A_825] : memref<2x256x32xf32, #tpu.memory_space<vmem>> -> memref<1x256x32xf32, #tpu.memory_space<vmem>>
        %gather3A_827 = tpu.memref_squeeze %gather3A_826 : memref<1x256x32xf32, #tpu.memory_space<vmem>> -> memref<256x32xf32, #tpu.memory_space<vmem>>
        %gather3A_828 = tpu.vector_load_idx %gather3A_827[%add3A_559, %broadcast_in_dim3A_815] : memref<256x32xf32, #tpu.memory_space<vmem>>[vector<16xi32>, vector<16xi32>], vector<16xf32>,
        %mul3A_829 = arith.mulf %gather3A_816, %gather3A_822 : vector<16xf32>
        %add3A_830 = arith.addf %add3A_811, %mul3A_829 : vector<16xf32>
        %mul3A_831 = arith.mulf %gather3A_816, %gather3A_828 : vector<16xf32>
        %add3A_832 = arith.addf %add3A_813, %mul3A_831 : vector<16xf32>
        %broadcast_in_dim3A_833 = arith.constant 13 : i32
        %broadcast_in_dim3A_834 = vector.broadcast %broadcast_in_dim3A_833 : i32 to vector<16xi32>
        %gather3A_835 = tpu.vector_load_idx %arg15[%select_n3A, %broadcast_in_dim3A_834] : memref<512x32xf32, #tpu.memory_space<vmem>>[vector<16xi32>, vector<16xi32>], vector<16xf32>,
        %gather3A_836 = arith.constant 0 : i32
        %gather3A_837 = arith.constant 0 : i32
        %gather3A_838 = arith.constant 0 : i32
        %gather3A_839 = tpu.memref_slice %arg18[%gather3A_836, %gather3A_837, %gather3A_838] : memref<2x256x32xf32, #tpu.memory_space<vmem>> -> memref<1x256x32xf32, #tpu.memory_space<vmem>>
        %gather3A_840 = tpu.memref_squeeze %gather3A_839 : memref<1x256x32xf32, #tpu.memory_space<vmem>> -> memref<256x32xf32, #tpu.memory_space<vmem>>
        %gather3A_841 = tpu.vector_load_idx %gather3A_840[%add3A_559, %broadcast_in_dim3A_834] : memref<256x32xf32, #tpu.memory_space<vmem>>[vector<16xi32>, vector<16xi32>], vector<16xf32>,
        %gather3A_842 = arith.constant 0 : i32
        %gather3A_843 = arith.constant 0 : i32
        %gather3A_844 = arith.constant 0 : i32
        %gather3A_845 = tpu.memref_slice %arg19[%gather3A_842, %gather3A_843, %gather3A_844] : memref<2x256x32xf32, #tpu.memory_space<vmem>> -> memref<1x256x32xf32, #tpu.memory_space<vmem>>
        %gather3A_846 = tpu.memref_squeeze %gather3A_845 : memref<1x256x32xf32, #tpu.memory_space<vmem>> -> memref<256x32xf32, #tpu.memory_space<vmem>>
        %gather3A_847 = tpu.vector_load_idx %gather3A_846[%add3A_559, %broadcast_in_dim3A_834] : memref<256x32xf32, #tpu.memory_space<vmem>>[vector<16xi32>, vector<16xi32>], vector<16xf32>,
        %mul3A_848 = arith.mulf %gather3A_835, %gather3A_841 : vector<16xf32>
        %add3A_849 = arith.addf %add3A_830, %mul3A_848 : vector<16xf32>
        %mul3A_850 = arith.mulf %gather3A_835, %gather3A_847 : vector<16xf32>
        %add3A_851 = arith.addf %add3A_832, %mul3A_850 : vector<16xf32>
        %broadcast_in_dim3A_852 = arith.constant 14 : i32
        %broadcast_in_dim3A_853 = vector.broadcast %broadcast_in_dim3A_852 : i32 to vector<16xi32>
        %gather3A_854 = tpu.vector_load_idx %arg15[%select_n3A, %broadcast_in_dim3A_853] : memref<512x32xf32, #tpu.memory_space<vmem>>[vector<16xi32>, vector<16xi32>], vector<16xf32>,
        %gather3A_855 = arith.constant 0 : i32
        %gather3A_856 = arith.constant 0 : i32
        %gather3A_857 = arith.constant 0 : i32
        %gather3A_858 = tpu.memref_slice %arg18[%gather3A_855, %gather3A_856, %gather3A_857] : memref<2x256x32xf32, #tpu.memory_space<vmem>> -> memref<1x256x32xf32, #tpu.memory_space<vmem>>
        %gather3A_859 = tpu.memref_squeeze %gather3A_858 : memref<1x256x32xf32, #tpu.memory_space<vmem>> -> memref<256x32xf32, #tpu.memory_space<vmem>>
        %gather3A_860 = tpu.vector_load_idx %gather3A_859[%add3A_559, %broadcast_in_dim3A_853] : memref<256x32xf32, #tpu.memory_space<vmem>>[vector<16xi32>, vector<16xi32>], vector<16xf32>,
        %gather3A_861 = arith.constant 0 : i32
        %gather3A_862 = arith.constant 0 : i32
        %gather3A_863 = arith.constant 0 : i32
        %gather3A_864 = tpu.memref_slice %arg19[%gather3A_861, %gather3A_862, %gather3A_863] : memref<2x256x32xf32, #tpu.memory_space<vmem>> -> memref<1x256x32xf32, #tpu.memory_space<vmem>>
        %gather3A_865 = tpu.memref_squeeze %gather3A_864 : memref<1x256x32xf32, #tpu.memory_space<vmem>> -> memref<256x32xf32, #tpu.memory_space<vmem>>
        %gather3A_866 = tpu.vector_load_idx %gather3A_865[%add3A_559, %broadcast_in_dim3A_853] : memref<256x32xf32, #tpu.memory_space<vmem>>[vector<16xi32>, vector<16xi32>], vector<16xf32>,
        %mul3A_867 = arith.mulf %gather3A_854, %gather3A_860 : vector<16xf32>
        %add3A_868 = arith.addf %add3A_849, %mul3A_867 : vector<16xf32>
        %mul3A_869 = arith.mulf %gather3A_854, %gather3A_866 : vector<16xf32>
        %add3A_870 = arith.addf %add3A_851, %mul3A_869 : vector<16xf32>
        %broadcast_in_dim3A_871 = arith.constant 15 : i32
        %broadcast_in_dim3A_872 = vector.broadcast %broadcast_in_dim3A_871 : i32 to vector<16xi32>
        %gather3A_873 = tpu.vector_load_idx %arg15[%select_n3A, %broadcast_in_dim3A_872] : memref<512x32xf32, #tpu.memory_space<vmem>>[vector<16xi32>, vector<16xi32>], vector<16xf32>,
        %gather3A_874 = arith.constant 0 : i32
        %gather3A_875 = arith.constant 0 : i32
        %gather3A_876 = arith.constant 0 : i32
        %gather3A_877 = tpu.memref_slice %arg18[%gather3A_874, %gather3A_875, %gather3A_876] : memref<2x256x32xf32, #tpu.memory_space<vmem>> -> memref<1x256x32xf32, #tpu.memory_space<vmem>>
        %gather3A_878 = tpu.memref_squeeze %gather3A_877 : memref<1x256x32xf32, #tpu.memory_space<vmem>> -> memref<256x32xf32, #tpu.memory_space<vmem>>
        %gather3A_879 = tpu.vector_load_idx %gather3A_878[%add3A_559, %broadcast_in_dim3A_872] : memref<256x32xf32, #tpu.memory_space<vmem>>[vector<16xi32>, vector<16xi32>], vector<16xf32>,
        %gather3A_880 = arith.constant 0 : i32
        %gather3A_881 = arith.constant 0 : i32
        %gather3A_882 = arith.constant 0 : i32
        %gather3A_883 = tpu.memref_slice %arg19[%gather3A_880, %gather3A_881, %gather3A_882] : memref<2x256x32xf32, #tpu.memory_space<vmem>> -> memref<1x256x32xf32, #tpu.memory_space<vmem>>
        %gather3A_884 = tpu.memref_squeeze %gather3A_883 : memref<1x256x32xf32, #tpu.memory_space<vmem>> -> memref<256x32xf32, #tpu.memory_space<vmem>>
        %gather3A_885 = tpu.vector_load_idx %gather3A_884[%add3A_559, %broadcast_in_dim3A_872] : memref<256x32xf32, #tpu.memory_space<vmem>>[vector<16xi32>, vector<16xi32>], vector<16xf32>,
        %mul3A_886 = arith.mulf %gather3A_873, %gather3A_879 : vector<16xf32>
        %add3A_887 = arith.addf %add3A_868, %mul3A_886 : vector<16xf32>
        %mul3A_888 = arith.mulf %gather3A_873, %gather3A_885 : vector<16xf32>
        %add3A_889 = arith.addf %add3A_870, %mul3A_888 : vector<16xf32>
        %broadcast_in_dim3A_890 = arith.constant 16 : i32
        %broadcast_in_dim3A_891 = vector.broadcast %broadcast_in_dim3A_890 : i32 to vector<16xi32>
        %gather3A_892 = tpu.vector_load_idx %arg15[%select_n3A, %broadcast_in_dim3A_891] : memref<512x32xf32, #tpu.memory_space<vmem>>[vector<16xi32>, vector<16xi32>], vector<16xf32>,
        %gather3A_893 = arith.constant 0 : i32
        %gather3A_894 = arith.constant 0 : i32
        %gather3A_895 = arith.constant 0 : i32
        %gather3A_896 = tpu.memref_slice %arg18[%gather3A_893, %gather3A_894, %gather3A_895] : memref<2x256x32xf32, #tpu.memory_space<vmem>> -> memref<1x256x32xf32, #tpu.memory_space<vmem>>
        %gather3A_897 = tpu.memref_squeeze %gather3A_896 : memref<1x256x32xf32, #tpu.memory_space<vmem>> -> memref<256x32xf32, #tpu.memory_space<vmem>>
        %gather3A_898 = tpu.vector_load_idx %gather3A_897[%add3A_559, %broadcast_in_dim3A_891] : memref<256x32xf32, #tpu.memory_space<vmem>>[vector<16xi32>, vector<16xi32>], vector<16xf32>,
        %gather3A_899 = arith.constant 0 : i32
        %gather3A_900 = arith.constant 0 : i32
        %gather3A_901 = arith.constant 0 : i32
        %gather3A_902 = tpu.memref_slice %arg19[%gather3A_899, %gather3A_900, %gather3A_901] : memref<2x256x32xf32, #tpu.memory_space<vmem>> -> memref<1x256x32xf32, #tpu.memory_space<vmem>>
        %gather3A_903 = tpu.memref_squeeze %gather3A_902 : memref<1x256x32xf32, #tpu.memory_space<vmem>> -> memref<256x32xf32, #tpu.memory_space<vmem>>
        %gather3A_904 = tpu.vector_load_idx %gather3A_903[%add3A_559, %broadcast_in_dim3A_891] : memref<256x32xf32, #tpu.memory_space<vmem>>[vector<16xi32>, vector<16xi32>], vector<16xf32>,
        %mul3A_905 = arith.mulf %gather3A_892, %gather3A_898 : vector<16xf32>
        %add3A_906 = arith.addf %add3A_887, %mul3A_905 : vector<16xf32>
        %mul3A_907 = arith.mulf %gather3A_892, %gather3A_904 : vector<16xf32>
        %add3A_908 = arith.addf %add3A_889, %mul3A_907 : vector<16xf32>
        %broadcast_in_dim3A_909 = arith.constant 17 : i32
        %broadcast_in_dim3A_910 = vector.broadcast %broadcast_in_dim3A_909 : i32 to vector<16xi32>
        %gather3A_911 = tpu.vector_load_idx %arg15[%select_n3A, %broadcast_in_dim3A_910] : memref<512x32xf32, #tpu.memory_space<vmem>>[vector<16xi32>, vector<16xi32>], vector<16xf32>,
        %gather3A_912 = arith.constant 0 : i32
        %gather3A_913 = arith.constant 0 : i32
        %gather3A_914 = arith.constant 0 : i32
        %gather3A_915 = tpu.memref_slice %arg18[%gather3A_912, %gather3A_913, %gather3A_914] : memref<2x256x32xf32, #tpu.memory_space<vmem>> -> memref<1x256x32xf32, #tpu.memory_space<vmem>>
        %gather3A_916 = tpu.memref_squeeze %gather3A_915 : memref<1x256x32xf32, #tpu.memory_space<vmem>> -> memref<256x32xf32, #tpu.memory_space<vmem>>
        %gather3A_917 = tpu.vector_load_idx %gather3A_916[%add3A_559, %broadcast_in_dim3A_910] : memref<256x32xf32, #tpu.memory_space<vmem>>[vector<16xi32>, vector<16xi32>], vector<16xf32>,
        %gather3A_918 = arith.constant 0 : i32
        %gather3A_919 = arith.constant 0 : i32
        %gather3A_920 = arith.constant 0 : i32
        %gather3A_921 = tpu.memref_slice %arg19[%gather3A_918, %gather3A_919, %gather3A_920] : memref<2x256x32xf32, #tpu.memory_space<vmem>> -> memref<1x256x32xf32, #tpu.memory_space<vmem>>
        %gather3A_922 = tpu.memref_squeeze %gather3A_921 : memref<1x256x32xf32, #tpu.memory_space<vmem>> -> memref<256x32xf32, #tpu.memory_space<vmem>>
        %gather3A_923 = tpu.vector_load_idx %gather3A_922[%add3A_559, %broadcast_in_dim3A_910] : memref<256x32xf32, #tpu.memory_space<vmem>>[vector<16xi32>, vector<16xi32>], vector<16xf32>,
        %mul3A_924 = arith.mulf %gather3A_911, %gather3A_917 : vector<16xf32>
        %add3A_925 = arith.addf %add3A_906, %mul3A_924 : vector<16xf32>
        %mul3A_926 = arith.mulf %gather3A_911, %gather3A_923 : vector<16xf32>
        %add3A_927 = arith.addf %add3A_908, %mul3A_926 : vector<16xf32>
        %broadcast_in_dim3A_928 = arith.constant 18 : i32
        %broadcast_in_dim3A_929 = vector.broadcast %broadcast_in_dim3A_928 : i32 to vector<16xi32>
        %gather3A_930 = tpu.vector_load_idx %arg15[%select_n3A, %broadcast_in_dim3A_929] : memref<512x32xf32, #tpu.memory_space<vmem>>[vector<16xi32>, vector<16xi32>], vector<16xf32>,
        %gather3A_931 = arith.constant 0 : i32
        %gather3A_932 = arith.constant 0 : i32
        %gather3A_933 = arith.constant 0 : i32
        %gather3A_934 = tpu.memref_slice %arg18[%gather3A_931, %gather3A_932, %gather3A_933] : memref<2x256x32xf32, #tpu.memory_space<vmem>> -> memref<1x256x32xf32, #tpu.memory_space<vmem>>
        %gather3A_935 = tpu.memref_squeeze %gather3A_934 : memref<1x256x32xf32, #tpu.memory_space<vmem>> -> memref<256x32xf32, #tpu.memory_space<vmem>>
        %gather3A_936 = tpu.vector_load_idx %gather3A_935[%add3A_559, %broadcast_in_dim3A_929] : memref<256x32xf32, #tpu.memory_space<vmem>>[vector<16xi32>, vector<16xi32>], vector<16xf32>,
        %gather3A_937 = arith.constant 0 : i32
        %gather3A_938 = arith.constant 0 : i32
        %gather3A_939 = arith.constant 0 : i32
        %gather3A_940 = tpu.memref_slice %arg19[%gather3A_937, %gather3A_938, %gather3A_939] : memref<2x256x32xf32, #tpu.memory_space<vmem>> -> memref<1x256x32xf32, #tpu.memory_space<vmem>>
        %gather3A_941 = tpu.memref_squeeze %gather3A_940 : memref<1x256x32xf32, #tpu.memory_space<vmem>> -> memref<256x32xf32, #tpu.memory_space<vmem>>
        %gather3A_942 = tpu.vector_load_idx %gather3A_941[%add3A_559, %broadcast_in_dim3A_929] : memref<256x32xf32, #tpu.memory_space<vmem>>[vector<16xi32>, vector<16xi32>], vector<16xf32>,
        %mul3A_943 = arith.mulf %gather3A_930, %gather3A_936 : vector<16xf32>
        %add3A_944 = arith.addf %add3A_925, %mul3A_943 : vector<16xf32>
        %mul3A_945 = arith.mulf %gather3A_930, %gather3A_942 : vector<16xf32>
        %add3A_946 = arith.addf %add3A_927, %mul3A_945 : vector<16xf32>
        %broadcast_in_dim3A_947 = arith.constant 19 : i32
        %broadcast_in_dim3A_948 = vector.broadcast %broadcast_in_dim3A_947 : i32 to vector<16xi32>
        %gather3A_949 = tpu.vector_load_idx %arg15[%select_n3A, %broadcast_in_dim3A_948] : memref<512x32xf32, #tpu.memory_space<vmem>>[vector<16xi32>, vector<16xi32>], vector<16xf32>,
        %gather3A_950 = arith.constant 0 : i32
        %gather3A_951 = arith.constant 0 : i32
        %gather3A_952 = arith.constant 0 : i32
        %gather3A_953 = tpu.memref_slice %arg18[%gather3A_950, %gather3A_951, %gather3A_952] : memref<2x256x32xf32, #tpu.memory_space<vmem>> -> memref<1x256x32xf32, #tpu.memory_space<vmem>>
        %gather3A_954 = tpu.memref_squeeze %gather3A_953 : memref<1x256x32xf32, #tpu.memory_space<vmem>> -> memref<256x32xf32, #tpu.memory_space<vmem>>
        %gather3A_955 = tpu.vector_load_idx %gather3A_954[%add3A_559, %broadcast_in_dim3A_948] : memref<256x32xf32, #tpu.memory_space<vmem>>[vector<16xi32>, vector<16xi32>], vector<16xf32>,
        %gather3A_956 = arith.constant 0 : i32
        %gather3A_957 = arith.constant 0 : i32
        %gather3A_958 = arith.constant 0 : i32
        %gather3A_959 = tpu.memref_slice %arg19[%gather3A_956, %gather3A_957, %gather3A_958] : memref<2x256x32xf32, #tpu.memory_space<vmem>> -> memref<1x256x32xf32, #tpu.memory_space<vmem>>
        %gather3A_960 = tpu.memref_squeeze %gather3A_959 : memref<1x256x32xf32, #tpu.memory_space<vmem>> -> memref<256x32xf32, #tpu.memory_space<vmem>>
        %gather3A_961 = tpu.vector_load_idx %gather3A_960[%add3A_559, %broadcast_in_dim3A_948] : memref<256x32xf32, #tpu.memory_space<vmem>>[vector<16xi32>, vector<16xi32>], vector<16xf32>,
        %mul3A_962 = arith.mulf %gather3A_949, %gather3A_955 : vector<16xf32>
        %add3A_963 = arith.addf %add3A_944, %mul3A_962 : vector<16xf32>
        %mul3A_964 = arith.mulf %gather3A_949, %gather3A_961 : vector<16xf32>
        %add3A_965 = arith.addf %add3A_946, %mul3A_964 : vector<16xf32>
        %broadcast_in_dim3A_966 = arith.constant 20 : i32
        %broadcast_in_dim3A_967 = vector.broadcast %broadcast_in_dim3A_966 : i32 to vector<16xi32>
        %gather3A_968 = tpu.vector_load_idx %arg15[%select_n3A, %broadcast_in_dim3A_967] : memref<512x32xf32, #tpu.memory_space<vmem>>[vector<16xi32>, vector<16xi32>], vector<16xf32>,
        %gather3A_969 = arith.constant 0 : i32
        %gather3A_970 = arith.constant 0 : i32
        %gather3A_971 = arith.constant 0 : i32
        %gather3A_972 = tpu.memref_slice %arg18[%gather3A_969, %gather3A_970, %gather3A_971] : memref<2x256x32xf32, #tpu.memory_space<vmem>> -> memref<1x256x32xf32, #tpu.memory_space<vmem>>
        %gather3A_973 = tpu.memref_squeeze %gather3A_972 : memref<1x256x32xf32, #tpu.memory_space<vmem>> -> memref<256x32xf32, #tpu.memory_space<vmem>>
        %gather3A_974 = tpu.vector_load_idx %gather3A_973[%add3A_559, %broadcast_in_dim3A_967] : memref<256x32xf32, #tpu.memory_space<vmem>>[vector<16xi32>, vector<16xi32>], vector<16xf32>,
        %gather3A_975 = arith.constant 0 : i32
        %gather3A_976 = arith.constant 0 : i32
        %gather3A_977 = arith.constant 0 : i32
        %gather3A_978 = tpu.memref_slice %arg19[%gather3A_975, %gather3A_976, %gather3A_977] : memref<2x256x32xf32, #tpu.memory_space<vmem>> -> memref<1x256x32xf32, #tpu.memory_space<vmem>>
        %gather3A_979 = tpu.memref_squeeze %gather3A_978 : memref<1x256x32xf32, #tpu.memory_space<vmem>> -> memref<256x32xf32, #tpu.memory_space<vmem>>
        %gather3A_980 = tpu.vector_load_idx %gather3A_979[%add3A_559, %broadcast_in_dim3A_967] : memref<256x32xf32, #tpu.memory_space<vmem>>[vector<16xi32>, vector<16xi32>], vector<16xf32>,
        %mul3A_981 = arith.mulf %gather3A_968, %gather3A_974 : vector<16xf32>
        %add3A_982 = arith.addf %add3A_963, %mul3A_981 : vector<16xf32>
        %mul3A_983 = arith.mulf %gather3A_968, %gather3A_980 : vector<16xf32>
        %add3A_984 = arith.addf %add3A_965, %mul3A_983 : vector<16xf32>
        %broadcast_in_dim3A_985 = arith.constant 21 : i32
        %broadcast_in_dim3A_986 = vector.broadcast %broadcast_in_dim3A_985 : i32 to vector<16xi32>
        %gather3A_987 = tpu.vector_load_idx %arg15[%select_n3A, %broadcast_in_dim3A_986] : memref<512x32xf32, #tpu.memory_space<vmem>>[vector<16xi32>, vector<16xi32>], vector<16xf32>,
        %gather3A_988 = arith.constant 0 : i32
        %gather3A_989 = arith.constant 0 : i32
        %gather3A_990 = arith.constant 0 : i32
        %gather3A_991 = tpu.memref_slice %arg18[%gather3A_988, %gather3A_989, %gather3A_990] : memref<2x256x32xf32, #tpu.memory_space<vmem>> -> memref<1x256x32xf32, #tpu.memory_space<vmem>>
        %gather3A_992 = tpu.memref_squeeze %gather3A_991 : memref<1x256x32xf32, #tpu.memory_space<vmem>> -> memref<256x32xf32, #tpu.memory_space<vmem>>
        %gather3A_993 = tpu.vector_load_idx %gather3A_992[%add3A_559, %broadcast_in_dim3A_986] : memref<256x32xf32, #tpu.memory_space<vmem>>[vector<16xi32>, vector<16xi32>], vector<16xf32>,
        %gather3A_994 = arith.constant 0 : i32
        %gather3A_995 = arith.constant 0 : i32
        %gather3A_996 = arith.constant 0 : i32
        %gather3A_997 = tpu.memref_slice %arg19[%gather3A_994, %gather3A_995, %gather3A_996] : memref<2x256x32xf32, #tpu.memory_space<vmem>> -> memref<1x256x32xf32, #tpu.memory_space<vmem>>
        %gather3A_998 = tpu.memref_squeeze %gather3A_997 : memref<1x256x32xf32, #tpu.memory_space<vmem>> -> memref<256x32xf32, #tpu.memory_space<vmem>>
        %gather3A_999 = tpu.vector_load_idx %gather3A_998[%add3A_559, %broadcast_in_dim3A_986] : memref<256x32xf32, #tpu.memory_space<vmem>>[vector<16xi32>, vector<16xi32>], vector<16xf32>,
        %mul3A_1000 = arith.mulf %gather3A_987, %gather3A_993 : vector<16xf32>
        %add3A_1001 = arith.addf %add3A_982, %mul3A_1000 : vector<16xf32>
        %mul3A_1002 = arith.mulf %gather3A_987, %gather3A_999 : vector<16xf32>
        %add3A_1003 = arith.addf %add3A_984, %mul3A_1002 : vector<16xf32>
        %broadcast_in_dim3A_1004 = arith.constant 22 : i32
        %broadcast_in_dim3A_1005 = vector.broadcast %broadcast_in_dim3A_1004 : i32 to vector<16xi32>
        %gather3A_1006 = tpu.vector_load_idx %arg15[%select_n3A, %broadcast_in_dim3A_1005] : memref<512x32xf32, #tpu.memory_space<vmem>>[vector<16xi32>, vector<16xi32>], vector<16xf32>,
        %gather3A_1007 = arith.constant 0 : i32
        %gather3A_1008 = arith.constant 0 : i32
        %gather3A_1009 = arith.constant 0 : i32
        %gather3A_1010 = tpu.memref_slice %arg18[%gather3A_1007, %gather3A_1008, %gather3A_1009] : memref<2x256x32xf32, #tpu.memory_space<vmem>> -> memref<1x256x32xf32, #tpu.memory_space<vmem>>
        %gather3A_1011 = tpu.memref_squeeze %gather3A_1010 : memref<1x256x32xf32, #tpu.memory_space<vmem>> -> memref<256x32xf32, #tpu.memory_space<vmem>>
        %gather3A_1012 = tpu.vector_load_idx %gather3A_1011[%add3A_559, %broadcast_in_dim3A_1005] : memref<256x32xf32, #tpu.memory_space<vmem>>[vector<16xi32>, vector<16xi32>], vector<16xf32>,
        %gather3A_1013 = arith.constant 0 : i32
        %gather3A_1014 = arith.constant 0 : i32
        %gather3A_1015 = arith.constant 0 : i32
        %gather3A_1016 = tpu.memref_slice %arg19[%gather3A_1013, %gather3A_1014, %gather3A_1015] : memref<2x256x32xf32, #tpu.memory_space<vmem>> -> memref<1x256x32xf32, #tpu.memory_space<vmem>>
        %gather3A_1017 = tpu.memref_squeeze %gather3A_1016 : memref<1x256x32xf32, #tpu.memory_space<vmem>> -> memref<256x32xf32, #tpu.memory_space<vmem>>
        %gather3A_1018 = tpu.vector_load_idx %gather3A_1017[%add3A_559, %broadcast_in_dim3A_1005] : memref<256x32xf32, #tpu.memory_space<vmem>>[vector<16xi32>, vector<16xi32>], vector<16xf32>,
        %mul3A_1019 = arith.mulf %gather3A_1006, %gather3A_1012 : vector<16xf32>
        %add3A_1020 = arith.addf %add3A_1001, %mul3A_1019 : vector<16xf32>
        %mul3A_1021 = arith.mulf %gather3A_1006, %gather3A_1018 : vector<16xf32>
        %add3A_1022 = arith.addf %add3A_1003, %mul3A_1021 : vector<16xf32>
        %broadcast_in_dim3A_1023 = arith.constant 23 : i32
        %broadcast_in_dim3A_1024 = vector.broadcast %broadcast_in_dim3A_1023 : i32 to vector<16xi32>
        %gather3A_1025 = tpu.vector_load_idx %arg15[%select_n3A, %broadcast_in_dim3A_1024] : memref<512x32xf32, #tpu.memory_space<vmem>>[vector<16xi32>, vector<16xi32>], vector<16xf32>,
        %gather3A_1026 = arith.constant 0 : i32
        %gather3A_1027 = arith.constant 0 : i32
        %gather3A_1028 = arith.constant 0 : i32
        %gather3A_1029 = tpu.memref_slice %arg18[%gather3A_1026, %gather3A_1027, %gather3A_1028] : memref<2x256x32xf32, #tpu.memory_space<vmem>> -> memref<1x256x32xf32, #tpu.memory_space<vmem>>
        %gather3A_1030 = tpu.memref_squeeze %gather3A_1029 : memref<1x256x32xf32, #tpu.memory_space<vmem>> -> memref<256x32xf32, #tpu.memory_space<vmem>>
        %gather3A_1031 = tpu.vector_load_idx %gather3A_1030[%add3A_559, %broadcast_in_dim3A_1024] : memref<256x32xf32, #tpu.memory_space<vmem>>[vector<16xi32>, vector<16xi32>], vector<16xf32>,
        %gather3A_1032 = arith.constant 0 : i32
        %gather3A_1033 = arith.constant 0 : i32
        %gather3A_1034 = arith.constant 0 : i32
        %gather3A_1035 = tpu.memref_slice %arg19[%gather3A_1032, %gather3A_1033, %gather3A_1034] : memref<2x256x32xf32, #tpu.memory_space<vmem>> -> memref<1x256x32xf32, #tpu.memory_space<vmem>>
        %gather3A_1036 = tpu.memref_squeeze %gather3A_1035 : memref<1x256x32xf32, #tpu.memory_space<vmem>> -> memref<256x32xf32, #tpu.memory_space<vmem>>
        %gather3A_1037 = tpu.vector_load_idx %gather3A_1036[%add3A_559, %broadcast_in_dim3A_1024] : memref<256x32xf32, #tpu.memory_space<vmem>>[vector<16xi32>, vector<16xi32>], vector<16xf32>,
        %mul3A_1038 = arith.mulf %gather3A_1025, %gather3A_1031 : vector<16xf32>
        %add3A_1039 = arith.addf %add3A_1020, %mul3A_1038 : vector<16xf32>
        %mul3A_1040 = arith.mulf %gather3A_1025, %gather3A_1037 : vector<16xf32>
        %add3A_1041 = arith.addf %add3A_1022, %mul3A_1040 : vector<16xf32>
        %broadcast_in_dim3A_1042 = arith.constant 24 : i32
        %broadcast_in_dim3A_1043 = vector.broadcast %broadcast_in_dim3A_1042 : i32 to vector<16xi32>
        %gather3A_1044 = tpu.vector_load_idx %arg15[%select_n3A, %broadcast_in_dim3A_1043] : memref<512x32xf32, #tpu.memory_space<vmem>>[vector<16xi32>, vector<16xi32>], vector<16xf32>,
        %gather3A_1045 = arith.constant 0 : i32
        %gather3A_1046 = arith.constant 0 : i32
        %gather3A_1047 = arith.constant 0 : i32
        %gather3A_1048 = tpu.memref_slice %arg18[%gather3A_1045, %gather3A_1046, %gather3A_1047] : memref<2x256x32xf32, #tpu.memory_space<vmem>> -> memref<1x256x32xf32, #tpu.memory_space<vmem>>
        %gather3A_1049 = tpu.memref_squeeze %gather3A_1048 : memref<1x256x32xf32, #tpu.memory_space<vmem>> -> memref<256x32xf32, #tpu.memory_space<vmem>>
        %gather3A_1050 = tpu.vector_load_idx %gather3A_1049[%add3A_559, %broadcast_in_dim3A_1043] : memref<256x32xf32, #tpu.memory_space<vmem>>[vector<16xi32>, vector<16xi32>], vector<16xf32>,
        %gather3A_1051 = arith.constant 0 : i32
        %gather3A_1052 = arith.constant 0 : i32
        %gather3A_1053 = arith.constant 0 : i32
        %gather3A_1054 = tpu.memref_slice %arg19[%gather3A_1051, %gather3A_1052, %gather3A_1053] : memref<2x256x32xf32, #tpu.memory_space<vmem>> -> memref<1x256x32xf32, #tpu.memory_space<vmem>>
        %gather3A_1055 = tpu.memref_squeeze %gather3A_1054 : memref<1x256x32xf32, #tpu.memory_space<vmem>> -> memref<256x32xf32, #tpu.memory_space<vmem>>
        %gather3A_1056 = tpu.vector_load_idx %gather3A_1055[%add3A_559, %broadcast_in_dim3A_1043] : memref<256x32xf32, #tpu.memory_space<vmem>>[vector<16xi32>, vector<16xi32>], vector<16xf32>,
        %mul3A_1057 = arith.mulf %gather3A_1044, %gather3A_1050 : vector<16xf32>
        %add3A_1058 = arith.addf %add3A_1039, %mul3A_1057 : vector<16xf32>
        %mul3A_1059 = arith.mulf %gather3A_1044, %gather3A_1056 : vector<16xf32>
        %add3A_1060 = arith.addf %add3A_1041, %mul3A_1059 : vector<16xf32>
        %broadcast_in_dim3A_1061 = arith.constant 25 : i32
        %broadcast_in_dim3A_1062 = vector.broadcast %broadcast_in_dim3A_1061 : i32 to vector<16xi32>
        %gather3A_1063 = tpu.vector_load_idx %arg15[%select_n3A, %broadcast_in_dim3A_1062] : memref<512x32xf32, #tpu.memory_space<vmem>>[vector<16xi32>, vector<16xi32>], vector<16xf32>,
        %gather3A_1064 = arith.constant 0 : i32
        %gather3A_1065 = arith.constant 0 : i32
        %gather3A_1066 = arith.constant 0 : i32
        %gather3A_1067 = tpu.memref_slice %arg18[%gather3A_1064, %gather3A_1065, %gather3A_1066] : memref<2x256x32xf32, #tpu.memory_space<vmem>> -> memref<1x256x32xf32, #tpu.memory_space<vmem>>
        %gather3A_1068 = tpu.memref_squeeze %gather3A_1067 : memref<1x256x32xf32, #tpu.memory_space<vmem>> -> memref<256x32xf32, #tpu.memory_space<vmem>>
        %gather3A_1069 = tpu.vector_load_idx %gather3A_1068[%add3A_559, %broadcast_in_dim3A_1062] : memref<256x32xf32, #tpu.memory_space<vmem>>[vector<16xi32>, vector<16xi32>], vector<16xf32>,
        %gather3A_1070 = arith.constant 0 : i32
        %gather3A_1071 = arith.constant 0 : i32
        %gather3A_1072 = arith.constant 0 : i32
        %gather3A_1073 = tpu.memref_slice %arg19[%gather3A_1070, %gather3A_1071, %gather3A_1072] : memref<2x256x32xf32, #tpu.memory_space<vmem>> -> memref<1x256x32xf32, #tpu.memory_space<vmem>>
        %gather3A_1074 = tpu.memref_squeeze %gather3A_1073 : memref<1x256x32xf32, #tpu.memory_space<vmem>> -> memref<256x32xf32, #tpu.memory_space<vmem>>
        %gather3A_1075 = tpu.vector_load_idx %gather3A_1074[%add3A_559, %broadcast_in_dim3A_1062] : memref<256x32xf32, #tpu.memory_space<vmem>>[vector<16xi32>, vector<16xi32>], vector<16xf32>,
        %mul3A_1076 = arith.mulf %gather3A_1063, %gather3A_1069 : vector<16xf32>
        %add3A_1077 = arith.addf %add3A_1058, %mul3A_1076 : vector<16xf32>
        %mul3A_1078 = arith.mulf %gather3A_1063, %gather3A_1075 : vector<16xf32>
        %add3A_1079 = arith.addf %add3A_1060, %mul3A_1078 : vector<16xf32>
        %broadcast_in_dim3A_1080 = arith.constant 26 : i32
        %broadcast_in_dim3A_1081 = vector.broadcast %broadcast_in_dim3A_1080 : i32 to vector<16xi32>
        %gather3A_1082 = tpu.vector_load_idx %arg15[%select_n3A, %broadcast_in_dim3A_1081] : memref<512x32xf32, #tpu.memory_space<vmem>>[vector<16xi32>, vector<16xi32>], vector<16xf32>,
        %gather3A_1083 = arith.constant 0 : i32
        %gather3A_1084 = arith.constant 0 : i32
        %gather3A_1085 = arith.constant 0 : i32
        %gather3A_1086 = tpu.memref_slice %arg18[%gather3A_1083, %gather3A_1084, %gather3A_1085] : memref<2x256x32xf32, #tpu.memory_space<vmem>> -> memref<1x256x32xf32, #tpu.memory_space<vmem>>
        %gather3A_1087 = tpu.memref_squeeze %gather3A_1086 : memref<1x256x32xf32, #tpu.memory_space<vmem>> -> memref<256x32xf32, #tpu.memory_space<vmem>>
        %gather3A_1088 = tpu.vector_load_idx %gather3A_1087[%add3A_559, %broadcast_in_dim3A_1081] : memref<256x32xf32, #tpu.memory_space<vmem>>[vector<16xi32>, vector<16xi32>], vector<16xf32>,
        %gather3A_1089 = arith.constant 0 : i32
        %gather3A_1090 = arith.constant 0 : i32
        %gather3A_1091 = arith.constant 0 : i32
        %gather3A_1092 = tpu.memref_slice %arg19[%gather3A_1089, %gather3A_1090, %gather3A_1091] : memref<2x256x32xf32, #tpu.memory_space<vmem>> -> memref<1x256x32xf32, #tpu.memory_space<vmem>>
        %gather3A_1093 = tpu.memref_squeeze %gather3A_1092 : memref<1x256x32xf32, #tpu.memory_space<vmem>> -> memref<256x32xf32, #tpu.memory_space<vmem>>
        %gather3A_1094 = tpu.vector_load_idx %gather3A_1093[%add3A_559, %broadcast_in_dim3A_1081] : memref<256x32xf32, #tpu.memory_space<vmem>>[vector<16xi32>, vector<16xi32>], vector<16xf32>,
        %mul3A_1095 = arith.mulf %gather3A_1082, %gather3A_1088 : vector<16xf32>
        %add3A_1096 = arith.addf %add3A_1077, %mul3A_1095 : vector<16xf32>
        %mul3A_1097 = arith.mulf %gather3A_1082, %gather3A_1094 : vector<16xf32>
        %add3A_1098 = arith.addf %add3A_1079, %mul3A_1097 : vector<16xf32>
        %broadcast_in_dim3A_1099 = arith.constant 27 : i32
        %broadcast_in_dim3A_1100 = vector.broadcast %broadcast_in_dim3A_1099 : i32 to vector<16xi32>
        %gather3A_1101 = tpu.vector_load_idx %arg15[%select_n3A, %broadcast_in_dim3A_1100] : memref<512x32xf32, #tpu.memory_space<vmem>>[vector<16xi32>, vector<16xi32>], vector<16xf32>,
        %gather3A_1102 = arith.constant 0 : i32
        %gather3A_1103 = arith.constant 0 : i32
        %gather3A_1104 = arith.constant 0 : i32
        %gather3A_1105 = tpu.memref_slice %arg18[%gather3A_1102, %gather3A_1103, %gather3A_1104] : memref<2x256x32xf32, #tpu.memory_space<vmem>> -> memref<1x256x32xf32, #tpu.memory_space<vmem>>
        %gather3A_1106 = tpu.memref_squeeze %gather3A_1105 : memref<1x256x32xf32, #tpu.memory_space<vmem>> -> memref<256x32xf32, #tpu.memory_space<vmem>>
        %gather3A_1107 = tpu.vector_load_idx %gather3A_1106[%add3A_559, %broadcast_in_dim3A_1100] : memref<256x32xf32, #tpu.memory_space<vmem>>[vector<16xi32>, vector<16xi32>], vector<16xf32>,
        %gather3A_1108 = arith.constant 0 : i32
        %gather3A_1109 = arith.constant 0 : i32
        %gather3A_1110 = arith.constant 0 : i32
        %gather3A_1111 = tpu.memref_slice %arg19[%gather3A_1108, %gather3A_1109, %gather3A_1110] : memref<2x256x32xf32, #tpu.memory_space<vmem>> -> memref<1x256x32xf32, #tpu.memory_space<vmem>>
        %gather3A_1112 = tpu.memref_squeeze %gather3A_1111 : memref<1x256x32xf32, #tpu.memory_space<vmem>> -> memref<256x32xf32, #tpu.memory_space<vmem>>
        %gather3A_1113 = tpu.vector_load_idx %gather3A_1112[%add3A_559, %broadcast_in_dim3A_1100] : memref<256x32xf32, #tpu.memory_space<vmem>>[vector<16xi32>, vector<16xi32>], vector<16xf32>,
        %mul3A_1114 = arith.mulf %gather3A_1101, %gather3A_1107 : vector<16xf32>
        %add3A_1115 = arith.addf %add3A_1096, %mul3A_1114 : vector<16xf32>
        %mul3A_1116 = arith.mulf %gather3A_1101, %gather3A_1113 : vector<16xf32>
        %add3A_1117 = arith.addf %add3A_1098, %mul3A_1116 : vector<16xf32>
        %broadcast_in_dim3A_1118 = arith.constant 28 : i32
        %broadcast_in_dim3A_1119 = vector.broadcast %broadcast_in_dim3A_1118 : i32 to vector<16xi32>
        %gather3A_1120 = tpu.vector_load_idx %arg15[%select_n3A, %broadcast_in_dim3A_1119] : memref<512x32xf32, #tpu.memory_space<vmem>>[vector<16xi32>, vector<16xi32>], vector<16xf32>,
        %gather3A_1121 = arith.constant 0 : i32
        %gather3A_1122 = arith.constant 0 : i32
        %gather3A_1123 = arith.constant 0 : i32
        %gather3A_1124 = tpu.memref_slice %arg18[%gather3A_1121, %gather3A_1122, %gather3A_1123] : memref<2x256x32xf32, #tpu.memory_space<vmem>> -> memref<1x256x32xf32, #tpu.memory_space<vmem>>
        %gather3A_1125 = tpu.memref_squeeze %gather3A_1124 : memref<1x256x32xf32, #tpu.memory_space<vmem>> -> memref<256x32xf32, #tpu.memory_space<vmem>>
        %gather3A_1126 = tpu.vector_load_idx %gather3A_1125[%add3A_559, %broadcast_in_dim3A_1119] : memref<256x32xf32, #tpu.memory_space<vmem>>[vector<16xi32>, vector<16xi32>], vector<16xf32>,
        %gather3A_1127 = arith.constant 0 : i32
        %gather3A_1128 = arith.constant 0 : i32
        %gather3A_1129 = arith.constant 0 : i32
        %gather3A_1130 = tpu.memref_slice %arg19[%gather3A_1127, %gather3A_1128, %gather3A_1129] : memref<2x256x32xf32, #tpu.memory_space<vmem>> -> memref<1x256x32xf32, #tpu.memory_space<vmem>>
        %gather3A_1131 = tpu.memref_squeeze %gather3A_1130 : memref<1x256x32xf32, #tpu.memory_space<vmem>> -> memref<256x32xf32, #tpu.memory_space<vmem>>
        %gather3A_1132 = tpu.vector_load_idx %gather3A_1131[%add3A_559, %broadcast_in_dim3A_1119] : memref<256x32xf32, #tpu.memory_space<vmem>>[vector<16xi32>, vector<16xi32>], vector<16xf32>,
        %mul3A_1133 = arith.mulf %gather3A_1120, %gather3A_1126 : vector<16xf32>
        %add3A_1134 = arith.addf %add3A_1115, %mul3A_1133 : vector<16xf32>
        %mul3A_1135 = arith.mulf %gather3A_1120, %gather3A_1132 : vector<16xf32>
        %add3A_1136 = arith.addf %add3A_1117, %mul3A_1135 : vector<16xf32>
        %broadcast_in_dim3A_1137 = arith.constant 29 : i32
        %broadcast_in_dim3A_1138 = vector.broadcast %broadcast_in_dim3A_1137 : i32 to vector<16xi32>
        %gather3A_1139 = tpu.vector_load_idx %arg15[%select_n3A, %broadcast_in_dim3A_1138] : memref<512x32xf32, #tpu.memory_space<vmem>>[vector<16xi32>, vector<16xi32>], vector<16xf32>,
        %gather3A_1140 = arith.constant 0 : i32
        %gather3A_1141 = arith.constant 0 : i32
        %gather3A_1142 = arith.constant 0 : i32
        %gather3A_1143 = tpu.memref_slice %arg18[%gather3A_1140, %gather3A_1141, %gather3A_1142] : memref<2x256x32xf32, #tpu.memory_space<vmem>> -> memref<1x256x32xf32, #tpu.memory_space<vmem>>
        %gather3A_1144 = tpu.memref_squeeze %gather3A_1143 : memref<1x256x32xf32, #tpu.memory_space<vmem>> -> memref<256x32xf32, #tpu.memory_space<vmem>>
        %gather3A_1145 = tpu.vector_load_idx %gather3A_1144[%add3A_559, %broadcast_in_dim3A_1138] : memref<256x32xf32, #tpu.memory_space<vmem>>[vector<16xi32>, vector<16xi32>], vector<16xf32>,
        %gather3A_1146 = arith.constant 0 : i32
        %gather3A_1147 = arith.constant 0 : i32
        %gather3A_1148 = arith.constant 0 : i32
        %gather3A_1149 = tpu.memref_slice %arg19[%gather3A_1146, %gather3A_1147, %gather3A_1148] : memref<2x256x32xf32, #tpu.memory_space<vmem>> -> memref<1x256x32xf32, #tpu.memory_space<vmem>>
        %gather3A_1150 = tpu.memref_squeeze %gather3A_1149 : memref<1x256x32xf32, #tpu.memory_space<vmem>> -> memref<256x32xf32, #tpu.memory_space<vmem>>
        %gather3A_1151 = tpu.vector_load_idx %gather3A_1150[%add3A_559, %broadcast_in_dim3A_1138] : memref<256x32xf32, #tpu.memory_space<vmem>>[vector<16xi32>, vector<16xi32>], vector<16xf32>,
        %mul3A_1152 = arith.mulf %gather3A_1139, %gather3A_1145 : vector<16xf32>
        %add3A_1153 = arith.addf %add3A_1134, %mul3A_1152 : vector<16xf32>
        %mul3A_1154 = arith.mulf %gather3A_1139, %gather3A_1151 : vector<16xf32>
        %add3A_1155 = arith.addf %add3A_1136, %mul3A_1154 : vector<16xf32>
        %broadcast_in_dim3A_1156 = arith.constant 30 : i32
        %broadcast_in_dim3A_1157 = vector.broadcast %broadcast_in_dim3A_1156 : i32 to vector<16xi32>
        %gather3A_1158 = tpu.vector_load_idx %arg15[%select_n3A, %broadcast_in_dim3A_1157] : memref<512x32xf32, #tpu.memory_space<vmem>>[vector<16xi32>, vector<16xi32>], vector<16xf32>,
        %gather3A_1159 = arith.constant 0 : i32
        %gather3A_1160 = arith.constant 0 : i32
        %gather3A_1161 = arith.constant 0 : i32
        %gather3A_1162 = tpu.memref_slice %arg18[%gather3A_1159, %gather3A_1160, %gather3A_1161] : memref<2x256x32xf32, #tpu.memory_space<vmem>> -> memref<1x256x32xf32, #tpu.memory_space<vmem>>
        %gather3A_1163 = tpu.memref_squeeze %gather3A_1162 : memref<1x256x32xf32, #tpu.memory_space<vmem>> -> memref<256x32xf32, #tpu.memory_space<vmem>>
        %gather3A_1164 = tpu.vector_load_idx %gather3A_1163[%add3A_559, %broadcast_in_dim3A_1157] : memref<256x32xf32, #tpu.memory_space<vmem>>[vector<16xi32>, vector<16xi32>], vector<16xf32>,
        %gather3A_1165 = arith.constant 0 : i32
        %gather3A_1166 = arith.constant 0 : i32
        %gather3A_1167 = arith.constant 0 : i32
        %gather3A_1168 = tpu.memref_slice %arg19[%gather3A_1165, %gather3A_1166, %gather3A_1167] : memref<2x256x32xf32, #tpu.memory_space<vmem>> -> memref<1x256x32xf32, #tpu.memory_space<vmem>>
        %gather3A_1169 = tpu.memref_squeeze %gather3A_1168 : memref<1x256x32xf32, #tpu.memory_space<vmem>> -> memref<256x32xf32, #tpu.memory_space<vmem>>
        %gather3A_1170 = tpu.vector_load_idx %gather3A_1169[%add3A_559, %broadcast_in_dim3A_1157] : memref<256x32xf32, #tpu.memory_space<vmem>>[vector<16xi32>, vector<16xi32>], vector<16xf32>,
        %mul3A_1171 = arith.mulf %gather3A_1158, %gather3A_1164 : vector<16xf32>
        %add3A_1172 = arith.addf %add3A_1153, %mul3A_1171 : vector<16xf32>
        %mul3A_1173 = arith.mulf %gather3A_1158, %gather3A_1170 : vector<16xf32>
        %add3A_1174 = arith.addf %add3A_1155, %mul3A_1173 : vector<16xf32>
        %broadcast_in_dim3A_1175 = arith.constant 31 : i32
        %broadcast_in_dim3A_1176 = vector.broadcast %broadcast_in_dim3A_1175 : i32 to vector<16xi32>
        %gather3A_1177 = tpu.vector_load_idx %arg15[%select_n3A, %broadcast_in_dim3A_1176] : memref<512x32xf32, #tpu.memory_space<vmem>>[vector<16xi32>, vector<16xi32>], vector<16xf32>,
        %gather3A_1178 = arith.constant 0 : i32
        %gather3A_1179 = arith.constant 0 : i32
        %gather3A_1180 = arith.constant 0 : i32
        %gather3A_1181 = tpu.memref_slice %arg18[%gather3A_1178, %gather3A_1179, %gather3A_1180] : memref<2x256x32xf32, #tpu.memory_space<vmem>> -> memref<1x256x32xf32, #tpu.memory_space<vmem>>
        %gather3A_1182 = tpu.memref_squeeze %gather3A_1181 : memref<1x256x32xf32, #tpu.memory_space<vmem>> -> memref<256x32xf32, #tpu.memory_space<vmem>>
        %gather3A_1183 = tpu.vector_load_idx %gather3A_1182[%add3A_559, %broadcast_in_dim3A_1176] : memref<256x32xf32, #tpu.memory_space<vmem>>[vector<16xi32>, vector<16xi32>], vector<16xf32>,
        %gather3A_1184 = arith.constant 0 : i32
        %gather3A_1185 = arith.constant 0 : i32
        %gather3A_1186 = arith.constant 0 : i32
        %gather3A_1187 = tpu.memref_slice %arg19[%gather3A_1184, %gather3A_1185, %gather3A_1186] : memref<2x256x32xf32, #tpu.memory_space<vmem>> -> memref<1x256x32xf32, #tpu.memory_space<vmem>>
        %gather3A_1188 = tpu.memref_squeeze %gather3A_1187 : memref<1x256x32xf32, #tpu.memory_space<vmem>> -> memref<256x32xf32, #tpu.memory_space<vmem>>
        %gather3A_1189 = tpu.vector_load_idx %gather3A_1188[%add3A_559, %broadcast_in_dim3A_1176] : memref<256x32xf32, #tpu.memory_space<vmem>>[vector<16xi32>, vector<16xi32>], vector<16xf32>,
        %mul3A_1190 = arith.mulf %gather3A_1177, %gather3A_1183 : vector<16xf32>
        %add3A_1191 = arith.addf %add3A_1172, %mul3A_1190 : vector<16xf32>
        %mul3A_1192 = arith.mulf %gather3A_1177, %gather3A_1189 : vector<16xf32>
        %add3A_1193 = arith.addf %add3A_1174, %mul3A_1192 : vector<16xf32>
        %gather3A_1194 = tpu.vector_load_idx %arg20[%select_n3A] : memref<512xf32, #tpu.memory_space<vmem>>[vector<16xi32>], vector<16xf32>,
        %gather3A_1195 = tpu.vector_load_idx %arg21[%select_n3A] : memref<512xf32, #tpu.memory_space<vmem>>[vector<16xi32>], vector<16xf32>,
        %mul3A_1196 = arith.constant 256 : i32
        %mul3A_1197 = arith.muli %add3A_383, %mul3A_1196 : i32
        %mul3A_1198 = arith.constant 16 : i32
        %mul3A_1199 = arith.muli %scan3A_555, %mul3A_1198 : i32
        %add3A_1200 = arith.addi %mul3A_1197, %mul3A_1199 : i32
        %sub3A_1201 = arith.subf %gather3A_1194, %add3A_1191 : vector<16xf32>
        %swap3A = arith.index_cast %add3A_1200 : i32 to index
        %swap3A_1202 = tpu.vector_load %arg22[%swap3A] {strides = array<i32>} : memref<10240xf32, #tpu.memory_space<vmem>>, vector<16xf32>,
        tpu.vector_store %arg22[%swap3A], %sub3A_1201 {strides = array<i32>} : memref<10240xf32, #tpu.memory_space<vmem>>, vector<16xf32>,
        %sub3A_1203 = arith.subf %gather3A_1195, %add3A_1193 : vector<16xf32>
        %swap3A_1204 = arith.index_cast %add3A_1200 : i32 to index
        %swap3A_1205 = tpu.vector_load %arg23[%swap3A_1204] {strides = array<i32>} : memref<10240xf32, #tpu.memory_space<vmem>>, vector<16xf32>,
        tpu.vector_store %arg23[%swap3A_1204], %sub3A_1203 {strides = array<i32>} : memref<10240xf32, #tpu.memory_space<vmem>>, vector<16xf32>,
      }
      %scan3A_461 = arith.constant 16 : i32
      %add3A_462 = arith.constant 2 : i32
      %add3A_463 = arith.addi %add3A_383, %add3A_462 : i32
      %lt3A = arith.constant 40 : i32
      %lt3A_464 = arith.cmpi slt, %add3A_463, %lt3A : i32
      %convert_element_type3A = arith.extui %lt3A_464 : i1 to i32
      %cond3A = arith.constant 0 : i32
      %cond3A_465 = arith.cmpi ne, %convert_element_type3A, %cond3A : i32
      scf.if %cond3A_465 {
        %mul3A_555 = arith.constant 2 : i32
        %mul3A_556 = arith.muli %mul3A_555, %add3A_463 : i32
        %add3A_557 = arith.constant 0 : i32
        %add3A_558 = arith.addi %mul3A_556, %add3A_557 : i32
        %mul3A_559 = arith.constant 2 : i32
        %mul3A_560 = arith.muli %mul3A_559, %add3A_463 : i32
        %add3A_561 = arith.constant 1 : i32
        %add3A_562 = arith.addi %mul3A_560, %add3A_561 : i32
        %mul3A_563 = arith.constant 2 : i32
        %mul3A_564 = arith.muli %mul3A_563, %add3A_463 : i32
        %add3A_565 = arith.constant 0 : i32
        %add3A_566 = arith.addi %mul3A_564, %add3A_565 : i32
        %mul3A_567 = arith.constant 2 : i32
        %mul3A_568 = arith.muli %mul3A_567, %add3A_463 : i32
        %add3A_569 = arith.constant 1 : i32
        %add3A_570 = arith.addi %mul3A_568, %add3A_569 : i32
        %dma_start3A_571 = arith.constant 0 : i32
        %dma_start3A_572 = arith.constant 0 : i32
        %dma_start3A_573 = arith.constant 0 : i32
        %dma_start3A_574 = tpu.memref_slice %arg18[%dma_start3A_571, %dma_start3A_572, %dma_start3A_573] : memref<2x256x32xf32, #tpu.memory_space<vmem>> -> memref<1x256x32xf32, #tpu.memory_space<vmem>>
        %dma_start3A_575 = tpu.memref_squeeze %dma_start3A_574 : memref<1x256x32xf32, #tpu.memory_space<vmem>> -> memref<256x32xf32, #tpu.memory_space<vmem>>
        %dma_start3A_576 = arith.constant 0 : i32
        %dma_start3A_577 = arith.constant 0 : i32
        %dma_start3A_578 = tpu.memref_slice %dma_start3A_575[%dma_start3A_576, %dma_start3A_577] : memref<256x32xf32, #tpu.memory_space<vmem>> -> memref<128x32xf32, #tpu.memory_space<vmem>>
        %dma_start3A_579 = arith.constant 0 : i32
        %dma_start3A_580 = tpu.memref_slice %arg14[%add3A_558, %dma_start3A_579] : memref<80x128xi32, #tpu.memory_space<vmem>> -> memref<1x128xi32, #tpu.memory_space<vmem>>
        %dma_start3A_581 = tpu.memref_squeeze %dma_start3A_580 : memref<1x128xi32, #tpu.memory_space<vmem>> -> memref<128xi32, #tpu.memory_space<vmem>>
        %dma_start3A_582 = arith.constant 0 : i32
        %dma_start3A_583 = arith.constant 0 : i32
        %dma_start3A_584 = tpu.memref_slice %arg6[%dma_start3A_582, %dma_start3A_583] : memref<1000000x32xf32, #tpu.memory_space<hbm>> -> memref<1000000x32xf32, #tpu.memory_space<hbm>>
        tpu.enqueue_indirect_dma source(%dma_start3A_584 : memref<1000000x32xf32, #tpu.memory_space<hbm>>) target(%dma_start3A_578 : memref<128x32xf32, #tpu.memory_space<vmem>>) offsets(%dma_start3A_581 : memref<128xi32, #tpu.memory_space<vmem>>) semaphore(%arg25 : memref<!tpu.dma_semaphore, #tpu.memory_space<semaphore_mem>>)
        %dma_start3A_585 = arith.constant 0 : i32
        %dma_start3A_586 = arith.constant 0 : i32
        %dma_start3A_587 = arith.constant 0 : i32
        %dma_start3A_588 = tpu.memref_slice %arg18[%dma_start3A_585, %dma_start3A_586, %dma_start3A_587] : memref<2x256x32xf32, #tpu.memory_space<vmem>> -> memref<1x256x32xf32, #tpu.memory_space<vmem>>
        %dma_start3A_589 = tpu.memref_squeeze %dma_start3A_588 : memref<1x256x32xf32, #tpu.memory_space<vmem>> -> memref<256x32xf32, #tpu.memory_space<vmem>>
        %dma_start3A_590 = arith.constant 128 : i32
        %dma_start3A_591 = arith.constant 0 : i32
        %dma_start3A_592 = tpu.memref_slice %dma_start3A_589[%dma_start3A_590, %dma_start3A_591] : memref<256x32xf32, #tpu.memory_space<vmem>> -> memref<128x32xf32, #tpu.memory_space<vmem>>
        %dma_start3A_593 = arith.constant 0 : i32
        %dma_start3A_594 = tpu.memref_slice %arg14[%add3A_562, %dma_start3A_593] : memref<80x128xi32, #tpu.memory_space<vmem>> -> memref<1x128xi32, #tpu.memory_space<vmem>>
        %dma_start3A_595 = tpu.memref_squeeze %dma_start3A_594 : memref<1x128xi32, #tpu.memory_space<vmem>> -> memref<128xi32, #tpu.memory_space<vmem>>
        %dma_start3A_596 = arith.constant 0 : i32
        %dma_start3A_597 = arith.constant 0 : i32
        %dma_start3A_598 = tpu.memref_slice %arg6[%dma_start3A_596, %dma_start3A_597] : memref<1000000x32xf32, #tpu.memory_space<hbm>> -> memref<1000000x32xf32, #tpu.memory_space<hbm>>
        tpu.enqueue_indirect_dma source(%dma_start3A_598 : memref<1000000x32xf32, #tpu.memory_space<hbm>>) target(%dma_start3A_592 : memref<128x32xf32, #tpu.memory_space<vmem>>) offsets(%dma_start3A_595 : memref<128xi32, #tpu.memory_space<vmem>>) semaphore(%arg25 : memref<!tpu.dma_semaphore, #tpu.memory_space<semaphore_mem>>)
        %dma_start3A_599 = arith.constant 0 : i32
        %dma_start3A_600 = arith.constant 0 : i32
        %dma_start3A_601 = arith.constant 0 : i32
        %dma_start3A_602 = tpu.memref_slice %arg19[%dma_start3A_599, %dma_start3A_600, %dma_start3A_601] : memref<2x256x32xf32, #tpu.memory_space<vmem>> -> memref<1x256x32xf32, #tpu.memory_space<vmem>>
        %dma_start3A_603 = tpu.memref_squeeze %dma_start3A_602 : memref<1x256x32xf32, #tpu.memory_space<vmem>> -> memref<256x32xf32, #tpu.memory_space<vmem>>
        %dma_start3A_604 = arith.constant 0 : i32
        %dma_start3A_605 = arith.constant 0 : i32
        %dma_start3A_606 = tpu.memref_slice %dma_start3A_603[%dma_start3A_604, %dma_start3A_605] : memref<256x32xf32, #tpu.memory_space<vmem>> -> memref<128x32xf32, #tpu.memory_space<vmem>>
        %dma_start3A_607 = arith.constant 0 : i32
        %dma_start3A_608 = tpu.memref_slice %arg14[%add3A_566, %dma_start3A_607] : memref<80x128xi32, #tpu.memory_space<vmem>> -> memref<1x128xi32, #tpu.memory_space<vmem>>
        %dma_start3A_609 = tpu.memref_squeeze %dma_start3A_608 : memref<1x128xi32, #tpu.memory_space<vmem>> -> memref<128xi32, #tpu.memory_space<vmem>>
        %dma_start3A_610 = arith.constant 0 : i32
        %dma_start3A_611 = arith.constant 0 : i32
        %dma_start3A_612 = tpu.memref_slice %arg7[%dma_start3A_610, %dma_start3A_611] : memref<1000000x32xf32, #tpu.memory_space<hbm>> -> memref<1000000x32xf32, #tpu.memory_space<hbm>>
        tpu.enqueue_indirect_dma source(%dma_start3A_612 : memref<1000000x32xf32, #tpu.memory_space<hbm>>) target(%dma_start3A_606 : memref<128x32xf32, #tpu.memory_space<vmem>>) offsets(%dma_start3A_609 : memref<128xi32, #tpu.memory_space<vmem>>) semaphore(%arg25 : memref<!tpu.dma_semaphore, #tpu.memory_space<semaphore_mem>>)
        %dma_start3A_613 = arith.constant 0 : i32
        %dma_start3A_614 = arith.constant 0 : i32
        %dma_start3A_615 = arith.constant 0 : i32
        %dma_start3A_616 = tpu.memref_slice %arg19[%dma_start3A_613, %dma_start3A_614, %dma_start3A_615] : memref<2x256x32xf32, #tpu.memory_space<vmem>> -> memref<1x256x32xf32, #tpu.memory_space<vmem>>
        %dma_start3A_617 = tpu.memref_squeeze %dma_start3A_616 : memref<1x256x32xf32, #tpu.memory_space<vmem>> -> memref<256x32xf32, #tpu.memory_space<vmem>>
        %dma_start3A_618 = arith.constant 128 : i32
        %dma_start3A_619 = arith.constant 0 : i32
        %dma_start3A_620 = tpu.memref_slice %dma_start3A_617[%dma_start3A_618, %dma_start3A_619] : memref<256x32xf32, #tpu.memory_space<vmem>> -> memref<128x32xf32, #tpu.memory_space<vmem>>
        %dma_start3A_621 = arith.constant 0 : i32
        %dma_start3A_622 = tpu.memref_slice %arg14[%add3A_570, %dma_start3A_621] : memref<80x128xi32, #tpu.memory_space<vmem>> -> memref<1x128xi32, #tpu.memory_space<vmem>>
        %dma_start3A_623 = tpu.memref_squeeze %dma_start3A_622 : memref<1x128xi32, #tpu.memory_space<vmem>> -> memref<128xi32, #tpu.memory_space<vmem>>
        %dma_start3A_624 = arith.constant 0 : i32
        %dma_start3A_625 = arith.constant 0 : i32
        %dma_start3A_626 = tpu.memref_slice %arg7[%dma_start3A_624, %dma_start3A_625] : memref<1000000x32xf32, #tpu.memory_space<hbm>> -> memref<1000000x32xf32, #tpu.memory_space<hbm>>
        tpu.enqueue_indirect_dma source(%dma_start3A_626 : memref<1000000x32xf32, #tpu.memory_space<hbm>>) target(%dma_start3A_620 : memref<128x32xf32, #tpu.memory_space<vmem>>) offsets(%dma_start3A_623 : memref<128xi32, #tpu.memory_space<vmem>>) semaphore(%arg25 : memref<!tpu.dma_semaphore, #tpu.memory_space<semaphore_mem>>)
      } else {
      }
      %mul3A_466 = arith.constant 2 : i32
      %mul3A_467 = arith.muli %mul3A_466, %scan3A_379 : i32
      %add3A_468 = arith.constant 1 : i32
      %add3A_469 = arith.addi %mul3A_467, %add3A_468 : i32
      %mul3A_470 = arith.constant 2 : i32
      %mul3A_471 = arith.muli %mul3A_470, %add3A_469 : i32
      %add3A_472 = arith.constant 0 : i32
      %add3A_473 = arith.addi %mul3A_471, %add3A_472 : i32
      %mul3A_474 = arith.constant 2 : i32
      %mul3A_475 = arith.muli %mul3A_474, %add3A_469 : i32
      %add3A_476 = arith.constant 1 : i32
      %add3A_477 = arith.addi %mul3A_475, %add3A_476 : i32
      %mul3A_478 = arith.constant 2 : i32
      %mul3A_479 = arith.muli %mul3A_478, %add3A_469 : i32
      %add3A_480 = arith.constant 0 : i32
      %add3A_481 = arith.addi %mul3A_479, %add3A_480 : i32
      %mul3A_482 = arith.constant 2 : i32
      %mul3A_483 = arith.muli %mul3A_482, %add3A_469 : i32
      %add3A_484 = arith.constant 1 : i32
      %add3A_485 = arith.addi %mul3A_483, %add3A_484 : i32
      %dma_wait3A_486 = arith.constant 1 : i32
      %dma_wait3A_487 = arith.constant 0 : i32
      %dma_wait3A_488 = arith.constant 0 : i32
      %dma_wait3A_489 = tpu.memref_slice %arg18[%dma_wait3A_486, %dma_wait3A_487, %dma_wait3A_488] : memref<2x256x32xf32, #tpu.memory_space<vmem>> -> memref<1x256x32xf32, #tpu.memory_space<vmem>>
      %dma_wait3A_490 = tpu.memref_squeeze %dma_wait3A_489 : memref<1x256x32xf32, #tpu.memory_space<vmem>> -> memref<256x32xf32, #tpu.memory_space<vmem>>
      %dma_wait3A_491 = arith.constant 0 : i32
      %dma_wait3A_492 = arith.constant 0 : i32
      %dma_wait3A_493 = tpu.memref_slice %dma_wait3A_490[%dma_wait3A_491, %dma_wait3A_492] : memref<256x32xf32, #tpu.memory_space<vmem>> -> memref<128x32xf32, #tpu.memory_space<vmem>>
      %dma_wait3A_494 = arith.constant 0 : i32
      %dma_wait3A_495 = tpu.memref_slice %arg14[%add3A_473, %dma_wait3A_494] : memref<80x128xi32, #tpu.memory_space<vmem>> -> memref<1x128xi32, #tpu.memory_space<vmem>>
      %dma_wait3A_496 = tpu.memref_squeeze %dma_wait3A_495 : memref<1x128xi32, #tpu.memory_space<vmem>> -> memref<128xi32, #tpu.memory_space<vmem>>
      %dma_wait3A_497 = arith.constant 0 : i32
      %dma_wait3A_498 = arith.constant 0 : i32
      %dma_wait3A_499 = tpu.memref_slice %arg6[%dma_wait3A_497, %dma_wait3A_498] : memref<1000000x32xf32, #tpu.memory_space<hbm>> -> memref<1000000x32xf32, #tpu.memory_space<hbm>>
      tpu.wait_indirect_dma semaphore(%arg26 : memref<!tpu.dma_semaphore, #tpu.memory_space<semaphore_mem>>) src(%dma_wait3A_499 : memref<1000000x32xf32, #tpu.memory_space<hbm>>) dst(%dma_wait3A_493 : memref<128x32xf32, #tpu.memory_space<vmem>>)
      %dma_wait3A_500 = arith.constant 1 : i32
      %dma_wait3A_501 = arith.constant 0 : i32
      %dma_wait3A_502 = arith.constant 0 : i32
      %dma_wait3A_503 = tpu.memref_slice %arg18[%dma_wait3A_500, %dma_wait3A_501, %dma_wait3A_502] : memref<2x256x32xf32, #tpu.memory_space<vmem>> -> memref<1x256x32xf32, #tpu.memory_space<vmem>>
      %dma_wait3A_504 = tpu.memref_squeeze %dma_wait3A_503 : memref<1x256x32xf32, #tpu.memory_space<vmem>> -> memref<256x32xf32, #tpu.memory_space<vmem>>
      %dma_wait3A_505 = arith.constant 128 : i32
      %dma_wait3A_506 = arith.constant 0 : i32
      %dma_wait3A_507 = tpu.memref_slice %dma_wait3A_504[%dma_wait3A_505, %dma_wait3A_506] : memref<256x32xf32, #tpu.memory_space<vmem>> -> memref<128x32xf32, #tpu.memory_space<vmem>>
      %dma_wait3A_508 = arith.constant 0 : i32
      %dma_wait3A_509 = tpu.memref_slice %arg14[%add3A_477, %dma_wait3A_508] : memref<80x128xi32, #tpu.memory_space<vmem>> -> memref<1x128xi32, #tpu.memory_space<vmem>>
      %dma_wait3A_510 = tpu.memref_squeeze %dma_wait3A_509 : memref<1x128xi32, #tpu.memory_space<vmem>> -> memref<128xi32, #tpu.memory_space<vmem>>
      %dma_wait3A_511 = arith.constant 0 : i32
      %dma_wait3A_512 = arith.constant 0 : i32
      %dma_wait3A_513 = tpu.memref_slice %arg6[%dma_wait3A_511, %dma_wait3A_512] : memref<1000000x32xf32, #tpu.memory_space<hbm>> -> memref<1000000x32xf32, #tpu.memory_space<hbm>>
      tpu.wait_indirect_dma semaphore(%arg26 : memref<!tpu.dma_semaphore, #tpu.memory_space<semaphore_mem>>) src(%dma_wait3A_513 : memref<1000000x32xf32, #tpu.memory_space<hbm>>) dst(%dma_wait3A_507 : memref<128x32xf32, #tpu.memory_space<vmem>>)
      %dma_wait3A_514 = arith.constant 1 : i32
      %dma_wait3A_515 = arith.constant 0 : i32
      %dma_wait3A_516 = arith.constant 0 : i32
      %dma_wait3A_517 = tpu.memref_slice %arg19[%dma_wait3A_514, %dma_wait3A_515, %dma_wait3A_516] : memref<2x256x32xf32, #tpu.memory_space<vmem>> -> memref<1x256x32xf32, #tpu.memory_space<vmem>>
      %dma_wait3A_518 = tpu.memref_squeeze %dma_wait3A_517 : memref<1x256x32xf32, #tpu.memory_space<vmem>> -> memref<256x32xf32, #tpu.memory_space<vmem>>
      %dma_wait3A_519 = arith.constant 0 : i32
      %dma_wait3A_520 = arith.constant 0 : i32
      %dma_wait3A_521 = tpu.memref_slice %dma_wait3A_518[%dma_wait3A_519, %dma_wait3A_520] : memref<256x32xf32, #tpu.memory_space<vmem>> -> memref<128x32xf32, #tpu.memory_space<vmem>>
      %dma_wait3A_522 = arith.constant 0 : i32
      %dma_wait3A_523 = tpu.memref_slice %arg14[%add3A_481, %dma_wait3A_522] : memref<80x128xi32, #tpu.memory_space<vmem>> -> memref<1x128xi32, #tpu.memory_space<vmem>>
      %dma_wait3A_524 = tpu.memref_squeeze %dma_wait3A_523 : memref<1x128xi32, #tpu.memory_space<vmem>> -> memref<128xi32, #tpu.memory_space<vmem>>
      %dma_wait3A_525 = arith.constant 0 : i32
      %dma_wait3A_526 = arith.constant 0 : i32
      %dma_wait3A_527 = tpu.memref_slice %arg7[%dma_wait3A_525, %dma_wait3A_526] : memref<1000000x32xf32, #tpu.memory_space<hbm>> -> memref<1000000x32xf32, #tpu.memory_space<hbm>>
      tpu.wait_indirect_dma semaphore(%arg26 : memref<!tpu.dma_semaphore, #tpu.memory_space<semaphore_mem>>) src(%dma_wait3A_527 : memref<1000000x32xf32, #tpu.memory_space<hbm>>) dst(%dma_wait3A_521 : memref<128x32xf32, #tpu.memory_space<vmem>>)
      %dma_wait3A_528 = arith.constant 1 : i32
      %dma_wait3A_529 = arith.constant 0 : i32
      %dma_wait3A_530 = arith.constant 0 : i32
      %dma_wait3A_531 = tpu.memref_slice %arg19[%dma_wait3A_528, %dma_wait3A_529, %dma_wait3A_530] : memref<2x256x32xf32, #tpu.memory_space<vmem>> -> memref<1x256x32xf32, #tpu.memory_space<vmem>>
      %dma_wait3A_532 = tpu.memref_squeeze %dma_wait3A_531 : memref<1x256x32xf32, #tpu.memory_space<vmem>> -> memref<256x32xf32, #tpu.memory_space<vmem>>
      %dma_wait3A_533 = arith.constant 128 : i32
      %dma_wait3A_534 = arith.constant 0 : i32
      %dma_wait3A_535 = tpu.memref_slice %dma_wait3A_532[%dma_wait3A_533, %dma_wait3A_534] : memref<256x32xf32, #tpu.memory_space<vmem>> -> memref<128x32xf32, #tpu.memory_space<vmem>>
      %dma_wait3A_536 = arith.constant 0 : i32
      %dma_wait3A_537 = tpu.memref_slice %arg14[%add3A_485, %dma_wait3A_536] : memref<80x128xi32, #tpu.memory_space<vmem>> -> memref<1x128xi32, #tpu.memory_space<vmem>>
      %dma_wait3A_538 = tpu.memref_squeeze %dma_wait3A_537 : memref<1x128xi32, #tpu.memory_space<vmem>> -> memref<128xi32, #tpu.memory_space<vmem>>
      %dma_wait3A_539 = arith.constant 0 : i32
      %dma_wait3A_540 = arith.constant 0 : i32
      %dma_wait3A_541 = tpu.memref_slice %arg7[%dma_wait3A_539, %dma_wait3A_540] : memref<1000000x32xf32, #tpu.memory_space<hbm>> -> memref<1000000x32xf32, #tpu.memory_space<hbm>>
      tpu.wait_indirect_dma semaphore(%arg26 : memref<!tpu.dma_semaphore, #tpu.memory_space<semaphore_mem>>) src(%dma_wait3A_541 : memref<1000000x32xf32, #tpu.memory_space<hbm>>) dst(%dma_wait3A_535 : memref<128x32xf32, #tpu.memory_space<vmem>>)
      %scan3A_542 = arith.constant 0 : i32
      %scan3A_543 = arith.constant 0 : i32
      %scan3A_544 = arith.constant 16 : i32
      %scan3A_545 = arith.addi %scan3A_543, %scan3A_544 : i32
      %scan3A_546 = arith.constant 1 : i32
      scf.for %scan3A_555 = %scan3A_543 to %scan3A_545 step %scan3A_546  : i32 {
        %mul3A_556 = arith.constant 16 : i32
        %mul3A_557 = arith.muli %scan3A_555, %mul3A_556 : i32
        %add3A_558 = vector.broadcast %mul3A_557 : i32 to vector<16xi32>
        %add3A_559 = arith.addi %add3A_558, %iota3A : vector<16xi32>
        %mul3A_560 = arith.constant 256 : i32
        %mul3A_561 = arith.muli %add3A_469, %mul3A_560 : i32
        %add3A_562 = vector.broadcast %mul3A_561 : i32 to vector<16xi32>
        %add3A_563 = arith.addi %add3A_562, %add3A_559 : vector<16xi32>
        %jit3A = arith.constant 20 : i32
        %div3A = vector.broadcast %jit3A : i32 to vector<16xi32>
        %div3A_564 = arith.divsi %add3A_563, %div3A : vector<16xi32>
        %sign3A = arith.constant 0 : i32
        %sign3A_565 = vector.broadcast %sign3A : i32 to vector<16xi32>
        %sign3A_566 = arith.cmpi sgt, %add3A_563, %sign3A_565 : vector<16xi32>
        %sign3A_567 = arith.extui %sign3A_566 : vector<16xi1> to vector<16xi32>
        %sign3A_568 = arith.constant 0 : i32
        %sign3A_569 = vector.broadcast %sign3A_568 : i32 to vector<16xi32>
        %sign3A_570 = arith.cmpi slt, %add3A_563, %sign3A_569 : vector<16xi32>
        %sign3A_571 = arith.extui %sign3A_570 : vector<16xi1> to vector<16xi32>
        %sign3A_572 = arith.subi %sign3A_567, %sign3A_571 : vector<16xi32>
        %sign3A_573 = arith.constant 0 : i32
        %sign3A_574 = arith.cmpi sgt, %jit3A, %sign3A_573 : i32
        %sign3A_575 = arith.extui %sign3A_574 : i1 to i32
        %sign3A_576 = arith.constant 0 : i32
        %sign3A_577 = arith.cmpi slt, %jit3A, %sign3A_576 : i32
        %sign3A_578 = arith.extui %sign3A_577 : i1 to i32
        %sign3A_579 = arith.subi %sign3A_575, %sign3A_578 : i32
        %ne3A = vector.broadcast %sign3A_579 : i32 to vector<16xi32>
        %ne3A_580 = arith.cmpi ne, %sign3A_572, %ne3A : vector<16xi32>
        %rem3A = vector.broadcast %jit3A : i32 to vector<16xi32>
        %rem3A_581 = arith.remsi %add3A_563, %rem3A : vector<16xi32>
        %ne3A_582 = arith.constant 0 : i32
        %ne3A_583 = vector.broadcast %ne3A_582 : i32 to vector<16xi32>
        %ne3A_584 = arith.cmpi ne, %rem3A_581, %ne3A_583 : vector<16xi32>
        %and3A = arith.andi %ne3A_580, %ne3A_584 : vector<16xi1>
        %sub3A = arith.constant 1 : i32
        %sub3A_585 = vector.broadcast %sub3A : i32 to vector<16xi32>
        %sub3A_586 = arith.subi %div3A_564, %sub3A_585 : vector<16xi32>
        %select_n3A = arith.select %and3A, %sub3A_586, %div3A_564 : vector<16xi1>, vector<16xi32>
        %broadcast_in_dim3A_587 = arith.constant 0 : i32
        %broadcast_in_dim3A_588 = vector.broadcast %broadcast_in_dim3A_587 : i32 to vector<16xi32>
        %gather3A = tpu.vector_load_idx %arg15[%select_n3A, %broadcast_in_dim3A_588] : memref<512x32xf32, #tpu.memory_space<vmem>>[vector<16xi32>, vector<16xi32>], vector<16xf32>,
        %gather3A_589 = arith.constant 1 : i32
        %gather3A_590 = arith.constant 0 : i32
        %gather3A_591 = arith.constant 0 : i32
        %gather3A_592 = tpu.memref_slice %arg18[%gather3A_589, %gather3A_590, %gather3A_591] : memref<2x256x32xf32, #tpu.memory_space<vmem>> -> memref<1x256x32xf32, #tpu.memory_space<vmem>>
        %gather3A_593 = tpu.memref_squeeze %gather3A_592 : memref<1x256x32xf32, #tpu.memory_space<vmem>> -> memref<256x32xf32, #tpu.memory_space<vmem>>
        %gather3A_594 = tpu.vector_load_idx %gather3A_593[%add3A_559, %broadcast_in_dim3A_588] : memref<256x32xf32, #tpu.memory_space<vmem>>[vector<16xi32>, vector<16xi32>], vector<16xf32>,
        %gather3A_595 = arith.constant 1 : i32
        %gather3A_596 = arith.constant 0 : i32
        %gather3A_597 = arith.constant 0 : i32
        %gather3A_598 = tpu.memref_slice %arg19[%gather3A_595, %gather3A_596, %gather3A_597] : memref<2x256x32xf32, #tpu.memory_space<vmem>> -> memref<1x256x32xf32, #tpu.memory_space<vmem>>
        %gather3A_599 = tpu.memref_squeeze %gather3A_598 : memref<1x256x32xf32, #tpu.memory_space<vmem>> -> memref<256x32xf32, #tpu.memory_space<vmem>>
        %gather3A_600 = tpu.vector_load_idx %gather3A_599[%add3A_559, %broadcast_in_dim3A_588] : memref<256x32xf32, #tpu.memory_space<vmem>>[vector<16xi32>, vector<16xi32>], vector<16xf32>,
        %mul3A_601 = arith.mulf %gather3A, %gather3A_594 : vector<16xf32>
        %add3A_602 = arith.addf %broadcast_in_dim3A_359, %mul3A_601 : vector<16xf32>
        %mul3A_603 = arith.mulf %gather3A, %gather3A_600 : vector<16xf32>
        %add3A_604 = arith.addf %broadcast_in_dim3A_359, %mul3A_603 : vector<16xf32>
        %broadcast_in_dim3A_605 = arith.constant 1 : i32
        %broadcast_in_dim3A_606 = vector.broadcast %broadcast_in_dim3A_605 : i32 to vector<16xi32>
        %gather3A_607 = tpu.vector_load_idx %arg15[%select_n3A, %broadcast_in_dim3A_606] : memref<512x32xf32, #tpu.memory_space<vmem>>[vector<16xi32>, vector<16xi32>], vector<16xf32>,
        %gather3A_608 = arith.constant 1 : i32
        %gather3A_609 = arith.constant 0 : i32
        %gather3A_610 = arith.constant 0 : i32
        %gather3A_611 = tpu.memref_slice %arg18[%gather3A_608, %gather3A_609, %gather3A_610] : memref<2x256x32xf32, #tpu.memory_space<vmem>> -> memref<1x256x32xf32, #tpu.memory_space<vmem>>
        %gather3A_612 = tpu.memref_squeeze %gather3A_611 : memref<1x256x32xf32, #tpu.memory_space<vmem>> -> memref<256x32xf32, #tpu.memory_space<vmem>>
        %gather3A_613 = tpu.vector_load_idx %gather3A_612[%add3A_559, %broadcast_in_dim3A_606] : memref<256x32xf32, #tpu.memory_space<vmem>>[vector<16xi32>, vector<16xi32>], vector<16xf32>,
        %gather3A_614 = arith.constant 1 : i32
        %gather3A_615 = arith.constant 0 : i32
        %gather3A_616 = arith.constant 0 : i32
        %gather3A_617 = tpu.memref_slice %arg19[%gather3A_614, %gather3A_615, %gather3A_616] : memref<2x256x32xf32, #tpu.memory_space<vmem>> -> memref<1x256x32xf32, #tpu.memory_space<vmem>>
        %gather3A_618 = tpu.memref_squeeze %gather3A_617 : memref<1x256x32xf32, #tpu.memory_space<vmem>> -> memref<256x32xf32, #tpu.memory_space<vmem>>
        %gather3A_619 = tpu.vector_load_idx %gather3A_618[%add3A_559, %broadcast_in_dim3A_606] : memref<256x32xf32, #tpu.memory_space<vmem>>[vector<16xi32>, vector<16xi32>], vector<16xf32>,
        %mul3A_620 = arith.mulf %gather3A_607, %gather3A_613 : vector<16xf32>
        %add3A_621 = arith.addf %add3A_602, %mul3A_620 : vector<16xf32>
        %mul3A_622 = arith.mulf %gather3A_607, %gather3A_619 : vector<16xf32>
        %add3A_623 = arith.addf %add3A_604, %mul3A_622 : vector<16xf32>
        %broadcast_in_dim3A_624 = arith.constant 2 : i32
        %broadcast_in_dim3A_625 = vector.broadcast %broadcast_in_dim3A_624 : i32 to vector<16xi32>
        %gather3A_626 = tpu.vector_load_idx %arg15[%select_n3A, %broadcast_in_dim3A_625] : memref<512x32xf32, #tpu.memory_space<vmem>>[vector<16xi32>, vector<16xi32>], vector<16xf32>,
        %gather3A_627 = arith.constant 1 : i32
        %gather3A_628 = arith.constant 0 : i32
        %gather3A_629 = arith.constant 0 : i32
        %gather3A_630 = tpu.memref_slice %arg18[%gather3A_627, %gather3A_628, %gather3A_629] : memref<2x256x32xf32, #tpu.memory_space<vmem>> -> memref<1x256x32xf32, #tpu.memory_space<vmem>>
        %gather3A_631 = tpu.memref_squeeze %gather3A_630 : memref<1x256x32xf32, #tpu.memory_space<vmem>> -> memref<256x32xf32, #tpu.memory_space<vmem>>
        %gather3A_632 = tpu.vector_load_idx %gather3A_631[%add3A_559, %broadcast_in_dim3A_625] : memref<256x32xf32, #tpu.memory_space<vmem>>[vector<16xi32>, vector<16xi32>], vector<16xf32>,
        %gather3A_633 = arith.constant 1 : i32
        %gather3A_634 = arith.constant 0 : i32
        %gather3A_635 = arith.constant 0 : i32
        %gather3A_636 = tpu.memref_slice %arg19[%gather3A_633, %gather3A_634, %gather3A_635] : memref<2x256x32xf32, #tpu.memory_space<vmem>> -> memref<1x256x32xf32, #tpu.memory_space<vmem>>
        %gather3A_637 = tpu.memref_squeeze %gather3A_636 : memref<1x256x32xf32, #tpu.memory_space<vmem>> -> memref<256x32xf32, #tpu.memory_space<vmem>>
        %gather3A_638 = tpu.vector_load_idx %gather3A_637[%add3A_559, %broadcast_in_dim3A_625] : memref<256x32xf32, #tpu.memory_space<vmem>>[vector<16xi32>, vector<16xi32>], vector<16xf32>,
        %mul3A_639 = arith.mulf %gather3A_626, %gather3A_632 : vector<16xf32>
        %add3A_640 = arith.addf %add3A_621, %mul3A_639 : vector<16xf32>
        %mul3A_641 = arith.mulf %gather3A_626, %gather3A_638 : vector<16xf32>
        %add3A_642 = arith.addf %add3A_623, %mul3A_641 : vector<16xf32>
        %broadcast_in_dim3A_643 = arith.constant 3 : i32
        %broadcast_in_dim3A_644 = vector.broadcast %broadcast_in_dim3A_643 : i32 to vector<16xi32>
        %gather3A_645 = tpu.vector_load_idx %arg15[%select_n3A, %broadcast_in_dim3A_644] : memref<512x32xf32, #tpu.memory_space<vmem>>[vector<16xi32>, vector<16xi32>], vector<16xf32>,
        %gather3A_646 = arith.constant 1 : i32
        %gather3A_647 = arith.constant 0 : i32
        %gather3A_648 = arith.constant 0 : i32
        %gather3A_649 = tpu.memref_slice %arg18[%gather3A_646, %gather3A_647, %gather3A_648] : memref<2x256x32xf32, #tpu.memory_space<vmem>> -> memref<1x256x32xf32, #tpu.memory_space<vmem>>
        %gather3A_650 = tpu.memref_squeeze %gather3A_649 : memref<1x256x32xf32, #tpu.memory_space<vmem>> -> memref<256x32xf32, #tpu.memory_space<vmem>>
        %gather3A_651 = tpu.vector_load_idx %gather3A_650[%add3A_559, %broadcast_in_dim3A_644] : memref<256x32xf32, #tpu.memory_space<vmem>>[vector<16xi32>, vector<16xi32>], vector<16xf32>,
        %gather3A_652 = arith.constant 1 : i32
        %gather3A_653 = arith.constant 0 : i32
        %gather3A_654 = arith.constant 0 : i32
        %gather3A_655 = tpu.memref_slice %arg19[%gather3A_652, %gather3A_653, %gather3A_654] : memref<2x256x32xf32, #tpu.memory_space<vmem>> -> memref<1x256x32xf32, #tpu.memory_space<vmem>>
        %gather3A_656 = tpu.memref_squeeze %gather3A_655 : memref<1x256x32xf32, #tpu.memory_space<vmem>> -> memref<256x32xf32, #tpu.memory_space<vmem>>
        %gather3A_657 = tpu.vector_load_idx %gather3A_656[%add3A_559, %broadcast_in_dim3A_644] : memref<256x32xf32, #tpu.memory_space<vmem>>[vector<16xi32>, vector<16xi32>], vector<16xf32>,
        %mul3A_658 = arith.mulf %gather3A_645, %gather3A_651 : vector<16xf32>
        %add3A_659 = arith.addf %add3A_640, %mul3A_658 : vector<16xf32>
        %mul3A_660 = arith.mulf %gather3A_645, %gather3A_657 : vector<16xf32>
        %add3A_661 = arith.addf %add3A_642, %mul3A_660 : vector<16xf32>
        %broadcast_in_dim3A_662 = arith.constant 4 : i32
        %broadcast_in_dim3A_663 = vector.broadcast %broadcast_in_dim3A_662 : i32 to vector<16xi32>
        %gather3A_664 = tpu.vector_load_idx %arg15[%select_n3A, %broadcast_in_dim3A_663] : memref<512x32xf32, #tpu.memory_space<vmem>>[vector<16xi32>, vector<16xi32>], vector<16xf32>,
        %gather3A_665 = arith.constant 1 : i32
        %gather3A_666 = arith.constant 0 : i32
        %gather3A_667 = arith.constant 0 : i32
        %gather3A_668 = tpu.memref_slice %arg18[%gather3A_665, %gather3A_666, %gather3A_667] : memref<2x256x32xf32, #tpu.memory_space<vmem>> -> memref<1x256x32xf32, #tpu.memory_space<vmem>>
        %gather3A_669 = tpu.memref_squeeze %gather3A_668 : memref<1x256x32xf32, #tpu.memory_space<vmem>> -> memref<256x32xf32, #tpu.memory_space<vmem>>
        %gather3A_670 = tpu.vector_load_idx %gather3A_669[%add3A_559, %broadcast_in_dim3A_663] : memref<256x32xf32, #tpu.memory_space<vmem>>[vector<16xi32>, vector<16xi32>], vector<16xf32>,
        %gather3A_671 = arith.constant 1 : i32
        %gather3A_672 = arith.constant 0 : i32
        %gather3A_673 = arith.constant 0 : i32
        %gather3A_674 = tpu.memref_slice %arg19[%gather3A_671, %gather3A_672, %gather3A_673] : memref<2x256x32xf32, #tpu.memory_space<vmem>> -> memref<1x256x32xf32, #tpu.memory_space<vmem>>
        %gather3A_675 = tpu.memref_squeeze %gather3A_674 : memref<1x256x32xf32, #tpu.memory_space<vmem>> -> memref<256x32xf32, #tpu.memory_space<vmem>>
        %gather3A_676 = tpu.vector_load_idx %gather3A_675[%add3A_559, %broadcast_in_dim3A_663] : memref<256x32xf32, #tpu.memory_space<vmem>>[vector<16xi32>, vector<16xi32>], vector<16xf32>,
        %mul3A_677 = arith.mulf %gather3A_664, %gather3A_670 : vector<16xf32>
        %add3A_678 = arith.addf %add3A_659, %mul3A_677 : vector<16xf32>
        %mul3A_679 = arith.mulf %gather3A_664, %gather3A_676 : vector<16xf32>
        %add3A_680 = arith.addf %add3A_661, %mul3A_679 : vector<16xf32>
        %broadcast_in_dim3A_681 = arith.constant 5 : i32
        %broadcast_in_dim3A_682 = vector.broadcast %broadcast_in_dim3A_681 : i32 to vector<16xi32>
        %gather3A_683 = tpu.vector_load_idx %arg15[%select_n3A, %broadcast_in_dim3A_682] : memref<512x32xf32, #tpu.memory_space<vmem>>[vector<16xi32>, vector<16xi32>], vector<16xf32>,
        %gather3A_684 = arith.constant 1 : i32
        %gather3A_685 = arith.constant 0 : i32
        %gather3A_686 = arith.constant 0 : i32
        %gather3A_687 = tpu.memref_slice %arg18[%gather3A_684, %gather3A_685, %gather3A_686] : memref<2x256x32xf32, #tpu.memory_space<vmem>> -> memref<1x256x32xf32, #tpu.memory_space<vmem>>
        %gather3A_688 = tpu.memref_squeeze %gather3A_687 : memref<1x256x32xf32, #tpu.memory_space<vmem>> -> memref<256x32xf32, #tpu.memory_space<vmem>>
        %gather3A_689 = tpu.vector_load_idx %gather3A_688[%add3A_559, %broadcast_in_dim3A_682] : memref<256x32xf32, #tpu.memory_space<vmem>>[vector<16xi32>, vector<16xi32>], vector<16xf32>,
        %gather3A_690 = arith.constant 1 : i32
        %gather3A_691 = arith.constant 0 : i32
        %gather3A_692 = arith.constant 0 : i32
        %gather3A_693 = tpu.memref_slice %arg19[%gather3A_690, %gather3A_691, %gather3A_692] : memref<2x256x32xf32, #tpu.memory_space<vmem>> -> memref<1x256x32xf32, #tpu.memory_space<vmem>>
        %gather3A_694 = tpu.memref_squeeze %gather3A_693 : memref<1x256x32xf32, #tpu.memory_space<vmem>> -> memref<256x32xf32, #tpu.memory_space<vmem>>
        %gather3A_695 = tpu.vector_load_idx %gather3A_694[%add3A_559, %broadcast_in_dim3A_682] : memref<256x32xf32, #tpu.memory_space<vmem>>[vector<16xi32>, vector<16xi32>], vector<16xf32>,
        %mul3A_696 = arith.mulf %gather3A_683, %gather3A_689 : vector<16xf32>
        %add3A_697 = arith.addf %add3A_678, %mul3A_696 : vector<16xf32>
        %mul3A_698 = arith.mulf %gather3A_683, %gather3A_695 : vector<16xf32>
        %add3A_699 = arith.addf %add3A_680, %mul3A_698 : vector<16xf32>
        %broadcast_in_dim3A_700 = arith.constant 6 : i32
        %broadcast_in_dim3A_701 = vector.broadcast %broadcast_in_dim3A_700 : i32 to vector<16xi32>
        %gather3A_702 = tpu.vector_load_idx %arg15[%select_n3A, %broadcast_in_dim3A_701] : memref<512x32xf32, #tpu.memory_space<vmem>>[vector<16xi32>, vector<16xi32>], vector<16xf32>,
        %gather3A_703 = arith.constant 1 : i32
        %gather3A_704 = arith.constant 0 : i32
        %gather3A_705 = arith.constant 0 : i32
        %gather3A_706 = tpu.memref_slice %arg18[%gather3A_703, %gather3A_704, %gather3A_705] : memref<2x256x32xf32, #tpu.memory_space<vmem>> -> memref<1x256x32xf32, #tpu.memory_space<vmem>>
        %gather3A_707 = tpu.memref_squeeze %gather3A_706 : memref<1x256x32xf32, #tpu.memory_space<vmem>> -> memref<256x32xf32, #tpu.memory_space<vmem>>
        %gather3A_708 = tpu.vector_load_idx %gather3A_707[%add3A_559, %broadcast_in_dim3A_701] : memref<256x32xf32, #tpu.memory_space<vmem>>[vector<16xi32>, vector<16xi32>], vector<16xf32>,
        %gather3A_709 = arith.constant 1 : i32
        %gather3A_710 = arith.constant 0 : i32
        %gather3A_711 = arith.constant 0 : i32
        %gather3A_712 = tpu.memref_slice %arg19[%gather3A_709, %gather3A_710, %gather3A_711] : memref<2x256x32xf32, #tpu.memory_space<vmem>> -> memref<1x256x32xf32, #tpu.memory_space<vmem>>
        %gather3A_713 = tpu.memref_squeeze %gather3A_712 : memref<1x256x32xf32, #tpu.memory_space<vmem>> -> memref<256x32xf32, #tpu.memory_space<vmem>>
        %gather3A_714 = tpu.vector_load_idx %gather3A_713[%add3A_559, %broadcast_in_dim3A_701] : memref<256x32xf32, #tpu.memory_space<vmem>>[vector<16xi32>, vector<16xi32>], vector<16xf32>,
        %mul3A_715 = arith.mulf %gather3A_702, %gather3A_708 : vector<16xf32>
        %add3A_716 = arith.addf %add3A_697, %mul3A_715 : vector<16xf32>
        %mul3A_717 = arith.mulf %gather3A_702, %gather3A_714 : vector<16xf32>
        %add3A_718 = arith.addf %add3A_699, %mul3A_717 : vector<16xf32>
        %broadcast_in_dim3A_719 = arith.constant 7 : i32
        %broadcast_in_dim3A_720 = vector.broadcast %broadcast_in_dim3A_719 : i32 to vector<16xi32>
        %gather3A_721 = tpu.vector_load_idx %arg15[%select_n3A, %broadcast_in_dim3A_720] : memref<512x32xf32, #tpu.memory_space<vmem>>[vector<16xi32>, vector<16xi32>], vector<16xf32>,
        %gather3A_722 = arith.constant 1 : i32
        %gather3A_723 = arith.constant 0 : i32
        %gather3A_724 = arith.constant 0 : i32
        %gather3A_725 = tpu.memref_slice %arg18[%gather3A_722, %gather3A_723, %gather3A_724] : memref<2x256x32xf32, #tpu.memory_space<vmem>> -> memref<1x256x32xf32, #tpu.memory_space<vmem>>
        %gather3A_726 = tpu.memref_squeeze %gather3A_725 : memref<1x256x32xf32, #tpu.memory_space<vmem>> -> memref<256x32xf32, #tpu.memory_space<vmem>>
        %gather3A_727 = tpu.vector_load_idx %gather3A_726[%add3A_559, %broadcast_in_dim3A_720] : memref<256x32xf32, #tpu.memory_space<vmem>>[vector<16xi32>, vector<16xi32>], vector<16xf32>,
        %gather3A_728 = arith.constant 1 : i32
        %gather3A_729 = arith.constant 0 : i32
        %gather3A_730 = arith.constant 0 : i32
        %gather3A_731 = tpu.memref_slice %arg19[%gather3A_728, %gather3A_729, %gather3A_730] : memref<2x256x32xf32, #tpu.memory_space<vmem>> -> memref<1x256x32xf32, #tpu.memory_space<vmem>>
        %gather3A_732 = tpu.memref_squeeze %gather3A_731 : memref<1x256x32xf32, #tpu.memory_space<vmem>> -> memref<256x32xf32, #tpu.memory_space<vmem>>
        %gather3A_733 = tpu.vector_load_idx %gather3A_732[%add3A_559, %broadcast_in_dim3A_720] : memref<256x32xf32, #tpu.memory_space<vmem>>[vector<16xi32>, vector<16xi32>], vector<16xf32>,
        %mul3A_734 = arith.mulf %gather3A_721, %gather3A_727 : vector<16xf32>
        %add3A_735 = arith.addf %add3A_716, %mul3A_734 : vector<16xf32>
        %mul3A_736 = arith.mulf %gather3A_721, %gather3A_733 : vector<16xf32>
        %add3A_737 = arith.addf %add3A_718, %mul3A_736 : vector<16xf32>
        %broadcast_in_dim3A_738 = arith.constant 8 : i32
        %broadcast_in_dim3A_739 = vector.broadcast %broadcast_in_dim3A_738 : i32 to vector<16xi32>
        %gather3A_740 = tpu.vector_load_idx %arg15[%select_n3A, %broadcast_in_dim3A_739] : memref<512x32xf32, #tpu.memory_space<vmem>>[vector<16xi32>, vector<16xi32>], vector<16xf32>,
        %gather3A_741 = arith.constant 1 : i32
        %gather3A_742 = arith.constant 0 : i32
        %gather3A_743 = arith.constant 0 : i32
        %gather3A_744 = tpu.memref_slice %arg18[%gather3A_741, %gather3A_742, %gather3A_743] : memref<2x256x32xf32, #tpu.memory_space<vmem>> -> memref<1x256x32xf32, #tpu.memory_space<vmem>>
        %gather3A_745 = tpu.memref_squeeze %gather3A_744 : memref<1x256x32xf32, #tpu.memory_space<vmem>> -> memref<256x32xf32, #tpu.memory_space<vmem>>
        %gather3A_746 = tpu.vector_load_idx %gather3A_745[%add3A_559, %broadcast_in_dim3A_739] : memref<256x32xf32, #tpu.memory_space<vmem>>[vector<16xi32>, vector<16xi32>], vector<16xf32>,
        %gather3A_747 = arith.constant 1 : i32
        %gather3A_748 = arith.constant 0 : i32
        %gather3A_749 = arith.constant 0 : i32
        %gather3A_750 = tpu.memref_slice %arg19[%gather3A_747, %gather3A_748, %gather3A_749] : memref<2x256x32xf32, #tpu.memory_space<vmem>> -> memref<1x256x32xf32, #tpu.memory_space<vmem>>
        %gather3A_751 = tpu.memref_squeeze %gather3A_750 : memref<1x256x32xf32, #tpu.memory_space<vmem>> -> memref<256x32xf32, #tpu.memory_space<vmem>>
        %gather3A_752 = tpu.vector_load_idx %gather3A_751[%add3A_559, %broadcast_in_dim3A_739] : memref<256x32xf32, #tpu.memory_space<vmem>>[vector<16xi32>, vector<16xi32>], vector<16xf32>,
        %mul3A_753 = arith.mulf %gather3A_740, %gather3A_746 : vector<16xf32>
        %add3A_754 = arith.addf %add3A_735, %mul3A_753 : vector<16xf32>
        %mul3A_755 = arith.mulf %gather3A_740, %gather3A_752 : vector<16xf32>
        %add3A_756 = arith.addf %add3A_737, %mul3A_755 : vector<16xf32>
        %broadcast_in_dim3A_757 = arith.constant 9 : i32
        %broadcast_in_dim3A_758 = vector.broadcast %broadcast_in_dim3A_757 : i32 to vector<16xi32>
        %gather3A_759 = tpu.vector_load_idx %arg15[%select_n3A, %broadcast_in_dim3A_758] : memref<512x32xf32, #tpu.memory_space<vmem>>[vector<16xi32>, vector<16xi32>], vector<16xf32>,
        %gather3A_760 = arith.constant 1 : i32
        %gather3A_761 = arith.constant 0 : i32
        %gather3A_762 = arith.constant 0 : i32
        %gather3A_763 = tpu.memref_slice %arg18[%gather3A_760, %gather3A_761, %gather3A_762] : memref<2x256x32xf32, #tpu.memory_space<vmem>> -> memref<1x256x32xf32, #tpu.memory_space<vmem>>
        %gather3A_764 = tpu.memref_squeeze %gather3A_763 : memref<1x256x32xf32, #tpu.memory_space<vmem>> -> memref<256x32xf32, #tpu.memory_space<vmem>>
        %gather3A_765 = tpu.vector_load_idx %gather3A_764[%add3A_559, %broadcast_in_dim3A_758] : memref<256x32xf32, #tpu.memory_space<vmem>>[vector<16xi32>, vector<16xi32>], vector<16xf32>,
        %gather3A_766 = arith.constant 1 : i32
        %gather3A_767 = arith.constant 0 : i32
        %gather3A_768 = arith.constant 0 : i32
        %gather3A_769 = tpu.memref_slice %arg19[%gather3A_766, %gather3A_767, %gather3A_768] : memref<2x256x32xf32, #tpu.memory_space<vmem>> -> memref<1x256x32xf32, #tpu.memory_space<vmem>>
        %gather3A_770 = tpu.memref_squeeze %gather3A_769 : memref<1x256x32xf32, #tpu.memory_space<vmem>> -> memref<256x32xf32, #tpu.memory_space<vmem>>
        %gather3A_771 = tpu.vector_load_idx %gather3A_770[%add3A_559, %broadcast_in_dim3A_758] : memref<256x32xf32, #tpu.memory_space<vmem>>[vector<16xi32>, vector<16xi32>], vector<16xf32>,
        %mul3A_772 = arith.mulf %gather3A_759, %gather3A_765 : vector<16xf32>
        %add3A_773 = arith.addf %add3A_754, %mul3A_772 : vector<16xf32>
        %mul3A_774 = arith.mulf %gather3A_759, %gather3A_771 : vector<16xf32>
        %add3A_775 = arith.addf %add3A_756, %mul3A_774 : vector<16xf32>
        %broadcast_in_dim3A_776 = arith.constant 10 : i32
        %broadcast_in_dim3A_777 = vector.broadcast %broadcast_in_dim3A_776 : i32 to vector<16xi32>
        %gather3A_778 = tpu.vector_load_idx %arg15[%select_n3A, %broadcast_in_dim3A_777] : memref<512x32xf32, #tpu.memory_space<vmem>>[vector<16xi32>, vector<16xi32>], vector<16xf32>,
        %gather3A_779 = arith.constant 1 : i32
        %gather3A_780 = arith.constant 0 : i32
        %gather3A_781 = arith.constant 0 : i32
        %gather3A_782 = tpu.memref_slice %arg18[%gather3A_779, %gather3A_780, %gather3A_781] : memref<2x256x32xf32, #tpu.memory_space<vmem>> -> memref<1x256x32xf32, #tpu.memory_space<vmem>>
        %gather3A_783 = tpu.memref_squeeze %gather3A_782 : memref<1x256x32xf32, #tpu.memory_space<vmem>> -> memref<256x32xf32, #tpu.memory_space<vmem>>
        %gather3A_784 = tpu.vector_load_idx %gather3A_783[%add3A_559, %broadcast_in_dim3A_777] : memref<256x32xf32, #tpu.memory_space<vmem>>[vector<16xi32>, vector<16xi32>], vector<16xf32>,
        %gather3A_785 = arith.constant 1 : i32
        %gather3A_786 = arith.constant 0 : i32
        %gather3A_787 = arith.constant 0 : i32
        %gather3A_788 = tpu.memref_slice %arg19[%gather3A_785, %gather3A_786, %gather3A_787] : memref<2x256x32xf32, #tpu.memory_space<vmem>> -> memref<1x256x32xf32, #tpu.memory_space<vmem>>
        %gather3A_789 = tpu.memref_squeeze %gather3A_788 : memref<1x256x32xf32, #tpu.memory_space<vmem>> -> memref<256x32xf32, #tpu.memory_space<vmem>>
        %gather3A_790 = tpu.vector_load_idx %gather3A_789[%add3A_559, %broadcast_in_dim3A_777] : memref<256x32xf32, #tpu.memory_space<vmem>>[vector<16xi32>, vector<16xi32>], vector<16xf32>,
        %mul3A_791 = arith.mulf %gather3A_778, %gather3A_784 : vector<16xf32>
        %add3A_792 = arith.addf %add3A_773, %mul3A_791 : vector<16xf32>
        %mul3A_793 = arith.mulf %gather3A_778, %gather3A_790 : vector<16xf32>
        %add3A_794 = arith.addf %add3A_775, %mul3A_793 : vector<16xf32>
        %broadcast_in_dim3A_795 = arith.constant 11 : i32
        %broadcast_in_dim3A_796 = vector.broadcast %broadcast_in_dim3A_795 : i32 to vector<16xi32>
        %gather3A_797 = tpu.vector_load_idx %arg15[%select_n3A, %broadcast_in_dim3A_796] : memref<512x32xf32, #tpu.memory_space<vmem>>[vector<16xi32>, vector<16xi32>], vector<16xf32>,
        %gather3A_798 = arith.constant 1 : i32
        %gather3A_799 = arith.constant 0 : i32
        %gather3A_800 = arith.constant 0 : i32
        %gather3A_801 = tpu.memref_slice %arg18[%gather3A_798, %gather3A_799, %gather3A_800] : memref<2x256x32xf32, #tpu.memory_space<vmem>> -> memref<1x256x32xf32, #tpu.memory_space<vmem>>
        %gather3A_802 = tpu.memref_squeeze %gather3A_801 : memref<1x256x32xf32, #tpu.memory_space<vmem>> -> memref<256x32xf32, #tpu.memory_space<vmem>>
        %gather3A_803 = tpu.vector_load_idx %gather3A_802[%add3A_559, %broadcast_in_dim3A_796] : memref<256x32xf32, #tpu.memory_space<vmem>>[vector<16xi32>, vector<16xi32>], vector<16xf32>,
        %gather3A_804 = arith.constant 1 : i32
        %gather3A_805 = arith.constant 0 : i32
        %gather3A_806 = arith.constant 0 : i32
        %gather3A_807 = tpu.memref_slice %arg19[%gather3A_804, %gather3A_805, %gather3A_806] : memref<2x256x32xf32, #tpu.memory_space<vmem>> -> memref<1x256x32xf32, #tpu.memory_space<vmem>>
        %gather3A_808 = tpu.memref_squeeze %gather3A_807 : memref<1x256x32xf32, #tpu.memory_space<vmem>> -> memref<256x32xf32, #tpu.memory_space<vmem>>
        %gather3A_809 = tpu.vector_load_idx %gather3A_808[%add3A_559, %broadcast_in_dim3A_796] : memref<256x32xf32, #tpu.memory_space<vmem>>[vector<16xi32>, vector<16xi32>], vector<16xf32>,
        %mul3A_810 = arith.mulf %gather3A_797, %gather3A_803 : vector<16xf32>
        %add3A_811 = arith.addf %add3A_792, %mul3A_810 : vector<16xf32>
        %mul3A_812 = arith.mulf %gather3A_797, %gather3A_809 : vector<16xf32>
        %add3A_813 = arith.addf %add3A_794, %mul3A_812 : vector<16xf32>
        %broadcast_in_dim3A_814 = arith.constant 12 : i32
        %broadcast_in_dim3A_815 = vector.broadcast %broadcast_in_dim3A_814 : i32 to vector<16xi32>
        %gather3A_816 = tpu.vector_load_idx %arg15[%select_n3A, %broadcast_in_dim3A_815] : memref<512x32xf32, #tpu.memory_space<vmem>>[vector<16xi32>, vector<16xi32>], vector<16xf32>,
        %gather3A_817 = arith.constant 1 : i32
        %gather3A_818 = arith.constant 0 : i32
        %gather3A_819 = arith.constant 0 : i32
        %gather3A_820 = tpu.memref_slice %arg18[%gather3A_817, %gather3A_818, %gather3A_819] : memref<2x256x32xf32, #tpu.memory_space<vmem>> -> memref<1x256x32xf32, #tpu.memory_space<vmem>>
        %gather3A_821 = tpu.memref_squeeze %gather3A_820 : memref<1x256x32xf32, #tpu.memory_space<vmem>> -> memref<256x32xf32, #tpu.memory_space<vmem>>
        %gather3A_822 = tpu.vector_load_idx %gather3A_821[%add3A_559, %broadcast_in_dim3A_815] : memref<256x32xf32, #tpu.memory_space<vmem>>[vector<16xi32>, vector<16xi32>], vector<16xf32>,
        %gather3A_823 = arith.constant 1 : i32
        %gather3A_824 = arith.constant 0 : i32
        %gather3A_825 = arith.constant 0 : i32
        %gather3A_826 = tpu.memref_slice %arg19[%gather3A_823, %gather3A_824, %gather3A_825] : memref<2x256x32xf32, #tpu.memory_space<vmem>> -> memref<1x256x32xf32, #tpu.memory_space<vmem>>
        %gather3A_827 = tpu.memref_squeeze %gather3A_826 : memref<1x256x32xf32, #tpu.memory_space<vmem>> -> memref<256x32xf32, #tpu.memory_space<vmem>>
        %gather3A_828 = tpu.vector_load_idx %gather3A_827[%add3A_559, %broadcast_in_dim3A_815] : memref<256x32xf32, #tpu.memory_space<vmem>>[vector<16xi32>, vector<16xi32>], vector<16xf32>,
        %mul3A_829 = arith.mulf %gather3A_816, %gather3A_822 : vector<16xf32>
        %add3A_830 = arith.addf %add3A_811, %mul3A_829 : vector<16xf32>
        %mul3A_831 = arith.mulf %gather3A_816, %gather3A_828 : vector<16xf32>
        %add3A_832 = arith.addf %add3A_813, %mul3A_831 : vector<16xf32>
        %broadcast_in_dim3A_833 = arith.constant 13 : i32
        %broadcast_in_dim3A_834 = vector.broadcast %broadcast_in_dim3A_833 : i32 to vector<16xi32>
        %gather3A_835 = tpu.vector_load_idx %arg15[%select_n3A, %broadcast_in_dim3A_834] : memref<512x32xf32, #tpu.memory_space<vmem>>[vector<16xi32>, vector<16xi32>], vector<16xf32>,
        %gather3A_836 = arith.constant 1 : i32
        %gather3A_837 = arith.constant 0 : i32
        %gather3A_838 = arith.constant 0 : i32
        %gather3A_839 = tpu.memref_slice %arg18[%gather3A_836, %gather3A_837, %gather3A_838] : memref<2x256x32xf32, #tpu.memory_space<vmem>> -> memref<1x256x32xf32, #tpu.memory_space<vmem>>
        %gather3A_840 = tpu.memref_squeeze %gather3A_839 : memref<1x256x32xf32, #tpu.memory_space<vmem>> -> memref<256x32xf32, #tpu.memory_space<vmem>>
        %gather3A_841 = tpu.vector_load_idx %gather3A_840[%add3A_559, %broadcast_in_dim3A_834] : memref<256x32xf32, #tpu.memory_space<vmem>>[vector<16xi32>, vector<16xi32>], vector<16xf32>,
        %gather3A_842 = arith.constant 1 : i32
        %gather3A_843 = arith.constant 0 : i32
        %gather3A_844 = arith.constant 0 : i32
        %gather3A_845 = tpu.memref_slice %arg19[%gather3A_842, %gather3A_843, %gather3A_844] : memref<2x256x32xf32, #tpu.memory_space<vmem>> -> memref<1x256x32xf32, #tpu.memory_space<vmem>>
        %gather3A_846 = tpu.memref_squeeze %gather3A_845 : memref<1x256x32xf32, #tpu.memory_space<vmem>> -> memref<256x32xf32, #tpu.memory_space<vmem>>
        %gather3A_847 = tpu.vector_load_idx %gather3A_846[%add3A_559, %broadcast_in_dim3A_834] : memref<256x32xf32, #tpu.memory_space<vmem>>[vector<16xi32>, vector<16xi32>], vector<16xf32>,
        %mul3A_848 = arith.mulf %gather3A_835, %gather3A_841 : vector<16xf32>
        %add3A_849 = arith.addf %add3A_830, %mul3A_848 : vector<16xf32>
        %mul3A_850 = arith.mulf %gather3A_835, %gather3A_847 : vector<16xf32>
        %add3A_851 = arith.addf %add3A_832, %mul3A_850 : vector<16xf32>
        %broadcast_in_dim3A_852 = arith.constant 14 : i32
        %broadcast_in_dim3A_853 = vector.broadcast %broadcast_in_dim3A_852 : i32 to vector<16xi32>
        %gather3A_854 = tpu.vector_load_idx %arg15[%select_n3A, %broadcast_in_dim3A_853] : memref<512x32xf32, #tpu.memory_space<vmem>>[vector<16xi32>, vector<16xi32>], vector<16xf32>,
        %gather3A_855 = arith.constant 1 : i32
        %gather3A_856 = arith.constant 0 : i32
        %gather3A_857 = arith.constant 0 : i32
        %gather3A_858 = tpu.memref_slice %arg18[%gather3A_855, %gather3A_856, %gather3A_857] : memref<2x256x32xf32, #tpu.memory_space<vmem>> -> memref<1x256x32xf32, #tpu.memory_space<vmem>>
        %gather3A_859 = tpu.memref_squeeze %gather3A_858 : memref<1x256x32xf32, #tpu.memory_space<vmem>> -> memref<256x32xf32, #tpu.memory_space<vmem>>
        %gather3A_860 = tpu.vector_load_idx %gather3A_859[%add3A_559, %broadcast_in_dim3A_853] : memref<256x32xf32, #tpu.memory_space<vmem>>[vector<16xi32>, vector<16xi32>], vector<16xf32>,
        %gather3A_861 = arith.constant 1 : i32
        %gather3A_862 = arith.constant 0 : i32
        %gather3A_863 = arith.constant 0 : i32
        %gather3A_864 = tpu.memref_slice %arg19[%gather3A_861, %gather3A_862, %gather3A_863] : memref<2x256x32xf32, #tpu.memory_space<vmem>> -> memref<1x256x32xf32, #tpu.memory_space<vmem>>
        %gather3A_865 = tpu.memref_squeeze %gather3A_864 : memref<1x256x32xf32, #tpu.memory_space<vmem>> -> memref<256x32xf32, #tpu.memory_space<vmem>>
        %gather3A_866 = tpu.vector_load_idx %gather3A_865[%add3A_559, %broadcast_in_dim3A_853] : memref<256x32xf32, #tpu.memory_space<vmem>>[vector<16xi32>, vector<16xi32>], vector<16xf32>,
        %mul3A_867 = arith.mulf %gather3A_854, %gather3A_860 : vector<16xf32>
        %add3A_868 = arith.addf %add3A_849, %mul3A_867 : vector<16xf32>
        %mul3A_869 = arith.mulf %gather3A_854, %gather3A_866 : vector<16xf32>
        %add3A_870 = arith.addf %add3A_851, %mul3A_869 : vector<16xf32>
        %broadcast_in_dim3A_871 = arith.constant 15 : i32
        %broadcast_in_dim3A_872 = vector.broadcast %broadcast_in_dim3A_871 : i32 to vector<16xi32>
        %gather3A_873 = tpu.vector_load_idx %arg15[%select_n3A, %broadcast_in_dim3A_872] : memref<512x32xf32, #tpu.memory_space<vmem>>[vector<16xi32>, vector<16xi32>], vector<16xf32>,
        %gather3A_874 = arith.constant 1 : i32
        %gather3A_875 = arith.constant 0 : i32
        %gather3A_876 = arith.constant 0 : i32
        %gather3A_877 = tpu.memref_slice %arg18[%gather3A_874, %gather3A_875, %gather3A_876] : memref<2x256x32xf32, #tpu.memory_space<vmem>> -> memref<1x256x32xf32, #tpu.memory_space<vmem>>
        %gather3A_878 = tpu.memref_squeeze %gather3A_877 : memref<1x256x32xf32, #tpu.memory_space<vmem>> -> memref<256x32xf32, #tpu.memory_space<vmem>>
        %gather3A_879 = tpu.vector_load_idx %gather3A_878[%add3A_559, %broadcast_in_dim3A_872] : memref<256x32xf32, #tpu.memory_space<vmem>>[vector<16xi32>, vector<16xi32>], vector<16xf32>,
        %gather3A_880 = arith.constant 1 : i32
        %gather3A_881 = arith.constant 0 : i32
        %gather3A_882 = arith.constant 0 : i32
        %gather3A_883 = tpu.memref_slice %arg19[%gather3A_880, %gather3A_881, %gather3A_882] : memref<2x256x32xf32, #tpu.memory_space<vmem>> -> memref<1x256x32xf32, #tpu.memory_space<vmem>>
        %gather3A_884 = tpu.memref_squeeze %gather3A_883 : memref<1x256x32xf32, #tpu.memory_space<vmem>> -> memref<256x32xf32, #tpu.memory_space<vmem>>
        %gather3A_885 = tpu.vector_load_idx %gather3A_884[%add3A_559, %broadcast_in_dim3A_872] : memref<256x32xf32, #tpu.memory_space<vmem>>[vector<16xi32>, vector<16xi32>], vector<16xf32>,
        %mul3A_886 = arith.mulf %gather3A_873, %gather3A_879 : vector<16xf32>
        %add3A_887 = arith.addf %add3A_868, %mul3A_886 : vector<16xf32>
        %mul3A_888 = arith.mulf %gather3A_873, %gather3A_885 : vector<16xf32>
        %add3A_889 = arith.addf %add3A_870, %mul3A_888 : vector<16xf32>
        %broadcast_in_dim3A_890 = arith.constant 16 : i32
        %broadcast_in_dim3A_891 = vector.broadcast %broadcast_in_dim3A_890 : i32 to vector<16xi32>
        %gather3A_892 = tpu.vector_load_idx %arg15[%select_n3A, %broadcast_in_dim3A_891] : memref<512x32xf32, #tpu.memory_space<vmem>>[vector<16xi32>, vector<16xi32>], vector<16xf32>,
        %gather3A_893 = arith.constant 1 : i32
        %gather3A_894 = arith.constant 0 : i32
        %gather3A_895 = arith.constant 0 : i32
        %gather3A_896 = tpu.memref_slice %arg18[%gather3A_893, %gather3A_894, %gather3A_895] : memref<2x256x32xf32, #tpu.memory_space<vmem>> -> memref<1x256x32xf32, #tpu.memory_space<vmem>>
        %gather3A_897 = tpu.memref_squeeze %gather3A_896 : memref<1x256x32xf32, #tpu.memory_space<vmem>> -> memref<256x32xf32, #tpu.memory_space<vmem>>
        %gather3A_898 = tpu.vector_load_idx %gather3A_897[%add3A_559, %broadcast_in_dim3A_891] : memref<256x32xf32, #tpu.memory_space<vmem>>[vector<16xi32>, vector<16xi32>], vector<16xf32>,
        %gather3A_899 = arith.constant 1 : i32
        %gather3A_900 = arith.constant 0 : i32
        %gather3A_901 = arith.constant 0 : i32
        %gather3A_902 = tpu.memref_slice %arg19[%gather3A_899, %gather3A_900, %gather3A_901] : memref<2x256x32xf32, #tpu.memory_space<vmem>> -> memref<1x256x32xf32, #tpu.memory_space<vmem>>
        %gather3A_903 = tpu.memref_squeeze %gather3A_902 : memref<1x256x32xf32, #tpu.memory_space<vmem>> -> memref<256x32xf32, #tpu.memory_space<vmem>>
        %gather3A_904 = tpu.vector_load_idx %gather3A_903[%add3A_559, %broadcast_in_dim3A_891] : memref<256x32xf32, #tpu.memory_space<vmem>>[vector<16xi32>, vector<16xi32>], vector<16xf32>,
        %mul3A_905 = arith.mulf %gather3A_892, %gather3A_898 : vector<16xf32>
        %add3A_906 = arith.addf %add3A_887, %mul3A_905 : vector<16xf32>
        %mul3A_907 = arith.mulf %gather3A_892, %gather3A_904 : vector<16xf32>
        %add3A_908 = arith.addf %add3A_889, %mul3A_907 : vector<16xf32>
        %broadcast_in_dim3A_909 = arith.constant 17 : i32
        %broadcast_in_dim3A_910 = vector.broadcast %broadcast_in_dim3A_909 : i32 to vector<16xi32>
        %gather3A_911 = tpu.vector_load_idx %arg15[%select_n3A, %broadcast_in_dim3A_910] : memref<512x32xf32, #tpu.memory_space<vmem>>[vector<16xi32>, vector<16xi32>], vector<16xf32>,
        %gather3A_912 = arith.constant 1 : i32
        %gather3A_913 = arith.constant 0 : i32
        %gather3A_914 = arith.constant 0 : i32
        %gather3A_915 = tpu.memref_slice %arg18[%gather3A_912, %gather3A_913, %gather3A_914] : memref<2x256x32xf32, #tpu.memory_space<vmem>> -> memref<1x256x32xf32, #tpu.memory_space<vmem>>
        %gather3A_916 = tpu.memref_squeeze %gather3A_915 : memref<1x256x32xf32, #tpu.memory_space<vmem>> -> memref<256x32xf32, #tpu.memory_space<vmem>>
        %gather3A_917 = tpu.vector_load_idx %gather3A_916[%add3A_559, %broadcast_in_dim3A_910] : memref<256x32xf32, #tpu.memory_space<vmem>>[vector<16xi32>, vector<16xi32>], vector<16xf32>,
        %gather3A_918 = arith.constant 1 : i32
        %gather3A_919 = arith.constant 0 : i32
        %gather3A_920 = arith.constant 0 : i32
        %gather3A_921 = tpu.memref_slice %arg19[%gather3A_918, %gather3A_919, %gather3A_920] : memref<2x256x32xf32, #tpu.memory_space<vmem>> -> memref<1x256x32xf32, #tpu.memory_space<vmem>>
        %gather3A_922 = tpu.memref_squeeze %gather3A_921 : memref<1x256x32xf32, #tpu.memory_space<vmem>> -> memref<256x32xf32, #tpu.memory_space<vmem>>
        %gather3A_923 = tpu.vector_load_idx %gather3A_922[%add3A_559, %broadcast_in_dim3A_910] : memref<256x32xf32, #tpu.memory_space<vmem>>[vector<16xi32>, vector<16xi32>], vector<16xf32>,
        %mul3A_924 = arith.mulf %gather3A_911, %gather3A_917 : vector<16xf32>
        %add3A_925 = arith.addf %add3A_906, %mul3A_924 : vector<16xf32>
        %mul3A_926 = arith.mulf %gather3A_911, %gather3A_923 : vector<16xf32>
        %add3A_927 = arith.addf %add3A_908, %mul3A_926 : vector<16xf32>
        %broadcast_in_dim3A_928 = arith.constant 18 : i32
        %broadcast_in_dim3A_929 = vector.broadcast %broadcast_in_dim3A_928 : i32 to vector<16xi32>
        %gather3A_930 = tpu.vector_load_idx %arg15[%select_n3A, %broadcast_in_dim3A_929] : memref<512x32xf32, #tpu.memory_space<vmem>>[vector<16xi32>, vector<16xi32>], vector<16xf32>,
        %gather3A_931 = arith.constant 1 : i32
        %gather3A_932 = arith.constant 0 : i32
        %gather3A_933 = arith.constant 0 : i32
        %gather3A_934 = tpu.memref_slice %arg18[%gather3A_931, %gather3A_932, %gather3A_933] : memref<2x256x32xf32, #tpu.memory_space<vmem>> -> memref<1x256x32xf32, #tpu.memory_space<vmem>>
        %gather3A_935 = tpu.memref_squeeze %gather3A_934 : memref<1x256x32xf32, #tpu.memory_space<vmem>> -> memref<256x32xf32, #tpu.memory_space<vmem>>
        %gather3A_936 = tpu.vector_load_idx %gather3A_935[%add3A_559, %broadcast_in_dim3A_929] : memref<256x32xf32, #tpu.memory_space<vmem>>[vector<16xi32>, vector<16xi32>], vector<16xf32>,
        %gather3A_937 = arith.constant 1 : i32
        %gather3A_938 = arith.constant 0 : i32
        %gather3A_939 = arith.constant 0 : i32
        %gather3A_940 = tpu.memref_slice %arg19[%gather3A_937, %gather3A_938, %gather3A_939] : memref<2x256x32xf32, #tpu.memory_space<vmem>> -> memref<1x256x32xf32, #tpu.memory_space<vmem>>
        %gather3A_941 = tpu.memref_squeeze %gather3A_940 : memref<1x256x32xf32, #tpu.memory_space<vmem>> -> memref<256x32xf32, #tpu.memory_space<vmem>>
        %gather3A_942 = tpu.vector_load_idx %gather3A_941[%add3A_559, %broadcast_in_dim3A_929] : memref<256x32xf32, #tpu.memory_space<vmem>>[vector<16xi32>, vector<16xi32>], vector<16xf32>,
        %mul3A_943 = arith.mulf %gather3A_930, %gather3A_936 : vector<16xf32>
        %add3A_944 = arith.addf %add3A_925, %mul3A_943 : vector<16xf32>
        %mul3A_945 = arith.mulf %gather3A_930, %gather3A_942 : vector<16xf32>
        %add3A_946 = arith.addf %add3A_927, %mul3A_945 : vector<16xf32>
        %broadcast_in_dim3A_947 = arith.constant 19 : i32
        %broadcast_in_dim3A_948 = vector.broadcast %broadcast_in_dim3A_947 : i32 to vector<16xi32>
        %gather3A_949 = tpu.vector_load_idx %arg15[%select_n3A, %broadcast_in_dim3A_948] : memref<512x32xf32, #tpu.memory_space<vmem>>[vector<16xi32>, vector<16xi32>], vector<16xf32>,
        %gather3A_950 = arith.constant 1 : i32
        %gather3A_951 = arith.constant 0 : i32
        %gather3A_952 = arith.constant 0 : i32
        %gather3A_953 = tpu.memref_slice %arg18[%gather3A_950, %gather3A_951, %gather3A_952] : memref<2x256x32xf32, #tpu.memory_space<vmem>> -> memref<1x256x32xf32, #tpu.memory_space<vmem>>
        %gather3A_954 = tpu.memref_squeeze %gather3A_953 : memref<1x256x32xf32, #tpu.memory_space<vmem>> -> memref<256x32xf32, #tpu.memory_space<vmem>>
        %gather3A_955 = tpu.vector_load_idx %gather3A_954[%add3A_559, %broadcast_in_dim3A_948] : memref<256x32xf32, #tpu.memory_space<vmem>>[vector<16xi32>, vector<16xi32>], vector<16xf32>,
        %gather3A_956 = arith.constant 1 : i32
        %gather3A_957 = arith.constant 0 : i32
        %gather3A_958 = arith.constant 0 : i32
        %gather3A_959 = tpu.memref_slice %arg19[%gather3A_956, %gather3A_957, %gather3A_958] : memref<2x256x32xf32, #tpu.memory_space<vmem>> -> memref<1x256x32xf32, #tpu.memory_space<vmem>>
        %gather3A_960 = tpu.memref_squeeze %gather3A_959 : memref<1x256x32xf32, #tpu.memory_space<vmem>> -> memref<256x32xf32, #tpu.memory_space<vmem>>
        %gather3A_961 = tpu.vector_load_idx %gather3A_960[%add3A_559, %broadcast_in_dim3A_948] : memref<256x32xf32, #tpu.memory_space<vmem>>[vector<16xi32>, vector<16xi32>], vector<16xf32>,
        %mul3A_962 = arith.mulf %gather3A_949, %gather3A_955 : vector<16xf32>
        %add3A_963 = arith.addf %add3A_944, %mul3A_962 : vector<16xf32>
        %mul3A_964 = arith.mulf %gather3A_949, %gather3A_961 : vector<16xf32>
        %add3A_965 = arith.addf %add3A_946, %mul3A_964 : vector<16xf32>
        %broadcast_in_dim3A_966 = arith.constant 20 : i32
        %broadcast_in_dim3A_967 = vector.broadcast %broadcast_in_dim3A_966 : i32 to vector<16xi32>
        %gather3A_968 = tpu.vector_load_idx %arg15[%select_n3A, %broadcast_in_dim3A_967] : memref<512x32xf32, #tpu.memory_space<vmem>>[vector<16xi32>, vector<16xi32>], vector<16xf32>,
        %gather3A_969 = arith.constant 1 : i32
        %gather3A_970 = arith.constant 0 : i32
        %gather3A_971 = arith.constant 0 : i32
        %gather3A_972 = tpu.memref_slice %arg18[%gather3A_969, %gather3A_970, %gather3A_971] : memref<2x256x32xf32, #tpu.memory_space<vmem>> -> memref<1x256x32xf32, #tpu.memory_space<vmem>>
        %gather3A_973 = tpu.memref_squeeze %gather3A_972 : memref<1x256x32xf32, #tpu.memory_space<vmem>> -> memref<256x32xf32, #tpu.memory_space<vmem>>
        %gather3A_974 = tpu.vector_load_idx %gather3A_973[%add3A_559, %broadcast_in_dim3A_967] : memref<256x32xf32, #tpu.memory_space<vmem>>[vector<16xi32>, vector<16xi32>], vector<16xf32>,
        %gather3A_975 = arith.constant 1 : i32
        %gather3A_976 = arith.constant 0 : i32
        %gather3A_977 = arith.constant 0 : i32
        %gather3A_978 = tpu.memref_slice %arg19[%gather3A_975, %gather3A_976, %gather3A_977] : memref<2x256x32xf32, #tpu.memory_space<vmem>> -> memref<1x256x32xf32, #tpu.memory_space<vmem>>
        %gather3A_979 = tpu.memref_squeeze %gather3A_978 : memref<1x256x32xf32, #tpu.memory_space<vmem>> -> memref<256x32xf32, #tpu.memory_space<vmem>>
        %gather3A_980 = tpu.vector_load_idx %gather3A_979[%add3A_559, %broadcast_in_dim3A_967] : memref<256x32xf32, #tpu.memory_space<vmem>>[vector<16xi32>, vector<16xi32>], vector<16xf32>,
        %mul3A_981 = arith.mulf %gather3A_968, %gather3A_974 : vector<16xf32>
        %add3A_982 = arith.addf %add3A_963, %mul3A_981 : vector<16xf32>
        %mul3A_983 = arith.mulf %gather3A_968, %gather3A_980 : vector<16xf32>
        %add3A_984 = arith.addf %add3A_965, %mul3A_983 : vector<16xf32>
        %broadcast_in_dim3A_985 = arith.constant 21 : i32
        %broadcast_in_dim3A_986 = vector.broadcast %broadcast_in_dim3A_985 : i32 to vector<16xi32>
        %gather3A_987 = tpu.vector_load_idx %arg15[%select_n3A, %broadcast_in_dim3A_986] : memref<512x32xf32, #tpu.memory_space<vmem>>[vector<16xi32>, vector<16xi32>], vector<16xf32>,
        %gather3A_988 = arith.constant 1 : i32
        %gather3A_989 = arith.constant 0 : i32
        %gather3A_990 = arith.constant 0 : i32
        %gather3A_991 = tpu.memref_slice %arg18[%gather3A_988, %gather3A_989, %gather3A_990] : memref<2x256x32xf32, #tpu.memory_space<vmem>> -> memref<1x256x32xf32, #tpu.memory_space<vmem>>
        %gather3A_992 = tpu.memref_squeeze %gather3A_991 : memref<1x256x32xf32, #tpu.memory_space<vmem>> -> memref<256x32xf32, #tpu.memory_space<vmem>>
        %gather3A_993 = tpu.vector_load_idx %gather3A_992[%add3A_559, %broadcast_in_dim3A_986] : memref<256x32xf32, #tpu.memory_space<vmem>>[vector<16xi32>, vector<16xi32>], vector<16xf32>,
        %gather3A_994 = arith.constant 1 : i32
        %gather3A_995 = arith.constant 0 : i32
        %gather3A_996 = arith.constant 0 : i32
        %gather3A_997 = tpu.memref_slice %arg19[%gather3A_994, %gather3A_995, %gather3A_996] : memref<2x256x32xf32, #tpu.memory_space<vmem>> -> memref<1x256x32xf32, #tpu.memory_space<vmem>>
        %gather3A_998 = tpu.memref_squeeze %gather3A_997 : memref<1x256x32xf32, #tpu.memory_space<vmem>> -> memref<256x32xf32, #tpu.memory_space<vmem>>
        %gather3A_999 = tpu.vector_load_idx %gather3A_998[%add3A_559, %broadcast_in_dim3A_986] : memref<256x32xf32, #tpu.memory_space<vmem>>[vector<16xi32>, vector<16xi32>], vector<16xf32>,
        %mul3A_1000 = arith.mulf %gather3A_987, %gather3A_993 : vector<16xf32>
        %add3A_1001 = arith.addf %add3A_982, %mul3A_1000 : vector<16xf32>
        %mul3A_1002 = arith.mulf %gather3A_987, %gather3A_999 : vector<16xf32>
        %add3A_1003 = arith.addf %add3A_984, %mul3A_1002 : vector<16xf32>
        %broadcast_in_dim3A_1004 = arith.constant 22 : i32
        %broadcast_in_dim3A_1005 = vector.broadcast %broadcast_in_dim3A_1004 : i32 to vector<16xi32>
        %gather3A_1006 = tpu.vector_load_idx %arg15[%select_n3A, %broadcast_in_dim3A_1005] : memref<512x32xf32, #tpu.memory_space<vmem>>[vector<16xi32>, vector<16xi32>], vector<16xf32>,
        %gather3A_1007 = arith.constant 1 : i32
        %gather3A_1008 = arith.constant 0 : i32
        %gather3A_1009 = arith.constant 0 : i32
        %gather3A_1010 = tpu.memref_slice %arg18[%gather3A_1007, %gather3A_1008, %gather3A_1009] : memref<2x256x32xf32, #tpu.memory_space<vmem>> -> memref<1x256x32xf32, #tpu.memory_space<vmem>>
        %gather3A_1011 = tpu.memref_squeeze %gather3A_1010 : memref<1x256x32xf32, #tpu.memory_space<vmem>> -> memref<256x32xf32, #tpu.memory_space<vmem>>
        %gather3A_1012 = tpu.vector_load_idx %gather3A_1011[%add3A_559, %broadcast_in_dim3A_1005] : memref<256x32xf32, #tpu.memory_space<vmem>>[vector<16xi32>, vector<16xi32>], vector<16xf32>,
        %gather3A_1013 = arith.constant 1 : i32
        %gather3A_1014 = arith.constant 0 : i32
        %gather3A_1015 = arith.constant 0 : i32
        %gather3A_1016 = tpu.memref_slice %arg19[%gather3A_1013, %gather3A_1014, %gather3A_1015] : memref<2x256x32xf32, #tpu.memory_space<vmem>> -> memref<1x256x32xf32, #tpu.memory_space<vmem>>
        %gather3A_1017 = tpu.memref_squeeze %gather3A_1016 : memref<1x256x32xf32, #tpu.memory_space<vmem>> -> memref<256x32xf32, #tpu.memory_space<vmem>>
        %gather3A_1018 = tpu.vector_load_idx %gather3A_1017[%add3A_559, %broadcast_in_dim3A_1005] : memref<256x32xf32, #tpu.memory_space<vmem>>[vector<16xi32>, vector<16xi32>], vector<16xf32>,
        %mul3A_1019 = arith.mulf %gather3A_1006, %gather3A_1012 : vector<16xf32>
        %add3A_1020 = arith.addf %add3A_1001, %mul3A_1019 : vector<16xf32>
        %mul3A_1021 = arith.mulf %gather3A_1006, %gather3A_1018 : vector<16xf32>
        %add3A_1022 = arith.addf %add3A_1003, %mul3A_1021 : vector<16xf32>
        %broadcast_in_dim3A_1023 = arith.constant 23 : i32
        %broadcast_in_dim3A_1024 = vector.broadcast %broadcast_in_dim3A_1023 : i32 to vector<16xi32>
        %gather3A_1025 = tpu.vector_load_idx %arg15[%select_n3A, %broadcast_in_dim3A_1024] : memref<512x32xf32, #tpu.memory_space<vmem>>[vector<16xi32>, vector<16xi32>], vector<16xf32>,
        %gather3A_1026 = arith.constant 1 : i32
        %gather3A_1027 = arith.constant 0 : i32
        %gather3A_1028 = arith.constant 0 : i32
        %gather3A_1029 = tpu.memref_slice %arg18[%gather3A_1026, %gather3A_1027, %gather3A_1028] : memref<2x256x32xf32, #tpu.memory_space<vmem>> -> memref<1x256x32xf32, #tpu.memory_space<vmem>>
        %gather3A_1030 = tpu.memref_squeeze %gather3A_1029 : memref<1x256x32xf32, #tpu.memory_space<vmem>> -> memref<256x32xf32, #tpu.memory_space<vmem>>
        %gather3A_1031 = tpu.vector_load_idx %gather3A_1030[%add3A_559, %broadcast_in_dim3A_1024] : memref<256x32xf32, #tpu.memory_space<vmem>>[vector<16xi32>, vector<16xi32>], vector<16xf32>,
        %gather3A_1032 = arith.constant 1 : i32
        %gather3A_1033 = arith.constant 0 : i32
        %gather3A_1034 = arith.constant 0 : i32
        %gather3A_1035 = tpu.memref_slice %arg19[%gather3A_1032, %gather3A_1033, %gather3A_1034] : memref<2x256x32xf32, #tpu.memory_space<vmem>> -> memref<1x256x32xf32, #tpu.memory_space<vmem>>
        %gather3A_1036 = tpu.memref_squeeze %gather3A_1035 : memref<1x256x32xf32, #tpu.memory_space<vmem>> -> memref<256x32xf32, #tpu.memory_space<vmem>>
        %gather3A_1037 = tpu.vector_load_idx %gather3A_1036[%add3A_559, %broadcast_in_dim3A_1024] : memref<256x32xf32, #tpu.memory_space<vmem>>[vector<16xi32>, vector<16xi32>], vector<16xf32>,
        %mul3A_1038 = arith.mulf %gather3A_1025, %gather3A_1031 : vector<16xf32>
        %add3A_1039 = arith.addf %add3A_1020, %mul3A_1038 : vector<16xf32>
        %mul3A_1040 = arith.mulf %gather3A_1025, %gather3A_1037 : vector<16xf32>
        %add3A_1041 = arith.addf %add3A_1022, %mul3A_1040 : vector<16xf32>
        %broadcast_in_dim3A_1042 = arith.constant 24 : i32
        %broadcast_in_dim3A_1043 = vector.broadcast %broadcast_in_dim3A_1042 : i32 to vector<16xi32>
        %gather3A_1044 = tpu.vector_load_idx %arg15[%select_n3A, %broadcast_in_dim3A_1043] : memref<512x32xf32, #tpu.memory_space<vmem>>[vector<16xi32>, vector<16xi32>], vector<16xf32>,
        %gather3A_1045 = arith.constant 1 : i32
        %gather3A_1046 = arith.constant 0 : i32
        %gather3A_1047 = arith.constant 0 : i32
        %gather3A_1048 = tpu.memref_slice %arg18[%gather3A_1045, %gather3A_1046, %gather3A_1047] : memref<2x256x32xf32, #tpu.memory_space<vmem>> -> memref<1x256x32xf32, #tpu.memory_space<vmem>>
        %gather3A_1049 = tpu.memref_squeeze %gather3A_1048 : memref<1x256x32xf32, #tpu.memory_space<vmem>> -> memref<256x32xf32, #tpu.memory_space<vmem>>
        %gather3A_1050 = tpu.vector_load_idx %gather3A_1049[%add3A_559, %broadcast_in_dim3A_1043] : memref<256x32xf32, #tpu.memory_space<vmem>>[vector<16xi32>, vector<16xi32>], vector<16xf32>,
        %gather3A_1051 = arith.constant 1 : i32
        %gather3A_1052 = arith.constant 0 : i32
        %gather3A_1053 = arith.constant 0 : i32
        %gather3A_1054 = tpu.memref_slice %arg19[%gather3A_1051, %gather3A_1052, %gather3A_1053] : memref<2x256x32xf32, #tpu.memory_space<vmem>> -> memref<1x256x32xf32, #tpu.memory_space<vmem>>
        %gather3A_1055 = tpu.memref_squeeze %gather3A_1054 : memref<1x256x32xf32, #tpu.memory_space<vmem>> -> memref<256x32xf32, #tpu.memory_space<vmem>>
        %gather3A_1056 = tpu.vector_load_idx %gather3A_1055[%add3A_559, %broadcast_in_dim3A_1043] : memref<256x32xf32, #tpu.memory_space<vmem>>[vector<16xi32>, vector<16xi32>], vector<16xf32>,
        %mul3A_1057 = arith.mulf %gather3A_1044, %gather3A_1050 : vector<16xf32>
        %add3A_1058 = arith.addf %add3A_1039, %mul3A_1057 : vector<16xf32>
        %mul3A_1059 = arith.mulf %gather3A_1044, %gather3A_1056 : vector<16xf32>
        %add3A_1060 = arith.addf %add3A_1041, %mul3A_1059 : vector<16xf32>
        %broadcast_in_dim3A_1061 = arith.constant 25 : i32
        %broadcast_in_dim3A_1062 = vector.broadcast %broadcast_in_dim3A_1061 : i32 to vector<16xi32>
        %gather3A_1063 = tpu.vector_load_idx %arg15[%select_n3A, %broadcast_in_dim3A_1062] : memref<512x32xf32, #tpu.memory_space<vmem>>[vector<16xi32>, vector<16xi32>], vector<16xf32>,
        %gather3A_1064 = arith.constant 1 : i32
        %gather3A_1065 = arith.constant 0 : i32
        %gather3A_1066 = arith.constant 0 : i32
        %gather3A_1067 = tpu.memref_slice %arg18[%gather3A_1064, %gather3A_1065, %gather3A_1066] : memref<2x256x32xf32, #tpu.memory_space<vmem>> -> memref<1x256x32xf32, #tpu.memory_space<vmem>>
        %gather3A_1068 = tpu.memref_squeeze %gather3A_1067 : memref<1x256x32xf32, #tpu.memory_space<vmem>> -> memref<256x32xf32, #tpu.memory_space<vmem>>
        %gather3A_1069 = tpu.vector_load_idx %gather3A_1068[%add3A_559, %broadcast_in_dim3A_1062] : memref<256x32xf32, #tpu.memory_space<vmem>>[vector<16xi32>, vector<16xi32>], vector<16xf32>,
        %gather3A_1070 = arith.constant 1 : i32
        %gather3A_1071 = arith.constant 0 : i32
        %gather3A_1072 = arith.constant 0 : i32
        %gather3A_1073 = tpu.memref_slice %arg19[%gather3A_1070, %gather3A_1071, %gather3A_1072] : memref<2x256x32xf32, #tpu.memory_space<vmem>> -> memref<1x256x32xf32, #tpu.memory_space<vmem>>
        %gather3A_1074 = tpu.memref_squeeze %gather3A_1073 : memref<1x256x32xf32, #tpu.memory_space<vmem>> -> memref<256x32xf32, #tpu.memory_space<vmem>>
        %gather3A_1075 = tpu.vector_load_idx %gather3A_1074[%add3A_559, %broadcast_in_dim3A_1062] : memref<256x32xf32, #tpu.memory_space<vmem>>[vector<16xi32>, vector<16xi32>], vector<16xf32>,
        %mul3A_1076 = arith.mulf %gather3A_1063, %gather3A_1069 : vector<16xf32>
        %add3A_1077 = arith.addf %add3A_1058, %mul3A_1076 : vector<16xf32>
        %mul3A_1078 = arith.mulf %gather3A_1063, %gather3A_1075 : vector<16xf32>
        %add3A_1079 = arith.addf %add3A_1060, %mul3A_1078 : vector<16xf32>
        %broadcast_in_dim3A_1080 = arith.constant 26 : i32
        %broadcast_in_dim3A_1081 = vector.broadcast %broadcast_in_dim3A_1080 : i32 to vector<16xi32>
        %gather3A_1082 = tpu.vector_load_idx %arg15[%select_n3A, %broadcast_in_dim3A_1081] : memref<512x32xf32, #tpu.memory_space<vmem>>[vector<16xi32>, vector<16xi32>], vector<16xf32>,
        %gather3A_1083 = arith.constant 1 : i32
        %gather3A_1084 = arith.constant 0 : i32
        %gather3A_1085 = arith.constant 0 : i32
        %gather3A_1086 = tpu.memref_slice %arg18[%gather3A_1083, %gather3A_1084, %gather3A_1085] : memref<2x256x32xf32, #tpu.memory_space<vmem>> -> memref<1x256x32xf32, #tpu.memory_space<vmem>>
        %gather3A_1087 = tpu.memref_squeeze %gather3A_1086 : memref<1x256x32xf32, #tpu.memory_space<vmem>> -> memref<256x32xf32, #tpu.memory_space<vmem>>
        %gather3A_1088 = tpu.vector_load_idx %gather3A_1087[%add3A_559, %broadcast_in_dim3A_1081] : memref<256x32xf32, #tpu.memory_space<vmem>>[vector<16xi32>, vector<16xi32>], vector<16xf32>,
        %gather3A_1089 = arith.constant 1 : i32
        %gather3A_1090 = arith.constant 0 : i32
        %gather3A_1091 = arith.constant 0 : i32
        %gather3A_1092 = tpu.memref_slice %arg19[%gather3A_1089, %gather3A_1090, %gather3A_1091] : memref<2x256x32xf32, #tpu.memory_space<vmem>> -> memref<1x256x32xf32, #tpu.memory_space<vmem>>
        %gather3A_1093 = tpu.memref_squeeze %gather3A_1092 : memref<1x256x32xf32, #tpu.memory_space<vmem>> -> memref<256x32xf32, #tpu.memory_space<vmem>>
        %gather3A_1094 = tpu.vector_load_idx %gather3A_1093[%add3A_559, %broadcast_in_dim3A_1081] : memref<256x32xf32, #tpu.memory_space<vmem>>[vector<16xi32>, vector<16xi32>], vector<16xf32>,
        %mul3A_1095 = arith.mulf %gather3A_1082, %gather3A_1088 : vector<16xf32>
        %add3A_1096 = arith.addf %add3A_1077, %mul3A_1095 : vector<16xf32>
        %mul3A_1097 = arith.mulf %gather3A_1082, %gather3A_1094 : vector<16xf32>
        %add3A_1098 = arith.addf %add3A_1079, %mul3A_1097 : vector<16xf32>
        %broadcast_in_dim3A_1099 = arith.constant 27 : i32
        %broadcast_in_dim3A_1100 = vector.broadcast %broadcast_in_dim3A_1099 : i32 to vector<16xi32>
        %gather3A_1101 = tpu.vector_load_idx %arg15[%select_n3A, %broadcast_in_dim3A_1100] : memref<512x32xf32, #tpu.memory_space<vmem>>[vector<16xi32>, vector<16xi32>], vector<16xf32>,
        %gather3A_1102 = arith.constant 1 : i32
        %gather3A_1103 = arith.constant 0 : i32
        %gather3A_1104 = arith.constant 0 : i32
        %gather3A_1105 = tpu.memref_slice %arg18[%gather3A_1102, %gather3A_1103, %gather3A_1104] : memref<2x256x32xf32, #tpu.memory_space<vmem>> -> memref<1x256x32xf32, #tpu.memory_space<vmem>>
        %gather3A_1106 = tpu.memref_squeeze %gather3A_1105 : memref<1x256x32xf32, #tpu.memory_space<vmem>> -> memref<256x32xf32, #tpu.memory_space<vmem>>
        %gather3A_1107 = tpu.vector_load_idx %gather3A_1106[%add3A_559, %broadcast_in_dim3A_1100] : memref<256x32xf32, #tpu.memory_space<vmem>>[vector<16xi32>, vector<16xi32>], vector<16xf32>,
        %gather3A_1108 = arith.constant 1 : i32
        %gather3A_1109 = arith.constant 0 : i32
        %gather3A_1110 = arith.constant 0 : i32
        %gather3A_1111 = tpu.memref_slice %arg19[%gather3A_1108, %gather3A_1109, %gather3A_1110] : memref<2x256x32xf32, #tpu.memory_space<vmem>> -> memref<1x256x32xf32, #tpu.memory_space<vmem>>
        %gather3A_1112 = tpu.memref_squeeze %gather3A_1111 : memref<1x256x32xf32, #tpu.memory_space<vmem>> -> memref<256x32xf32, #tpu.memory_space<vmem>>
        %gather3A_1113 = tpu.vector_load_idx %gather3A_1112[%add3A_559, %broadcast_in_dim3A_1100] : memref<256x32xf32, #tpu.memory_space<vmem>>[vector<16xi32>, vector<16xi32>], vector<16xf32>,
        %mul3A_1114 = arith.mulf %gather3A_1101, %gather3A_1107 : vector<16xf32>
        %add3A_1115 = arith.addf %add3A_1096, %mul3A_1114 : vector<16xf32>
        %mul3A_1116 = arith.mulf %gather3A_1101, %gather3A_1113 : vector<16xf32>
        %add3A_1117 = arith.addf %add3A_1098, %mul3A_1116 : vector<16xf32>
        %broadcast_in_dim3A_1118 = arith.constant 28 : i32
        %broadcast_in_dim3A_1119 = vector.broadcast %broadcast_in_dim3A_1118 : i32 to vector<16xi32>
        %gather3A_1120 = tpu.vector_load_idx %arg15[%select_n3A, %broadcast_in_dim3A_1119] : memref<512x32xf32, #tpu.memory_space<vmem>>[vector<16xi32>, vector<16xi32>], vector<16xf32>,
        %gather3A_1121 = arith.constant 1 : i32
        %gather3A_1122 = arith.constant 0 : i32
        %gather3A_1123 = arith.constant 0 : i32
        %gather3A_1124 = tpu.memref_slice %arg18[%gather3A_1121, %gather3A_1122, %gather3A_1123] : memref<2x256x32xf32, #tpu.memory_space<vmem>> -> memref<1x256x32xf32, #tpu.memory_space<vmem>>
        %gather3A_1125 = tpu.memref_squeeze %gather3A_1124 : memref<1x256x32xf32, #tpu.memory_space<vmem>> -> memref<256x32xf32, #tpu.memory_space<vmem>>
        %gather3A_1126 = tpu.vector_load_idx %gather3A_1125[%add3A_559, %broadcast_in_dim3A_1119] : memref<256x32xf32, #tpu.memory_space<vmem>>[vector<16xi32>, vector<16xi32>], vector<16xf32>,
        %gather3A_1127 = arith.constant 1 : i32
        %gather3A_1128 = arith.constant 0 : i32
        %gather3A_1129 = arith.constant 0 : i32
        %gather3A_1130 = tpu.memref_slice %arg19[%gather3A_1127, %gather3A_1128, %gather3A_1129] : memref<2x256x32xf32, #tpu.memory_space<vmem>> -> memref<1x256x32xf32, #tpu.memory_space<vmem>>
        %gather3A_1131 = tpu.memref_squeeze %gather3A_1130 : memref<1x256x32xf32, #tpu.memory_space<vmem>> -> memref<256x32xf32, #tpu.memory_space<vmem>>
        %gather3A_1132 = tpu.vector_load_idx %gather3A_1131[%add3A_559, %broadcast_in_dim3A_1119] : memref<256x32xf32, #tpu.memory_space<vmem>>[vector<16xi32>, vector<16xi32>], vector<16xf32>,
        %mul3A_1133 = arith.mulf %gather3A_1120, %gather3A_1126 : vector<16xf32>
        %add3A_1134 = arith.addf %add3A_1115, %mul3A_1133 : vector<16xf32>
        %mul3A_1135 = arith.mulf %gather3A_1120, %gather3A_1132 : vector<16xf32>
        %add3A_1136 = arith.addf %add3A_1117, %mul3A_1135 : vector<16xf32>
        %broadcast_in_dim3A_1137 = arith.constant 29 : i32
        %broadcast_in_dim3A_1138 = vector.broadcast %broadcast_in_dim3A_1137 : i32 to vector<16xi32>
        %gather3A_1139 = tpu.vector_load_idx %arg15[%select_n3A, %broadcast_in_dim3A_1138] : memref<512x32xf32, #tpu.memory_space<vmem>>[vector<16xi32>, vector<16xi32>], vector<16xf32>,
        %gather3A_1140 = arith.constant 1 : i32
        %gather3A_1141 = arith.constant 0 : i32
        %gather3A_1142 = arith.constant 0 : i32
        %gather3A_1143 = tpu.memref_slice %arg18[%gather3A_1140, %gather3A_1141, %gather3A_1142] : memref<2x256x32xf32, #tpu.memory_space<vmem>> -> memref<1x256x32xf32, #tpu.memory_space<vmem>>
        %gather3A_1144 = tpu.memref_squeeze %gather3A_1143 : memref<1x256x32xf32, #tpu.memory_space<vmem>> -> memref<256x32xf32, #tpu.memory_space<vmem>>
        %gather3A_1145 = tpu.vector_load_idx %gather3A_1144[%add3A_559, %broadcast_in_dim3A_1138] : memref<256x32xf32, #tpu.memory_space<vmem>>[vector<16xi32>, vector<16xi32>], vector<16xf32>,
        %gather3A_1146 = arith.constant 1 : i32
        %gather3A_1147 = arith.constant 0 : i32
        %gather3A_1148 = arith.constant 0 : i32
        %gather3A_1149 = tpu.memref_slice %arg19[%gather3A_1146, %gather3A_1147, %gather3A_1148] : memref<2x256x32xf32, #tpu.memory_space<vmem>> -> memref<1x256x32xf32, #tpu.memory_space<vmem>>
        %gather3A_1150 = tpu.memref_squeeze %gather3A_1149 : memref<1x256x32xf32, #tpu.memory_space<vmem>> -> memref<256x32xf32, #tpu.memory_space<vmem>>
        %gather3A_1151 = tpu.vector_load_idx %gather3A_1150[%add3A_559, %broadcast_in_dim3A_1138] : memref<256x32xf32, #tpu.memory_space<vmem>>[vector<16xi32>, vector<16xi32>], vector<16xf32>,
        %mul3A_1152 = arith.mulf %gather3A_1139, %gather3A_1145 : vector<16xf32>
        %add3A_1153 = arith.addf %add3A_1134, %mul3A_1152 : vector<16xf32>
        %mul3A_1154 = arith.mulf %gather3A_1139, %gather3A_1151 : vector<16xf32>
        %add3A_1155 = arith.addf %add3A_1136, %mul3A_1154 : vector<16xf32>
        %broadcast_in_dim3A_1156 = arith.constant 30 : i32
        %broadcast_in_dim3A_1157 = vector.broadcast %broadcast_in_dim3A_1156 : i32 to vector<16xi32>
        %gather3A_1158 = tpu.vector_load_idx %arg15[%select_n3A, %broadcast_in_dim3A_1157] : memref<512x32xf32, #tpu.memory_space<vmem>>[vector<16xi32>, vector<16xi32>], vector<16xf32>,
        %gather3A_1159 = arith.constant 1 : i32
        %gather3A_1160 = arith.constant 0 : i32
        %gather3A_1161 = arith.constant 0 : i32
        %gather3A_1162 = tpu.memref_slice %arg18[%gather3A_1159, %gather3A_1160, %gather3A_1161] : memref<2x256x32xf32, #tpu.memory_space<vmem>> -> memref<1x256x32xf32, #tpu.memory_space<vmem>>
        %gather3A_1163 = tpu.memref_squeeze %gather3A_1162 : memref<1x256x32xf32, #tpu.memory_space<vmem>> -> memref<256x32xf32, #tpu.memory_space<vmem>>
        %gather3A_1164 = tpu.vector_load_idx %gather3A_1163[%add3A_559, %broadcast_in_dim3A_1157] : memref<256x32xf32, #tpu.memory_space<vmem>>[vector<16xi32>, vector<16xi32>], vector<16xf32>,
        %gather3A_1165 = arith.constant 1 : i32
        %gather3A_1166 = arith.constant 0 : i32
        %gather3A_1167 = arith.constant 0 : i32
        %gather3A_1168 = tpu.memref_slice %arg19[%gather3A_1165, %gather3A_1166, %gather3A_1167] : memref<2x256x32xf32, #tpu.memory_space<vmem>> -> memref<1x256x32xf32, #tpu.memory_space<vmem>>
        %gather3A_1169 = tpu.memref_squeeze %gather3A_1168 : memref<1x256x32xf32, #tpu.memory_space<vmem>> -> memref<256x32xf32, #tpu.memory_space<vmem>>
        %gather3A_1170 = tpu.vector_load_idx %gather3A_1169[%add3A_559, %broadcast_in_dim3A_1157] : memref<256x32xf32, #tpu.memory_space<vmem>>[vector<16xi32>, vector<16xi32>], vector<16xf32>,
        %mul3A_1171 = arith.mulf %gather3A_1158, %gather3A_1164 : vector<16xf32>
        %add3A_1172 = arith.addf %add3A_1153, %mul3A_1171 : vector<16xf32>
        %mul3A_1173 = arith.mulf %gather3A_1158, %gather3A_1170 : vector<16xf32>
        %add3A_1174 = arith.addf %add3A_1155, %mul3A_1173 : vector<16xf32>
        %broadcast_in_dim3A_1175 = arith.constant 31 : i32
        %broadcast_in_dim3A_1176 = vector.broadcast %broadcast_in_dim3A_1175 : i32 to vector<16xi32>
        %gather3A_1177 = tpu.vector_load_idx %arg15[%select_n3A, %broadcast_in_dim3A_1176] : memref<512x32xf32, #tpu.memory_space<vmem>>[vector<16xi32>, vector<16xi32>], vector<16xf32>,
        %gather3A_1178 = arith.constant 1 : i32
        %gather3A_1179 = arith.constant 0 : i32
        %gather3A_1180 = arith.constant 0 : i32
        %gather3A_1181 = tpu.memref_slice %arg18[%gather3A_1178, %gather3A_1179, %gather3A_1180] : memref<2x256x32xf32, #tpu.memory_space<vmem>> -> memref<1x256x32xf32, #tpu.memory_space<vmem>>
        %gather3A_1182 = tpu.memref_squeeze %gather3A_1181 : memref<1x256x32xf32, #tpu.memory_space<vmem>> -> memref<256x32xf32, #tpu.memory_space<vmem>>
        %gather3A_1183 = tpu.vector_load_idx %gather3A_1182[%add3A_559, %broadcast_in_dim3A_1176] : memref<256x32xf32, #tpu.memory_space<vmem>>[vector<16xi32>, vector<16xi32>], vector<16xf32>,
        %gather3A_1184 = arith.constant 1 : i32
        %gather3A_1185 = arith.constant 0 : i32
        %gather3A_1186 = arith.constant 0 : i32
        %gather3A_1187 = tpu.memref_slice %arg19[%gather3A_1184, %gather3A_1185, %gather3A_1186] : memref<2x256x32xf32, #tpu.memory_space<vmem>> -> memref<1x256x32xf32, #tpu.memory_space<vmem>>
        %gather3A_1188 = tpu.memref_squeeze %gather3A_1187 : memref<1x256x32xf32, #tpu.memory_space<vmem>> -> memref<256x32xf32, #tpu.memory_space<vmem>>
        %gather3A_1189 = tpu.vector_load_idx %gather3A_1188[%add3A_559, %broadcast_in_dim3A_1176] : memref<256x32xf32, #tpu.memory_space<vmem>>[vector<16xi32>, vector<16xi32>], vector<16xf32>,
        %mul3A_1190 = arith.mulf %gather3A_1177, %gather3A_1183 : vector<16xf32>
        %add3A_1191 = arith.addf %add3A_1172, %mul3A_1190 : vector<16xf32>
        %mul3A_1192 = arith.mulf %gather3A_1177, %gather3A_1189 : vector<16xf32>
        %add3A_1193 = arith.addf %add3A_1174, %mul3A_1192 : vector<16xf32>
        %gather3A_1194 = tpu.vector_load_idx %arg20[%select_n3A] : memref<512xf32, #tpu.memory_space<vmem>>[vector<16xi32>], vector<16xf32>,
        %gather3A_1195 = tpu.vector_load_idx %arg21[%select_n3A] : memref<512xf32, #tpu.memory_space<vmem>>[vector<16xi32>], vector<16xf32>,
        %mul3A_1196 = arith.constant 256 : i32
        %mul3A_1197 = arith.muli %add3A_469, %mul3A_1196 : i32
        %mul3A_1198 = arith.constant 16 : i32
        %mul3A_1199 = arith.muli %scan3A_555, %mul3A_1198 : i32
        %add3A_1200 = arith.addi %mul3A_1197, %mul3A_1199 : i32
        %sub3A_1201 = arith.subf %gather3A_1194, %add3A_1191 : vector<16xf32>
        %swap3A = arith.index_cast %add3A_1200 : i32 to index
        %swap3A_1202 = tpu.vector_load %arg22[%swap3A] {strides = array<i32>} : memref<10240xf32, #tpu.memory_space<vmem>>, vector<16xf32>,
        tpu.vector_store %arg22[%swap3A], %sub3A_1201 {strides = array<i32>} : memref<10240xf32, #tpu.memory_space<vmem>>, vector<16xf32>,
        %sub3A_1203 = arith.subf %gather3A_1195, %add3A_1193 : vector<16xf32>
        %swap3A_1204 = arith.index_cast %add3A_1200 : i32 to index
        %swap3A_1205 = tpu.vector_load %arg23[%swap3A_1204] {strides = array<i32>} : memref<10240xf32, #tpu.memory_space<vmem>>, vector<16xf32>,
        tpu.vector_store %arg23[%swap3A_1204], %sub3A_1203 {strides = array<i32>} : memref<10240xf32, #tpu.memory_space<vmem>>, vector<16xf32>,
      }
      %scan3A_547 = arith.constant 16 : i32
      %add3A_548 = arith.constant 2 : i32
      %add3A_549 = arith.addi %add3A_469, %add3A_548 : i32
      %lt3A_550 = arith.constant 40 : i32
      %lt3A_551 = arith.cmpi slt, %add3A_549, %lt3A_550 : i32
      %convert_element_type3A_552 = arith.extui %lt3A_551 : i1 to i32
      %cond3A_553 = arith.constant 0 : i32
      %cond3A_554 = arith.cmpi ne, %convert_element_type3A_552, %cond3A_553 : i32
      scf.if %cond3A_554 {
        %mul3A_555 = arith.constant 2 : i32
        %mul3A_556 = arith.muli %mul3A_555, %add3A_549 : i32
        %add3A_557 = arith.constant 0 : i32
        %add3A_558 = arith.addi %mul3A_556, %add3A_557 : i32
        %mul3A_559 = arith.constant 2 : i32
        %mul3A_560 = arith.muli %mul3A_559, %add3A_549 : i32
        %add3A_561 = arith.constant 1 : i32
        %add3A_562 = arith.addi %mul3A_560, %add3A_561 : i32
        %mul3A_563 = arith.constant 2 : i32
        %mul3A_564 = arith.muli %mul3A_563, %add3A_549 : i32
        %add3A_565 = arith.constant 0 : i32
        %add3A_566 = arith.addi %mul3A_564, %add3A_565 : i32
        %mul3A_567 = arith.constant 2 : i32
        %mul3A_568 = arith.muli %mul3A_567, %add3A_549 : i32
        %add3A_569 = arith.constant 1 : i32
        %add3A_570 = arith.addi %mul3A_568, %add3A_569 : i32
        %dma_start3A_571 = arith.constant 1 : i32
        %dma_start3A_572 = arith.constant 0 : i32
        %dma_start3A_573 = arith.constant 0 : i32
        %dma_start3A_574 = tpu.memref_slice %arg18[%dma_start3A_571, %dma_start3A_572, %dma_start3A_573] : memref<2x256x32xf32, #tpu.memory_space<vmem>> -> memref<1x256x32xf32, #tpu.memory_space<vmem>>
        %dma_start3A_575 = tpu.memref_squeeze %dma_start3A_574 : memref<1x256x32xf32, #tpu.memory_space<vmem>> -> memref<256x32xf32, #tpu.memory_space<vmem>>
        %dma_start3A_576 = arith.constant 0 : i32
        %dma_start3A_577 = arith.constant 0 : i32
        %dma_start3A_578 = tpu.memref_slice %dma_start3A_575[%dma_start3A_576, %dma_start3A_577] : memref<256x32xf32, #tpu.memory_space<vmem>> -> memref<128x32xf32, #tpu.memory_space<vmem>>
        %dma_start3A_579 = arith.constant 0 : i32
        %dma_start3A_580 = tpu.memref_slice %arg14[%add3A_558, %dma_start3A_579] : memref<80x128xi32, #tpu.memory_space<vmem>> -> memref<1x128xi32, #tpu.memory_space<vmem>>
        %dma_start3A_581 = tpu.memref_squeeze %dma_start3A_580 : memref<1x128xi32, #tpu.memory_space<vmem>> -> memref<128xi32, #tpu.memory_space<vmem>>
        %dma_start3A_582 = arith.constant 0 : i32
        %dma_start3A_583 = arith.constant 0 : i32
        %dma_start3A_584 = tpu.memref_slice %arg6[%dma_start3A_582, %dma_start3A_583] : memref<1000000x32xf32, #tpu.memory_space<hbm>> -> memref<1000000x32xf32, #tpu.memory_space<hbm>>
        tpu.enqueue_indirect_dma source(%dma_start3A_584 : memref<1000000x32xf32, #tpu.memory_space<hbm>>) target(%dma_start3A_578 : memref<128x32xf32, #tpu.memory_space<vmem>>) offsets(%dma_start3A_581 : memref<128xi32, #tpu.memory_space<vmem>>) semaphore(%arg26 : memref<!tpu.dma_semaphore, #tpu.memory_space<semaphore_mem>>)
        %dma_start3A_585 = arith.constant 1 : i32
        %dma_start3A_586 = arith.constant 0 : i32
        %dma_start3A_587 = arith.constant 0 : i32
        %dma_start3A_588 = tpu.memref_slice %arg18[%dma_start3A_585, %dma_start3A_586, %dma_start3A_587] : memref<2x256x32xf32, #tpu.memory_space<vmem>> -> memref<1x256x32xf32, #tpu.memory_space<vmem>>
        %dma_start3A_589 = tpu.memref_squeeze %dma_start3A_588 : memref<1x256x32xf32, #tpu.memory_space<vmem>> -> memref<256x32xf32, #tpu.memory_space<vmem>>
        %dma_start3A_590 = arith.constant 128 : i32
        %dma_start3A_591 = arith.constant 0 : i32
        %dma_start3A_592 = tpu.memref_slice %dma_start3A_589[%dma_start3A_590, %dma_start3A_591] : memref<256x32xf32, #tpu.memory_space<vmem>> -> memref<128x32xf32, #tpu.memory_space<vmem>>
        %dma_start3A_593 = arith.constant 0 : i32
        %dma_start3A_594 = tpu.memref_slice %arg14[%add3A_562, %dma_start3A_593] : memref<80x128xi32, #tpu.memory_space<vmem>> -> memref<1x128xi32, #tpu.memory_space<vmem>>
        %dma_start3A_595 = tpu.memref_squeeze %dma_start3A_594 : memref<1x128xi32, #tpu.memory_space<vmem>> -> memref<128xi32, #tpu.memory_space<vmem>>
        %dma_start3A_596 = arith.constant 0 : i32
        %dma_start3A_597 = arith.constant 0 : i32
        %dma_start3A_598 = tpu.memref_slice %arg6[%dma_start3A_596, %dma_start3A_597] : memref<1000000x32xf32, #tpu.memory_space<hbm>> -> memref<1000000x32xf32, #tpu.memory_space<hbm>>
        tpu.enqueue_indirect_dma source(%dma_start3A_598 : memref<1000000x32xf32, #tpu.memory_space<hbm>>) target(%dma_start3A_592 : memref<128x32xf32, #tpu.memory_space<vmem>>) offsets(%dma_start3A_595 : memref<128xi32, #tpu.memory_space<vmem>>) semaphore(%arg26 : memref<!tpu.dma_semaphore, #tpu.memory_space<semaphore_mem>>)
        %dma_start3A_599 = arith.constant 1 : i32
        %dma_start3A_600 = arith.constant 0 : i32
        %dma_start3A_601 = arith.constant 0 : i32
        %dma_start3A_602 = tpu.memref_slice %arg19[%dma_start3A_599, %dma_start3A_600, %dma_start3A_601] : memref<2x256x32xf32, #tpu.memory_space<vmem>> -> memref<1x256x32xf32, #tpu.memory_space<vmem>>
        %dma_start3A_603 = tpu.memref_squeeze %dma_start3A_602 : memref<1x256x32xf32, #tpu.memory_space<vmem>> -> memref<256x32xf32, #tpu.memory_space<vmem>>
        %dma_start3A_604 = arith.constant 0 : i32
        %dma_start3A_605 = arith.constant 0 : i32
        %dma_start3A_606 = tpu.memref_slice %dma_start3A_603[%dma_start3A_604, %dma_start3A_605] : memref<256x32xf32, #tpu.memory_space<vmem>> -> memref<128x32xf32, #tpu.memory_space<vmem>>
        %dma_start3A_607 = arith.constant 0 : i32
        %dma_start3A_608 = tpu.memref_slice %arg14[%add3A_566, %dma_start3A_607] : memref<80x128xi32, #tpu.memory_space<vmem>> -> memref<1x128xi32, #tpu.memory_space<vmem>>
        %dma_start3A_609 = tpu.memref_squeeze %dma_start3A_608 : memref<1x128xi32, #tpu.memory_space<vmem>> -> memref<128xi32, #tpu.memory_space<vmem>>
        %dma_start3A_610 = arith.constant 0 : i32
        %dma_start3A_611 = arith.constant 0 : i32
        %dma_start3A_612 = tpu.memref_slice %arg7[%dma_start3A_610, %dma_start3A_611] : memref<1000000x32xf32, #tpu.memory_space<hbm>> -> memref<1000000x32xf32, #tpu.memory_space<hbm>>
        tpu.enqueue_indirect_dma source(%dma_start3A_612 : memref<1000000x32xf32, #tpu.memory_space<hbm>>) target(%dma_start3A_606 : memref<128x32xf32, #tpu.memory_space<vmem>>) offsets(%dma_start3A_609 : memref<128xi32, #tpu.memory_space<vmem>>) semaphore(%arg26 : memref<!tpu.dma_semaphore, #tpu.memory_space<semaphore_mem>>)
        %dma_start3A_613 = arith.constant 1 : i32
        %dma_start3A_614 = arith.constant 0 : i32
        %dma_start3A_615 = arith.constant 0 : i32
        %dma_start3A_616 = tpu.memref_slice %arg19[%dma_start3A_613, %dma_start3A_614, %dma_start3A_615] : memref<2x256x32xf32, #tpu.memory_space<vmem>> -> memref<1x256x32xf32, #tpu.memory_space<vmem>>
        %dma_start3A_617 = tpu.memref_squeeze %dma_start3A_616 : memref<1x256x32xf32, #tpu.memory_space<vmem>> -> memref<256x32xf32, #tpu.memory_space<vmem>>
        %dma_start3A_618 = arith.constant 128 : i32
        %dma_start3A_619 = arith.constant 0 : i32
        %dma_start3A_620 = tpu.memref_slice %dma_start3A_617[%dma_start3A_618, %dma_start3A_619] : memref<256x32xf32, #tpu.memory_space<vmem>> -> memref<128x32xf32, #tpu.memory_space<vmem>>
        %dma_start3A_621 = arith.constant 0 : i32
        %dma_start3A_622 = tpu.memref_slice %arg14[%add3A_570, %dma_start3A_621] : memref<80x128xi32, #tpu.memory_space<vmem>> -> memref<1x128xi32, #tpu.memory_space<vmem>>
        %dma_start3A_623 = tpu.memref_squeeze %dma_start3A_622 : memref<1x128xi32, #tpu.memory_space<vmem>> -> memref<128xi32, #tpu.memory_space<vmem>>
        %dma_start3A_624 = arith.constant 0 : i32
        %dma_start3A_625 = arith.constant 0 : i32
        %dma_start3A_626 = tpu.memref_slice %arg7[%dma_start3A_624, %dma_start3A_625] : memref<1000000x32xf32, #tpu.memory_space<hbm>> -> memref<1000000x32xf32, #tpu.memory_space<hbm>>
        tpu.enqueue_indirect_dma source(%dma_start3A_626 : memref<1000000x32xf32, #tpu.memory_space<hbm>>) target(%dma_start3A_620 : memref<128x32xf32, #tpu.memory_space<vmem>>) offsets(%dma_start3A_623 : memref<128xi32, #tpu.memory_space<vmem>>) semaphore(%arg26 : memref<!tpu.dma_semaphore, #tpu.memory_space<semaphore_mem>>)
      } else {
      }
    }
    %scan3A_370 = arith.constant 20 : i32
    %mul3A_371 = arith.constant 10240 : i32
    %mul3A_372 = arith.muli %add3A, %mul3A_371 : i32
    "tpu.region"() ({
      %run_scoped3A = tpu.sem_alloc : memref<!tpu.dma_semaphore, #tpu.memory_space<semaphore_mem>>
      %dma_start3A_379 = tpu.memref_slice %arg8[%mul3A_372] : memref<327680xf32, #tpu.memory_space<hbm>> -> memref<10240xf32, #tpu.memory_space<hbm>>
      %dma_start3A_380 = tpu.memref_slice %arg8[%mul3A_372] : memref<327680xf32, #tpu.memory_space<hbm>> -> memref<10240xf32, #tpu.memory_space<hbm>>
      tpu.enqueue_dma source(%arg22 : memref<10240xf32, #tpu.memory_space<vmem>>) target(%dma_start3A_380 : memref<10240xf32, #tpu.memory_space<hbm>>) target_semaphore(%run_scoped3A : memref<!tpu.dma_semaphore, #tpu.memory_space<semaphore_mem>>)
      %dma_wait3A_381 = tpu.memref_slice %arg8[%mul3A_372] : memref<327680xf32, #tpu.memory_space<hbm>> -> memref<10240xf32, #tpu.memory_space<hbm>>
      %dma_wait3A_382 = tpu.memref_slice %arg8[%mul3A_372] : memref<327680xf32, #tpu.memory_space<hbm>> -> memref<10240xf32, #tpu.memory_space<hbm>>
      tpu.wait_dma2 semaphore(%run_scoped3A : memref<!tpu.dma_semaphore, #tpu.memory_space<semaphore_mem>>) src(%arg22 : memref<10240xf32, #tpu.memory_space<vmem>>) dst(%dma_wait3A_382 : memref<10240xf32, #tpu.memory_space<hbm>>)
      tpu.yield
    }) : () -> ()
    %mul3A_373 = arith.constant 10240 : i32
    %mul3A_374 = arith.muli %add3A, %mul3A_373 : i32
    "tpu.region"() ({
      %run_scoped3A = tpu.sem_alloc : memref<!tpu.dma_semaphore, #tpu.memory_space<semaphore_mem>>
      %dma_start3A_379 = tpu.memref_slice %arg9[%mul3A_374] : memref<327680xf32, #tpu.memory_space<hbm>> -> memref<10240xf32, #tpu.memory_space<hbm>>
      %dma_start3A_380 = tpu.memref_slice %arg9[%mul3A_374] : memref<327680xf32, #tpu.memory_space<hbm>> -> memref<10240xf32, #tpu.memory_space<hbm>>
      tpu.enqueue_dma source(%arg23 : memref<10240xf32, #tpu.memory_space<vmem>>) target(%dma_start3A_380 : memref<10240xf32, #tpu.memory_space<hbm>>) target_semaphore(%run_scoped3A : memref<!tpu.dma_semaphore, #tpu.memory_space<semaphore_mem>>)
      %dma_wait3A_381 = tpu.memref_slice %arg9[%mul3A_374] : memref<327680xf32, #tpu.memory_space<hbm>> -> memref<10240xf32, #tpu.memory_space<hbm>>
      %dma_wait3A_382 = tpu.memref_slice %arg9[%mul3A_374] : memref<327680xf32, #tpu.memory_space<hbm>> -> memref<10240xf32, #tpu.memory_space<hbm>>
      tpu.wait_dma2 semaphore(%run_scoped3A : memref<!tpu.dma_semaphore, #tpu.memory_space<semaphore_mem>>) src(%arg23 : memref<10240xf32, #tpu.memory_space<vmem>>) dst(%dma_wait3A_382 : memref<10240xf32, #tpu.memory_space<hbm>>)
      tpu.yield
    }) : () -> ()
    %mul3A_375 = arith.constant 512 : i32
    %mul3A_376 = arith.muli %add3A, %mul3A_375 : i32
    "tpu.region"() ({
      %run_scoped3A = tpu.sem_alloc : memref<!tpu.dma_semaphore, #tpu.memory_space<semaphore_mem>>
      %dma_start3A_379 = arith.constant 0 : i32
      %dma_start3A_380 = tpu.memref_slice %arg10[%mul3A_376, %dma_start3A_379] : memref<16384x32xf32, #tpu.memory_space<hbm>> -> memref<512x32xf32, #tpu.memory_space<hbm>>
      %dma_start3A_381 = arith.constant 0 : i32
      %dma_start3A_382 = tpu.memref_slice %arg10[%mul3A_376, %dma_start3A_381] : memref<16384x32xf32, #tpu.memory_space<hbm>> -> memref<512x32xf32, #tpu.memory_space<hbm>>
      tpu.enqueue_dma source(%arg16 : memref<512x32xf32, #tpu.memory_space<vmem>>) target(%dma_start3A_382 : memref<512x32xf32, #tpu.memory_space<hbm>>) target_semaphore(%run_scoped3A : memref<!tpu.dma_semaphore, #tpu.memory_space<semaphore_mem>>)
      %dma_wait3A_383 = arith.constant 0 : i32
      %dma_wait3A_384 = tpu.memref_slice %arg10[%mul3A_376, %dma_wait3A_383] : memref<16384x32xf32, #tpu.memory_space<hbm>> -> memref<512x32xf32, #tpu.memory_space<hbm>>
      %dma_wait3A_385 = arith.constant 0 : i32
      %dma_wait3A_386 = tpu.memref_slice %arg10[%mul3A_376, %dma_wait3A_385] : memref<16384x32xf32, #tpu.memory_space<hbm>> -> memref<512x32xf32, #tpu.memory_space<hbm>>
      tpu.wait_dma2 semaphore(%run_scoped3A : memref<!tpu.dma_semaphore, #tpu.memory_space<semaphore_mem>>) src(%arg16 : memref<512x32xf32, #tpu.memory_space<vmem>>) dst(%dma_wait3A_386 : memref<512x32xf32, #tpu.memory_space<hbm>>)
      tpu.yield
    }) : () -> ()
    %mul3A_377 = arith.constant 512 : i32
    %mul3A_378 = arith.muli %add3A, %mul3A_377 : i32
    "tpu.region"() ({
      %run_scoped3A = tpu.sem_alloc : memref<!tpu.dma_semaphore, #tpu.memory_space<semaphore_mem>>
      %dma_start3A_379 = arith.constant 0 : i32
      %dma_start3A_380 = tpu.memref_slice %arg11[%mul3A_378, %dma_start3A_379] : memref<16384x32xf32, #tpu.memory_space<hbm>> -> memref<512x32xf32, #tpu.memory_space<hbm>>
      %dma_start3A_381 = arith.constant 0 : i32
      %dma_start3A_382 = tpu.memref_slice %arg11[%mul3A_378, %dma_start3A_381] : memref<16384x32xf32, #tpu.memory_space<hbm>> -> memref<512x32xf32, #tpu.memory_space<hbm>>
      tpu.enqueue_dma source(%arg17 : memref<512x32xf32, #tpu.memory_space<vmem>>) target(%dma_start3A_382 : memref<512x32xf32, #tpu.memory_space<hbm>>) target_semaphore(%run_scoped3A : memref<!tpu.dma_semaphore, #tpu.memory_space<semaphore_mem>>)
      %dma_wait3A_383 = arith.constant 0 : i32
      %dma_wait3A_384 = tpu.memref_slice %arg11[%mul3A_378, %dma_wait3A_383] : memref<16384x32xf32, #tpu.memory_space<hbm>> -> memref<512x32xf32, #tpu.memory_space<hbm>>
      %dma_wait3A_385 = arith.constant 0 : i32
      %dma_wait3A_386 = tpu.memref_slice %arg11[%mul3A_378, %dma_wait3A_385] : memref<16384x32xf32, #tpu.memory_space<hbm>> -> memref<512x32xf32, #tpu.memory_space<hbm>>
      tpu.wait_dma2 semaphore(%run_scoped3A : memref<!tpu.dma_semaphore, #tpu.memory_space<semaphore_mem>>) src(%arg17 : memref<512x32xf32, #tpu.memory_space<vmem>>) dst(%dma_wait3A_386 : memref<512x32xf32, #tpu.memory_space<hbm>>)
      tpu.yield
    }) : () -> ()
    return
  }
}

</mosaic_0001>

<sc_bundles>
// kernel: _sc_call.3.cloned.1.call-start
scs
__scs_entry_jumppad:
0x0: {  	(pc) =	sbr.rel $0x88, $3  }
0x1: {  	(tag) =	ssettag $0x0;
	lr =	simm.s32 $0x1  }
0x2: {  	[smem:$0x3F9B] =	sst lr;
	_ =	strace $0xD0000000  }
0x3: {  	_ = 	snop  }
0x4: {  	_ = 	snop  }
0x5: {  	_ = 	snop  }
0x6: {  	_ = 	snop  }
0x7: {  	_ = 	snop  }
__scs_overlays_trampoline_lowered:
0x8: {  	[smem:$0x3FAA] =	sst s0  }
0x9: {  	[smem:$0x3FAB] =	sst s1  }
0xa: {  	[smem:$0x3FAC] =	sst s2  }
0xb: {  	[smem:$0x3FAD] =	sst s3  }
0xc: {  	[smem:$0x3FAE] =	sst s4  }
0xd: {  	[smem:$0x3FAF] =	sst s5  }
0xe: {  	[smem:$0x3FB0] =	sst s6  }
0xf: {  	[smem:$0x3FB1] =	sst s7  }
0x10: {  	[smem:$0x3FB2] =	sst s8  }
0x11: {  	[smem:$0x3FB3] =	sst s9;
	s0 =	simm.s32 @!p0 $0x0  }
0x12: {  	s1 =	sld [smem:$0x3F99];
	s0 =	simm.s32 @p0 $0x1  }
0x13: {  	[smem:$0x3FB4] =	sst s0;
	s0 =	simm.s32 @!p1 $0x0  }
0x14: {  	s2 =	sld [smem:$0x3F98];
	s0 =	simm.s32 @p1 $0x1  }
0x15: {  	[smem:$0x3FB5] =	sst s0;
	s0 =	simm.s32 @!p2 $0x0  }
0x16: {  	s3 =	sld [smem:$0x3FDB];
	s0 =	simm.s32 @p2 $0x1  }
0x17: {  	s4 =	simm.s32 $0x1BF5;
	[smem:$0x3FB7] =	sst s0  }
0x18: {  	s0 =	sld [smem:$0x3F9A];
	_ =	swait.ge [sflag:s4], $0x0  }
0x19: {  	s7 =	sld [smem:$0x3F9B]  }
0x1a: {  	s8 =	sadd.s32 $0xFFFFE003, lr  }
0x1b: {  	s9 =	sadd.s32 $0xFFFFFEF7, lr;
	s5 =	simm.s32 $0xFFFFFFFF;
	p2 =	slt.u32 s8, $0xFFFFF086  }
0x1c: {  	p1 =	slt.u32 s9, $0xF7A;
	s5 =	simm.s32 @!p2 $0x0  }
0x1d: {  	s5 =	simm.s32 @p1 $0x1;
	p0 =	seq.s32 s7, s2  }
0x1e: {  	s7 =	smul.u32 @!p0 $0xF7A, s2;
	p2 =	seq.s32 @!p0 s5, $0x0  }
0x1f: {  	s9 =	smul.u32 $0xF7A, s1;
	s8 =	simm.s32 @!p0 $0x1BF5;
	p2 =	por !p2, p0  }
0x20: {  	[sflag:s8] =	ssyncset.s32 @!p0 $0xFFFFF086;
	s6 =	sadd.s32 @!p0 s3, s7;
	s7 =	simm.s32 @!p0 $0x108  }
0x21: {  	s3 =	sadd.s32 s3, s9;
	s6 =	sadd.s32 @!p0 $0x88, s6;
	s7 =	simm.s32 @p2 $0x1082  }
0x22: {  	[simem:s7], [sflag:s8] =	dma.local @!p0 [hbm:s6], $0xF7A  }
0x23: {  	s9 =	sor.u32 $0xD0000000, s2;
	s6 =	simm.s32 $0x108;
	_ =	swait.ge @!p0 [sflag:s8], $0x0  }
0x24: {  	s3 =	sadd.s32 $0x88, s3;
	s6 =	simm.s32 @!p1 $0x1082;
	[sflag:s4] =	ssyncset.s32 $0xFFFFF086  }
0x25: {  	[simem:s6], [sflag:s4] =	dma.local [hbm:s3], $0xF7A  }
0x26: {  	[smem:$0x3F9B] =	sst s1;
	(tag) =	ssettag s2;
	_ =	strace s9  }
0x27: {  	s1 =	sld [smem:$0x3FAB]  }
0x28: {  	s2 =	sld [smem:$0x3FAC]  }
0x29: {  	s4 =	sld [smem:$0x3FAE]  }
0x2a: {  	p0 =	seq.s32 s5, $0x0;
	s5 =	sld [smem:$0x3FAF]  }
0x2b: {  	s6 =	sld [smem:$0x3FB0]  }
0x2c: {  	s7 =	sld [smem:$0x3FB1]  }
0x2d: {  	s3 =	simm.s32 $0x108;
	s8 =	sld [smem:$0x3FB2]  }
0x2e: {  	s3 =	simm.s32 @!p0 $0x1082;
	s9 =	sld [smem:$0x3FB3]  }
0x2f: {  	lr =	sadd.s32 s0, s3;
	s0 =	sld [smem:$0x3FAA]  }
0x30: {  	s3 =	sld [smem:$0x3FAD]  }
0x31: {  	[smem:$0x3FB6] =	sst s10  }
0x32: {  	s10 =	sld [smem:$0x3FB4];
	_ =	sdelay $0x3  }
0x33: {  	p0 =	seq.s32 s10, $0x1;
	s10 =	sld [smem:$0x3FB6];
	_ =	sdelay $0x3  }
0x34: {  	[smem:$0x3FB6] =	sst s10  }
0x35: {  	s10 =	sld [smem:$0x3FB5];
	_ =	sdelay $0x3  }
0x36: {  	p1 =	seq.s32 s10, $0x1;
	s10 =	sld [smem:$0x3FB6];
	_ =	sdelay $0x3  }
0x37: {  	[smem:$0x3FB6] =	sst s10  }
0x38: {  	s10 =	sld [smem:$0x3FB7]  }
0x39: {  	_ = 	snop;
	(pc) =	sbr.ind lr, $3  }
0x3a: {  	_ = 	snop  }
0x3b: {  	_ = 	snop  }
0x3c: {  	p2 =	seq.s32 s10, $0x1;
	s10 =	sld [smem:$0x3FB6]  }
0x3d: {  	_ =	shalt  }
0x3e: {  	_ =	shalt  }
0x3f: {  	_ =	shalt  }
0x40: {  	_ =	shalt  }
0x41: {  	_ =	shalt  }
0x42: {  	_ =	shalt  }
0x43: {  	_ =	shalt  }
0x44: {  	_ =	shalt  }
0x45: {  	_ =	shalt  }
0x46: {  	_ =	shalt  }
0x47: {  	_ =	shalt  }
0x48: {  	_ =	shalt  }
0x49: {  	_ =	shalt  }
0x4a: {  	_ =	shalt  }
0x4b: {  	_ =	shalt  }
0x4c: {  	_ =	shalt  }
0x4d: {  	_ =	shalt  }
0x4e: {  	_ =	shalt  }
0x4f: {  	_ =	shalt  }
0x50: {  	_ =	shalt  }
0x51: {  	_ =	shalt  }
0x52: {  	_ =	shalt  }
0x53: {  	_ =	shalt  }
0x54: {  	_ =	shalt  }
0x55: {  	_ =	shalt  }
0x56: {  	_ =	shalt  }
0x57: {  	_ =	shalt  }
0x58: {  	_ =	shalt  }
0x59: {  	_ =	shalt  }
0x5a: {  	_ =	shalt  }
0x5b: {  	_ =	shalt  }
0x5c: {  	_ =	shalt  }
0x5d: {  	_ =	shalt  }
0x5e: {  	_ =	shalt  }
0x5f: {  	_ =	shalt  }
0x60: {  	_ =	shalt  }
0x61: {  	_ =	shalt  }
0x62: {  	_ =	shalt  }
0x63: {  	_ =	shalt  }
0x64: {  	_ =	shalt  }
0x65: {  	_ =	shalt  }
0x66: {  	_ =	shalt  }
0x67: {  	_ =	shalt  }
0x68: {  	_ =	shalt  }
0x69: {  	_ =	shalt  }
0x6a: {  	_ =	shalt  }
0x6b: {  	_ =	shalt  }
0x6c: {  	_ =	shalt  }
0x6d: {  	_ =	shalt  }
0x6e: {  	_ =	shalt  }
0x6f: {  	_ =	shalt  }
0x70: {  	_ =	shalt  }
0x71: {  	_ =	shalt  }
0x72: {  	_ =	shalt  }
0x73: {  	_ =	shalt  }
0x74: {  	_ =	shalt  }
0x75: {  	_ =	shalt  }
0x76: {  	_ =	shalt  }
0x77: {  	_ =	shalt  }
0x78: {  	_ =	shalt  }
0x79: {  	_ =	shalt  }
0x7a: {  	_ =	shalt  }
0x7b: {  	_ =	shalt  }
0x7c: {  	_ =	shalt  }
0x7d: {  	_ =	shalt  }
0x7e: {  	_ =	shalt  }
0x7f: {  	_ =	shalt  }
0x80: {  	_ =	shalt  }
0x81: {  	_ =	shalt  }
0x82: {  	_ =	shalt  }
0x83: {  	_ =	shalt  }
0x84: {  	_ =	shalt  }
0x85: {  	_ =	shalt  }
0x86: {  	_ =	shalt  }
0x87: {  	_ =	shalt  }
.Lfunc_end0:
.L_simem_size_0:
called_computation_lowered:
.L_overlay_start_0:
0x88: {  	s2 =	sld [smem:$0x3FD9]  }
0x89: {  	s3 =	sld [smem:$0x3FFE];
	_ =	sdelay $0x1  }
0x8a: {  	s1 =	srdreg.scid  }
0x8b: {  	s0 =	sand.u32 $0x1, s1  }
0x8c: {  	s14 =	sshll.u32 s0, $0xA;
	s2 =	sadd.s32 s3, s2  }
0x8d: {  	s2 =	sadd.s32 s2, s14  }
0x8e: {  	[smem:$0x3FC2] =	sst s2  }
0x8f: {  	_ = 	snop  }
0x90: {  	s2 =	sld [smem:$0x3FD0]  }
0x91: {  	s15 =	sld [smem:$0x3FC9]  }
0x92: {  	s4 =	sld [smem:$0x3FC8]  }
0x93: {  	s6 =	simm.s32 $0xA;
	s7 =	simm.s32 $0x10;
	s5 =	sld [smem:$0x3FC7]  }
0x94: {  	[smem:s7], [sflag:s6] =	dma.local [hbm:s2], $0x1  }
0x95: {  	_ =	swait.eq [sflag:s6], $0x1  }
0x96: {  	s16 =	sld [smem:$0x10];
	[sflag:s6] =	ssyncset.done $0x0  }
0x97: {  	s17 =	sld [smem:$0x11];
	[sflag:s6] =	ssyncadd.s32 $0xFFFFFFFF  }
0x98: {  	s18 =	sld [smem:$0x13];
	(tm) =	ssettm $0x1  }
0x99: {  	s8 =	sld [smem:$0x3FFB];
	_ =	sdelay $0x3  }
0x9a: {  	_ =	strace s8  }
0x9b: {  	s8 =	sld [smem:$0x3FFC];
	_ =	sdelay $0x3  }
0x9c: {  	_ =	strace s8  }
0x9d: {  	s8 =	sld [smem:$0x3FFD];
	_ =	sdelay $0x3  }
0x9e: {  	_ =	strace s8  }
0x9f: {  	_ =	strace $0x8FFFFFFF  }
0xa0: {  	s19 =	sld [smem:$0x3FDB];
	_ =	sdelay $0x1  }
0xa1: {  	s9 =	simm.s32 $_scs_section_size  }
0xa2: {  	s10 =	simm.s32 $_size__tile_overlayer_lowered;
	s11 =	simm.s32 $_tile_overlayer_lowered  }
0xa3: {  	s22 =	simm.s32 $0x1BFF;
	s21 =	sshll.u32 s11, $0x1;
	s8 =	sadd.s32 s9, s19  }
0xa4: {  	s12 =	simm.s32 $0x0;
	s20 =	sshll.u32 s10, $0x1;
	s10 =	sadd.s32 s21, s8  }
0xa5: {  	[timem:s12], [sflag:s22] =	dma.local [hbm:s10], s20  }
0xa6: {  	_ =	swait.ge [sflag:s22], s20  }
0xa7: {  	s9 =	ssub.s32 $0x0, s20;
	[sflag:s22] =	ssyncset.done $0x0  }
0xa8: {  	[sflag:s22] =	ssyncadd.s32 s9;
	_ =	sdelay $0x1  }
0xa9: {  	s23 =	simm.s32 $0x1B8B  }
0xaa: {  	_ =	swait.ge [sflag:s23], $0x1  }
0xab: {  	[sflag:s23] =	ssyncset.done $0x0  }
0xac: {  	s25 =	simm.s32 $0x1B8E;
	s24 =	sld [smem:$0x3FFE];
	[sflag:s23] =	ssyncadd.s32 $0xFFFFFFFF  }
0xad: {  	s26 =	simm.s32 $execute0_lowered;
	[smem:$0x3FD2] =	sst s25  }
0xae: {  	s10 =	sshll.u32 s26, $0x1;
	_ =	strace $0x80000046;
	[dreg:$0x1] =	wrdreg $0xFFFFFFFF  }
0xaf: {  	s28 =	simm.s32 $_size_execute0_lowered;
	s8 =	sadd.s32 s8, s10;
	[dreg:$0x0] =	wrdreg $0x0  }
0xb0: {  	s10 =	sshll.u32 s28, $0x1;
	[dreg:$0x2] =	wrdreg s8  }
0xb1: {  	[dreg:$0x3] =	wrdreg s10  }
0xb2: {  	[dreg:$0x4] =	wrdreg $0xC0  }
0xb3: {  	_ =	task [dreg:s12], $0x5FFFF  }
0xb4: {  	[dreg:$0x1] =	wrdreg $0xFFFFFFFF  }
0xb5: {  	[dreg:$0x0] =	wrdreg $0x60  }
0xb6: {  	[dreg:$0x2] =	wrdreg s15  }
0xb7: {  	[dreg:$0x3] =	wrdreg s4  }
0xb8: {  	[dreg:$0x4] =	wrdreg s5  }
0xb9: {  	[dreg:$0x5] =	wrdreg s24  }
0xba: {  	[dreg:$0x6] =	wrdreg s16  }
0xbb: {  	[dreg:$0x7] =	wrdreg s17  }
0xbc: {  	[dreg:$0x8] =	wrdreg s18  }
0xbd: {  	[dreg:$0x9] =	wrdreg $0x9  }
0xbe: {  	_ =	task.clear_ibuf [dreg:s12], $0xAFFFF;
	_ =	strace $0x90000046  }
0xbf: {  	s29 =	simm.s32 $0x9;
	_ =	strace $0x80000048  }
0xc0: {  	_ =	swait.ge [sflag:s29], $0x1  }
0xc1: {  	[sflag:s29] =	ssyncadd.s32 $0xFFFFFFFF  }
0xc2: {  	_ =	strace $0x90000048  }
0xc3: {  	_ =	sfence  }
0xc4: {  	s30 =	sld [smem:$0x0];
	_ =	sdelay $0x2  }
0xc5: {  	s31 =	sshll.u32 s1, $0xD;
	s1 =	sshrl.u32 s1, $0x2  }
0xc6: {  	s3 =	sand.u32 $0x4000, s31;
	s1 =	sadd.s32 s1, s30  }
0xc7: {  	s0 =	sor.u32 s3, s0;
	s1 =	sshll.u32 s1, $0x11  }
0xc8: {  	s0 =	sor.u32 s1, s0  }
0xc9: {  	s0 =	sadd.s32 $0x8F2B, s0  }
0xca: {  	[sflag:s0] =	ssyncadd.remote.s32 $0x1  }
0xcb: {  	_ =	sfence.sel $0xFFFF  }
0xcc: {  	[dreg:$0x0] =	wrdreg $0xFFFFFFFF;
	(pc) =	sbr.abs _section_cstart, $3  }
0xcd: {  	[dreg:$0x1] =	wrdreg $0xFFFFFFFF  }
0xce: {  	_ =	task.clear_ibuf [dreg:s12], $0x2FFFF;
	_ =	strace $0x9FFFFFFF  }
0xcf: {  	(tm) =	ssettm $0x7FFFFFFF  }
tec
execute0_lowered:
.L_overlay_start_1:
0x0: {  	(tag) =	ssettag $0x1  }
0x1: {  	s0 =	rddreg [dreg:$0x0]  }
0x2: {  	s2 =	rddreg [dreg:$0x1]  }
0x3: {  	s6 =	rddreg [dreg:$0x2]  }
0x4: {  	s7 =	rddreg [dreg:$0x3]  }
0x5: {  	s8 =	rddreg [dreg:$0x4]  }
0x6: {  	s9 =	rddreg [dreg:$0x5]  }
0x7: {  	s10 =	rddreg [dreg:$0x6];
	s1 =	simm.s32 $0x0;
	s5 =	srdreg.scid  }
0x8: {  	s19 =	stileid.u32;
	s17 =	simm.s32 $0x80;
	s18 =	simm.s32 $0x2C00  }
0x9: {  	s29 =	simm.s32 $0x12C00;
	s30 =	simm.s32 $0x15C00;
	s28 =	simm.s32 $0x2  }
0xa: {  	s31 =	simm.s32 $0x3;
	[smem:$0x7FF] =	sst s1;
	s3 =	sadd.s32 $0xF42C00, s7  }
0xb: {  	s4 =	sadd.s32 $0x1313600, s7;
	s11 =	sand.u32 $0x1, s5;
	s12 =	sshll.u32 s19, $0x1  }
0xc: {  	s5 =	sadd.s32 $0x16E4000, s7;
	s19 =	simm.s32 $0x6C00;
	_ =	strace $0x80000047  }
0xd: {  	[dreg:$0x8] =	wrdreg s3;
	s12 =	sor.u32 s11, s12;
	s11 =	ssub.s32 $0x2, s11  }
0xe: {  	s13 =	sshll.u32 s12, $0xB;
	s15 =	smul.u32 $0x500, s12;
	s12 =	sshll.u32 s12, $0x6  }
0xf: {  	s14 =	sshrl.u32 s11, $0x1;
	s7 =	sadd.s32 s13, s7;
	s0 =	sadd.s32 s0, s12  }
0x10: {  	s11 =	ssub.s32 s11, s14;
	s20 =	sadd.s32 s2, s12;
	[dreg:$0x9] =	wrdreg s0  }
0x11: {  	s24 =	sadd.s32 s10, s13;
	s14 =	simm.s32 $0x4;
	[dreg:$0xa] =	wrdreg s20  }
0x12: {  	s2 =	simm.s32 $0x16C00;
	s21 =	sadd.s32 s6, s15;
	[dreg:$0xe] =	wrdreg s24  }
0x13: {  	s22 =	sadd.s32 s8, s15;
	s23 =	sadd.s32 s9, s15;
	[dreg:$0xb] =	wrdreg s21  }
.Ltmp0:
0x14: {  	s25 =	sadd.s32 $0x800, s7;
	[dreg:$0xc] =	wrdreg s22;
	(pc) =	sbr.rel .LBB2_1-.Ltmp0, $4  }
0x15: {  	v0 =	vlaneseq.u32;
	s26 =	smax.u32 s11, $0x1;
	s20 =	simm.s32 $0xAC00;
	[dreg:$0xd] =	wrdreg s23  }
0x16: {  	v1 =	vmul.u32 $0x20, v0;
	s24 =	simm.s32 $0xEC00;
	s0 =	simm.s32 $0x10C00;
	[dreg:$0xf] =	wrdreg s25  }
0x17: {  	[dreg:$0x10] =	wrdreg s26;
	s23 =	simm.s32 $0x11C00;
	s26 =	simm.s32 $0x14C00  }
0x18: {  	[tilespmem:$0x1FFF0] =	vst v1;
	s22 =	simm.s32 $0x1;
	s25 =	simm.s32 $0x16E00;
	s21 =	simm.s32 $0x0  }
.LBB2_10:
0x19: {  	s1 =	simm.s32 $0x0;
	s3 =	rddreg [dreg:$0xc];
	s6 =	simm.s32 $0x17000  }
0x1a: {  	[hbm4b:s3+s1] =	stream.linear.scatter [tilespmem:s6], [sflag:$0x4], $0x2800, $0x38;
	[tilespmem:$0x1C000] =	vst v63  }
0x1b: {  	_ =	swait.ge [sflag:s14], $0x2800  }
0x1c: {  	[sflag:s14] =	ssyncset.done $0x0  }
0x1d: {  	s12 =	simm.s32 $0x19800;
	s11 =	rddreg [dreg:$0xd];
	[sflag:s14] =	ssyncadd.s32 $0xFFFFD800  }
0x1e: {  	[hbm4b:s11+s1] =	stream.linear.scatter [tilespmem:s12], [sflag:$0x4], $0x2800, $0x38;
	[tilespmem:$0x1C000] =	vst v63  }
0x1f: {  	_ =	swait.ge [sflag:s14], $0x2800  }
0x20: {  	[sflag:s14] =	ssyncset.done $0x0  }
0x21: {  	s13 =	rddreg [dreg:$0xe];
	[sflag:s14] =	ssyncadd.s32 $0xFFFFD800  }
0x22: {  	[hbm4b:s13+s1] =	stream.linear.scatter [tilespmem:s19], [sflag:$0x4], $0x4000, $0x38;
	[tilespmem:$0x1C000] =	vst v63  }
0x23: {  	_ =	swait.ge [sflag:s14], $0x4000  }
0x24: {  	[sflag:s14] =	ssyncset.done $0x0  }
0x25: {  	s15 =	rddreg [dreg:$0xf];
	[sflag:s14] =	ssyncadd.s32 $0xFFFFC000  }
0x26: {  	[hbm4b:s15+s1] =	stream.linear.scatter [tilespmem:s20], [sflag:$0x4], $0x4000, $0x38;
	[tilespmem:$0x1C000] =	vst v63  }
0x27: {  	_ =	swait.ge [sflag:s14], $0x4000  }
0x28: {  	s21 =	sadd.s32 $0x1, s21;
	s16 =	rddreg [dreg:$0x10]  }
0x29: {  	p0 =	sne.s32 s21, s16  }
.Ltmp1:
0x2a: {  	_ = 	snop;
	(pc) =	sbr.rel @!p0 .LBB2_11-.Ltmp1, $3  }
0x2b: {  	_ =	sdelay $0x1  }
0x2c: {  	[sflag:s14] =	ssyncset.done $0x0  }
0x2d: {  	v1 =	vmov v62;
	[sflag:s14] =	ssyncadd.s32 $0xFFFFC000  }
.LBB2_1:
0x2e: {  	s3 =	rddreg [dreg:$0x9]  }
0x2f: {  	[tilespmem:s1], [sflag:$0x4] =	stream.linear.gather [hbm4b:s3+s1], $0x200, $0x38;
	[tilespmem:$0x1C000] =	vst v63  }
0x30: {  	_ =	swait.ge [sflag:s14], $0x200  }
0x31: {  	[sflag:s14] =	ssyncset.done $0x0  }
0x32: {  	s6 =	simm.s32 $0x200;
	s11 =	rddreg [dreg:$0xa];
	[sflag:s14] =	ssyncadd.s32 $0xFFFFFE00  }
0x33: {  	[tilespmem:s6], [sflag:$0x4] =	stream.linear.gather [hbm4b:s11+s1], $0x200, $0x38;
	[tilespmem:$0x1C000] =	vst v63  }
0x34: {  	_ =	swait.ge [sflag:s14], $0x200  }
0x35: {  	[sflag:s14] =	ssyncset.done $0x0  }
0x36: {  	s7 =	simm.s32 $0x400;
	s12 =	rddreg [dreg:$0xb];
	[sflag:s14] =	ssyncadd.s32 $0xFFFFFE00  }
0x37: {  	[tilespmem:s7], [sflag:$0x4] =	stream.linear.gather [hbm4b:s12+s1], $0x2800, $0x38;
	[tilespmem:$0x1C000] =	vst v63  }
0x38: {  	_ =	swait.ge [sflag:s14], $0x2800  }
0x39: {  	[sflag:s14] =	ssyncset.done $0x0  }
0x3a: {  	s3 =	rddreg [dreg:$0x8];
	[sflag:s14] =	ssyncadd.s32 $0xFFFFD800  }
0x3b: {  	[tilespmem:s18], [sflag:$0x1] =	stream.indirect.gather [hbm4b:s3+s17], $0x20, s1, s17, $0xb8;
	[tilespmem:$0x1C000] =	vst v63  }
0x3c: {  	_ = 	snop  }
0x3d: {  	[tilespmem:s19], [sflag:$0x1] =	stream.indirect.gather [hbm4b:s4+s17], $0x20, s6, s17, $0xb8;
	[tilespmem:$0x1C000] =	vst v63  }
0x3e: {  	_ = 	snop  }
0x3f: {  	[tilespmem:s20], [sflag:$0x1] =	stream.indirect.gather [hbm4b:s5+s17], $0x20, s6, s17, $0xb8;
	[tilespmem:$0x1C000] =	vst v63  }
0x40: {  	s13 =	simm.s32 $0x3C00  }
0x41: {  	[tilespmem:s13], [sflag:$0x1] =	stream.indirect.gather [hbm4b:s3+s17], $0x20, s17, s17, $0xb8;
	[tilespmem:$0x1C000] =	vst v63  }
0x42: {  	s15 =	simm.s32 $0x280;
	s8 =	simm.s32 $0x7C00  }
0x43: {  	[tilespmem:s8], [sflag:$0x1] =	stream.indirect.gather [hbm4b:s4+s17], $0x20, s15, s17, $0xb8;
	[tilespmem:$0x1C000] =	vst v63  }
0x44: {  	s16 =	simm.s32 $0xBC00  }
0x45: {  	[tilespmem:s16], [sflag:$0x1] =	stream.indirect.gather [hbm4b:s5+s17], $0x20, s15, s17, $0xb8;
	[tilespmem:$0x1C000] =	vst v63  }
0x46: {  	s9 =	simm.s32 $0x4C00;
	s8 =	simm.s32 $0x100  }
0x47: {  	[tilespmem:s9], [sflag:$0x1] =	stream.indirect.gather [hbm4b:s3+s17], $0x20, s8, s17, $0xb8;
	[tilespmem:$0x1C000] =	vst v63  }
0x48: {  	s10 =	simm.s32 $0x300;
	s11 =	simm.s32 $0x8C00  }
0x49: {  	[tilespmem:s11], [sflag:$0x1] =	stream.indirect.gather [hbm4b:s4+s17], $0x20, s10, s17, $0xb8;
	[tilespmem:$0x1C000] =	vst v63  }
0x4a: {  	s12 =	simm.s32 $0xCC00  }
0x4b: {  	[tilespmem:s12], [sflag:$0x1] =	stream.indirect.gather [hbm4b:s5+s17], $0x20, s10, s17, $0xb8;
	[tilespmem:$0x1C000] =	vst v63  }
0x4c: {  	s13 =	simm.s32 $0x180;
	s15 =	simm.s32 $0x5C00  }
0x4d: {  	[tilespmem:s15], [sflag:$0x1] =	stream.indirect.gather [hbm4b:s3+s17], $0x20, s13, s17, $0xb8;
	[tilespmem:$0x1C000] =	vst v63  }
0x4e: {  	s16 =	simm.s32 $0x380;
	s8 =	simm.s32 $0x9C00  }
0x4f: {  	[tilespmem:s8], [sflag:$0x1] =	stream.indirect.gather [hbm4b:s4+s17], $0x20, s16, s17, $0xb8;
	[tilespmem:$0x1C000] =	vst v63  }
0x50: {  	s9 =	simm.s32 $0xDC00  }
0x51: {  	[tilespmem:s9], [sflag:$0x1] =	stream.indirect.gather [hbm4b:s5+s17], $0x20, s16, s17, $0xb8;
	[tilespmem:$0x1C000] =	vst v63  }
0x52: {  	_ = 	snop  }
0x53: {  	[tilespmem:s24], [sflag:$0x2] =	stream.indirect.gather [hbm4b:s4+s17], $0x20, s7, s17, $0xb8;
	[tilespmem:$0x1C000] =	vst v63  }
0x54: {  	s11 =	simm.s32 $0xFC00;
	s10 =	simm.s32 $0x480  }
0x55: {  	[tilespmem:s11], [sflag:$0x2] =	stream.indirect.gather [hbm4b:s4+s17], $0x20, s10, s17, $0xb8;
	[tilespmem:$0x1C000] =	vst v63  }
0x56: {  	_ = 	snop  }
0x57: {  	[tilespmem:s29], [sflag:$0x2] =	stream.indirect.gather [hbm4b:s5+s17], $0x20, s7, s17, $0xb8;
	[tilespmem:$0x1C000] =	vst v63  }
0x58: {  	s12 =	simm.s32 $0x13C00  }
0x59: {  	[tilespmem:s12], [sflag:$0x2] =	stream.indirect.gather [hbm4b:s5+s17], $0x20, s10, s17, $0xb8;
	[tilespmem:$0x1C000] =	vst v63  }
0x5a: {  	s13 =	simm.s32 $0x500  }
0x5b: {  	[tilespmem:s0], [sflag:$0x3] =	stream.indirect.gather [hbm4b:s4+s17], $0x20, s13, s17, $0xb8;
	[tilespmem:$0x1C000] =	vst v63  }
0x5c: {  	s15 =	simm.s32 $0x580  }
0x5d: {  	[tilespmem:s23], [sflag:$0x3] =	stream.indirect.gather [hbm4b:s4+s17], $0x20, s15, s17, $0xb8;
	[tilespmem:$0x1C000] =	vst v63  }
0x5e: {  	_ = 	snop  }
0x5f: {  	[tilespmem:s26], [sflag:$0x3] =	stream.indirect.gather [hbm4b:s5+s17], $0x20, s13, s17, $0xb8;
	[tilespmem:$0x1C000] =	vst v63  }
0x60: {  	_ = 	snop  }
0x61: {  	[tilespmem:s30], [sflag:$0x3] =	stream.indirect.gather [hbm4b:s5+s17], $0x20, s15, s17, $0xb8;
	[tilespmem:$0x1C000] =	vst v63  }
0x62: {  	_ =	swait.ge [sflag:s22], $0x1000  }
0x63: {  	[sflag:s22] =	ssyncset.done $0x0  }
0x64: {  	[sflag:s22] =	ssyncadd.s32 $0xFFFFF000  }
0x65: {  	_ =	swait.ge [sflag:s22], $0x1000  }
0x66: {  	[sflag:s22] =	ssyncset.done $0x0  }
0x67: {  	[sflag:s22] =	ssyncadd.s32 $0xFFFFF000  }
0x68: {  	_ =	swait.ge [sflag:s22], $0x1000  }
0x69: {  	[sflag:s22] =	ssyncset.done $0x0  }
0x6a: {  	[sflag:s22] =	ssyncadd.s32 $0xFFFFF000  }
0x6b: {  	_ =	swait.ge [sflag:s22], $0x1000  }
0x6c: {  	[sflag:s22] =	ssyncset.done $0x0  }
0x6d: {  	[sflag:s22] =	ssyncadd.s32 $0xFFFFF000  }
0x6e: {  	_ =	swait.ge [sflag:s22], $0x1000  }
0x6f: {  	[sflag:s22] =	ssyncset.done $0x0  }
0x70: {  	[sflag:s22] =	ssyncadd.s32 $0xFFFFF000  }
0x71: {  	_ =	swait.ge [sflag:s22], $0x1000  }
0x72: {  	[sflag:s22] =	ssyncset.done $0x0  }
0x73: {  	[sflag:s22] =	ssyncadd.s32 $0xFFFFF000  }
0x74: {  	_ =	swait.ge [sflag:s22], $0x1000  }
0x75: {  	[sflag:s22] =	ssyncset.done $0x0  }
0x76: {  	[sflag:s22] =	ssyncadd.s32 $0xFFFFF000  }
0x77: {  	_ =	swait.ge [sflag:s22], $0x1000  }
0x78: {  	[sflag:s22] =	ssyncset.done $0x0  }
0x79: {  	[sflag:s22] =	ssyncadd.s32 $0xFFFFF000  }
0x7a: {  	_ =	swait.ge [sflag:s22], $0x1000  }
0x7b: {  	[sflag:s22] =	ssyncset.done $0x0  }
0x7c: {  	[sflag:s22] =	ssyncadd.s32 $0xFFFFF000  }
0x7d: {  	_ =	swait.ge [sflag:s22], $0x1000  }
0x7e: {  	v2 =	vmov s1;
	[sflag:s22] =	ssyncset.done $0x0  }
0x7f: {  	v2 =	vshll.u32 v2, $0x5;
	[sflag:s22] =	ssyncadd.s32 $0xFFFFF000  }
0x80: {  	v32 =	vor.u32 v1, v2;
	_ =	swait.ge [sflag:s22], $0x1000  }
0x81: {  	v6 =	vor.u32 $0x1F, v32;
	[sflag:s22] =	ssyncset.done $0x0  }
0x82: {  	v9 =	vor.u32 $0x1C, v32;
	[sflag:s22] =	ssyncadd.s32 $0xFFFFF000  }
0x83: {  	v11 =	vor.u32 $0x1B, v32;
	_ =	swait.ge [sflag:s22], $0x1000  }
0x84: {  	v13 =	vor.u32 $0x1A, v32;
	[sflag:s22] =	ssyncset.done $0x0  }
0x85: {  	v15 =	vor.u32 $0x19, v32;
	[sflag:s22] =	ssyncadd.s32 $0xFFFFF000  }
0x86: {  	v17 =	vor.u32 $0x18, v32;
	v0 =	vld.idx.msk [tilespmem:v6+s19+$0x0], $0xffff  }
0x87: {  	v19 =	vor.u32 $0x17, v32;
	v8 =	vld.idx.msk [tilespmem:v9+s19+$0x0], $0xffff  }
0x88: {  	v21 =	vor.u32 $0x16, v32;
	v10 =	vld.idx.msk [tilespmem:v11+s19+$0x0], $0xffff  }
0x89: {  	v23 =	vor.u32 $0x15, v32;
	v12 =	vld.idx.msk [tilespmem:v13+s19+$0x0], $0xffff  }
0x8a: {  	v25 =	vor.u32 $0x14, v32;
	v14 =	vld.idx.msk [tilespmem:v15+s19+$0x0], $0xffff  }
0x8b: {  	v27 =	vor.u32 $0x13, v32;
	v16 =	vld.idx.msk [tilespmem:v17+s19+$0x0], $0xffff  }
0x8c: {  	v29 =	vor.u32 $0x12, v32;
	v18 =	vld.idx.msk [tilespmem:v19+s19+$0x0], $0xffff  }
0x8d: {  	v31 =	vor.u32 $0x11, v32;
	v20 =	vld.idx.msk [tilespmem:v21+s19+$0x0], $0xffff  }
0x8e: {  	v33 =	vor.u32 $0x10, v32;
	v22 =	vld.idx.msk [tilespmem:v23+s19+$0x0], $0xffff  }
0x8f: {  	v34 =	vor.u32 $0xF, v32;
	v24 =	vld.idx.msk [tilespmem:v25+s19+$0x0], $0xffff  }
0x90: {  	v35 =	vor.u32 $0xE, v32;
	v26 =	vld.idx.msk [tilespmem:v27+s19+$0x0], $0xffff  }
0x91: {  	v36 =	vor.u32 $0xD, v32;
	v28 =	vld.idx.msk [tilespmem:v29+s19+$0x0], $0xffff  }
0x92: {  	v37 =	vor.u32 $0xC, v32;
	v30 =	vld.idx.msk [tilespmem:v31+s19+$0x0], $0xffff  }
0x93: {  	v43 =	vor.u32 $0x4, v32;
	v39 =	vld.idx.msk [tilespmem:v33+s19+$0x0], $0xffff  }
0x94: {  	v45 =	vor.u32 $0x3, v32;
	v41 =	vld.idx.msk [tilespmem:v34+s19+$0x0], $0xffff  }
0x95: {  	v47 =	vor.u32 $0x2, v32;
	v42 =	vld.idx.msk [tilespmem:v35+s19+$0x0], $0xffff  }
0x96: {  	v49 =	vor.u32 $0x1, v32;
	v44 =	vld.idx.msk [tilespmem:v36+s19+$0x0], $0xffff  }
0x97: {  	v46 =	vld.idx.msk [tilespmem:v37+s19+$0x0], $0xffff  }
0x98: {  	v5 =	vor.u32 $0x1E, v32;
	v51 =	vld.idx.msk [tilespmem:v43+s19+$0x0], $0xffff  }
0x99: {  	v52 =	vld.idx.msk [tilespmem:v45+s19+$0x0], $0xffff  }
0x9a: {  	v53 =	vld.idx.msk [tilespmem:v47+s19+$0x0], $0xffff  }
0x9b: {  	v54 =	vld.idx.msk [tilespmem:v49+s19+$0x0], $0xffff  }
0x9c: {  	v55 =	vld.idx.msk [tilespmem:v32+s19+$0x0], $0xffff  }
0x9d: {  	v7 =	vor.u32 $0x1D, v32;
	[tilespmem:$0x1FFB0] =	vst v0;
	v0 =	vld.idx.msk [tilespmem:v5+s19+$0x0], $0xffff  }
0x9e: {  	v56 =	vld.idx.msk [tilespmem:v32+s18+$0x0], $0xffff  }
0x9f: {  	v57 =	vld.idx.msk [tilespmem:v32+s20+$0x0], $0xffff  }
0xa0: {  	v58 =	vld.idx.msk [tilespmem:v49+s18+$0x0], $0xffff  }
0xa1: {  	v49 =	vld.idx.msk [tilespmem:v49+s20+$0x0], $0xffff  }
0xa2: {  	[tilespmem:$0x1FFA0] =	vst v0;
	v0 =	vld.idx.msk [tilespmem:v7+s19+$0x0], $0xffff  }
0xa3: {  	v59 =	vld.idx.msk [tilespmem:v47+s18+$0x0], $0xffff  }
0xa4: {  	v60 =	vor.u32 $0x9, v32;
	v47 =	vld.idx.msk [tilespmem:v47+s20+$0x0], $0xffff  }
0xa5: {  	v63 =	vor.u32 $0x7, v32;
	v62 =	vld.idx.msk [tilespmem:v45+s18+$0x0], $0xffff  }
0xa6: {  	v61 =	vor.u32 $0x8, v32;
	v45 =	vld.idx.msk [tilespmem:v45+s20+$0x0], $0xffff  }
0xa7: {  	v2 =	vld.idx.msk [tilespmem:v43+s18+$0x0], $0xffff;
	[tilespmem:$0x1FF90] =	vst v0;
	v0 =	vor.u32 $0x6, v32  }
0xa8: {  	v38 =	vor.u32 $0xB, v32;
	v40 =	vor.u32 $0xA, v32;
	v43 =	vld.idx.msk [tilespmem:v43+s20+$0x0], $0xffff;
	v32 =	vor.u32 $0x5, v32  }
0xa9: {  	v4 =	vld.idx.msk [tilespmem:v60+s19+$0x0], $0xffff;
	v55 =	vmul.f32 v55, v56  }
0xaa: {  	v3 =	vld.idx.msk [tilespmem:v63+s19+$0x0], $0xffff;
	v56 =	vmul.f32 v57, v56  }
0xab: {  	v57 =	vld.idx.msk [tilespmem:v61+s19+$0x0], $0xffff;
	v54 =	vmul.f32 v54, v58;
	v55 =	vadd.f32 $0.0e+00, v55  }
0xac: {  	v49 =	vmul.f32 v49, v58;
	v56 =	vadd.f32 $0.0e+00, v56;
	v58 =	vld.idx.msk [tilespmem:v0+s19+$0x0], $0xffff  }
0xad: {  	v53 =	vmul.f32 v53, v59;
	v54 =	vadd.f32 v54, v55;
	v55 =	vld.idx.msk [tilespmem:v32+s19+$0x0], $0xffff  }
0xae: {  	v47 =	vmul.f32 v47, v59;
	v49 =	vadd.f32 v49, v56;
	v56 =	vld.idx.msk [tilespmem:v32+s18+$0x0], $0xffff  }
0xaf: {  	v52 =	vmul.f32 v52, v62;
	v53 =	vadd.f32 v53, v54;
	v32 =	vld.idx.msk [tilespmem:v32+s20+$0x0], $0xffff  }
0xb0: {  	v45 =	vmul.f32 v45, v62;
	v47 =	vadd.f32 v47, v49;
	v49 =	vld.idx.msk [tilespmem:v0+s18+$0x0], $0xffff  }
0xb1: {  	v51 =	vmul.f32 v51, v2;
	v52 =	vadd.f32 v52, v53;
	v0 =	vld.idx.msk [tilespmem:v0+s20+$0x0], $0xffff  }
0xb2: {  	v2 =	vmul.f32 v43, v2;
	v43 =	vld.idx.msk [tilespmem:v63+s18+$0x0], $0xffff;
	v45 =	vadd.f32 v45, v47  }
0xb3: {  	v62 =	vadd.f32 v51, v52;
	v51 =	vld.idx.msk [tilespmem:v63+s20+$0x0], $0xffff;
	v63 =	vmul.f32 v55, v56  }
0xb4: {  	v2 =	vadd.f32 v2, v45;
	v45 =	vld.idx.msk [tilespmem:v61+s18+$0x0], $0xffff;
	v32 =	vmul.f32 v32, v56  }
0xb5: {  	v53 =	vld.idx.msk [tilespmem:v61+s20+$0x0], $0xffff;
	v59 =	vmul.f32 v58, v49;
	v47 =	vadd.f32 v63, v62  }
0xb6: {  	v61 =	vld.idx.msk [tilespmem:v60+s18+$0x0], $0xffff;
	v0 =	vmul.f32 v0, v49;
	v2 =	vadd.f32 v32, v2  }
0xb7: {  	v50 =	vld.idx.msk [tilespmem:v40+s19+$0x0], $0xffff;
	v3 =	vmul.f32 v3, v43;
	v47 =	vadd.f32 v59, v47  }
0xb8: {  	v63 =	vld.idx.msk [tilespmem:v40+s18+$0x0], $0xffff;
	v0 =	vadd.f32 v0, v2  }
0xb9: {  	v48 =	vld.idx.msk [tilespmem:v38+s19+$0x0], $0xffff;
	v2 =	vmul.f32 v51, v43;
	v51 =	vmul.f32 v57, v45;
	v3 =	vadd.f32 v3, v47  }
0xba: {  	v52 =	vld.idx.msk [tilespmem:v38+s18+$0x0], $0xffff  }
0xbb: {  	v4 =	vmul.f32 v4, v61;
	v62 =	vld.idx.msk [tilespmem:v60+s20+$0x0], $0xffff;
	v3 =	vadd.f32 v51, v3  }
0xbc: {  	v0 =	vadd.f32 v2, v0;
	v2 =	vmul.f32 v53, v45;
	v53 =	vld.idx.msk [tilespmem:v37+s18+$0x0], $0xffff  }
0xbd: {  	v40 =	vld.idx.msk [tilespmem:v40+s20+$0x0], $0xffff;
	v3 =	vadd.f32 v4, v3;
	v4 =	vmul.f32 v50, v63  }
0xbe: {  	v56 =	vld.idx.msk [tilespmem:v36+s18+$0x0], $0xffff  }
0xbf: {  	v38 =	vld.idx.msk [tilespmem:v38+s20+$0x0], $0xffff;
	v3 =	vadd.f32 v4, v3;
	v4 =	vmul.f32 v48, v52  }
0xc0: {  	v57 =	vld.idx.msk [tilespmem:v35+s18+$0x0], $0xffff;
	v0 =	vadd.f32 v2, v0;
	v2 =	vmul.f32 v62, v61  }
0xc1: {  	v55 =	vld.idx.msk [tilespmem:v37+s20+$0x0], $0xffff;
	v3 =	vadd.f32 v4, v3;
	v4 =	vmul.f32 v46, v53  }
0xc2: {  	v58 =	vld.idx.msk [tilespmem:v34+s18+$0x0], $0xffff;
	v0 =	vadd.f32 v2, v0;
	v2 =	vmul.f32 v40, v63  }
0xc3: {  	v36 =	vld.idx.msk [tilespmem:v36+s20+$0x0], $0xffff;
	v3 =	vadd.f32 v4, v3;
	v4 =	vmul.f32 v44, v56  }
0xc4: {  	v60 =	vld.idx.msk [tilespmem:v33+s18+$0x0], $0xffff;
	v0 =	vadd.f32 v2, v0;
	v2 =	vmul.f32 v38, v52  }
0xc5: {  	v35 =	vld.idx.msk [tilespmem:v35+s20+$0x0], $0xffff;
	v3 =	vadd.f32 v4, v3;
	v4 =	vmul.f32 v42, v57  }
0xc6: {  	v61 =	vld.idx.msk [tilespmem:v31+s18+$0x0], $0xffff;
	v0 =	vadd.f32 v2, v0;
	v2 =	vmul.f32 v55, v53  }
0xc7: {  	v59 =	vld.idx.msk [tilespmem:v34+s20+$0x0], $0xffff;
	v3 =	vadd.f32 v4, v3;
	v4 =	vmul.f32 v41, v58  }
0xc8: {  	v62 =	vld.idx.msk [tilespmem:v29+s18+$0x0], $0xffff;
	v0 =	vadd.f32 v2, v0;
	v2 =	vmul.f32 v36, v56  }
0xc9: {  	v33 =	vld.idx.msk [tilespmem:v33+s20+$0x0], $0xffff;
	v3 =	vadd.f32 v4, v3;
	v4 =	vmul.f32 v39, v60  }
0xca: {  	v63 =	vld.idx.msk [tilespmem:v27+s18+$0x0], $0xffff;
	v0 =	vadd.f32 v2, v0;
	v2 =	vmul.f32 v35, v57  }
0xcb: {  	v31 =	vld.idx.msk [tilespmem:v31+s20+$0x0], $0xffff;
	v3 =	vadd.f32 v4, v3;
	v4 =	vmul.f32 v30, v61  }
0xcc: {  	v0 =	vadd.f32 v2, v0;
	v2 =	vmul.f32 v59, v58;
	v30 =	vld.idx.msk [tilespmem:v25+s18+$0x0], $0xffff  }
0xcd: {  	v29 =	vld.idx.msk [tilespmem:v29+s20+$0x0], $0xffff;
	v3 =	vadd.f32 v4, v3;
	v4 =	vmul.f32 v28, v62  }
0xce: {  	v0 =	vadd.f32 v2, v0;
	v2 =	vmul.f32 v33, v60;
	v28 =	vld.idx.msk [tilespmem:v23+s18+$0x0], $0xffff  }
0xcf: {  	v27 =	vld.idx.msk [tilespmem:v27+s20+$0x0], $0xffff;
	v3 =	vadd.f32 v4, v3;
	v4 =	vmul.f32 v26, v63  }
0xd0: {  	v0 =	vadd.f32 v2, v0;
	v2 =	vmul.f32 v31, v61;
	v26 =	vld.idx.msk [tilespmem:v21+s18+$0x0], $0xffff  }
0xd1: {  	v25 =	vld.idx.msk [tilespmem:v25+s20+$0x0], $0xffff;
	v3 =	vadd.f32 v4, v3;
	v4 =	vmul.f32 v24, v30  }
0xd2: {  	v0 =	vadd.f32 v2, v0;
	v2 =	vmul.f32 v29, v62;
	v24 =	vld.idx.msk [tilespmem:v19+s18+$0x0], $0xffff  }
0xd3: {  	v23 =	vld.idx.msk [tilespmem:v23+s20+$0x0], $0xffff;
	v3 =	vadd.f32 v4, v3;
	v4 =	vmul.f32 v22, v28  }
0xd4: {  	v0 =	vadd.f32 v2, v0;
	v2 =	vmul.f32 v27, v63;
	v22 =	vld.idx.msk [tilespmem:v17+s18+$0x0], $0xffff  }
0xd5: {  	v21 =	vld.idx.msk [tilespmem:v21+s20+$0x0], $0xffff;
	v3 =	vadd.f32 v4, v3;
	v4 =	vmul.f32 v20, v26  }
0xd6: {  	v0 =	vadd.f32 v2, v0;
	v2 =	vmul.f32 v25, v30;
	v20 =	vld.idx.msk [tilespmem:v15+s18+$0x0], $0xffff  }
0xd7: {  	v19 =	vld.idx.msk [tilespmem:v19+s20+$0x0], $0xffff;
	v3 =	vadd.f32 v4, v3;
	v4 =	vmul.f32 v18, v24  }
0xd8: {  	v0 =	vadd.f32 v2, v0;
	v2 =	vmul.f32 v23, v28;
	v18 =	vld.idx.msk [tilespmem:v13+s18+$0x0], $0xffff  }
0xd9: {  	v17 =	vld.idx.msk [tilespmem:v17+s20+$0x0], $0xffff;
	v3 =	vadd.f32 v4, v3;
	v4 =	vmul.f32 v16, v22  }
0xda: {  	v0 =	vadd.f32 v2, v0;
	v2 =	vmul.f32 v21, v26;
	v16 =	vld.idx.msk [tilespmem:v11+s18+$0x0], $0xffff  }
0xdb: {  	v15 =	vld.idx.msk [tilespmem:v15+s20+$0x0], $0xffff;
	v3 =	vadd.f32 v4, v3;
	v4 =	vmul.f32 v14, v20  }
0xdc: {  	v0 =	vadd.f32 v2, v0;
	v2 =	vmul.f32 v19, v24;
	v14 =	vld.idx.msk [tilespmem:v9+s18+$0x0], $0xffff  }
0xdd: {  	v3 =	vadd.f32 v4, v3;
	v4 =	vmul.f32 v12, v18  }
0xde: {  	v13 =	vld.idx.msk [tilespmem:v13+s20+$0x0], $0xffff;
	v0 =	vadd.f32 v2, v0;
	v2 =	vmul.f32 v17, v22  }
0xdf: {  	v3 =	vadd.f32 v4, v3;
	v4 =	vmul.f32 v10, v16  }
0xe0: {  	v11 =	vld.idx.msk [tilespmem:v11+s20+$0x0], $0xffff;
	v0 =	vadd.f32 v2, v0  }
0xe1: {  	v2 =	vmul.f32 v15, v20;
	v9 =	vld.idx.msk [tilespmem:v9+s20+$0x0], $0xffff;
	v3 =	vadd.f32 v4, v3;
	v4 =	vmul.f32 v8, v14  }
0xe2: {  	v12 =	vld.idx.msk [tilespmem:v7+s18+$0x0], $0xffff  }
0xe3: {  	v0 =	vadd.f32 v2, v0;
	v2 =	vmul.f32 v13, v18;
	v3 =	vadd.f32 v4, v3;
	v4 =	vld [tilespmem:$0x1FF90];
	_ =	sdelay $0x1  }
0xe4: {  	v7 =	vld.idx.msk [tilespmem:v7+s20+$0x0], $0xffff;
	v0 =	vadd.f32 v2, v0;
	v2 =	vmul.f32 v11, v16;
	_ =	sdelay $0x1  }
0xe5: {  	v0 =	vadd.f32 v2, v0;
	v2 =	vmul.f32 v9, v14  }
0xe6: {  	v10 =	vld.idx.msk [tilespmem:v5+s18+$0x0], $0xffff;
	v4 =	vmul.f32 v4, v12  }
0xe7: {  	s16 =	simm.s32 $0x10;
	v5 =	vld.idx.msk [tilespmem:v5+s20+$0x0], $0xffff;
	v0 =	vadd.f32 v2, v0  }
0xe8: {  	v2 =	vmul.f32 v7, v12;
	v7 =	vmov s16;
	v3 =	vadd.f32 v4, v3;
	v4 =	vld [tilespmem:$0x1FFA0]  }
0xe9: {  	v8 =	vld.idx.msk [tilespmem:v6+s18+$0x0], $0xffff;
	v7 =	vshll.u32 v7, $0x5  }
0xea: {  	v46 =	vor.u32 v1, v7;
	v1 =	vld [tilespmem:$0x1FFB0]  }
0xeb: {  	v6 =	vld.idx.msk [tilespmem:v6+s20+$0x0], $0xffff;
	_ =	sdelay $0x1  }
0xec: {  	v4 =	vmul.f32 v4, v10  }
0xed: {  	v5 =	vmul.f32 v5, v10;
	v0 =	vadd.f32 v2, v0  }
0xee: {  	v7 =	vmul.f32 v1, v8;
	v3 =	vadd.f32 v4, v3  }
0xef: {  	v2 =	vor.u32 $0x1F, v46;
	v0 =	vadd.f32 v5, v0;
	v5 =	vmul.f32 v6, v8  }
0xf0: {  	v4 =	vor.u32 $0x1E, v46;
	v3 =	vadd.f32 v7, v3  }
0xf1: {  	v13 =	vor.u32 $0x1A, v46;
	v0 =	vadd.f32 v5, v0  }
0xf2: {  	v15 =	vor.u32 $0x19, v46;
	[tilespmem:s2+$0x0] =	vst v3  }
0xf3: {  	v17 =	vor.u32 $0x18, v46;
	[tilespmem:s25+$0x0] =	vst v0  }
0xf4: {  	v19 =	vor.u32 $0x17, v46;
	v63 =	vld.idx.msk [tilespmem:v2+s19+$0x0], $0xffff  }
0xf5: {  	v21 =	vor.u32 $0x16, v46;
	v0 =	vld.idx.msk [tilespmem:v4+s19+$0x0], $0xffff  }
0xf6: {  	v23 =	vor.u32 $0x15, v46;
	v12 =	vld.idx.msk [tilespmem:v13+s19+$0x0], $0xffff  }
0xf7: {  	v25 =	vor.u32 $0x14, v46;
	v14 =	vld.idx.msk [tilespmem:v15+s19+$0x0], $0xffff  }
0xf8: {  	v27 =	vor.u32 $0x13, v46;
	v16 =	vld.idx.msk [tilespmem:v17+s19+$0x0], $0xffff  }
0xf9: {  	v29 =	vor.u32 $0x12, v46;
	v18 =	vld.idx.msk [tilespmem:v19+s19+$0x0], $0xffff  }
0xfa: {  	v31 =	vor.u32 $0x11, v46;
	v20 =	vld.idx.msk [tilespmem:v21+s19+$0x0], $0xffff  }
0xfb: {  	v33 =	vor.u32 $0x10, v46;
	v22 =	vld.idx.msk [tilespmem:v23+s19+$0x0], $0xffff  }
0xfc: {  	v35 =	vor.u32 $0xF, v46;
	v24 =	vld.idx.msk [tilespmem:v25+s19+$0x0], $0xffff  }
0xfd: {  	v37 =	vor.u32 $0xE, v46;
	v26 =	vld.idx.msk [tilespmem:v27+s19+$0x0], $0xffff  }
0xfe: {  	v39 =	vor.u32 $0xD, v46;
	v28 =	vld.idx.msk [tilespmem:v29+s19+$0x0], $0xffff  }
0xff: {  	v9 =	vor.u32 $0x1C, v46;
	v30 =	vld.idx.msk [tilespmem:v31+s19+$0x0], $0xffff  }
0x100: {  	v41 =	vor.u32 $0xC, v46;
	v32 =	vld.idx.msk [tilespmem:v33+s19+$0x0], $0xffff  }
0x101: {  	v43 =	vor.u32 $0xB, v46;
	v34 =	vld.idx.msk [tilespmem:v35+s19+$0x0], $0xffff  }
0x102: {  	v45 =	vor.u32 $0xA, v46;
	v36 =	vld.idx.msk [tilespmem:v37+s19+$0x0], $0xffff  }
0x103: {  	v48 =	vor.u32 $0x9, v46;
	v38 =	vld.idx.msk [tilespmem:v39+s19+$0x0], $0xffff  }
0x104: {  	v11 =	vor.u32 $0x1B, v46;
	[tilespmem:$0x1FFC0] =	vst v0;
	v0 =	vld.idx.msk [tilespmem:v9+s19+$0x0], $0xffff  }
0x105: {  	v50 =	vor.u32 $0x8, v46;
	v40 =	vld.idx.msk [tilespmem:v41+s19+$0x0], $0xffff  }
0x106: {  	v52 =	vor.u32 $0x7, v46;
	v42 =	vld.idx.msk [tilespmem:v43+s19+$0x0], $0xffff  }
0x107: {  	v54 =	vor.u32 $0x6, v46;
	v44 =	vld.idx.msk [tilespmem:v45+s19+$0x0], $0xffff  }
0x108: {  	v56 =	vor.u32 $0x5, v46;
	v47 =	vld.idx.msk [tilespmem:v48+s19+$0x0], $0xffff  }
0x109: {  	v7 =	vor.u32 $0x1D, v46;
	[tilespmem:$0x1FFD0] =	vst v0;
	v0 =	vld.idx.msk [tilespmem:v11+s19+$0x0], $0xffff  }
0x10a: {  	v49 =	vld.idx.msk [tilespmem:v50+s19+$0x0], $0xffff  }
0x10b: {  	v51 =	vld.idx.msk [tilespmem:v52+s19+$0x0], $0xffff  }
0x10c: {  	v53 =	vld.idx.msk [tilespmem:v54+s19+$0x0], $0xffff  }
0x10d: {  	v57 =	vor.u32 $0x4, v46;
	v55 =	vld.idx.msk [tilespmem:v56+s19+$0x0], $0xffff  }
0x10e: {  	s6 =	simm.s32 $0x16C00;
	s8 =	simm.s32 $0x20;
	s7 =	simm.s32 $0x16E00;
	v58 =	vor.u32 $0x3, v46;
	v59 =	vor.u32 $0x2, v46;
	v60 =	vor.u32 $0x1, v46;
	v1 =	vld.idx.msk [tilespmem:v7+s19+$0x0], $0xffff;
	[tilespmem:$0x1FFE0] =	vst v0  }
.LBB2_2:
0x10f: {  	_ =	sdelay $0x2  }
0x110: {  	v0 =	vld.idx.msk [tilespmem:v57+s19+$0x0], $0xffff  }
0x111: {  	v61 =	vld.idx.msk [tilespmem:v58+s19+$0x0], $0xffff  }
0x112: {  	v62 =	vld.idx.msk [tilespmem:v59+s19+$0x0], $0xffff  }
0x113: {  	v3 =	vld.idx.msk [tilespmem:v46+s19+$0x0], $0xffff  }
0x114: {  	v5 =	vld.idx.msk [tilespmem:v46+s18+$0x0], $0xffff  }
0x115: {  	v46 =	vld.idx.msk [tilespmem:v46+s20+$0x0], $0xffff  }
0x116: {  	v6 =	vld.idx.msk [tilespmem:v60+s18+$0x0], $0xffff  }
0x117: {  	[tilespmem:$0x1FF80] =	vst v63;
	v63 =	vld.idx.msk [tilespmem:v60+s19+$0x0], $0xffff  }
0x118: {  	v60 =	vld.idx.msk [tilespmem:v60+s20+$0x0], $0xffff  }
0x119: {  	v8 =	vld.idx.msk [tilespmem:v59+s18+$0x0], $0xffff  }
0x11a: {  	v59 =	vld.idx.msk [tilespmem:v59+s20+$0x0], $0xffff;
	v3 =	vmul.f32 v3, v5  }
0x11b: {  	v10 =	vld.idx.msk [tilespmem:v58+s18+$0x0], $0xffff;
	v5 =	vmul.f32 v46, v5  }
0x11c: {  	v46 =	vld.idx.msk [tilespmem:v58+s20+$0x0], $0xffff;
	v3 =	vadd.f32 $0.0e+00, v3;
	v58 =	vmul.f32 v63, v6  }
0x11d: {  	v5 =	vadd.f32 $0.0e+00, v5;
	v63 =	vld.idx.msk [tilespmem:v57+s18+$0x0], $0xffff;
	v6 =	vmul.f32 v60, v6  }
0x11e: {  	v57 =	vld.idx.msk [tilespmem:v57+s20+$0x0], $0xffff;
	v3 =	vadd.f32 v58, v3;
	v58 =	vmul.f32 v62, v8  }
0x11f: {  	v60 =	vld.idx.msk [tilespmem:v56+s18+$0x0], $0xffff;
	v5 =	vadd.f32 v6, v5;
	v6 =	vmul.f32 v59, v8  }
0x120: {  	v8 =	vld.idx.msk [tilespmem:v56+s20+$0x0], $0xffff;
	v62 =	vmul.f32 v61, v10;
	v3 =	vadd.f32 v58, v3  }
0x121: {  	v58 =	vld.idx.msk [tilespmem:v54+s18+$0x0], $0xffff;
	v5 =	vadd.f32 v6, v5;
	v6 =	vmul.f32 v46, v10  }
0x122: {  	v10 =	vld.idx.msk [tilespmem:v54+s20+$0x0], $0xffff;
	v0 =	vmul.f32 v0, v63;
	v3 =	vadd.f32 v62, v3  }
0x123: {  	v46 =	vld.idx.msk [tilespmem:v52+s18+$0x0], $0xffff;
	v5 =	vadd.f32 v6, v5;
	v6 =	vmul.f32 v57, v63  }
0x124: {  	v59 =	vld.idx.msk [tilespmem:v52+s20+$0x0], $0xffff;
	v0 =	vadd.f32 v0, v3;
	v3 =	vmul.f32 v55, v60  }
0x125: {  	v61 =	vld.idx.msk [tilespmem:v50+s18+$0x0], $0xffff;
	v5 =	vadd.f32 v6, v5;
	v6 =	vmul.f32 v8, v60  }
0x126: {  	v8 =	vld.idx.msk [tilespmem:v50+s20+$0x0], $0xffff;
	v0 =	vadd.f32 v3, v0;
	v3 =	vmul.f32 v53, v58  }
0x127: {  	v62 =	vld.idx.msk [tilespmem:v48+s18+$0x0], $0xffff;
	v5 =	vadd.f32 v6, v5;
	v6 =	vmul.f32 v10, v58  }
0x128: {  	v10 =	vld.idx.msk [tilespmem:v48+s20+$0x0], $0xffff;
	v0 =	vadd.f32 v3, v0;
	v3 =	vmul.f32 v51, v46  }
0x129: {  	v63 =	vld.idx.msk [tilespmem:v45+s18+$0x0], $0xffff;
	v5 =	vadd.f32 v6, v5;
	v6 =	vmul.f32 v59, v46  }
0x12a: {  	v53 =	vld.idx.msk [tilespmem:v45+s20+$0x0], $0xffff;
	v0 =	vadd.f32 v3, v0;
	v3 =	vmul.f32 v49, v61  }
0x12b: {  	v55 =	vld.idx.msk [tilespmem:v43+s18+$0x0], $0xffff;
	v5 =	vadd.f32 v6, v5;
	v6 =	vmul.f32 v8, v61  }
0x12c: {  	v8 =	vld.idx.msk [tilespmem:v43+s20+$0x0], $0xffff;
	v0 =	vadd.f32 v3, v0;
	v3 =	vmul.f32 v47, v62  }
0x12d: {  	v56 =	vld.idx.msk [tilespmem:v41+s18+$0x0], $0xffff;
	v5 =	vadd.f32 v6, v5;
	v6 =	vmul.f32 v10, v62  }
0x12e: {  	v10 =	vld.idx.msk [tilespmem:v41+s20+$0x0], $0xffff;
	v0 =	vadd.f32 v3, v0;
	v3 =	vmul.f32 v44, v63  }
0x12f: {  	v57 =	vld.idx.msk [tilespmem:v39+s18+$0x0], $0xffff;
	v5 =	vadd.f32 v6, v5;
	v6 =	vmul.f32 v53, v63  }
0x130: {  	v58 =	vld.idx.msk [tilespmem:v39+s20+$0x0], $0xffff;
	v0 =	vadd.f32 v3, v0;
	v3 =	vmul.f32 v42, v55  }
0x131: {  	v59 =	vld.idx.msk [tilespmem:v37+s18+$0x0], $0xffff;
	v5 =	vadd.f32 v6, v5;
	v6 =	vmul.f32 v8, v55  }
0x132: {  	v8 =	vld.idx.msk [tilespmem:v37+s20+$0x0], $0xffff;
	v0 =	vadd.f32 v3, v0;
	v3 =	vmul.f32 v40, v56  }
0x133: {  	v60 =	vld.idx.msk [tilespmem:v35+s18+$0x0], $0xffff;
	v5 =	vadd.f32 v6, v5;
	v6 =	vmul.f32 v10, v56  }
0x134: {  	v10 =	vld.idx.msk [tilespmem:v35+s20+$0x0], $0xffff;
	v0 =	vadd.f32 v3, v0;
	v3 =	vmul.f32 v38, v57  }
0x135: {  	v61 =	vld.idx.msk [tilespmem:v33+s18+$0x0], $0xffff;
	v5 =	vadd.f32 v6, v5;
	v6 =	vmul.f32 v58, v57  }
0x136: {  	v62 =	vld.idx.msk [tilespmem:v33+s20+$0x0], $0xffff;
	v0 =	vadd.f32 v3, v0;
	v3 =	vmul.f32 v36, v59  }
0x137: {  	v63 =	vld.idx.msk [tilespmem:v31+s18+$0x0], $0xffff;
	v5 =	vadd.f32 v6, v5;
	v6 =	vmul.f32 v8, v59  }
0x138: {  	v8 =	vld.idx.msk [tilespmem:v31+s20+$0x0], $0xffff;
	v0 =	vadd.f32 v3, v0;
	v3 =	vmul.f32 v34, v60  }
0x139: {  	v31 =	vld.idx.msk [tilespmem:v29+s18+$0x0], $0xffff;
	v5 =	vadd.f32 v6, v5;
	v6 =	vmul.f32 v10, v60  }
0x13a: {  	v10 =	vld.idx.msk [tilespmem:v29+s20+$0x0], $0xffff;
	v0 =	vadd.f32 v3, v0;
	v3 =	vmul.f32 v32, v61  }
0x13b: {  	v29 =	vld.idx.msk [tilespmem:v27+s18+$0x0], $0xffff;
	v5 =	vadd.f32 v6, v5;
	v6 =	vmul.f32 v62, v61  }
0x13c: {  	v27 =	vld.idx.msk [tilespmem:v27+s20+$0x0], $0xffff;
	v0 =	vadd.f32 v3, v0;
	v3 =	vmul.f32 v30, v63  }
0x13d: {  	v30 =	vld.idx.msk [tilespmem:v25+s18+$0x0], $0xffff;
	v5 =	vadd.f32 v6, v5;
	v6 =	vmul.f32 v8, v63  }
0x13e: {  	v8 =	vld.idx.msk [tilespmem:v25+s20+$0x0], $0xffff;
	v0 =	vadd.f32 v3, v0;
	v3 =	vmul.f32 v28, v31  }
0x13f: {  	v25 =	vld.idx.msk [tilespmem:v23+s18+$0x0], $0xffff;
	v5 =	vadd.f32 v6, v5;
	v6 =	vmul.f32 v10, v31  }
0x140: {  	v10 =	vld.idx.msk [tilespmem:v23+s20+$0x0], $0xffff;
	v0 =	vadd.f32 v3, v0;
	v3 =	vmul.f32 v26, v29  }
0x141: {  	v23 =	vld.idx.msk [tilespmem:v21+s18+$0x0], $0xffff;
	v5 =	vadd.f32 v6, v5;
	v6 =	vmul.f32 v27, v29  }
0x142: {  	v21 =	vld.idx.msk [tilespmem:v21+s20+$0x0], $0xffff;
	v0 =	vadd.f32 v3, v0;
	v3 =	vmul.f32 v24, v30  }
0x143: {  	v24 =	vld.idx.msk [tilespmem:v19+s18+$0x0], $0xffff;
	v5 =	vadd.f32 v6, v5;
	v6 =	vmul.f32 v8, v30  }
0x144: {  	v8 =	vld.idx.msk [tilespmem:v19+s20+$0x0], $0xffff;
	v0 =	vadd.f32 v3, v0;
	v3 =	vmul.f32 v22, v25  }
0x145: {  	v19 =	vld.idx.msk [tilespmem:v17+s18+$0x0], $0xffff;
	v5 =	vadd.f32 v6, v5  }
0x146: {  	v6 =	vmul.f32 v10, v25;
	v10 =	vld.idx.msk [tilespmem:v17+s20+$0x0], $0xffff;
	v0 =	vadd.f32 v3, v0;
	v3 =	vmul.f32 v20, v23  }
0x147: {  	v17 =	vld.idx.msk [tilespmem:v15+s18+$0x0], $0xffff  }
0x148: {  	v0 =	vadd.f32 v3, v0;
	v3 =	vmul.f32 v18, v24  }
0x149: {  	v18 =	vld.idx.msk [tilespmem:v13+s18+$0x0], $0xffff  }
0x14a: {  	v0 =	vadd.f32 v3, v0;
	v3 =	vmul.f32 v16, v19  }
0x14b: {  	v5 =	vadd.f32 v6, v5;
	v6 =	vmul.f32 v21, v23  }
0x14c: {  	v0 =	vadd.f32 v3, v0;
	v3 =	vmul.f32 v14, v17  }
0x14d: {  	v5 =	vadd.f32 v6, v5  }
0x14e: {  	v6 =	vmul.f32 v8, v24;
	v8 =	vld.idx.msk [tilespmem:v13+s20+$0x0], $0xffff;
	v0 =	vadd.f32 v3, v0;
	v3 =	vmul.f32 v12, v18  }
0x14f: {  	v13 =	vld.idx.msk [tilespmem:v11+s18+$0x0], $0xffff  }
0x150: {  	v0 =	vadd.f32 v3, v0;
	v3 =	vld [tilespmem:$0x1FFE0];
	_ =	sdelay $0x1  }
0x151: {  	v15 =	vld.idx.msk [tilespmem:v15+s20+$0x0], $0xffff;
	_ =	sdelay $0x2  }
0x152: {  	v5 =	vadd.f32 v6, v5;
	v6 =	vmul.f32 v10, v19;
	v10 =	vld.idx.msk [tilespmem:v11+s20+$0x0], $0xffff;
	v3 =	vmul.f32 v3, v13  }
0x153: {  	v11 =	vld.idx.msk [tilespmem:v9+s18+$0x0], $0xffff  }
0x154: {  	v5 =	vadd.f32 v6, v5;
	v6 =	vmul.f32 v15, v17;
	v0 =	vadd.f32 v3, v0;
	v3 =	vld [tilespmem:$0x1FFD0]  }
0x155: {  	v9 =	vld.idx.msk [tilespmem:v9+s20+$0x0], $0xffff  }
0x156: {  	v12 =	vld.idx.msk [tilespmem:v7+s18+$0x0], $0xffff;
	v5 =	vadd.f32 v6, v5;
	v6 =	vmul.f32 v8, v18;
	_ =	sdelay $0x1  }
0x157: {  	v7 =	vld.idx.msk [tilespmem:v7+s20+$0x0], $0xffff;
	v5 =	vadd.f32 v6, v5;
	v6 =	vmul.f32 v10, v13  }
0x158: {  	v8 =	vld.idx.msk [tilespmem:v4+s18+$0x0], $0xffff;
	v3 =	vmul.f32 v3, v11  }
0x159: {  	v10 =	vld.idx.msk [tilespmem:v2+s18+$0x0], $0xffff;
	v5 =	vadd.f32 v6, v5  }
0x15a: {  	v6 =	vmul.f32 v9, v11;
	v9 =	vld.idx.msk [tilespmem:v2+s20+$0x0], $0xffff;
	v2 =	vmul.f32 v1, v12;
	v0 =	vadd.f32 v3, v0  }
0x15b: {  	v4 =	vld.idx.msk [tilespmem:v4+s20+$0x0], $0xffff  }
0x15c: {  	v3 =	vadd.f32 v6, v5;
	v5 =	vmul.f32 v7, v12;
	v0 =	vadd.f32 v2, v0;
	v2 =	vld [tilespmem:$0x1FFC0]  }
0x15d: {  	v1 =	vld [tilespmem:$0x1FF80]  }
0x15e: {  	v3 =	vadd.f32 v5, v3;
	v5 =	vld [tilespmem:$0x1FFF0];
	_ =	sdelay $0x2  }
0x15f: {  	v6 =	vmov s8;
	v2 =	vmul.f32 v2, v8  }
0x160: {  	v4 =	vmul.f32 v4, v8;
	v6 =	vshll.u32 v6, $0x5  }
0x161: {  	v46 =	vor.u32 v5, v6;
	v5 =	vmul.f32 v1, v10;
	v0 =	vadd.f32 v2, v0  }
0x162: {  	v3 =	vadd.f32 v4, v3;
	v6 =	vmul.f32 v9, v10;
	v2 =	vor.u32 $0x1F, v46  }
0x163: {  	v4 =	vor.u32 $0x1E, v46;
	v0 =	vadd.f32 v5, v0  }
0x164: {  	s6 =	sadd.s32 $0x10, s6;
	v7 =	vor.u32 $0x1D, v46;
	v3 =	vadd.f32 v6, v3  }
0x165: {  	s7 =	sadd.s32 $0x10, s7;
	v13 =	vor.u32 $0x1A, v46;
	[tilespmem:s6+$0x0] =	vst v0  }
0x166: {  	v15 =	vor.u32 $0x19, v46;
	[tilespmem:s7+$0x0] =	vst v3  }
0x167: {  	v17 =	vor.u32 $0x18, v46;
	v63 =	vld.idx.msk [tilespmem:v2+s19+$0x0], $0xffff  }
0x168: {  	v19 =	vor.u32 $0x17, v46;
	v0 =	vld.idx.msk [tilespmem:v4+s19+$0x0], $0xffff  }
0x169: {  	v21 =	vor.u32 $0x16, v46;
	v1 =	vld.idx.msk [tilespmem:v7+s19+$0x0], $0xffff  }
0x16a: {  	v23 =	vor.u32 $0x15, v46;
	v12 =	vld.idx.msk [tilespmem:v13+s19+$0x0], $0xffff  }
0x16b: {  	v25 =	vor.u32 $0x14, v46;
	v14 =	vld.idx.msk [tilespmem:v15+s19+$0x0], $0xffff  }
0x16c: {  	v27 =	vor.u32 $0x13, v46;
	v16 =	vld.idx.msk [tilespmem:v17+s19+$0x0], $0xffff  }
0x16d: {  	v29 =	vor.u32 $0x12, v46;
	v18 =	vld.idx.msk [tilespmem:v19+s19+$0x0], $0xffff  }
0x16e: {  	v31 =	vor.u32 $0x11, v46;
	v20 =	vld.idx.msk [tilespmem:v21+s19+$0x0], $0xffff  }
0x16f: {  	v33 =	vor.u32 $0x10, v46;
	v22 =	vld.idx.msk [tilespmem:v23+s19+$0x0], $0xffff  }
0x170: {  	v35 =	vor.u32 $0xF, v46;
	v24 =	vld.idx.msk [tilespmem:v25+s19+$0x0], $0xffff  }
0x171: {  	v37 =	vor.u32 $0xE, v46;
	v26 =	vld.idx.msk [tilespmem:v27+s19+$0x0], $0xffff  }
0x172: {  	v9 =	vor.u32 $0x1C, v46;
	v28 =	vld.idx.msk [tilespmem:v29+s19+$0x0], $0xffff  }
0x173: {  	v39 =	vor.u32 $0xD, v46;
	v30 =	vld.idx.msk [tilespmem:v31+s19+$0x0], $0xffff  }
0x174: {  	v41 =	vor.u32 $0xC, v46;
	v32 =	vld.idx.msk [tilespmem:v33+s19+$0x0], $0xffff  }
0x175: {  	v43 =	vor.u32 $0xB, v46;
	v34 =	vld.idx.msk [tilespmem:v35+s19+$0x0], $0xffff  }
0x176: {  	v45 =	vor.u32 $0xA, v46;
	v36 =	vld.idx.msk [tilespmem:v37+s19+$0x0], $0xffff  }
0x177: {  	v11 =	vor.u32 $0x1B, v46;
	[tilespmem:$0x1FFC0] =	vst v0;
	v0 =	vld.idx.msk [tilespmem:v9+s19+$0x0], $0xffff  }
0x178: {  	v48 =	vor.u32 $0x9, v46;
	v38 =	vld.idx.msk [tilespmem:v39+s19+$0x0], $0xffff  }
0x179: {  	v50 =	vor.u32 $0x8, v46;
	v40 =	vld.idx.msk [tilespmem:v41+s19+$0x0], $0xffff  }
0x17a: {  	v52 =	vor.u32 $0x7, v46;
	v42 =	vld.idx.msk [tilespmem:v43+s19+$0x0], $0xffff  }
0x17b: {  	v54 =	vor.u32 $0x6, v46;
	v44 =	vld.idx.msk [tilespmem:v45+s19+$0x0], $0xffff  }
0x17c: {  	p0 =	sne.s32 s8, $0x1F0;
	v56 =	vor.u32 $0x5, v46;
	[tilespmem:$0x1FFD0] =	vst v0;
	v0 =	vld.idx.msk [tilespmem:v11+s19+$0x0], $0xffff  }
.Ltmp2:
0x17d: {  	v47 =	vld.idx.msk [tilespmem:v48+s19+$0x0], $0xffff;
	(pc) =	sbr.rel @p0 .LBB2_2-.Ltmp2, $4  }
0x17e: {  	v49 =	vld.idx.msk [tilespmem:v50+s19+$0x0], $0xffff  }
0x17f: {  	v51 =	vld.idx.msk [tilespmem:v52+s19+$0x0], $0xffff  }
0x180: {  	v57 =	vor.u32 $0x4, v46;
	v53 =	vld.idx.msk [tilespmem:v54+s19+$0x0], $0xffff  }
0x181: {  	s8 =	sadd.s32 $0x10, s8;
	v58 =	vor.u32 $0x3, v46;
	v59 =	vor.u32 $0x2, v46;
	v60 =	vor.u32 $0x1, v46;
	v55 =	vld.idx.msk [tilespmem:v56+s19+$0x0], $0xffff;
	[tilespmem:$0x1FFE0] =	vst v0  }
0x182: {  	_ =	sdelay $0x3  }
0x183: {  	v0 =	vld.idx.msk [tilespmem:v59+s19+$0x0], $0xffff  }
0x184: {  	v3 =	vld.idx.msk [tilespmem:v60+s19+$0x0], $0xffff  }
0x185: {  	v5 =	vld.idx.msk [tilespmem:v46+s19+$0x0], $0xffff  }
0x186: {  	v6 =	vld.idx.msk [tilespmem:v46+s18+$0x0], $0xffff  }
0x187: {  	v8 =	vld.idx.msk [tilespmem:v46+s20+$0x0], $0xffff  }
0x188: {  	v10 =	vld.idx.msk [tilespmem:v60+s18+$0x0], $0xffff  }
0x189: {  	v46 =	vld.idx.msk [tilespmem:v60+s20+$0x0], $0xffff  }
0x18a: {  	v60 =	vld.idx.msk [tilespmem:v59+s18+$0x0], $0xffff  }
0x18b: {  	v59 =	vld.idx.msk [tilespmem:v59+s20+$0x0], $0xffff  }
0x18c: {  	v61 =	vld.idx.msk [tilespmem:v58+s19+$0x0], $0xffff  }
0x18d: {  	v62 =	vld.idx.msk [tilespmem:v58+s18+$0x0], $0xffff  }
0x18e: {  	v5 =	vmul.f32 v5, v6;
	v6 =	vmul.f32 v8, v6;
	v8 =	vld.idx.msk [tilespmem:v58+s20+$0x0], $0xffff  }
0x18f: {  	v58 =	vld.idx.msk [tilespmem:v57+s19+$0x0], $0xffff  }
0x190: {  	v3 =	vmul.f32 v3, v10;
	v10 =	vmul.f32 v46, v10;
	v46 =	vld.idx.msk [tilespmem:v57+s18+$0x0], $0xffff;
	v5 =	vadd.f32 $0.0e+00, v5  }
0x191: {  	v0 =	vmul.f32 v0, v60;
	v60 =	vmul.f32 v59, v60;
	v59 =	vld.idx.msk [tilespmem:v48+s20+$0x0], $0xffff  }
0x192: {  	v6 =	vadd.f32 $0.0e+00, v6;
	v3 =	vadd.f32 v3, v5;
	v5 =	vld.idx.msk [tilespmem:v57+s20+$0x0], $0xffff  }
0x193: {  	v57 =	vld.idx.msk [tilespmem:v56+s18+$0x0], $0xffff  }
0x194: {  	v6 =	vadd.f32 v10, v6;
	v10 =	vld.idx.msk [tilespmem:v54+s18+$0x0], $0xffff  }
0x195: {  	v54 =	vld.idx.msk [tilespmem:v54+s20+$0x0], $0xffff  }
0x196: {  	v61 =	vmul.f32 v61, v62;
	v0 =	vadd.f32 v0, v3;
	v3 =	vld.idx.msk [tilespmem:v56+s20+$0x0], $0xffff  }
0x197: {  	v8 =	vmul.f32 v8, v62;
	v62 =	vmul.f32 v58, v46;
	v58 =	vld.idx.msk [tilespmem:v48+s18+$0x0], $0xffff;
	v6 =	vadd.f32 v60, v6  }
0x198: {  	v48 =	vld.idx.msk [tilespmem:v33+s20+$0x0], $0xffff;
	v0 =	vadd.f32 v61, v0  }
0x199: {  	v60 =	vld.idx.msk [tilespmem:v52+s18+$0x0], $0xffff;
	v6 =	vadd.f32 v8, v6;
	v5 =	vmul.f32 v5, v46  }
0x19a: {  	v61 =	vld.idx.msk [tilespmem:v52+s20+$0x0], $0xffff;
	v0 =	vadd.f32 v62, v0;
	v62 =	vmul.f32 v55, v57  }
0x19b: {  	v5 =	vadd.f32 v5, v6;
	v3 =	vmul.f32 v3, v57;
	v6 =	vld.idx.msk [tilespmem:v50+s18+$0x0], $0xffff  }
0x19c: {  	v56 =	vmul.f32 v53, v10;
	v50 =	vld.idx.msk [tilespmem:v50+s20+$0x0], $0xffff;
	v0 =	vadd.f32 v62, v0  }
0x19d: {  	v52 =	vld.idx.msk [tilespmem:v43+s20+$0x0], $0xffff;
	v57 =	vmul.f32 v54, v10;
	v3 =	vadd.f32 v3, v5  }
0x19e: {  	v55 =	vld.idx.msk [tilespmem:v41+s18+$0x0], $0xffff;
	v51 =	vmul.f32 v51, v60;
	v0 =	vadd.f32 v56, v0  }
0x19f: {  	v60 =	vmul.f32 v61, v60;
	v61 =	vld.idx.msk [tilespmem:v45+s18+$0x0], $0xffff;
	v3 =	vadd.f32 v57, v3  }
0x1a0: {  	v62 =	vld.idx.msk [tilespmem:v45+s20+$0x0], $0xffff;
	v0 =	vadd.f32 v51, v0;
	v49 =	vmul.f32 v49, v6  }
0x1a1: {  	v50 =	vmul.f32 v50, v6;
	v51 =	vld.idx.msk [tilespmem:v43+s18+$0x0], $0xffff;
	v3 =	vadd.f32 v60, v3  }
0x1a2: {  	v53 =	vmul.f32 v47, v58;
	v47 =	vld.idx.msk [tilespmem:v33+s18+$0x0], $0xffff;
	v0 =	vadd.f32 v49, v0  }
0x1a3: {  	v33 =	vld.idx.msk [tilespmem:v19+s18+$0x0], $0xffff;
	v54 =	vmul.f32 v59, v58;
	v3 =	vadd.f32 v50, v3  }
0x1a4: {  	v56 =	vld.idx.msk [tilespmem:v41+s20+$0x0], $0xffff;
	v44 =	vmul.f32 v44, v61;
	v0 =	vadd.f32 v53, v0  }
0x1a5: {  	v58 =	vld.idx.msk [tilespmem:v39+s18+$0x0], $0xffff;
	v57 =	vmul.f32 v62, v61;
	v3 =	vadd.f32 v54, v3  }
0x1a6: {  	v59 =	vld.idx.msk [tilespmem:v39+s20+$0x0], $0xffff;
	v42 =	vmul.f32 v42, v51;
	v0 =	vadd.f32 v44, v0  }
0x1a7: {  	v61 =	vld.idx.msk [tilespmem:v37+s18+$0x0], $0xffff;
	v60 =	vmul.f32 v52, v51;
	v3 =	vadd.f32 v57, v3  }
0x1a8: {  	v40 =	vmul.f32 v40, v55;
	v62 =	vld.idx.msk [tilespmem:v37+s20+$0x0], $0xffff;
	v0 =	vadd.f32 v42, v0  }
0x1a9: {  	v43 =	vmul.f32 v56, v55;
	v44 =	vld.idx.msk [tilespmem:v35+s18+$0x0], $0xffff;
	v3 =	vadd.f32 v60, v3  }
0x1aa: {  	v45 =	vld.idx.msk [tilespmem:v35+s20+$0x0], $0xffff;
	v38 =	vmul.f32 v38, v58;
	v0 =	vadd.f32 v40, v0  }
0x1ab: {  	v39 =	vld.idx.msk [tilespmem:v15+s18+$0x0], $0xffff;
	v46 =	vmul.f32 v59, v58;
	v3 =	vadd.f32 v43, v3  }
0x1ac: {  	v59 =	vld.idx.msk [tilespmem:v25+s18+$0x0], $0xffff;
	v36 =	vmul.f32 v36, v61;
	v0 =	vadd.f32 v38, v0  }
0x1ad: {  	v50 =	vld.idx.msk [tilespmem:v31+s18+$0x0], $0xffff;
	v49 =	vmul.f32 v62, v61;
	v3 =	vadd.f32 v46, v3  }
0x1ae: {  	v51 =	vld.idx.msk [tilespmem:v31+s20+$0x0], $0xffff;
	v34 =	vmul.f32 v34, v44;
	v0 =	vadd.f32 v36, v0  }
0x1af: {  	v53 =	vld.idx.msk [tilespmem:v29+s18+$0x0], $0xffff;
	v52 =	vmul.f32 v45, v44;
	v3 =	vadd.f32 v49, v3  }
0x1b0: {  	v32 =	vmul.f32 v32, v47;
	v54 =	vld.idx.msk [tilespmem:v29+s20+$0x0], $0xffff;
	v0 =	vadd.f32 v34, v0  }
0x1b1: {  	v55 =	vmul.f32 v48, v47;
	v56 =	vld.idx.msk [tilespmem:v27+s18+$0x0], $0xffff;
	v3 =	vadd.f32 v52, v3  }
0x1b2: {  	v57 =	vld.idx.msk [tilespmem:v27+s20+$0x0], $0xffff;
	v30 =	vmul.f32 v30, v50;
	v0 =	vadd.f32 v32, v0  }
0x1b3: {  	v37 =	vld.idx.msk [tilespmem:v17+s20+$0x0], $0xffff;
	v58 =	vmul.f32 v51, v50;
	v3 =	vadd.f32 v55, v3  }
0x1b4: {  	v60 =	vld.idx.msk [tilespmem:v25+s20+$0x0], $0xffff;
	v28 =	vmul.f32 v28, v53;
	v0 =	vadd.f32 v30, v0  }
0x1b5: {  	v62 =	vld.idx.msk [tilespmem:v23+s18+$0x0], $0xffff;
	v61 =	vmul.f32 v54, v53;
	v3 =	vadd.f32 v58, v3  }
0x1b6: {  	v26 =	vmul.f32 v26, v56;
	v0 =	vadd.f32 v28, v0;
	v28 =	vld.idx.msk [tilespmem:v23+s20+$0x0], $0xffff  }
0x1b7: {  	v29 =	vmul.f32 v57, v56;
	v30 =	vld.idx.msk [tilespmem:v21+s18+$0x0], $0xffff;
	v3 =	vadd.f32 v61, v3  }
0x1b8: {  	v31 =	vld.idx.msk [tilespmem:v21+s20+$0x0], $0xffff;
	v24 =	vmul.f32 v24, v59;
	v0 =	vadd.f32 v26, v0  }
0x1b9: {  	v48 =	vld.idx.msk [tilespmem:v9+s18+$0x0], $0xffff;
	v32 =	vmul.f32 v60, v59;
	v3 =	vadd.f32 v29, v3  }
0x1ba: {  	v22 =	vmul.f32 v22, v62;
	v34 =	vld.idx.msk [tilespmem:v19+s20+$0x0], $0xffff;
	v0 =	vadd.f32 v24, v0  }
0x1bb: {  	v36 =	vld.idx.msk [tilespmem:v17+s18+$0x0], $0xffff;
	v3 =	vadd.f32 v32, v3;
	v35 =	vmul.f32 v28, v62  }
0x1bc: {  	v42 =	vld.idx.msk [tilespmem:v13+s18+$0x0], $0xffff;
	v20 =	vmul.f32 v20, v30;
	v0 =	vadd.f32 v22, v0  }
0x1bd: {  	v40 =	vld.idx.msk [tilespmem:v15+s20+$0x0], $0xffff;
	v38 =	vmul.f32 v31, v30;
	v3 =	vadd.f32 v35, v3  }
0x1be: {  	v18 =	vmul.f32 v18, v33;
	v51 =	vld.idx.msk [tilespmem:v7+s18+$0x0], $0xffff;
	v0 =	vadd.f32 v20, v0  }
0x1bf: {  	v53 =	vld [tilespmem:$0x1FFE0];
	v41 =	vmul.f32 v34, v33;
	v3 =	vadd.f32 v38, v3  }
0x1c0: {  	v43 =	vld.idx.msk [tilespmem:v13+s20+$0x0], $0xffff;
	v16 =	vmul.f32 v16, v36;
	v0 =	vadd.f32 v18, v0  }
0x1c1: {  	v45 =	vld.idx.msk [tilespmem:v11+s18+$0x0], $0xffff;
	v44 =	vmul.f32 v37, v36;
	v3 =	vadd.f32 v41, v3  }
0x1c2: {  	v14 =	vmul.f32 v14, v39;
	v46 =	vld.idx.msk [tilespmem:v11+s20+$0x0], $0xffff;
	v0 =	vadd.f32 v16, v0  }
0x1c3: {  	v57 =	vld [tilespmem:$0x1FFD0];
	v47 =	vmul.f32 v40, v39;
	v3 =	vadd.f32 v44, v3  }
0x1c4: {  	v12 =	vmul.f32 v12, v42;
	v49 =	vld.idx.msk [tilespmem:v9+s20+$0x0], $0xffff;
	v0 =	vadd.f32 v14, v0  }
0x1c5: {  	v50 =	vmul.f32 v43, v42;
	v52 =	vld.idx.msk [tilespmem:v7+s20+$0x0], $0xffff;
	v3 =	vadd.f32 v47, v3  }
0x1c6: {  	v60 =	vmul.f32 v1, v51;
	v1 =	vld [tilespmem:$0x1FFC0];
	v0 =	vadd.f32 v12, v0;
	v12 =	vmul.f32 v53, v45  }
0x1c7: {  	v54 =	vmul.f32 v46, v45;
	v55 =	vld.idx.msk [tilespmem:v4+s18+$0x0], $0xffff;
	v3 =	vadd.f32 v50, v3  }
0x1c8: {  	v56 =	vld.idx.msk [tilespmem:v4+s20+$0x0], $0xffff;
	v11 =	vmul.f32 v57, v48;
	v0 =	vadd.f32 v12, v0  }
0x1c9: {  	v59 =	vld.idx.msk [tilespmem:v2+s18+$0x0], $0xffff;
	v58 =	vmul.f32 v49, v48;
	v3 =	vadd.f32 v54, v3  }
0x1ca: {  	v2 =	vld.idx.msk [tilespmem:v2+s20+$0x0], $0xffff;
	v0 =	vadd.f32 v11, v0  }
0x1cb: {  	v61 =	vmul.f32 v52, v51;
	v3 =	vadd.f32 v58, v3  }
0x1cc: {  	v62 =	vmul.f32 v1, v55;
	v0 =	vadd.f32 v60, v0  }
0x1cd: {  	v4 =	vmul.f32 v56, v55;
	v3 =	vadd.f32 v61, v3  }
0x1ce: {  	v63 =	vmul.f32 v63, v59;
	v0 =	vadd.f32 v62, v0  }
0x1cf: {  	v2 =	vmul.f32 v2, v59;
	v3 =	vadd.f32 v4, v3  }
0x1d0: {  	v0 =	vadd.f32 v63, v0  }
0x1d1: {  	s6 =	sadd.s32 $0x10, s6;
	s7 =	sadd.s32 $0x10, s7;
	v2 =	vadd.f32 v2, v3  }
0x1d2: {  	s15 =	simm.s32 $0x19800;
	s8 =	simm.s32 $0x17000;
	s9 =	simm.s32 $0x19900;
	[tilespmem:s6+$0x0] =	vst v0  }
0x1d3: {  	s10 =	simm.s32 $0x17100;
	s11 =	simm.s32 $0x0;
	s6 =	simm.s32 $0x0;
	[tilespmem:s7+$0x0] =	vst v2;
	v2 =	vld [tilespmem:$0x1FFF0]  }
.LBB2_4:
0x1d4: {  	_ =	swait.ge [sflag:s28], $0x1000  }
0x1d5: {  	[sflag:s28] =	ssyncset.done $0x0  }
0x1d6: {  	[sflag:s28] =	ssyncadd.s32 $0xFFFFF000  }
0x1d7: {  	_ =	swait.ge [sflag:s28], $0x1000  }
0x1d8: {  	v0 =	vmov s6;
	[sflag:s28] =	ssyncset.done $0x0  }
0x1d9: {  	v0 =	vshll.u32 v0, $0x5;
	[sflag:s28] =	ssyncadd.s32 $0xFFFFF000  }
0x1da: {  	v0 =	vor.u32 v2, v0;
	_ =	swait.ge [sflag:s28], $0x1000  }
0x1db: {  	v7 =	vor.u32 $0x1F, v0;
	[sflag:s28] =	ssyncset.done $0x0  }
0x1dc: {  	v6 =	vor.u32 $0x1E, v0;
	[sflag:s28] =	ssyncadd.s32 $0xFFFFF000  }
0x1dd: {  	v8 =	vor.u32 $0x1D, v0;
	_ =	swait.ge [sflag:s28], $0x1000  }
0x1de: {  	v15 =	vor.u32 $0x1A, v0;
	[sflag:s28] =	ssyncset.done $0x0  }
0x1df: {  	v21 =	vor.u32 $0x17, v0;
	[sflag:s28] =	ssyncadd.s32 $0xFFFFF000  }
0x1e0: {  	v24 =	vor.u32 $0x16, v0;
	v1 =	vld.idx.msk [tilespmem:v7+s24+$0x0], $0xffff  }
0x1e1: {  	v26 =	vor.u32 $0x15, v0;
	v55 =	vld.idx.msk [tilespmem:v6+s24+$0x0], $0xffff  }
0x1e2: {  	v28 =	vor.u32 $0x14, v0;
	v56 =	vld.idx.msk [tilespmem:v8+s24+$0x0], $0xffff  }
0x1e3: {  	v30 =	vor.u32 $0x13, v0;
	v13 =	vld.idx.msk [tilespmem:v15+s24+$0x0], $0xffff  }
0x1e4: {  	v32 =	vor.u32 $0x12, v0;
	v20 =	vld.idx.msk [tilespmem:v21+s24+$0x0], $0xffff  }
0x1e5: {  	v34 =	vor.u32 $0x11, v0;
	v23 =	vld.idx.msk [tilespmem:v24+s24+$0x0], $0xffff  }
0x1e6: {  	v36 =	vor.u32 $0x10, v0;
	v25 =	vld.idx.msk [tilespmem:v26+s24+$0x0], $0xffff  }
0x1e7: {  	v37 =	vor.u32 $0x7, v0;
	v27 =	vld.idx.msk [tilespmem:v28+s24+$0x0], $0xffff  }
0x1e8: {  	v38 =	vor.u32 $0x6, v0;
	v29 =	vld.idx.msk [tilespmem:v30+s24+$0x0], $0xffff  }
0x1e9: {  	v39 =	vor.u32 $0x5, v0;
	v31 =	vld.idx.msk [tilespmem:v32+s24+$0x0], $0xffff  }
0x1ea: {  	v40 =	vor.u32 $0x4, v0;
	v33 =	vld.idx.msk [tilespmem:v34+s24+$0x0], $0xffff  }
0x1eb: {  	v41 =	vor.u32 $0x3, v0;
	v35 =	vld.idx.msk [tilespmem:v36+s24+$0x0], $0xffff  }
0x1ec: {  	v42 =	vor.u32 $0x2, v0;
	v43 =	vld.idx.msk [tilespmem:v37+s24+$0x0], $0xffff  }
0x1ed: {  	v44 =	vor.u32 $0x1, v0;
	v45 =	vld.idx.msk [tilespmem:v38+s24+$0x0], $0xffff  }
0x1ee: {  	v46 =	vld.idx.msk [tilespmem:v39+s24+$0x0], $0xffff  }
0x1ef: {  	v47 =	vld.idx.msk [tilespmem:v40+s24+$0x0], $0xffff  }
0x1f0: {  	v48 =	vld.idx.msk [tilespmem:v41+s24+$0x0], $0xffff  }
0x1f1: {  	s13 =	sshll.u32 s11, $0x9;
	v57 =	vlaneseq.u32;
	v50 =	vld.idx.msk [tilespmem:v42+s24+$0x0], $0xffff  }
0x1f2: {  	v51 =	vld.idx.msk [tilespmem:v44+s24+$0x0], $0xffff;
	[tilespmem:$0x1FF00] =	vst v1;
	v1 =	vor.u32 s13, v57  }
0x1f3: {  	v52 =	vld.idx.msk [tilespmem:v0+s24+$0x0], $0xffff;
	v14 =	vor.u32 s6, v1  }
0x1f4: {  	v44 =	vld.idx.msk [tilespmem:v44+s29+$0x0], $0xffff;
	v14 =	vmulhi.u32 $0xCCCCCCCD, v14  }
0x1f5: {  	v42 =	vld.idx.msk [tilespmem:v42+s29+$0x0], $0xffff  }
0x1f6: {  	v41 =	vld.idx.msk [tilespmem:v41+s29+$0x0], $0xffff;
	v14 =	vshrl.u32 v14, $0x4  }
0x1f7: {  	v40 =	vld.idx.msk [tilespmem:v40+s29+$0x0], $0xffff;
	v22 =	vshll.u32 v14, $0x5  }
0x1f8: {  	v39 =	vld.idx.msk [tilespmem:v39+s29+$0x0], $0xffff;
	v49 =	vor.u32 $0x1, v22  }
0x1f9: {  	v38 =	vld.idx.msk [tilespmem:v38+s29+$0x0], $0xffff;
	[tilespmem:$0x1FEE0] =	vst v56;
	v56 =	vor.u32 $0x3, v22  }
0x1fa: {  	v61 =	vor.u32 $0xF, v0;
	v37 =	vld.idx.msk [tilespmem:v37+s29+$0x0], $0xffff  }
0x1fb: {  	[tilespmem:$0x1FEF0] =	vst v55;
	v55 =	vld.idx.msk [tilespmem:v0+s29+$0x0], $0xffff;
	v53 =	vor.u32 $0x2, v22  }
0x1fc: {  	v62 =	vor.u32 $0xE, v0;
	v54 =	vld.idx.msk [tilespmem:v22+s18+$0x0], $0xffff  }
0x1fd: {  	v60 =	vor.u32 $0x7, v22;
	v49 =	vld.idx.msk [tilespmem:v49+s18+$0x0], $0xffff  }
0x1fe: {  	v10 =	vor.u32 $0x1C, v0;
	v57 =	vor.u32 $0x4, v22;
	v56 =	vld.idx.msk [tilespmem:v56+s18+$0x0], $0xffff  }
0x1ff: {  	v12 =	vor.u32 $0x1B, v0;
	v17 =	vor.u32 $0x19, v0;
	v5 =	vld.idx.msk [tilespmem:v61+s24+$0x0], $0xffff;
	v58 =	vor.u32 $0x5, v22  }
0x200: {  	v19 =	vor.u32 $0x18, v0;
	v63 =	vor.u32 $0xD, v0;
	v59 =	vor.u32 $0x6, v22;
	v53 =	vld.idx.msk [tilespmem:v53+s18+$0x0], $0xffff  }
0x201: {  	v3 =	vor.u32 $0xC, v0;
	v4 =	vld.idx.msk [tilespmem:v62+s24+$0x0], $0xffff;
	v52 =	vmul.f32 v52, v54;
	v54 =	vmul.f32 v55, v54  }
0x202: {  	v55 =	vld.idx.msk [tilespmem:v60+s18+$0x0], $0xffff;
	v60 =	vor.u32 $0xB, v0;
	v51 =	vmul.f32 v51, v49;
	v44 =	vmul.f32 v44, v49  }
0x203: {  	v57 =	vld.idx.msk [tilespmem:v57+s18+$0x0], $0xffff;
	v49 =	vor.u32 $0xA, v0;
	v48 =	vmul.f32 v48, v56;
	v52 =	vadd.f32 $0.0e+00, v52  }
0x204: {  	v58 =	vld.idx.msk [tilespmem:v58+s18+$0x0], $0xffff;
	v41 =	vmul.f32 v41, v56;
	v56 =	vor.u32 $0x9, v22;
	v54 =	vadd.f32 $0.0e+00, v54  }
0x205: {  	v59 =	vld.idx.msk [tilespmem:v59+s18+$0x0], $0xffff;
	v50 =	vmul.f32 v50, v53;
	v42 =	vmul.f32 v42, v53;
	v51 =	vadd.f32 v51, v52  }
0x206: {  	v53 =	vld.idx.msk [tilespmem:v63+s24+$0x0], $0xffff;
	v52 =	vor.u32 $0x9, v0;
	v44 =	vadd.f32 v44, v54;
	v0 =	vor.u32 $0x8, v0  }
0x207: {  	v54 =	vor.u32 $0x8, v22;
	v50 =	vadd.f32 v50, v51;
	v51 =	vld.idx.msk [tilespmem:v3+s24+$0x0], $0xffff  }
0x208: {  	v47 =	vmul.f32 v47, v57;
	v42 =	vadd.f32 v42, v44;
	v44 =	vld.idx.msk [tilespmem:v60+s24+$0x0], $0xffff  }
0x209: {  	v46 =	vmul.f32 v46, v58;
	v39 =	vmul.f32 v39, v58;
	v58 =	vld.idx.msk [tilespmem:v56+s18+$0x0], $0xffff;
	v48 =	vadd.f32 v48, v50  }
0x20a: {  	v40 =	vmul.f32 v40, v57;
	v50 =	vld.idx.msk [tilespmem:v49+s24+$0x0], $0xffff;
	v41 =	vadd.f32 v41, v42  }
0x20b: {  	v57 =	vor.u32 $0xA, v22;
	v47 =	vadd.f32 v47, v48;
	v48 =	vld.idx.msk [tilespmem:v0+s24+$0x0], $0xffff  }
0x20c: {  	v40 =	vadd.f32 v40, v41;
	v41 =	vld.idx.msk [tilespmem:v54+s18+$0x0], $0xffff  }
0x20d: {  	v45 =	vmul.f32 v45, v59;
	v0 =	vld.idx.msk [tilespmem:v0+s29+$0x0], $0xffff;
	v46 =	vadd.f32 v46, v47;
	v47 =	vor.u32 $0xB, v22  }
0x20e: {  	v38 =	vmul.f32 v38, v59;
	v42 =	vld.idx.msk [tilespmem:v52+s24+$0x0], $0xffff;
	v39 =	vadd.f32 v39, v40  }
0x20f: {  	v59 =	vor.u32 $0xC, v22;
	v43 =	vmul.f32 v43, v55;
	v52 =	vld.idx.msk [tilespmem:v52+s29+$0x0], $0xffff;
	v45 =	vadd.f32 v45, v46  }
0x210: {  	v37 =	vmul.f32 v37, v55;
	v54 =	vld.idx.msk [tilespmem:v57+s18+$0x0], $0xffff;
	v38 =	vadd.f32 v38, v39  }
0x211: {  	v55 =	vor.u32 $0xD, v22;
	v49 =	vld.idx.msk [tilespmem:v49+s29+$0x0], $0xffff;
	v48 =	vmul.f32 v48, v41;
	v43 =	vadd.f32 v43, v45  }
0x212: {  	v0 =	vmul.f32 v0, v41;
	v37 =	vadd.f32 v37, v38;
	v38 =	vld.idx.msk [tilespmem:v47+s18+$0x0], $0xffff  }
0x213: {  	v56 =	vld.idx.msk [tilespmem:v60+s29+$0x0], $0xffff;
	v57 =	vor.u32 $0xE, v22;
	v42 =	vmul.f32 v42, v58;
	v43 =	vadd.f32 v48, v43  }
0x214: {  	v46 =	vld.idx.msk [tilespmem:v59+s18+$0x0], $0xffff;
	v58 =	vmul.f32 v52, v58;
	v0 =	vadd.f32 v0, v37  }
0x215: {  	v3 =	vld.idx.msk [tilespmem:v3+s29+$0x0], $0xffff;
	v40 =	vor.u32 $0xF, v22;
	v59 =	vmul.f32 v50, v54;
	v42 =	vadd.f32 v42, v43  }
0x216: {  	v60 =	vmul.f32 v49, v54;
	v45 =	vld.idx.msk [tilespmem:v55+s18+$0x0], $0xffff;
	v0 =	vadd.f32 v58, v0  }
0x217: {  	v39 =	vld.idx.msk [tilespmem:v63+s29+$0x0], $0xffff;
	v52 =	vor.u32 $0x10, v22;
	v42 =	vadd.f32 v59, v42;
	v54 =	vmul.f32 v44, v38  }
0x218: {  	v55 =	vld.idx.msk [tilespmem:v57+s18+$0x0], $0xffff;
	v0 =	vadd.f32 v60, v0;
	v56 =	vmul.f32 v56, v38  }
0x219: {  	v57 =	vld.idx.msk [tilespmem:v62+s29+$0x0], $0xffff;
	v58 =	vor.u32 $0x11, v22;
	v59 =	vmul.f32 v51, v46;
	v42 =	vadd.f32 v54, v42  }
0x21a: {  	v40 =	vld.idx.msk [tilespmem:v40+s18+$0x0], $0xffff;
	v3 =	vmul.f32 v3, v46;
	v0 =	vadd.f32 v56, v0  }
0x21b: {  	v62 =	vmul.f32 v53, v45;
	v60 =	vld.idx.msk [tilespmem:v61+s29+$0x0], $0xffff;
	v61 =	vor.u32 $0x12, v22;
	v42 =	vadd.f32 v59, v42  }
0x21c: {  	v63 =	vld.idx.msk [tilespmem:v52+s18+$0x0], $0xffff;
	v0 =	vadd.f32 v3, v0;
	v3 =	vmul.f32 v39, v45  }
0x21d: {  	v36 =	vld.idx.msk [tilespmem:v36+s29+$0x0], $0xffff;
	v4 =	vmul.f32 v4, v55;
	v45 =	vor.u32 $0x13, v22;
	v42 =	vadd.f32 v62, v42  }
0x21e: {  	v41 =	vld.idx.msk [tilespmem:v58+s18+$0x0], $0xffff;
	v0 =	vadd.f32 v3, v0;
	v3 =	vmul.f32 v57, v55  }
0x21f: {  	v34 =	vld.idx.msk [tilespmem:v34+s29+$0x0], $0xffff;
	v48 =	vor.u32 $0x14, v22;
	v5 =	vmul.f32 v5, v40;
	v4 =	vadd.f32 v4, v42  }
0x220: {  	v49 =	vld.idx.msk [tilespmem:v61+s18+$0x0], $0xffff;
	v0 =	vadd.f32 v3, v0;
	v3 =	vmul.f32 v60, v40  }
0x221: {  	v32 =	vld.idx.msk [tilespmem:v32+s29+$0x0], $0xffff;
	v50 =	vor.u32 $0x15, v22;
	v4 =	vadd.f32 v5, v4;
	v5 =	vmul.f32 v35, v63  }
0x222: {  	v51 =	vld.idx.msk [tilespmem:v45+s18+$0x0], $0xffff;
	v0 =	vadd.f32 v3, v0;
	v3 =	vmul.f32 v36, v63  }
0x223: {  	v30 =	vld.idx.msk [tilespmem:v30+s29+$0x0], $0xffff;
	v52 =	vor.u32 $0x16, v22;
	v4 =	vadd.f32 v5, v4;
	v5 =	vmul.f32 v33, v41  }
0x224: {  	v53 =	vld.idx.msk [tilespmem:v48+s18+$0x0], $0xffff;
	v0 =	vadd.f32 v3, v0;
	v3 =	vmul.f32 v34, v41  }
0x225: {  	v28 =	vld.idx.msk [tilespmem:v28+s29+$0x0], $0xffff;
	v54 =	vor.u32 $0x17, v22;
	v4 =	vadd.f32 v5, v4;
	v5 =	vmul.f32 v31, v49  }
0x226: {  	v31 =	vld.idx.msk [tilespmem:v50+s18+$0x0], $0xffff;
	v0 =	vadd.f32 v3, v0;
	v3 =	vmul.f32 v32, v49  }
0x227: {  	v26 =	vld.idx.msk [tilespmem:v26+s29+$0x0], $0xffff;
	v55 =	vor.u32 $0x18, v22;
	v4 =	vadd.f32 v5, v4;
	v5 =	vmul.f32 v29, v51  }
0x228: {  	v29 =	vld.idx.msk [tilespmem:v52+s18+$0x0], $0xffff;
	v0 =	vadd.f32 v3, v0;
	v3 =	vmul.f32 v30, v51  }
0x229: {  	v24 =	vld.idx.msk [tilespmem:v24+s29+$0x0], $0xffff;
	v30 =	vor.u32 $0x19, v22;
	v4 =	vadd.f32 v5, v4;
	v5 =	vmul.f32 v27, v53  }
0x22a: {  	v27 =	vld.idx.msk [tilespmem:v54+s18+$0x0], $0xffff;
	v0 =	vadd.f32 v3, v0;
	v3 =	vmul.f32 v28, v53  }
0x22b: {  	v18 =	vld.idx.msk [tilespmem:v19+s24+$0x0], $0xffff;
	v28 =	vor.u32 $0x1A, v22;
	v4 =	vadd.f32 v5, v4;
	v5 =	vmul.f32 v25, v31  }
0x22c: {  	v25 =	vld.idx.msk [tilespmem:v55+s18+$0x0], $0xffff;
	v0 =	vadd.f32 v3, v0;
	v3 =	vmul.f32 v26, v31  }
0x22d: {  	v16 =	vld.idx.msk [tilespmem:v17+s24+$0x0], $0xffff;
	v26 =	vor.u32 $0x1B, v22;
	v4 =	vadd.f32 v5, v4;
	v5 =	vmul.f32 v23, v29  }
0x22e: {  	v23 =	vld.idx.msk [tilespmem:v30+s18+$0x0], $0xffff;
	v0 =	vadd.f32 v3, v0;
	v3 =	vmul.f32 v24, v29  }
0x22f: {  	v21 =	vld.idx.msk [tilespmem:v21+s29+$0x0], $0xffff;
	v24 =	vor.u32 $0x1C, v22;
	v4 =	vadd.f32 v5, v4;
	v5 =	vmul.f32 v20, v27  }
0x230: {  	v20 =	vld.idx.msk [tilespmem:v28+s18+$0x0], $0xffff  }
0x231: {  	v11 =	vld.idx.msk [tilespmem:v12+s24+$0x0], $0xffff;
	v4 =	vadd.f32 v5, v4;
	v5 =	vmul.f32 v18, v25  }
0x232: {  	v18 =	vld.idx.msk [tilespmem:v26+s18+$0x0], $0xffff  }
0x233: {  	v9 =	vld.idx.msk [tilespmem:v10+s24+$0x0], $0xffff;
	v4 =	vadd.f32 v5, v4;
	v5 =	vmul.f32 v16, v23  }
0x234: {  	v0 =	vadd.f32 v3, v0;
	v3 =	vmul.f32 v21, v27;
	v16 =	vld.idx.msk [tilespmem:v24+s18+$0x0], $0xffff  }
0x235: {  	v21 =	vor.u32 $0x1D, v22;
	v4 =	vadd.f32 v5, v4;
	v5 =	vmul.f32 v13, v20;
	_ =	sdelay $0x1  }
0x236: {  	v19 =	vld.idx.msk [tilespmem:v19+s29+$0x0], $0xffff;
	v4 =	vadd.f32 v5, v4;
	v5 =	vmul.f32 v11, v18;
	_ =	sdelay $0x1  }
0x237: {  	v4 =	vadd.f32 v5, v4;
	v5 =	vmul.f32 v9, v16  }
0x238: {  	v13 =	vld.idx.msk [tilespmem:v21+s18+$0x0], $0xffff  }
0x239: {  	v4 =	vadd.f32 v5, v4;
	v5 =	vld [tilespmem:$0x1FEE0]  }
0x23a: {  	v0 =	vadd.f32 v3, v0;
	v3 =	vmul.f32 v19, v25;
	v19 =	vor.u32 $0x1E, v22;
	_ =	sdelay $0x1  }
0x23b: {  	v17 =	vld.idx.msk [tilespmem:v17+s29+$0x0], $0xffff  }
0x23c: {  	v15 =	vld.idx.msk [tilespmem:v15+s29+$0x0], $0xffff  }
0x23d: {  	v12 =	vld.idx.msk [tilespmem:v12+s29+$0x0], $0xffff;
	v5 =	vmul.f32 v5, v13  }
0x23e: {  	v11 =	vld.idx.msk [tilespmem:v19+s18+$0x0], $0xffff  }
0x23f: {  	v4 =	vadd.f32 v5, v4;
	v5 =	vld [tilespmem:$0x1FEF0]  }
0x240: {  	v0 =	vadd.f32 v3, v0;
	v3 =	vmul.f32 v17, v23;
	v17 =	vor.u32 $0x1F, v22  }
0x241: {  	v10 =	vld.idx.msk [tilespmem:v10+s29+$0x0], $0xffff  }
0x242: {  	v0 =	vadd.f32 v3, v0;
	v3 =	vmul.f32 v15, v20  }
0x243: {  	v8 =	vld.idx.msk [tilespmem:v8+s29+$0x0], $0xffff  }
0x244: {  	v6 =	vld.idx.msk [tilespmem:v6+s29+$0x0], $0xffff;
	v0 =	vadd.f32 v3, v0;
	v3 =	vmul.f32 v12, v18;
	v5 =	vmul.f32 v5, v11  }
0x245: {  	v9 =	vld.idx.msk [tilespmem:v17+s18+$0x0], $0xffff  }
0x246: {  	v0 =	vadd.f32 v3, v0;
	v3 =	vmul.f32 v10, v16;
	v4 =	vadd.f32 v5, v4;
	v5 =	vld [tilespmem:$0x1FF00]  }
0x247: {  	v7 =	vld.idx.msk [tilespmem:v7+s29+$0x0], $0xffff  }
0x248: {  	v0 =	vadd.f32 v3, v0;
	v3 =	vmul.f32 v8, v13;
	_ =	sdelay $0x1  }
0x249: {  	s7 =	simm.s32 $0x10;
	v8 =	vld.idx.msk [tilespmem:v14+s2+$0x0], $0xffff;
	v0 =	vadd.f32 v3, v0;
	v3 =	vmul.f32 v6, v11  }
0x24a: {  	v10 =	vmov s7;
	v6 =	vld.idx.msk [tilespmem:v14+s25+$0x0], $0xffff;
	v5 =	vmul.f32 v5, v9  }
0x24b: {  	v10 =	vshll.u32 v10, $0x5;
	v0 =	vadd.f32 v3, v0;
	v3 =	vmul.f32 v7, v9  }
0x24c: {  	v52 =	vor.u32 v2, v10;
	v7 =	vadd.f32 v5, v4  }
0x24d: {  	v0 =	vadd.f32 v3, v0;
	v4 =	vor.u32 $0x1F, v52  }
0x24e: {  	v5 =	vor.u32 $0x1E, v52;
	v3 =	vsub.f32 v8, v7  }
0x24f: {  	v10 =	vor.u32 $0x1C, v52;
	v0 =	vsub.f32 v6, v0  }
0x250: {  	v12 =	vor.u32 $0x1B, v52;
	[tilespmem:s8+$0x0] =	vst v3  }
0x251: {  	v14 =	vor.u32 $0x1A, v52;
	[tilespmem:s15+$0x0] =	vst v0  }
0x252: {  	v16 =	vor.u32 $0x19, v52;
	v62 =	vld.idx.msk [tilespmem:v4+s24+$0x0], $0xffff  }
0x253: {  	v18 =	vor.u32 $0x18, v52;
	v63 =	vld.idx.msk [tilespmem:v5+s24+$0x0], $0xffff  }
0x254: {  	v20 =	vor.u32 $0x17, v52;
	v56 =	vld.idx.msk [tilespmem:v10+s24+$0x0], $0xffff  }
0x255: {  	v22 =	vor.u32 $0x16, v52;
	v57 =	vld.idx.msk [tilespmem:v12+s24+$0x0], $0xffff  }
0x256: {  	v24 =	vor.u32 $0x15, v52;
	v58 =	vld.idx.msk [tilespmem:v14+s24+$0x0], $0xffff  }
0x257: {  	v26 =	vor.u32 $0x14, v52;
	v59 =	vld.idx.msk [tilespmem:v16+s24+$0x0], $0xffff  }
0x258: {  	v28 =	vor.u32 $0x13, v52;
	v60 =	vld.idx.msk [tilespmem:v18+s24+$0x0], $0xffff  }
0x259: {  	v30 =	vor.u32 $0x12, v52;
	v19 =	vld.idx.msk [tilespmem:v20+s24+$0x0], $0xffff  }
0x25a: {  	v32 =	vor.u32 $0x11, v52;
	v21 =	vld.idx.msk [tilespmem:v22+s24+$0x0], $0xffff  }
0x25b: {  	v34 =	vor.u32 $0x10, v52;
	v23 =	vld.idx.msk [tilespmem:v24+s24+$0x0], $0xffff  }
0x25c: {  	v36 =	vor.u32 $0xF, v52;
	v25 =	vld.idx.msk [tilespmem:v26+s24+$0x0], $0xffff  }
0x25d: {  	v38 =	vor.u32 $0xE, v52;
	v27 =	vld.idx.msk [tilespmem:v28+s24+$0x0], $0xffff  }
0x25e: {  	v41 =	vor.u32 $0xD, v52;
	v29 =	vld.idx.msk [tilespmem:v30+s24+$0x0], $0xffff  }
0x25f: {  	v43 =	vor.u32 $0xC, v52;
	v31 =	vld.idx.msk [tilespmem:v32+s24+$0x0], $0xffff  }
0x260: {  	v8 =	vor.u32 $0x1D, v52;
	v33 =	vld.idx.msk [tilespmem:v34+s24+$0x0], $0xffff  }
0x261: {  	v46 =	vor.u32 $0xB, v52;
	v35 =	vld.idx.msk [tilespmem:v36+s24+$0x0], $0xffff  }
0x262: {  	v48 =	vor.u32 $0xA, v52;
	v37 =	vld.idx.msk [tilespmem:v38+s24+$0x0], $0xffff  }
0x263: {  	v50 =	vor.u32 $0x9, v52;
	v39 =	vld.idx.msk [tilespmem:v41+s24+$0x0], $0xffff  }
0x264: {  	[tilespmem:$0x1FF70] =	vst v1;
	v53 =	vor.u32 $0x8, v52;
	v42 =	vld.idx.msk [tilespmem:v43+s24+$0x0], $0xffff  }
0x265: {  	v55 =	vor.u32 $0x7, v52;
	v0 =	vld.idx.msk [tilespmem:v8+s24+$0x0], $0xffff;
	[tilespmem:$0x1FF20] =	vst v56  }
0x266: {  	v44 =	vld.idx.msk [tilespmem:v46+s24+$0x0], $0xffff;
	[tilespmem:$0x1FF30] =	vst v57  }
0x267: {  	v47 =	vld.idx.msk [tilespmem:v48+s24+$0x0], $0xffff;
	[tilespmem:$0x1FF40] =	vst v58  }
0x268: {  	v61 =	vor.u32 s7, v1;
	v49 =	vld.idx.msk [tilespmem:v50+s24+$0x0], $0xffff;
	[tilespmem:$0x1FF50] =	vst v59  }
0x269: {  	v40 =	vmulhi.u32 $0xCCCCCCCD, v61;
	v51 =	vld.idx.msk [tilespmem:v53+s24+$0x0], $0xffff;
	[tilespmem:$0x1FF60] =	vst v60;
	v56 =	vor.u32 $0x6, v52;
	v57 =	vor.u32 $0x5, v52  }
0x26a: {  	s16 =	simm.s32 $0x20;
	s12 =	smov.u32 s8;
	s7 =	smov.u32 s15;
	v54 =	vld.idx.msk [tilespmem:v55+s24+$0x0], $0xffff;
	v58 =	vor.u32 $0x4, v52;
	v59 =	vor.u32 $0x3, v52;
	v60 =	vor.u32 $0x2, v52;
	[tilespmem:$0x1FF10] =	vst v0  }
.LBB2_5:
0x26b: {  	_ =	sdelay $0x2  }
0x26c: {  	v61 =	vld.idx.msk [tilespmem:v56+s24+$0x0], $0xffff  }
0x26d: {  	v1 =	vld.idx.msk [tilespmem:v59+s24+$0x0], $0xffff;
	v40 =	vshrl.u32 v40, $0x4  }
0x26e: {  	v3 =	vld.idx.msk [tilespmem:v60+s24+$0x0], $0xffff;
	v45 =	vshll.u32 v40, $0x5  }
0x26f: {  	v0 =	vor.u32 $0x1, v52;
	v7 =	vld.idx.msk [tilespmem:v52+s24+$0x0], $0xffff  }
0x270: {  	v52 =	vld.idx.msk [tilespmem:v52+s29+$0x0], $0xffff;
	v2 =	vor.u32 $0x1, v45  }
0x271: {  	v60 =	vld.idx.msk [tilespmem:v60+s29+$0x0], $0xffff  }
0x272: {  	v9 =	vor.u32 $0x2, v45;
	[tilespmem:$0x1FED0] =	vst v62;
	v62 =	vld.idx.msk [tilespmem:v57+s24+$0x0], $0xffff  }
0x273: {  	v11 =	vld.idx.msk [tilespmem:v45+s18+$0x0], $0xffff  }
0x274: {  	v13 =	vor.u32 $0x3, v45;
	v6 =	vld.idx.msk [tilespmem:v0+s24+$0x0], $0xffff  }
0x275: {  	v2 =	vld.idx.msk [tilespmem:v2+s18+$0x0], $0xffff  }
0x276: {  	v15 =	vor.u32 $0x4, v45;
	v0 =	vld.idx.msk [tilespmem:v0+s29+$0x0], $0xffff  }
0x277: {  	v9 =	vld.idx.msk [tilespmem:v9+s18+$0x0], $0xffff  }
0x278: {  	v17 =	vor.u32 $0x5, v45;
	[tilespmem:$0x1FEC0] =	vst v63;
	v63 =	vld.idx.msk [tilespmem:v58+s24+$0x0], $0xffff;
	v7 =	vmul.f32 v7, v11  }
0x279: {  	v13 =	vld.idx.msk [tilespmem:v13+s18+$0x0], $0xffff;
	v11 =	vmul.f32 v52, v11  }
0x27a: {  	v52 =	vld.idx.msk [tilespmem:v59+s29+$0x0], $0xffff;
	v59 =	vor.u32 $0x6, v45;
	v6 =	vmul.f32 v6, v2;
	v7 =	vadd.f32 $0.0e+00, v7  }
0x27b: {  	v15 =	vld.idx.msk [tilespmem:v15+s18+$0x0], $0xffff;
	v0 =	vmul.f32 v0, v2;
	v11 =	vadd.f32 $0.0e+00, v11  }
0x27c: {  	v2 =	vld.idx.msk [tilespmem:v58+s29+$0x0], $0xffff;
	v58 =	vor.u32 $0x7, v45;
	v3 =	vmul.f32 v3, v9;
	v6 =	vadd.f32 v6, v7  }
0x27d: {  	v9 =	vmul.f32 v60, v9;
	v7 =	vld.idx.msk [tilespmem:v17+s18+$0x0], $0xffff;
	v0 =	vadd.f32 v0, v11  }
0x27e: {  	v1 =	vmul.f32 v1, v13;
	v11 =	vld.idx.msk [tilespmem:v57+s29+$0x0], $0xffff;
	v17 =	vor.u32 $0x8, v45;
	v3 =	vadd.f32 v3, v6  }
0x27f: {  	v6 =	vld.idx.msk [tilespmem:v59+s18+$0x0], $0xffff;
	v0 =	vadd.f32 v9, v0;
	v9 =	vmul.f32 v52, v13  }
0x280: {  	v13 =	vld.idx.msk [tilespmem:v56+s29+$0x0], $0xffff;
	v52 =	vor.u32 $0x9, v45;
	v1 =	vadd.f32 v1, v3;
	v3 =	vmul.f32 v63, v15  }
0x281: {  	v2 =	vmul.f32 v2, v15;
	v63 =	vld.idx.msk [tilespmem:v58+s18+$0x0], $0xffff;
	v0 =	vadd.f32 v9, v0  }
0x282: {  	v9 =	vld.idx.msk [tilespmem:v55+s29+$0x0], $0xffff;
	v15 =	vor.u32 $0xA, v45;
	v1 =	vadd.f32 v3, v1;
	v3 =	vmul.f32 v62, v7  }
0x283: {  	v17 =	vld.idx.msk [tilespmem:v17+s18+$0x0], $0xffff;
	v60 =	vmul.f32 v11, v7  }
0x284: {  	v11 =	vor.u32 $0xB, v45;
	v7 =	vld.idx.msk [tilespmem:v53+s29+$0x0], $0xffff;
	v1 =	vadd.f32 v3, v1;
	v3 =	vmul.f32 v61, v6  }
0x285: {  	v52 =	vld.idx.msk [tilespmem:v52+s18+$0x0], $0xffff;
	v61 =	vmul.f32 v13, v6  }
0x286: {  	v6 =	vld.idx.msk [tilespmem:v50+s29+$0x0], $0xffff;
	v13 =	vor.u32 $0xC, v45;
	v1 =	vadd.f32 v3, v1;
	v3 =	vmul.f32 v54, v63  }
0x287: {  	v15 =	vld.idx.msk [tilespmem:v15+s18+$0x0], $0xffff;
	v62 =	vmul.f32 v9, v63  }
0x288: {  	v9 =	vld.idx.msk [tilespmem:v48+s29+$0x0], $0xffff;
	v63 =	vor.u32 $0xD, v45;
	v1 =	vadd.f32 v3, v1;
	v3 =	vmul.f32 v51, v17  }
0x289: {  	v11 =	vld.idx.msk [tilespmem:v11+s18+$0x0], $0xffff;
	v51 =	vmul.f32 v7, v17  }
0x28a: {  	v7 =	vld.idx.msk [tilespmem:v46+s29+$0x0], $0xffff;
	v17 =	vor.u32 $0xE, v45;
	v1 =	vadd.f32 v3, v1;
	v3 =	vmul.f32 v49, v52  }
0x28b: {  	v53 =	vor.u32 $0xF, v45;
	v13 =	vld.idx.msk [tilespmem:v13+s18+$0x0], $0xffff  }
0x28c: {  	v52 =	vmul.f32 v6, v52;
	v6 =	vld.idx.msk [tilespmem:v43+s29+$0x0], $0xffff;
	v1 =	vadd.f32 v3, v1;
	v3 =	vmul.f32 v47, v15  }
0x28d: {  	v55 =	vmul.f32 v9, v15;
	v54 =	vld.idx.msk [tilespmem:v63+s18+$0x0], $0xffff  }
0x28e: {  	v9 =	vld.idx.msk [tilespmem:v41+s29+$0x0], $0xffff;
	v15 =	vor.u32 $0x10, v45;
	v1 =	vadd.f32 v3, v1;
	v3 =	vmul.f32 v44, v11  }
0x28f: {  	v17 =	vld.idx.msk [tilespmem:v17+s18+$0x0], $0xffff;
	v56 =	vmul.f32 v7, v11  }
0x290: {  	v7 =	vld.idx.msk [tilespmem:v38+s29+$0x0], $0xffff;
	v11 =	vor.u32 $0x11, v45;
	v1 =	vadd.f32 v3, v1;
	v3 =	vmul.f32 v42, v13  }
0x291: {  	v0 =	vadd.f32 v2, v0;
	v57 =	vld.idx.msk [tilespmem:v53+s18+$0x0], $0xffff;
	v58 =	vmul.f32 v6, v13  }
0x292: {  	v6 =	vld.idx.msk [tilespmem:v36+s29+$0x0], $0xffff;
	v13 =	vor.u32 $0x12, v45;
	v1 =	vadd.f32 v3, v1;
	v3 =	vmul.f32 v39, v54  }
0x293: {  	v0 =	vadd.f32 v60, v0;
	v60 =	vor.u32 $0x13, v45;
	v15 =	vld.idx.msk [tilespmem:v15+s18+$0x0], $0xffff  }
0x294: {  	v59 =	vmul.f32 v9, v54;
	v9 =	vld.idx.msk [tilespmem:v34+s29+$0x0], $0xffff;
	v1 =	vadd.f32 v3, v1;
	v3 =	vmul.f32 v37, v17  }
0x295: {  	v0 =	vadd.f32 v61, v0;
	v61 =	vmul.f32 v7, v17;
	v11 =	vld.idx.msk [tilespmem:v11+s18+$0x0], $0xffff  }
0x296: {  	v7 =	vld.idx.msk [tilespmem:v32+s29+$0x0], $0xffff;
	v17 =	vor.u32 $0x14, v45;
	v1 =	vadd.f32 v3, v1;
	v3 =	vmul.f32 v35, v57  }
0x297: {  	v0 =	vadd.f32 v62, v0;
	v62 =	vmul.f32 v6, v57;
	v13 =	vld.idx.msk [tilespmem:v13+s18+$0x0], $0xffff  }
0x298: {  	v6 =	vld.idx.msk [tilespmem:v30+s29+$0x0], $0xffff;
	v30 =	vor.u32 $0x15, v45;
	v1 =	vadd.f32 v3, v1;
	v3 =	vmul.f32 v33, v15  }
0x299: {  	v63 =	vld.idx.msk [tilespmem:v60+s18+$0x0], $0xffff;
	v34 =	vmul.f32 v9, v15  }
0x29a: {  	v15 =	vor.u32 $0x16, v45;
	v1 =	vadd.f32 v3, v1;
	v3 =	vmul.f32 v31, v11  }
0x29b: {  	v35 =	vmul.f32 v7, v11;
	v17 =	vld.idx.msk [tilespmem:v17+s18+$0x0], $0xffff  }
0x29c: {  	v7 =	vld.idx.msk [tilespmem:v26+s29+$0x0], $0xffff;
	v11 =	vor.u32 $0x17, v45;
	v1 =	vadd.f32 v3, v1;
	v3 =	vmul.f32 v29, v13  }
0x29d: {  	v26 =	vld.idx.msk [tilespmem:v30+s18+$0x0], $0xffff  }
0x29e: {  	v1 =	vadd.f32 v3, v1;
	v3 =	vmul.f32 v27, v63  }
0x29f: {  	v15 =	vld.idx.msk [tilespmem:v15+s18+$0x0], $0xffff  }
0x2a0: {  	v1 =	vadd.f32 v3, v1;
	v3 =	vmul.f32 v25, v17  }
0x2a1: {  	v36 =	vmul.f32 v6, v13;
	v11 =	vld.idx.msk [tilespmem:v11+s18+$0x0], $0xffff  }
0x2a2: {  	v13 =	vor.u32 $0x18, v45;
	v1 =	vadd.f32 v3, v1;
	v3 =	vmul.f32 v23, v26;
	_ =	sdelay $0x1  }
0x2a3: {  	v9 =	vld.idx.msk [tilespmem:v28+s29+$0x0], $0xffff;
	v1 =	vadd.f32 v3, v1;
	v3 =	vmul.f32 v21, v15;
	_ =	sdelay $0x1  }
0x2a4: {  	v1 =	vadd.f32 v3, v1;
	v3 =	vmul.f32 v19, v11  }
0x2a5: {  	v13 =	vld.idx.msk [tilespmem:v13+s18+$0x0], $0xffff  }
0x2a6: {  	v1 =	vadd.f32 v3, v1;
	v3 =	vld [tilespmem:$0x1FF60]  }
0x2a7: {  	v37 =	vmul.f32 v9, v63;
	v9 =	vld.idx.msk [tilespmem:v22+s29+$0x0], $0xffff;
	v22 =	vor.u32 $0x19, v45;
	_ =	sdelay $0x3  }
0x2a8: {  	v38 =	vmul.f32 v7, v17;
	v7 =	vld.idx.msk [tilespmem:v20+s29+$0x0], $0xffff;
	v3 =	vmul.f32 v3, v13  }
0x2a9: {  	v20 =	vld.idx.msk [tilespmem:v22+s18+$0x0], $0xffff  }
0x2aa: {  	v1 =	vadd.f32 v3, v1;
	v3 =	vld [tilespmem:$0x1FF50]  }
0x2ab: {  	v17 =	vor.u32 $0x1A, v45;
	_ =	sdelay $0x1  }
0x2ac: {  	v6 =	vld.idx.msk [tilespmem:v24+s29+$0x0], $0xffff  }
0x2ad: {  	v0 =	vadd.f32 v51, v0  }
0x2ae: {  	v41 =	vmul.f32 v9, v15;
	v9 =	vld.idx.msk [tilespmem:v16+s29+$0x0], $0xffff;
	v3 =	vmul.f32 v3, v20  }
0x2af: {  	v0 =	vadd.f32 v52, v0;
	v16 =	vld.idx.msk [tilespmem:v17+s18+$0x0], $0xffff  }
0x2b0: {  	v1 =	vadd.f32 v3, v1;
	v3 =	vld [tilespmem:$0x1FF40]  }
0x2b1: {  	v0 =	vadd.f32 v55, v0;
	v39 =	vmul.f32 v6, v26;
	v6 =	vld.idx.msk [tilespmem:v18+s29+$0x0], $0xffff;
	v18 =	vor.u32 $0x1B, v45;
	_ =	sdelay $0x1  }
0x2b2: {  	v0 =	vadd.f32 v56, v0;
	_ =	sdelay $0x1  }
0x2b3: {  	v0 =	vadd.f32 v58, v0;
	v42 =	vmul.f32 v7, v11;
	v7 =	vld.idx.msk [tilespmem:v14+s29+$0x0], $0xffff;
	v3 =	vmul.f32 v3, v16  }
0x2b4: {  	v14 =	vld.idx.msk [tilespmem:v18+s18+$0x0], $0xffff  }
0x2b5: {  	v0 =	vadd.f32 v59, v0;
	v1 =	vadd.f32 v3, v1;
	v3 =	vld [tilespmem:$0x1FF30]  }
0x2b6: {  	v15 =	vor.u32 $0x1C, v45  }
0x2b7: {  	v0 =	vadd.f32 v61, v0;
	_ =	sdelay $0x1  }
0x2b8: {  	v0 =	vadd.f32 v62, v0  }
0x2b9: {  	v3 =	vmul.f32 v3, v14  }
0x2ba: {  	v0 =	vadd.f32 v34, v0;
	v43 =	vmul.f32 v6, v13;
	v13 =	vld.idx.msk [tilespmem:v15+s18+$0x0], $0xffff  }
0x2bb: {  	v1 =	vadd.f32 v3, v1;
	v3 =	vld [tilespmem:$0x1FF20]  }
0x2bc: {  	v0 =	vadd.f32 v35, v0;
	v11 =	vor.u32 $0x1D, v45;
	_ =	sdelay $0x1  }
0x2bd: {  	v0 =	vadd.f32 v36, v0;
	_ =	sdelay $0x1  }
0x2be: {  	v0 =	vadd.f32 v37, v0;
	v3 =	vmul.f32 v3, v13  }
0x2bf: {  	v11 =	vld.idx.msk [tilespmem:v11+s18+$0x0], $0xffff  }
0x2c0: {  	v0 =	vadd.f32 v38, v0;
	v1 =	vadd.f32 v3, v1;
	v3 =	vld [tilespmem:$0x1FF10]  }
0x2c1: {  	v6 =	vld.idx.msk [tilespmem:v12+s29+$0x0], $0xffff;
	v12 =	vor.u32 $0x1E, v45  }
0x2c2: {  	v0 =	vadd.f32 v39, v0;
	_ =	sdelay $0x1  }
0x2c3: {  	v0 =	vadd.f32 v41, v0;
	v44 =	vmul.f32 v9, v20;
	v9 =	vld.idx.msk [tilespmem:v10+s29+$0x0], $0xffff  }
0x2c4: {  	v10 =	vor.u32 $0x1F, v45;
	v45 =	vmul.f32 v7, v16;
	v7 =	vld.idx.msk [tilespmem:v8+s29+$0x0], $0xffff;
	v3 =	vmul.f32 v3, v11  }
0x2c5: {  	v0 =	vadd.f32 v42, v0;
	v8 =	vld.idx.msk [tilespmem:v12+s18+$0x0], $0xffff  }
0x2c6: {  	v1 =	vadd.f32 v3, v1;
	v3 =	vld [tilespmem:$0x1FEC0]  }
0x2c7: {  	v0 =	vadd.f32 v43, v0;
	_ =	sdelay $0x1  }
0x2c8: {  	v4 =	vld.idx.msk [tilespmem:v4+s29+$0x0], $0xffff;
	v0 =	vadd.f32 v44, v0  }
0x2c9: {  	v46 =	vmul.f32 v6, v14;
	v6 =	vld.idx.msk [tilespmem:v10+s18+$0x0], $0xffff  }
0x2ca: {  	v0 =	vadd.f32 v45, v0;
	v3 =	vmul.f32 v3, v8  }
0x2cb: {  	v5 =	vld.idx.msk [tilespmem:v5+s29+$0x0], $0xffff  }
0x2cc: {  	v0 =	vadd.f32 v46, v0;
	v47 =	vmul.f32 v9, v13;
	v1 =	vadd.f32 v3, v1;
	v3 =	vld [tilespmem:$0x1FED0];
	_ =	sdelay $0x1  }
0x2cd: {  	v48 =	vmul.f32 v7, v11;
	v50 =	vmul.f32 v4, v6;
	v4 =	vld [tilespmem:$0x1FFF0];
	v0 =	vadd.f32 v47, v0;
	_ =	sdelay $0x1  }
0x2ce: {  	v7 =	vld.idx.msk [tilespmem:v40+s2+$0x0], $0xffff;
	v49 =	vmul.f32 v5, v8;
	v0 =	vadd.f32 v48, v0  }
0x2cf: {  	v5 =	vmov s16;
	v9 =	vld.idx.msk [tilespmem:v40+s25+$0x0], $0xffff;
	v3 =	vmul.f32 v3, v6  }
0x2d0: {  	v5 =	vshll.u32 v5, $0x5;
	v0 =	vadd.f32 v49, v0  }
0x2d1: {  	v52 =	vor.u32 v4, v5;
	v1 =	vadd.f32 v3, v1  }
0x2d2: {  	v4 =	vor.u32 $0x1F, v52;
	v0 =	vadd.f32 v50, v0  }
0x2d3: {  	v5 =	vor.u32 $0x1E, v52;
	v1 =	vsub.f32 v7, v1  }
0x2d4: {  	s12 =	sadd.s32 $0x10, s12;
	v0 =	vsub.f32 v9, v0;
	v8 =	vor.u32 $0x1D, v52  }
0x2d5: {  	s7 =	sadd.s32 $0x10, s7;
	v10 =	vor.u32 $0x1C, v52;
	[tilespmem:s12+$0x0] =	vst v1  }
0x2d6: {  	v61 =	vld [tilespmem:$0x1FF70];
	v12 =	vor.u32 $0x1B, v52;
	[tilespmem:s7+$0x0] =	vst v0  }
0x2d7: {  	v14 =	vor.u32 $0x1A, v52;
	v62 =	vld.idx.msk [tilespmem:v4+s24+$0x0], $0xffff  }
0x2d8: {  	v16 =	vor.u32 $0x19, v52;
	v63 =	vld.idx.msk [tilespmem:v5+s24+$0x0], $0xffff  }
0x2d9: {  	v18 =	vor.u32 $0x18, v52;
	v0 =	vld.idx.msk [tilespmem:v8+s24+$0x0], $0xffff  }
0x2da: {  	v20 =	vor.u32 $0x17, v52;
	v56 =	vld.idx.msk [tilespmem:v10+s24+$0x0], $0xffff  }
0x2db: {  	v22 =	vor.u32 $0x16, v52;
	v57 =	vld.idx.msk [tilespmem:v12+s24+$0x0], $0xffff  }
0x2dc: {  	v24 =	vor.u32 $0x15, v52;
	v58 =	vld.idx.msk [tilespmem:v14+s24+$0x0], $0xffff  }
0x2dd: {  	v26 =	vor.u32 $0x14, v52;
	v59 =	vld.idx.msk [tilespmem:v16+s24+$0x0], $0xffff  }
0x2de: {  	v28 =	vor.u32 $0x13, v52;
	v60 =	vld.idx.msk [tilespmem:v18+s24+$0x0], $0xffff  }
0x2df: {  	v30 =	vor.u32 $0x12, v52;
	v19 =	vld.idx.msk [tilespmem:v20+s24+$0x0], $0xffff  }
0x2e0: {  	v32 =	vor.u32 $0x11, v52;
	v21 =	vld.idx.msk [tilespmem:v22+s24+$0x0], $0xffff  }
0x2e1: {  	v34 =	vor.u32 $0x10, v52;
	v23 =	vld.idx.msk [tilespmem:v24+s24+$0x0], $0xffff  }
0x2e2: {  	v36 =	vor.u32 $0xF, v52;
	v25 =	vld.idx.msk [tilespmem:v26+s24+$0x0], $0xffff  }
0x2e3: {  	v38 =	vor.u32 $0xE, v52;
	v27 =	vld.idx.msk [tilespmem:v28+s24+$0x0], $0xffff  }
0x2e4: {  	v41 =	vor.u32 $0xD, v52;
	v29 =	vld.idx.msk [tilespmem:v30+s24+$0x0], $0xffff  }
0x2e5: {  	v43 =	vor.u32 $0xC, v52;
	v31 =	vld.idx.msk [tilespmem:v32+s24+$0x0], $0xffff  }
0x2e6: {  	v46 =	vor.u32 $0xB, v52;
	v33 =	vld.idx.msk [tilespmem:v34+s24+$0x0], $0xffff  }
0x2e7: {  	v48 =	vor.u32 $0xA, v52;
	v35 =	vld.idx.msk [tilespmem:v36+s24+$0x0], $0xffff  }
0x2e8: {  	v50 =	vor.u32 $0x9, v52;
	v37 =	vld.idx.msk [tilespmem:v38+s24+$0x0], $0xffff  }
0x2e9: {  	v53 =	vor.u32 $0x8, v52;
	v39 =	vld.idx.msk [tilespmem:v41+s24+$0x0], $0xffff  }
0x2ea: {  	p0 =	sne.s32 s16, $0xF0;
	v55 =	vor.u32 $0x7, v52;
	v42 =	vld.idx.msk [tilespmem:v43+s24+$0x0], $0xffff;
	[tilespmem:$0x1FF10] =	vst v0  }
.Ltmp3:
0x2eb: {  	v44 =	vld.idx.msk [tilespmem:v46+s24+$0x0], $0xffff;
	[tilespmem:$0x1FF20] =	vst v56;
	(pc) =	sbr.rel @p0 .LBB2_5-.Ltmp3, $4  }
0x2ec: {  	v47 =	vld.idx.msk [tilespmem:v48+s24+$0x0], $0xffff;
	[tilespmem:$0x1FF30] =	vst v57  }
0x2ed: {  	v49 =	vld.idx.msk [tilespmem:v50+s24+$0x0], $0xffff;
	[tilespmem:$0x1FF40] =	vst v58;
	v56 =	vor.u32 $0x6, v52  }
0x2ee: {  	v51 =	vld.idx.msk [tilespmem:v53+s24+$0x0], $0xffff;
	[tilespmem:$0x1FF50] =	vst v59;
	v57 =	vor.u32 $0x5, v52;
	v58 =	vor.u32 $0x4, v52;
	v0 =	vor.u32 s16, v61  }
0x2ef: {  	v54 =	vld.idx.msk [tilespmem:v55+s24+$0x0], $0xffff;
	[tilespmem:$0x1FF60] =	vst v60;
	v59 =	vor.u32 $0x3, v52;
	v60 =	vor.u32 $0x2, v52;
	s16 =	sadd.s32 $0x10, s16;
	v40 =	vmulhi.u32 $0xCCCCCCCD, v0  }
0x2f0: {  	_ =	sdelay $0x3  }
0x2f1: {  	v7 =	vld.idx.msk [tilespmem:v52+s24+$0x0], $0xffff  }
0x2f2: {  	v0 =	vor.u32 $0x1, v52;
	v9 =	vld.idx.msk [tilespmem:v52+s29+$0x0], $0xffff;
	v2 =	vshrl.u32 v40, $0x4  }
0x2f3: {  	v13 =	vld.idx.msk [tilespmem:v60+s24+$0x0], $0xffff;
	v40 =	vshll.u32 v2, $0x5  }
0x2f4: {  	v45 =	vld.idx.msk [tilespmem:v60+s29+$0x0], $0xffff  }
0x2f5: {  	v52 =	vld.idx.msk [tilespmem:v59+s24+$0x0], $0xffff;
	v1 =	vor.u32 $0x1, v40  }
0x2f6: {  	v59 =	vld.idx.msk [tilespmem:v59+s29+$0x0], $0xffff;
	v6 =	vor.u32 $0x2, v40  }
0x2f7: {  	v11 =	vor.u32 $0x3, v40;
	v3 =	vld.idx.msk [tilespmem:v0+s24+$0x0], $0xffff  }
0x2f8: {  	v17 =	vor.u32 $0x4, v40;
	v15 =	vld.idx.msk [tilespmem:v40+s18+$0x0], $0xffff  }
0x2f9: {  	v0 =	vld.idx.msk [tilespmem:v0+s29+$0x0], $0xffff  }
0x2fa: {  	v1 =	vld.idx.msk [tilespmem:v1+s18+$0x0], $0xffff  }
0x2fb: {  	v60 =	vor.u32 $0x5, v40;
	v6 =	vld.idx.msk [tilespmem:v6+s18+$0x0], $0xffff  }
0x2fc: {  	v11 =	vld.idx.msk [tilespmem:v11+s18+$0x0], $0xffff  }
0x2fd: {  	v17 =	vld.idx.msk [tilespmem:v17+s18+$0x0], $0xffff;
	v7 =	vmul.f32 v7, v15  }
0x2fe: {  	v61 =	vor.u32 $0x6, v40;
	v9 =	vmul.f32 v9, v15;
	v15 =	vld.idx.msk [tilespmem:v58+s24+$0x0], $0xffff  }
0x2ff: {  	v58 =	vld.idx.msk [tilespmem:v58+s29+$0x0], $0xffff;
	v3 =	vmul.f32 v3, v1;
	v7 =	vadd.f32 $0.0e+00, v7  }
0x300: {  	v0 =	vmul.f32 v0, v1;
	v1 =	vadd.f32 $0.0e+00, v9;
	v9 =	vld.idx.msk [tilespmem:v60+s18+$0x0], $0xffff  }
0x301: {  	v60 =	vor.u32 $0x7, v40;
	v3 =	vadd.f32 v3, v7;
	v7 =	vmul.f32 v13, v6;
	v13 =	vld.idx.msk [tilespmem:v57+s24+$0x0], $0xffff  }
0x302: {  	v0 =	vadd.f32 v0, v1;
	v1 =	vmul.f32 v45, v6;
	v6 =	vld.idx.msk [tilespmem:v57+s29+$0x0], $0xffff  }
0x303: {  	v45 =	vld.idx.msk [tilespmem:v61+s18+$0x0], $0xffff;
	v61 =	vor.u32 $0x8, v40;
	v3 =	vadd.f32 v7, v3;
	v7 =	vmul.f32 v52, v11  }
0x304: {  	v0 =	vadd.f32 v1, v0;
	v1 =	vmul.f32 v59, v11;
	v11 =	vld.idx.msk [tilespmem:v56+s24+$0x0], $0xffff  }
0x305: {  	v15 =	vmul.f32 v15, v17;
	v3 =	vadd.f32 v7, v3;
	v7 =	vld.idx.msk [tilespmem:v56+s29+$0x0], $0xffff;
	v56 =	vor.u32 $0x9, v40  }
0x306: {  	v0 =	vadd.f32 v1, v0;
	v1 =	vmul.f32 v58, v17;
	v17 =	vld.idx.msk [tilespmem:v60+s18+$0x0], $0xffff  }
0x307: {  	v60 =	vor.u32 $0xA, v40;
	v13 =	vmul.f32 v13, v9;
	v3 =	vadd.f32 v15, v3;
	v15 =	vld.idx.msk [tilespmem:v55+s29+$0x0], $0xffff  }
0x308: {  	v6 =	vmul.f32 v6, v9;
	v0 =	vadd.f32 v1, v0;
	v1 =	vld.idx.msk [tilespmem:v61+s18+$0x0], $0xffff  }
0x309: {  	v9 =	vld.idx.msk [tilespmem:v53+s29+$0x0], $0xffff;
	v61 =	vor.u32 $0xB, v40;
	v11 =	vmul.f32 v11, v45;
	v3 =	vadd.f32 v13, v3  }
0x30a: {  	v0 =	vadd.f32 v6, v0;
	v13 =	vld.idx.msk [tilespmem:v56+s18+$0x0], $0xffff;
	v6 =	vmul.f32 v7, v45  }
0x30b: {  	v53 =	vor.u32 $0xC, v40;
	v7 =	vld.idx.msk [tilespmem:v50+s29+$0x0], $0xffff;
	v3 =	vadd.f32 v11, v3;
	v11 =	vmul.f32 v54, v17  }
0x30c: {  	v54 =	vld.idx.msk [tilespmem:v60+s18+$0x0], $0xffff;
	v0 =	vadd.f32 v6, v0;
	v6 =	vmul.f32 v15, v17  }
0x30d: {  	v15 =	vld.idx.msk [tilespmem:v48+s29+$0x0], $0xffff;
	v17 =	vor.u32 $0xD, v40;
	v3 =	vadd.f32 v11, v3;
	v11 =	vmul.f32 v51, v1  }
0x30e: {  	v55 =	vld.idx.msk [tilespmem:v61+s18+$0x0], $0xffff;
	v1 =	vmul.f32 v9, v1;
	v0 =	vadd.f32 v6, v0  }
0x30f: {  	v9 =	vor.u32 $0xE, v40;
	v6 =	vld.idx.msk [tilespmem:v46+s29+$0x0], $0xffff;
	v3 =	vadd.f32 v11, v3;
	v11 =	vmul.f32 v49, v13  }
0x310: {  	v45 =	vld.idx.msk [tilespmem:v53+s18+$0x0], $0xffff;
	v0 =	vadd.f32 v1, v0;
	v1 =	vmul.f32 v7, v13  }
0x311: {  	v7 =	vld.idx.msk [tilespmem:v43+s29+$0x0], $0xffff;
	v13 =	vor.u32 $0xF, v40;
	v3 =	vadd.f32 v11, v3;
	v11 =	vmul.f32 v47, v54  }
0x312: {  	v17 =	vld.idx.msk [tilespmem:v17+s18+$0x0], $0xffff;
	v0 =	vadd.f32 v1, v0;
	v1 =	vmul.f32 v15, v54  }
0x313: {  	v56 =	vor.u32 $0x10, v40;
	v15 =	vld.idx.msk [tilespmem:v41+s29+$0x0], $0xffff;
	v3 =	vadd.f32 v11, v3;
	v11 =	vmul.f32 v44, v55  }
0x314: {  	v9 =	vld.idx.msk [tilespmem:v9+s18+$0x0], $0xffff;
	v0 =	vadd.f32 v1, v0;
	v1 =	vmul.f32 v6, v55  }
0x315: {  	v57 =	vor.u32 $0x11, v40;
	v6 =	vld.idx.msk [tilespmem:v38+s29+$0x0], $0xffff;
	v3 =	vadd.f32 v11, v3;
	v11 =	vmul.f32 v42, v45  }
0x316: {  	v13 =	vld.idx.msk [tilespmem:v13+s18+$0x0], $0xffff;
	v0 =	vadd.f32 v1, v0;
	v1 =	vmul.f32 v7, v45  }
0x317: {  	v58 =	vor.u32 $0x12, v40;
	v7 =	vld.idx.msk [tilespmem:v36+s29+$0x0], $0xffff;
	v3 =	vadd.f32 v11, v3;
	v11 =	vmul.f32 v39, v17  }
0x318: {  	v59 =	vld.idx.msk [tilespmem:v56+s18+$0x0], $0xffff;
	v0 =	vadd.f32 v1, v0;
	v1 =	vmul.f32 v15, v17  }
0x319: {  	v15 =	vld.idx.msk [tilespmem:v34+s29+$0x0], $0xffff;
	v17 =	vor.u32 $0x13, v40;
	v3 =	vadd.f32 v11, v3;
	v11 =	vmul.f32 v37, v9  }
0x31a: {  	v60 =	vld.idx.msk [tilespmem:v57+s18+$0x0], $0xffff;
	v0 =	vadd.f32 v1, v0;
	v1 =	vmul.f32 v6, v9  }
0x31b: {  	v6 =	vld.idx.msk [tilespmem:v32+s29+$0x0], $0xffff;
	v9 =	vor.u32 $0x14, v40;
	v3 =	vadd.f32 v11, v3;
	v11 =	vmul.f32 v35, v13  }
0x31c: {  	v61 =	vld.idx.msk [tilespmem:v58+s18+$0x0], $0xffff;
	v0 =	vadd.f32 v1, v0;
	v1 =	vmul.f32 v7, v13  }
0x31d: {  	v7 =	vld.idx.msk [tilespmem:v30+s29+$0x0], $0xffff;
	v13 =	vor.u32 $0x15, v40;
	v3 =	vadd.f32 v11, v3;
	v11 =	vmul.f32 v33, v59  }
0x31e: {  	v17 =	vld.idx.msk [tilespmem:v17+s18+$0x0], $0xffff;
	v0 =	vadd.f32 v1, v0;
	v1 =	vmul.f32 v15, v59  }
0x31f: {  	v15 =	vld.idx.msk [tilespmem:v28+s29+$0x0], $0xffff;
	v28 =	vor.u32 $0x16, v40;
	v3 =	vadd.f32 v11, v3;
	v11 =	vmul.f32 v31, v60  }
0x320: {  	v9 =	vld.idx.msk [tilespmem:v9+s18+$0x0], $0xffff;
	v0 =	vadd.f32 v1, v0;
	v1 =	vmul.f32 v6, v60  }
0x321: {  	v6 =	vld.idx.msk [tilespmem:v26+s29+$0x0], $0xffff;
	v26 =	vor.u32 $0x17, v40;
	v3 =	vadd.f32 v11, v3;
	v11 =	vmul.f32 v29, v61  }
0x322: {  	v13 =	vld.idx.msk [tilespmem:v13+s18+$0x0], $0xffff;
	v0 =	vadd.f32 v1, v0;
	v1 =	vmul.f32 v7, v61  }
0x323: {  	v3 =	vadd.f32 v11, v3;
	v11 =	vmul.f32 v27, v17  }
0x324: {  	v27 =	vld.idx.msk [tilespmem:v28+s18+$0x0], $0xffff;
	v0 =	vadd.f32 v1, v0  }
0x325: {  	v1 =	vmul.f32 v15, v17;
	v15 =	vld.idx.msk [tilespmem:v22+s29+$0x0], $0xffff;
	v3 =	vadd.f32 v11, v3;
	v11 =	vmul.f32 v25, v9  }
0x326: {  	v22 =	vld.idx.msk [tilespmem:v26+s18+$0x0], $0xffff  }
0x327: {  	v7 =	vld.idx.msk [tilespmem:v24+s29+$0x0], $0xffff;
	v24 =	vor.u32 $0x18, v40;
	v3 =	vadd.f32 v11, v3;
	v11 =	vmul.f32 v23, v13;
	_ =	sdelay $0x1  }
0x328: {  	v3 =	vadd.f32 v11, v3;
	v11 =	vmul.f32 v21, v27  }
0x329: {  	v0 =	vadd.f32 v1, v0  }
0x32a: {  	v1 =	vmul.f32 v6, v9;
	v6 =	vld.idx.msk [tilespmem:v20+s29+$0x0], $0xffff;
	v3 =	vadd.f32 v11, v3;
	v11 =	vmul.f32 v19, v22  }
0x32b: {  	v20 =	vld.idx.msk [tilespmem:v24+s18+$0x0], $0xffff  }
0x32c: {  	v3 =	vadd.f32 v11, v3;
	v11 =	vld [tilespmem:$0x1FF60]  }
0x32d: {  	v17 =	vor.u32 $0x19, v40;
	_ =	sdelay $0x2  }
0x32e: {  	v9 =	vor.u32 $0x1A, v40  }
0x32f: {  	v0 =	vadd.f32 v1, v0;
	v1 =	vmul.f32 v7, v13;
	v7 =	vld.idx.msk [tilespmem:v18+s29+$0x0], $0xffff;
	v11 =	vmul.f32 v11, v20  }
0x330: {  	v13 =	vor.u32 $0x1B, v40;
	v17 =	vld.idx.msk [tilespmem:v17+s18+$0x0], $0xffff  }
0x331: {  	v0 =	vadd.f32 v1, v0;
	v1 =	vmul.f32 v15, v27;
	v3 =	vadd.f32 v11, v3;
	v11 =	vld [tilespmem:$0x1FF50]  }
0x332: {  	v15 =	vld.idx.msk [tilespmem:v16+s29+$0x0], $0xffff  }
0x333: {  	v9 =	vld.idx.msk [tilespmem:v9+s18+$0x0], $0xffff;
	v0 =	vadd.f32 v1, v0;
	v1 =	vmul.f32 v6, v22  }
0x334: {  	v6 =	vld.idx.msk [tilespmem:v14+s29+$0x0], $0xffff  }
0x335: {  	v0 =	vadd.f32 v1, v0;
	v1 =	vmul.f32 v7, v20  }
0x336: {  	v16 =	vor.u32 $0x1C, v40;
	v13 =	vld.idx.msk [tilespmem:v13+s18+$0x0], $0xffff;
	v11 =	vmul.f32 v11, v17  }
0x337: {  	v7 =	vld.idx.msk [tilespmem:v12+s29+$0x0], $0xffff;
	v0 =	vadd.f32 v1, v0;
	v1 =	vmul.f32 v15, v17  }
0x338: {  	v3 =	vadd.f32 v11, v3;
	v11 =	vld [tilespmem:$0x1FF40]  }
0x339: {  	v0 =	vadd.f32 v1, v0;
	v1 =	vmul.f32 v6, v9;
	v6 =	vld.idx.msk [tilespmem:v8+s29+$0x0], $0xffff  }
0x33a: {  	v8 =	vld [tilespmem:$0x1FF30]  }
0x33b: {  	v16 =	vld.idx.msk [tilespmem:v16+s18+$0x0], $0xffff  }
0x33c: {  	v0 =	vadd.f32 v1, v0;
	v1 =	vmul.f32 v7, v13;
	v7 =	vld [tilespmem:$0x1FF20]  }
0x33d: {  	v14 =	vor.u32 $0x1D, v40;
	v11 =	vmul.f32 v11, v9;
	_ =	sdelay $0x1  }
0x33e: {  	v8 =	vmul.f32 v8, v13;
	v3 =	vadd.f32 v11, v3  }
0x33f: {  	v12 =	vor.u32 $0x1E, v40  }
0x340: {  	v10 =	vld.idx.msk [tilespmem:v10+s29+$0x0], $0xffff;
	v7 =	vmul.f32 v7, v16;
	v3 =	vadd.f32 v8, v3  }
0x341: {  	v15 =	vor.u32 $0x1F, v40;
	v14 =	vld.idx.msk [tilespmem:v14+s18+$0x0], $0xffff  }
0x342: {  	v3 =	vadd.f32 v7, v3;
	v7 =	vld [tilespmem:$0x1FF10];
	_ =	sdelay $0x1  }
0x343: {  	v9 =	vld.idx.msk [tilespmem:v12+s18+$0x0], $0xffff  }
0x344: {  	v5 =	vld.idx.msk [tilespmem:v5+s29+$0x0], $0xffff  }
0x345: {  	v0 =	vadd.f32 v1, v0;
	v1 =	vmul.f32 v10, v16;
	v8 =	vld.idx.msk [tilespmem:v15+s18+$0x0], $0xffff  }
0x346: {  	v4 =	vld.idx.msk [tilespmem:v4+s29+$0x0], $0xffff;
	v7 =	vmul.f32 v7, v14  }
0x347: {  	v0 =	vadd.f32 v1, v0;
	v1 =	vmul.f32 v6, v14  }
0x348: {  	v6 =	vmul.f32 v63, v9;
	v3 =	vadd.f32 v7, v3  }
0x349: {  	v0 =	vadd.f32 v1, v0;
	v1 =	vmul.f32 v5, v9;
	v7 =	vld.idx.msk [tilespmem:v2+s2+$0x0], $0xffff  }
0x34a: {  	v5 =	vmul.f32 v62, v8;
	v2 =	vld.idx.msk [tilespmem:v2+s25+$0x0], $0xffff;
	v3 =	vadd.f32 v6, v3  }
0x34b: {  	v0 =	vadd.f32 v1, v0;
	v1 =	vmul.f32 v4, v8  }
0x34c: {  	v3 =	vadd.f32 v5, v3  }
0x34d: {  	v0 =	vadd.f32 v1, v0  }
0x34e: {  	v1 =	vsub.f32 v7, v3  }
0x34f: {  	s16 =	sadd.s32 $0x10, s12;
	s12 =	sshll.u32 s11, $0xB;
	p0 =	seq.s32 s11, $0x13;
	v0 =	vsub.f32 v2, v0  }
0x350: {  	s7 =	sadd.s32 $0x10, s7;
	[tilespmem:s16+$0x0] =	vst v1;
	s16 =	sshrl.u32 @!p0 s12, $0x2  }
0x351: {  	s3 =	simm.s32 @!p0 $0x80;
	s1 =	simm.s32 @!p0 $0xEC00;
	[tilespmem:s7+$0x0] =	vst v0;
	s7 =	sadd.s32 @!p0 $0x600, s16  }
0x352: {  	[tilespmem:s1], [sflag:$0x2] =	stream.indirect.gather @!p0 [hbm4b:s4+s3], $0x20, s7, s3, $0xb8;
	[tilespmem:$0x1C000] =	vst v63  }
0x353: {  	s1 =	sadd.s32 @!p0 $0x680, s16;
	s16 =	simm.s32 @!p0 $0xFC00  }
0x354: {  	[tilespmem:s16], [sflag:$0x2] =	stream.indirect.gather @!p0 [hbm4b:s4+s3], $0x20, s1, s3, $0xb8;
	[tilespmem:$0x1C000] =	vst v63  }
0x355: {  	s16 =	simm.s32 @!p0 $0x12C00  }
0x356: {  	[tilespmem:s16], [sflag:$0x2] =	stream.indirect.gather @!p0 [hbm4b:s5+s3], $0x20, s7, s3, $0xb8;
	[tilespmem:$0x1C000] =	vst v63  }
0x357: {  	s7 =	simm.s32 @!p0 $0x13C00  }
0x358: {  	[tilespmem:s7], [sflag:$0x2] =	stream.indirect.gather @!p0 [hbm4b:s5+s3], $0x20, s1, s3, $0xb8;
	[tilespmem:$0x1C000] =	vst v63  }
0x359: {  	_ =	swait.ge [sflag:s31], $0x1000  }
0x35a: {  	s13 =	sor.u32 $0x100, s13;
	v2 =	vlaneseq.u32;
	[sflag:s31] =	ssyncset.done $0x0  }
0x35b: {  	v2 =	vor.u32 s13, v2;
	s7 =	simm.s32 $0x0;
	[sflag:s31] =	ssyncadd.s32 $0xFFFFF000  }
0x35c: {  	v14 =	vor.u32 s7, v2;
	_ =	swait.ge [sflag:s31], $0x1000  }
0x35d: {  	v14 =	vmulhi.u32 $0xCCCCCCCD, v14;
	[sflag:s31] =	ssyncset.done $0x0  }
0x35e: {  	[sflag:s31] =	ssyncadd.s32 $0xFFFFF000  }
0x35f: {  	v14 =	vshrl.u32 v14, $0x4;
	_ =	swait.ge [sflag:s31], $0x1000  }
0x360: {  	v22 =	vshll.u32 v14, $0x5;
	v1 =	vld [tilespmem:$0x1FFF0];
	[sflag:s31] =	ssyncset.done $0x0  }
0x361: {  	v59 =	vor.u32 $0x1, v22;
	[sflag:s31] =	ssyncadd.s32 $0xFFFFF000  }
0x362: {  	v60 =	vor.u32 $0x2, v22;
	_ =	swait.ge [sflag:s31], $0x1000  }
0x363: {  	v0 =	vmov s7;
	v61 =	vor.u32 $0x3, v22;
	[sflag:s31] =	ssyncset.done $0x0  }
0x364: {  	v0 =	vshll.u32 v0, $0x5;
	v62 =	vor.u32 $0x4, v22;
	[sflag:s31] =	ssyncadd.s32 $0xFFFFF000  }
0x365: {  	v0 =	vor.u32 v1, v0;
	v53 =	vld.idx.msk [tilespmem:v22+s18+$0x0], $0xffff  }
0x366: {  	v48 =	vld.idx.msk [tilespmem:v59+s18+$0x0], $0xffff  }
0x367: {  	v52 =	vld.idx.msk [tilespmem:v60+s18+$0x0], $0xffff;
	v5 =	vor.u32 $0x1F, v0  }
0x368: {  	v55 =	vld.idx.msk [tilespmem:v61+s18+$0x0], $0xffff;
	v8 =	vor.u32 $0x1D, v0  }
0x369: {  	v56 =	vld.idx.msk [tilespmem:v62+s18+$0x0], $0xffff;
	v12 =	vor.u32 $0x1B, v0  }
0x36a: {  	v19 =	vor.u32 $0x18, v0;
	v51 =	vld.idx.msk [tilespmem:v0+s0+$0x0], $0xffff  }
0x36b: {  	v21 =	vor.u32 $0x17, v0;
	v54 =	vld.idx.msk [tilespmem:v0+s26+$0x0], $0xffff  }
0x36c: {  	v24 =	vor.u32 $0x16, v0;
	v1 =	vld.idx.msk [tilespmem:v5+s0+$0x0], $0xffff  }
0x36d: {  	v26 =	vor.u32 $0x15, v0;
	v7 =	vld.idx.msk [tilespmem:v8+s0+$0x0], $0xffff  }
0x36e: {  	v28 =	vor.u32 $0x14, v0;
	v11 =	vld.idx.msk [tilespmem:v12+s0+$0x0], $0xffff  }
0x36f: {  	v30 =	vor.u32 $0x13, v0;
	v18 =	vld.idx.msk [tilespmem:v19+s0+$0x0], $0xffff  }
0x370: {  	v32 =	vor.u32 $0x12, v0;
	v20 =	vld.idx.msk [tilespmem:v21+s0+$0x0], $0xffff  }
0x371: {  	v34 =	vor.u32 $0x11, v0;
	v23 =	vld.idx.msk [tilespmem:v24+s0+$0x0], $0xffff  }
0x372: {  	v36 =	vor.u32 $0x10, v0;
	v25 =	vld.idx.msk [tilespmem:v26+s0+$0x0], $0xffff  }
0x373: {  	v37 =	vor.u32 $0x6, v0;
	v27 =	vld.idx.msk [tilespmem:v28+s0+$0x0], $0xffff  }
0x374: {  	v38 =	vor.u32 $0x5, v0;
	v29 =	vld.idx.msk [tilespmem:v30+s0+$0x0], $0xffff  }
0x375: {  	v39 =	vor.u32 $0x4, v0;
	v31 =	vld.idx.msk [tilespmem:v32+s0+$0x0], $0xffff  }
0x376: {  	v40 =	vor.u32 $0x3, v0;
	v33 =	vld.idx.msk [tilespmem:v34+s0+$0x0], $0xffff  }
0x377: {  	v63 =	vor.u32 $0x2, v0;
	v35 =	vld.idx.msk [tilespmem:v36+s0+$0x0], $0xffff  }
0x378: {  	v58 =	vor.u32 $0x1, v0;
	v44 =	vld.idx.msk [tilespmem:v37+s0+$0x0], $0xffff  }
0x379: {  	v45 =	vld.idx.msk [tilespmem:v38+s0+$0x0], $0xffff  }
0x37a: {  	v46 =	vld.idx.msk [tilespmem:v39+s0+$0x0], $0xffff  }
0x37b: {  	v47 =	vld.idx.msk [tilespmem:v40+s0+$0x0], $0xffff  }
0x37c: {  	v49 =	vld.idx.msk [tilespmem:v63+s0+$0x0], $0xffff  }
0x37d: {  	v50 =	vld.idx.msk [tilespmem:v58+s0+$0x0], $0xffff  }
0x37e: {  	v43 =	vld.idx.msk [tilespmem:v58+s26+$0x0], $0xffff  }
0x37f: {  	v59 =	vor.u32 $0x7, v22;
	v41 =	vld.idx.msk [tilespmem:v63+s26+$0x0], $0xffff  }
0x380: {  	v6 =	vor.u32 $0x1E, v0;
	v40 =	vld.idx.msk [tilespmem:v40+s26+$0x0], $0xffff  }
0x381: {  	v63 =	vor.u32 $0x5, v22;
	v39 =	vld.idx.msk [tilespmem:v39+s26+$0x0], $0xffff  }
0x382: {  	v60 =	vor.u32 $0xF, v0;
	v38 =	vld.idx.msk [tilespmem:v38+s26+$0x0], $0xffff  }
0x383: {  	v10 =	vor.u32 $0x1C, v0;
	v15 =	vor.u32 $0x1A, v0;
	v61 =	vor.u32 $0xE, v0;
	v37 =	vld.idx.msk [tilespmem:v37+s26+$0x0], $0xffff  }
0x384: {  	v58 =	vor.u32 $0x6, v22;
	v51 =	vmul.f32 v51, v53;
	v53 =	vmul.f32 v54, v53;
	v54 =	vld.idx.msk [tilespmem:v59+s18+$0x0], $0xffff  }
0x385: {  	v62 =	vor.u32 $0xD, v0;
	v59 =	vor.u32 $0xB, v0;
	[tilespmem:$0x1FE30] =	vst v1;
	v1 =	vld.idx.msk [tilespmem:v6+s0+$0x0], $0xffff;
	v50 =	vmul.f32 v50, v48  }
0x386: {  	v57 =	vld.idx.msk [tilespmem:v63+s18+$0x0], $0xffff;
	v63 =	vor.u32 $0xC, v0;
	v43 =	vmul.f32 v43, v48;
	v49 =	vmul.f32 v49, v52  }
0x387: {  	v4 =	vld.idx.msk [tilespmem:v60+s0+$0x0], $0xffff;
	v41 =	vmul.f32 v41, v52;
	v51 =	vadd.f32 $0.0e+00, v51;
	v53 =	vadd.f32 $0.0e+00, v53  }
0x388: {  	v3 =	vld.idx.msk [tilespmem:v61+s0+$0x0], $0xffff;
	v46 =	vmul.f32 v46, v56;
	v39 =	vmul.f32 v39, v56;
	v56 =	vor.u32 $0xA, v22  }
0x389: {  	v58 =	vld.idx.msk [tilespmem:v58+s18+$0x0], $0xffff;
	v50 =	vadd.f32 v50, v51;
	v51 =	vor.u32 $0x9, v0;
	v43 =	vadd.f32 v43, v53  }
0x38a: {  	v17 =	vor.u32 $0x19, v0;
	v52 =	vld.idx.msk [tilespmem:v62+s0+$0x0], $0xffff;
	v40 =	vmul.f32 v40, v55;
	v53 =	vor.u32 $0x8, v22  }
0x38b: {  	[tilespmem:$0x1FE20] =	vst v1;
	v1 =	vor.u32 $0x7, v0;
	v49 =	vadd.f32 v49, v50;
	v50 =	vld.idx.msk [tilespmem:v63+s0+$0x0], $0xffff;
	v41 =	vadd.f32 v41, v43  }
0x38c: {  	v48 =	vor.u32 $0xA, v0;
	v47 =	vmul.f32 v47, v55;
	v0 =	vor.u32 $0x8, v0;
	v43 =	vld.idx.msk [tilespmem:v59+s0+$0x0], $0xffff  }
0x38d: {  	v45 =	vmul.f32 v45, v57;
	v38 =	vmul.f32 v38, v57;
	v57 =	vld.idx.msk [tilespmem:v56+s18+$0x0], $0xffff;
	v40 =	vadd.f32 v40, v41  }
0x38e: {  	v41 =	vld.idx.msk [tilespmem:v51+s0+$0x0], $0xffff  }
0x38f: {  	v55 =	vor.u32 $0x9, v22;
	v47 =	vadd.f32 v47, v49;
	v39 =	vadd.f32 v39, v40;
	v40 =	vld.idx.msk [tilespmem:v53+s18+$0x0], $0xffff  }
0x390: {  	v42 =	vld.idx.msk [tilespmem:v1+s0+$0x0], $0xffff  }
0x391: {  	v46 =	vadd.f32 v46, v47;
	v1 =	vld.idx.msk [tilespmem:v1+s26+$0x0], $0xffff  }
0x392: {  	v47 =	vld.idx.msk [tilespmem:v0+s0+$0x0], $0xffff  }
0x393: {  	v44 =	vmul.f32 v44, v58;
	v0 =	vld.idx.msk [tilespmem:v0+s26+$0x0], $0xffff;
	v45 =	vadd.f32 v45, v46;
	v46 =	vor.u32 $0xB, v22  }
0x394: {  	v37 =	vmul.f32 v37, v58;
	v38 =	vadd.f32 v38, v39;
	v39 =	vld.idx.msk [tilespmem:v55+s18+$0x0], $0xffff  }
0x395: {  	v51 =	vld.idx.msk [tilespmem:v51+s26+$0x0], $0xffff;
	v55 =	vor.u32 $0xC, v22;
	v44 =	vadd.f32 v44, v45;
	v42 =	vmul.f32 v42, v54  }
0x396: {  	v49 =	vld.idx.msk [tilespmem:v48+s0+$0x0], $0xffff;
	v37 =	vadd.f32 v37, v38;
	v1 =	vmul.f32 v1, v54  }
0x397: {  	v58 =	vor.u32 $0xD, v22;
	v48 =	vld.idx.msk [tilespmem:v48+s26+$0x0], $0xffff;
	v47 =	vmul.f32 v47, v40;
	v42 =	vadd.f32 v42, v44  }
0x398: {  	v0 =	vmul.f32 v0, v40;
	v1 =	vadd.f32 v1, v37;
	v37 =	vld.idx.msk [tilespmem:v46+s18+$0x0], $0xffff  }
0x399: {  	v40 =	vld.idx.msk [tilespmem:v59+s26+$0x0], $0xffff;
	v59 =	vor.u32 $0xE, v22;
	v41 =	vmul.f32 v41, v39;
	v42 =	vadd.f32 v47, v42  }
0x39a: {  	v45 =	vld.idx.msk [tilespmem:v55+s18+$0x0], $0xffff;
	v0 =	vadd.f32 v0, v1;
	v1 =	vmul.f32 v51, v39  }
0x39b: {  	v53 =	vld.idx.msk [tilespmem:v63+s26+$0x0], $0xffff;
	v54 =	vor.u32 $0xF, v22;
	v55 =	vmul.f32 v49, v57;
	v41 =	vadd.f32 v41, v42  }
0x39c: {  	v44 =	vld.idx.msk [tilespmem:v58+s18+$0x0], $0xffff;
	v0 =	vadd.f32 v1, v0;
	v1 =	vmul.f32 v48, v57  }
0x39d: {  	v56 =	vld.idx.msk [tilespmem:v62+s26+$0x0], $0xffff;
	v57 =	vor.u32 $0x10, v22;
	v58 =	vmul.f32 v43, v37;
	v41 =	vadd.f32 v55, v41  }
0x39e: {  	v59 =	vld.idx.msk [tilespmem:v59+s18+$0x0], $0xffff;
	v0 =	vadd.f32 v1, v0;
	v1 =	vmul.f32 v40, v37  }
0x39f: {  	v61 =	vld.idx.msk [tilespmem:v61+s26+$0x0], $0xffff;
	v62 =	vor.u32 $0x11, v22;
	v63 =	vmul.f32 v50, v45;
	v41 =	vadd.f32 v58, v41  }
0x3a0: {  	v49 =	vld.idx.msk [tilespmem:v54+s18+$0x0], $0xffff;
	v0 =	vadd.f32 v1, v0;
	v1 =	vmul.f32 v53, v45  }
0x3a1: {  	v51 =	vor.u32 $0x12, v22;
	v50 =	vld.idx.msk [tilespmem:v60+s26+$0x0], $0xffff;
	v53 =	vmul.f32 v52, v44;
	v41 =	vadd.f32 v63, v41  }
0x3a2: {  	v54 =	vld.idx.msk [tilespmem:v57+s18+$0x0], $0xffff;
	v0 =	vadd.f32 v1, v0;
	v1 =	vmul.f32 v56, v44  }
0x3a3: {  	v36 =	vld.idx.msk [tilespmem:v36+s26+$0x0], $0xffff;
	v55 =	vor.u32 $0x13, v22;
	v3 =	vmul.f32 v3, v59;
	v41 =	vadd.f32 v53, v41  }
0x3a4: {  	v40 =	vld.idx.msk [tilespmem:v62+s18+$0x0], $0xffff;
	v0 =	vadd.f32 v1, v0;
	v1 =	vmul.f32 v61, v59  }
0x3a5: {  	v34 =	vld.idx.msk [tilespmem:v34+s26+$0x0], $0xffff;
	v4 =	vmul.f32 v4, v49;
	v56 =	vor.u32 $0x14, v22;
	v3 =	vadd.f32 v3, v41  }
0x3a6: {  	v57 =	vld.idx.msk [tilespmem:v51+s18+$0x0], $0xffff;
	v0 =	vadd.f32 v1, v0;
	v1 =	vmul.f32 v50, v49  }
0x3a7: {  	v32 =	vld.idx.msk [tilespmem:v32+s26+$0x0], $0xffff;
	v58 =	vor.u32 $0x15, v22;
	v3 =	vadd.f32 v4, v3;
	v4 =	vmul.f32 v35, v54  }
0x3a8: {  	v59 =	vld.idx.msk [tilespmem:v55+s18+$0x0], $0xffff;
	v0 =	vadd.f32 v1, v0;
	v1 =	vmul.f32 v36, v54  }
0x3a9: {  	v30 =	vld.idx.msk [tilespmem:v30+s26+$0x0], $0xffff;
	v60 =	vor.u32 $0x16, v22;
	v3 =	vadd.f32 v4, v3;
	v4 =	vmul.f32 v33, v40  }
0x3aa: {  	v61 =	vld.idx.msk [tilespmem:v56+s18+$0x0], $0xffff;
	v0 =	vadd.f32 v1, v0;
	v1 =	vmul.f32 v34, v40  }
0x3ab: {  	v28 =	vld.idx.msk [tilespmem:v28+s26+$0x0], $0xffff;
	v62 =	vor.u32 $0x17, v22;
	v3 =	vadd.f32 v4, v3;
	v4 =	vmul.f32 v31, v57  }
0x3ac: {  	v31 =	vld.idx.msk [tilespmem:v58+s18+$0x0], $0xffff;
	v0 =	vadd.f32 v1, v0;
	v1 =	vmul.f32 v32, v57  }
0x3ad: {  	v26 =	vld.idx.msk [tilespmem:v26+s26+$0x0], $0xffff;
	v63 =	vor.u32 $0x18, v22;
	v3 =	vadd.f32 v4, v3;
	v4 =	vmul.f32 v29, v59  }
0x3ae: {  	v29 =	vld.idx.msk [tilespmem:v60+s18+$0x0], $0xffff;
	v0 =	vadd.f32 v1, v0;
	v1 =	vmul.f32 v30, v59  }
0x3af: {  	v24 =	vld.idx.msk [tilespmem:v24+s26+$0x0], $0xffff;
	v30 =	vor.u32 $0x19, v22;
	v3 =	vadd.f32 v4, v3;
	v4 =	vmul.f32 v27, v61  }
0x3b0: {  	v27 =	vld.idx.msk [tilespmem:v62+s18+$0x0], $0xffff;
	v0 =	vadd.f32 v1, v0;
	v1 =	vmul.f32 v28, v61  }
0x3b1: {  	v21 =	vld.idx.msk [tilespmem:v21+s26+$0x0], $0xffff;
	v28 =	vor.u32 $0x1A, v22;
	v3 =	vadd.f32 v4, v3;
	v4 =	vmul.f32 v25, v31  }
0x3b2: {  	v25 =	vld.idx.msk [tilespmem:v63+s18+$0x0], $0xffff;
	v0 =	vadd.f32 v1, v0;
	v1 =	vmul.f32 v26, v31  }
0x3b3: {  	v16 =	vld.idx.msk [tilespmem:v17+s0+$0x0], $0xffff;
	v26 =	vor.u32 $0x1B, v22;
	v3 =	vadd.f32 v4, v3;
	v4 =	vmul.f32 v23, v29  }
0x3b4: {  	v23 =	vld.idx.msk [tilespmem:v30+s18+$0x0], $0xffff;
	v0 =	vadd.f32 v1, v0;
	v1 =	vmul.f32 v24, v29  }
0x3b5: {  	v13 =	vld.idx.msk [tilespmem:v15+s0+$0x0], $0xffff;
	v24 =	vor.u32 $0x1C, v22;
	v3 =	vadd.f32 v4, v3;
	v4 =	vmul.f32 v20, v27  }
0x3b6: {  	v20 =	vld.idx.msk [tilespmem:v28+s18+$0x0], $0xffff;
	v0 =	vadd.f32 v1, v0;
	v1 =	vmul.f32 v21, v27  }
0x3b7: {  	v19 =	vld.idx.msk [tilespmem:v19+s26+$0x0], $0xffff;
	v21 =	vor.u32 $0x1D, v22;
	v3 =	vadd.f32 v4, v3;
	v4 =	vmul.f32 v18, v25  }
0x3b8: {  	v18 =	vld.idx.msk [tilespmem:v26+s18+$0x0], $0xffff  }
0x3b9: {  	v9 =	vld.idx.msk [tilespmem:v10+s0+$0x0], $0xffff;
	v3 =	vadd.f32 v4, v3;
	v4 =	vmul.f32 v16, v23  }
0x3ba: {  	v16 =	vld.idx.msk [tilespmem:v24+s18+$0x0], $0xffff  }
0x3bb: {  	v17 =	vld.idx.msk [tilespmem:v17+s26+$0x0], $0xffff;
	v3 =	vadd.f32 v4, v3;
	v4 =	vmul.f32 v13, v20  }
0x3bc: {  	v0 =	vadd.f32 v1, v0;
	v1 =	vmul.f32 v19, v25;
	v13 =	vld.idx.msk [tilespmem:v21+s18+$0x0], $0xffff  }
0x3bd: {  	v15 =	vld.idx.msk [tilespmem:v15+s26+$0x0], $0xffff;
	v19 =	vor.u32 $0x1E, v22;
	v3 =	vadd.f32 v4, v3;
	v4 =	vmul.f32 v11, v18;
	_ =	sdelay $0x1  }
0x3be: {  	v12 =	vld.idx.msk [tilespmem:v12+s26+$0x0], $0xffff;
	v3 =	vadd.f32 v4, v3;
	v4 =	vmul.f32 v9, v16  }
0x3bf: {  	v10 =	vld.idx.msk [tilespmem:v10+s26+$0x0], $0xffff;
	v0 =	vadd.f32 v1, v0;
	v1 =	vmul.f32 v17, v23  }
0x3c0: {  	v8 =	vld.idx.msk [tilespmem:v8+s26+$0x0], $0xffff;
	v3 =	vadd.f32 v4, v3;
	v4 =	vmul.f32 v7, v13  }
0x3c1: {  	v17 =	vor.u32 $0x1F, v22;
	v0 =	vadd.f32 v1, v0;
	v1 =	vmul.f32 v15, v20;
	v11 =	vld.idx.msk [tilespmem:v19+s18+$0x0], $0xffff  }
0x3c2: {  	v3 =	vadd.f32 v4, v3;
	v4 =	vld [tilespmem:$0x1FE20]  }
0x3c3: {  	v0 =	vadd.f32 v1, v0;
	v1 =	vmul.f32 v12, v18  }
0x3c4: {  	v6 =	vld.idx.msk [tilespmem:v6+s26+$0x0], $0xffff  }
0x3c5: {  	v5 =	vld.idx.msk [tilespmem:v5+s26+$0x0], $0xffff;
	v0 =	vadd.f32 v1, v0;
	v1 =	vmul.f32 v10, v16  }
0x3c6: {  	v9 =	vld.idx.msk [tilespmem:v17+s18+$0x0], $0xffff  }
0x3c7: {  	v0 =	vadd.f32 v1, v0;
	v1 =	vmul.f32 v8, v13;
	v4 =	vmul.f32 v4, v11;
	_ =	sdelay $0x1  }
0x3c8: {  	v0 =	vadd.f32 v1, v0;
	v1 =	vmul.f32 v6, v11;
	v3 =	vadd.f32 v4, v3;
	v4 =	vld [tilespmem:$0x1FE30];
	_ =	sdelay $0x1  }
0x3c9: {  	v0 =	vadd.f32 v1, v0;
	v1 =	vmul.f32 v5, v9;
	v5 =	vld [tilespmem:$0x1FFF0];
	_ =	sdelay $0x1  }
0x3ca: {  	s16 =	simm.s32 $0x10;
	v7 =	vld.idx.msk [tilespmem:v14+s2+$0x0], $0xffff  }
0x3cb: {  	v8 =	vmov s16;
	v6 =	vld.idx.msk [tilespmem:v14+s25+$0x0], $0xffff;
	v4 =	vmul.f32 v4, v9  }
0x3cc: {  	v8 =	vshll.u32 v8, $0x5  }
0x3cd: {  	v52 =	vor.u32 v5, v8;
	v4 =	vadd.f32 v4, v3  }
0x3ce: {  	v0 =	vadd.f32 v1, v0;
	v5 =	vor.u32 $0x1E, v52  }
0x3cf: {  	v1 =	vsub.f32 v7, v4  }
0x3d0: {  	v0 =	vsub.f32 v6, v0  }
0x3d1: {  	[tilespmem:s10+$0x0] =	vst v1  }
0x3d2: {  	[tilespmem:s9+$0x0] =	vst v0  }
0x3d3: {  	v8 =	vor.u32 $0x1D, v52;
	v0 =	vld.idx.msk [tilespmem:v5+s0+$0x0], $0xffff;
	_ =	sdelay $0x4  }
0x3d4: {  	v10 =	vor.u32 $0x1C, v52;
	[tilespmem:$0x1FE40] =	vst v0;
	v0 =	vld.idx.msk [tilespmem:v8+s0+$0x0], $0xffff;
	_ =	sdelay $0x4  }
0x3d5: {  	v12 =	vor.u32 $0x1B, v52;
	[tilespmem:$0x1FE50] =	vst v0;
	v0 =	vld.idx.msk [tilespmem:v10+s0+$0x0], $0xffff  }
0x3d6: {  	v3 =	vor.u32 $0x1F, v52  }
0x3d7: {  	v20 =	vor.u32 $0x17, v52  }
0x3d8: {  	v22 =	vor.u32 $0x16, v52  }
0x3d9: {  	v24 =	vor.u32 $0x15, v52  }
0x3da: {  	v14 =	vor.u32 $0x1A, v52;
	[tilespmem:$0x1FE60] =	vst v0;
	v0 =	vld.idx.msk [tilespmem:v12+s0+$0x0], $0xffff  }
0x3db: {  	v26 =	vor.u32 $0x14, v52;
	v63 =	vld.idx.msk [tilespmem:v3+s0+$0x0], $0xffff  }
0x3dc: {  	v28 =	vor.u32 $0x13, v52;
	v19 =	vld.idx.msk [tilespmem:v20+s0+$0x0], $0xffff  }
0x3dd: {  	v30 =	vor.u32 $0x12, v52;
	v21 =	vld.idx.msk [tilespmem:v22+s0+$0x0], $0xffff  }
0x3de: {  	v32 =	vor.u32 $0x11, v52;
	v23 =	vld.idx.msk [tilespmem:v24+s0+$0x0], $0xffff  }
0x3df: {  	v16 =	vor.u32 $0x19, v52;
	[tilespmem:$0x1FE70] =	vst v0;
	v0 =	vld.idx.msk [tilespmem:v14+s0+$0x0], $0xffff  }
0x3e0: {  	v34 =	vor.u32 $0x10, v52;
	v25 =	vld.idx.msk [tilespmem:v26+s0+$0x0], $0xffff  }
0x3e1: {  	v36 =	vor.u32 $0xF, v52;
	v27 =	vld.idx.msk [tilespmem:v28+s0+$0x0], $0xffff  }
0x3e2: {  	v38 =	vor.u32 $0xE, v52;
	v29 =	vld.idx.msk [tilespmem:v30+s0+$0x0], $0xffff  }
0x3e3: {  	v41 =	vor.u32 $0xD, v52;
	v31 =	vld.idx.msk [tilespmem:v32+s0+$0x0], $0xffff  }
0x3e4: {  	v18 =	vor.u32 $0x18, v52;
	[tilespmem:$0x1FE80] =	vst v0;
	v0 =	vld.idx.msk [tilespmem:v16+s0+$0x0], $0xffff  }
0x3e5: {  	v43 =	vor.u32 $0xC, v52;
	v33 =	vld.idx.msk [tilespmem:v34+s0+$0x0], $0xffff  }
0x3e6: {  	v46 =	vor.u32 $0xB, v52;
	v35 =	vld.idx.msk [tilespmem:v36+s0+$0x0], $0xffff  }
0x3e7: {  	v48 =	vor.u32 $0xA, v52;
	v37 =	vld.idx.msk [tilespmem:v38+s0+$0x0], $0xffff  }
0x3e8: {  	v50 =	vor.u32 $0x9, v52;
	v39 =	vld.idx.msk [tilespmem:v41+s0+$0x0], $0xffff  }
0x3e9: {  	v53 =	vor.u32 $0x8, v52;
	[tilespmem:$0x1FE90] =	vst v0;
	v0 =	vld.idx.msk [tilespmem:v18+s0+$0x0], $0xffff  }
0x3ea: {  	v55 =	vor.u32 $0x7, v52;
	v42 =	vld.idx.msk [tilespmem:v43+s0+$0x0], $0xffff  }
0x3eb: {  	v44 =	vld.idx.msk [tilespmem:v46+s0+$0x0], $0xffff  }
0x3ec: {  	v47 =	vld.idx.msk [tilespmem:v48+s0+$0x0], $0xffff  }
0x3ed: {  	v56 =	vor.u32 $0x6, v52;
	v49 =	vld.idx.msk [tilespmem:v50+s0+$0x0], $0xffff  }
0x3ee: {  	v57 =	vor.u32 $0x5, v52;
	v58 =	vor.u32 $0x4, v52;
	v51 =	vld.idx.msk [tilespmem:v53+s0+$0x0], $0xffff;
	[tilespmem:$0x1FEA0] =	vst v0;
	v0 =	vor.u32 s16, v2  }
0x3ef: {  	s13 =	smov.u32 s10;
	s7 =	smov.u32 s9;
	[tilespmem:$0x1FEB0] =	vst v2;
	v59 =	vor.u32 $0x3, v52;
	v60 =	vor.u32 $0x2, v52;
	v54 =	vld.idx.msk [tilespmem:v55+s0+$0x0], $0xffff;
	s16 =	simm.s32 $0x20;
	v40 =	vmulhi.u32 $0xCCCCCCCD, v0  }
.LBB2_7:
0x3f0: {  	_ =	sdelay $0x1  }
0x3f1: {  	v1 =	vld.idx.msk [tilespmem:v56+s0+$0x0], $0xffff  }
0x3f2: {  	v61 =	vld.idx.msk [tilespmem:v57+s0+$0x0], $0xffff;
	v40 =	vshrl.u32 v40, $0x4  }
0x3f3: {  	v62 =	vld.idx.msk [tilespmem:v58+s0+$0x0], $0xffff;
	v45 =	vshll.u32 v40, $0x5  }
0x3f4: {  	v0 =	vor.u32 $0x1, v52;
	v4 =	vld.idx.msk [tilespmem:v60+s0+$0x0], $0xffff  }
0x3f5: {  	v7 =	vld.idx.msk [tilespmem:v52+s0+$0x0], $0xffff;
	v2 =	vor.u32 $0x1, v45  }
0x3f6: {  	v52 =	vld.idx.msk [tilespmem:v52+s26+$0x0], $0xffff  }
0x3f7: {  	v60 =	vld.idx.msk [tilespmem:v60+s26+$0x0], $0xffff;
	v9 =	vor.u32 $0x2, v45  }
0x3f8: {  	v11 =	vld.idx.msk [tilespmem:v45+s18+$0x0], $0xffff  }
0x3f9: {  	v13 =	vor.u32 $0x3, v45;
	v6 =	vld.idx.msk [tilespmem:v0+s0+$0x0], $0xffff  }
0x3fa: {  	v2 =	vld.idx.msk [tilespmem:v2+s18+$0x0], $0xffff  }
0x3fb: {  	v15 =	vor.u32 $0x4, v45;
	v0 =	vld.idx.msk [tilespmem:v0+s26+$0x0], $0xffff  }
0x3fc: {  	v9 =	vld.idx.msk [tilespmem:v9+s18+$0x0], $0xffff  }
0x3fd: {  	v17 =	vor.u32 $0x5, v45;
	[tilespmem:$0x1FE10] =	vst v63;
	v63 =	vld.idx.msk [tilespmem:v59+s0+$0x0], $0xffff;
	v7 =	vmul.f32 v7, v11  }
0x3fe: {  	v13 =	vld.idx.msk [tilespmem:v13+s18+$0x0], $0xffff;
	v11 =	vmul.f32 v52, v11  }
0x3ff: {  	v52 =	vld.idx.msk [tilespmem:v59+s26+$0x0], $0xffff;
	v59 =	vor.u32 $0x6, v45;
	v6 =	vmul.f32 v6, v2;
	v7 =	vadd.f32 $0.0e+00, v7  }
0x400: {  	v15 =	vld.idx.msk [tilespmem:v15+s18+$0x0], $0xffff;
	v0 =	vmul.f32 v0, v2;
	v11 =	vadd.f32 $0.0e+00, v11  }
0x401: {  	v2 =	vld.idx.msk [tilespmem:v58+s26+$0x0], $0xffff;
	v58 =	vor.u32 $0x7, v45;
	v4 =	vmul.f32 v4, v9;
	v6 =	vadd.f32 v6, v7  }
0x402: {  	v9 =	vmul.f32 v60, v9;
	v7 =	vld.idx.msk [tilespmem:v17+s18+$0x0], $0xffff;
	v0 =	vadd.f32 v0, v11  }
0x403: {  	v11 =	vld.idx.msk [tilespmem:v57+s26+$0x0], $0xffff;
	v17 =	vor.u32 $0x8, v45;
	v4 =	vadd.f32 v4, v6;
	v6 =	vmul.f32 v63, v13  }
0x404: {  	v57 =	vld.idx.msk [tilespmem:v59+s18+$0x0], $0xffff;
	v0 =	vadd.f32 v9, v0;
	v9 =	vmul.f32 v52, v13  }
0x405: {  	v60 =	vor.u32 $0x9, v45;
	v13 =	vld.idx.msk [tilespmem:v56+s26+$0x0], $0xffff;
	v4 =	vadd.f32 v6, v4;
	v6 =	vmul.f32 v62, v15  }
0x406: {  	v63 =	vld.idx.msk [tilespmem:v58+s18+$0x0], $0xffff;
	v2 =	vmul.f32 v2, v15;
	v0 =	vadd.f32 v9, v0  }
0x407: {  	v9 =	vld.idx.msk [tilespmem:v55+s26+$0x0], $0xffff;
	v15 =	vor.u32 $0xA, v45;
	v4 =	vadd.f32 v6, v4;
	v6 =	vmul.f32 v61, v7  }
0x408: {  	v17 =	vld.idx.msk [tilespmem:v17+s18+$0x0], $0xffff;
	v0 =	vadd.f32 v2, v0;
	v2 =	vmul.f32 v11, v7  }
0x409: {  	v7 =	vld.idx.msk [tilespmem:v53+s26+$0x0], $0xffff;
	v11 =	vor.u32 $0xB, v45;
	v1 =	vmul.f32 v1, v57;
	v4 =	vadd.f32 v6, v4  }
0x40a: {  	v6 =	vld.idx.msk [tilespmem:v60+s18+$0x0], $0xffff;
	v0 =	vadd.f32 v2, v0;
	v2 =	vmul.f32 v13, v57  }
0x40b: {  	v13 =	vld.idx.msk [tilespmem:v50+s26+$0x0], $0xffff;
	v57 =	vor.u32 $0xC, v45;
	v1 =	vadd.f32 v1, v4;
	v4 =	vmul.f32 v54, v63  }
0x40c: {  	v15 =	vld.idx.msk [tilespmem:v15+s18+$0x0], $0xffff;
	v0 =	vadd.f32 v2, v0;
	v2 =	vmul.f32 v9, v63  }
0x40d: {  	v58 =	vor.u32 $0xD, v45;
	v9 =	vld.idx.msk [tilespmem:v48+s26+$0x0], $0xffff;
	v1 =	vadd.f32 v4, v1;
	v4 =	vmul.f32 v51, v17  }
0x40e: {  	v11 =	vld.idx.msk [tilespmem:v11+s18+$0x0], $0xffff;
	v0 =	vadd.f32 v2, v0;
	v2 =	vmul.f32 v7, v17  }
0x40f: {  	v7 =	vld.idx.msk [tilespmem:v46+s26+$0x0], $0xffff;
	v17 =	vor.u32 $0xE, v45;
	v1 =	vadd.f32 v4, v1;
	v4 =	vmul.f32 v49, v6  }
0x410: {  	v59 =	vld.idx.msk [tilespmem:v57+s18+$0x0], $0xffff;
	v0 =	vadd.f32 v2, v0;
	v2 =	vmul.f32 v13, v6  }
0x411: {  	v6 =	vld.idx.msk [tilespmem:v43+s26+$0x0], $0xffff;
	v13 =	vor.u32 $0xF, v45;
	v1 =	vadd.f32 v4, v1;
	v4 =	vmul.f32 v47, v15  }
0x412: {  	v60 =	vld.idx.msk [tilespmem:v58+s18+$0x0], $0xffff;
	v0 =	vadd.f32 v2, v0;
	v2 =	vmul.f32 v9, v15  }
0x413: {  	v9 =	vld.idx.msk [tilespmem:v41+s26+$0x0], $0xffff;
	v15 =	vor.u32 $0x10, v45;
	v1 =	vadd.f32 v4, v1;
	v4 =	vmul.f32 v44, v11  }
0x414: {  	v17 =	vld.idx.msk [tilespmem:v17+s18+$0x0], $0xffff;
	v0 =	vadd.f32 v2, v0;
	v2 =	vmul.f32 v7, v11  }
0x415: {  	v7 =	vld.idx.msk [tilespmem:v38+s26+$0x0], $0xffff;
	v11 =	vor.u32 $0x11, v45;
	v1 =	vadd.f32 v4, v1;
	v4 =	vmul.f32 v42, v59  }
0x416: {  	v13 =	vld.idx.msk [tilespmem:v13+s18+$0x0], $0xffff;
	v0 =	vadd.f32 v2, v0;
	v2 =	vmul.f32 v6, v59  }
0x417: {  	v61 =	vor.u32 $0x12, v45;
	v6 =	vld.idx.msk [tilespmem:v36+s26+$0x0], $0xffff;
	v1 =	vadd.f32 v4, v1;
	v4 =	vmul.f32 v39, v60  }
0x418: {  	v15 =	vld.idx.msk [tilespmem:v15+s18+$0x0], $0xffff;
	v0 =	vadd.f32 v2, v0;
	v2 =	vmul.f32 v9, v60  }
0x419: {  	v62 =	vor.u32 $0x13, v45;
	v9 =	vld.idx.msk [tilespmem:v34+s26+$0x0], $0xffff;
	v1 =	vadd.f32 v4, v1;
	v4 =	vmul.f32 v37, v17  }
0x41a: {  	v11 =	vld.idx.msk [tilespmem:v11+s18+$0x0], $0xffff;
	v0 =	vadd.f32 v2, v0;
	v2 =	vmul.f32 v7, v17  }
0x41b: {  	v7 =	vld.idx.msk [tilespmem:v32+s26+$0x0], $0xffff;
	v17 =	vor.u32 $0x14, v45;
	v1 =	vadd.f32 v4, v1;
	v4 =	vmul.f32 v35, v13  }
0x41c: {  	v63 =	vld.idx.msk [tilespmem:v61+s18+$0x0], $0xffff;
	v0 =	vadd.f32 v2, v0;
	v2 =	vmul.f32 v6, v13  }
0x41d: {  	v6 =	vld.idx.msk [tilespmem:v30+s26+$0x0], $0xffff;
	v13 =	vor.u32 $0x15, v45;
	v1 =	vadd.f32 v4, v1;
	v4 =	vmul.f32 v33, v15  }
0x41e: {  	v30 =	vld.idx.msk [tilespmem:v62+s18+$0x0], $0xffff;
	v0 =	vadd.f32 v2, v0;
	v2 =	vmul.f32 v9, v15  }
0x41f: {  	v15 =	vor.u32 $0x16, v45;
	v1 =	vadd.f32 v4, v1;
	v4 =	vmul.f32 v31, v11  }
0x420: {  	v17 =	vld.idx.msk [tilespmem:v17+s18+$0x0], $0xffff;
	v0 =	vadd.f32 v2, v0;
	v2 =	vmul.f32 v7, v11  }
0x421: {  	v11 =	vor.u32 $0x17, v45;
	v1 =	vadd.f32 v4, v1;
	v4 =	vmul.f32 v29, v63  }
0x422: {  	v13 =	vld.idx.msk [tilespmem:v13+s18+$0x0], $0xffff  }
0x423: {  	v9 =	vld.idx.msk [tilespmem:v28+s26+$0x0], $0xffff;
	v1 =	vadd.f32 v4, v1;
	v4 =	vmul.f32 v27, v30  }
0x424: {  	v15 =	vld.idx.msk [tilespmem:v15+s18+$0x0], $0xffff  }
0x425: {  	v7 =	vld.idx.msk [tilespmem:v26+s26+$0x0], $0xffff;
	v1 =	vadd.f32 v4, v1;
	v4 =	vmul.f32 v25, v17  }
0x426: {  	v0 =	vadd.f32 v2, v0;
	v2 =	vmul.f32 v6, v63;
	v11 =	vld.idx.msk [tilespmem:v11+s18+$0x0], $0xffff  }
0x427: {  	v6 =	vld.idx.msk [tilespmem:v24+s26+$0x0], $0xffff;
	v24 =	vor.u32 $0x18, v45;
	v1 =	vadd.f32 v4, v1;
	v4 =	vmul.f32 v23, v13  }
0x428: {  	v0 =	vadd.f32 v2, v0;
	v2 =	vmul.f32 v9, v30  }
0x429: {  	v1 =	vadd.f32 v4, v1;
	v4 =	vmul.f32 v21, v15  }
0x42a: {  	v0 =	vadd.f32 v2, v0  }
0x42b: {  	v2 =	vmul.f32 v7, v17;
	v7 =	vld.idx.msk [tilespmem:v20+s26+$0x0], $0xffff;
	v1 =	vadd.f32 v4, v1;
	v4 =	vmul.f32 v19, v11  }
0x42c: {  	v20 =	vld.idx.msk [tilespmem:v24+s18+$0x0], $0xffff  }
0x42d: {  	v1 =	vadd.f32 v4, v1;
	v4 =	vld [tilespmem:$0x1FEA0]  }
0x42e: {  	v9 =	vld.idx.msk [tilespmem:v22+s26+$0x0], $0xffff;
	v22 =	vor.u32 $0x19, v45;
	_ =	sdelay $0x3  }
0x42f: {  	v0 =	vadd.f32 v2, v0;
	v2 =	vmul.f32 v6, v13;
	v6 =	vld.idx.msk [tilespmem:v18+s26+$0x0], $0xffff;
	v4 =	vmul.f32 v4, v20  }
0x430: {  	v18 =	vld.idx.msk [tilespmem:v22+s18+$0x0], $0xffff  }
0x431: {  	v1 =	vadd.f32 v4, v1;
	v4 =	vld [tilespmem:$0x1FE90]  }
0x432: {  	v17 =	vor.u32 $0x1A, v45;
	_ =	sdelay $0x3  }
0x433: {  	v0 =	vadd.f32 v2, v0;
	v2 =	vmul.f32 v9, v15;
	v9 =	vld.idx.msk [tilespmem:v16+s26+$0x0], $0xffff;
	v4 =	vmul.f32 v4, v18  }
0x434: {  	v16 =	vld.idx.msk [tilespmem:v17+s18+$0x0], $0xffff  }
0x435: {  	v1 =	vadd.f32 v4, v1;
	v4 =	vld [tilespmem:$0x1FE80]  }
0x436: {  	v13 =	vor.u32 $0x1B, v45;
	_ =	sdelay $0x3  }
0x437: {  	v4 =	vmul.f32 v4, v16  }
0x438: {  	v13 =	vld.idx.msk [tilespmem:v13+s18+$0x0], $0xffff  }
0x439: {  	v1 =	vadd.f32 v4, v1;
	v4 =	vld [tilespmem:$0x1FE70]  }
0x43a: {  	v15 =	vor.u32 $0x1C, v45;
	_ =	sdelay $0x3  }
0x43b: {  	v0 =	vadd.f32 v2, v0;
	v2 =	vmul.f32 v7, v11;
	v7 =	vld.idx.msk [tilespmem:v14+s26+$0x0], $0xffff;
	v4 =	vmul.f32 v4, v13  }
0x43c: {  	v14 =	vld.idx.msk [tilespmem:v15+s18+$0x0], $0xffff  }
0x43d: {  	v1 =	vadd.f32 v4, v1;
	v4 =	vld [tilespmem:$0x1FE60]  }
0x43e: {  	v11 =	vor.u32 $0x1D, v45;
	_ =	sdelay $0x3  }
0x43f: {  	v4 =	vmul.f32 v4, v14  }
0x440: {  	v11 =	vld.idx.msk [tilespmem:v11+s18+$0x0], $0xffff  }
0x441: {  	v1 =	vadd.f32 v4, v1;
	v4 =	vld [tilespmem:$0x1FE50]  }
0x442: {  	v0 =	vadd.f32 v2, v0;
	v2 =	vmul.f32 v6, v20;
	v6 =	vld.idx.msk [tilespmem:v12+s26+$0x0], $0xffff;
	v12 =	vor.u32 $0x1E, v45;
	_ =	sdelay $0x1  }
0x443: {  	v0 =	vadd.f32 v2, v0;
	v2 =	vmul.f32 v9, v18  }
0x444: {  	v9 =	vld.idx.msk [tilespmem:v10+s26+$0x0], $0xffff  }
0x445: {  	v0 =	vadd.f32 v2, v0;
	v2 =	vmul.f32 v7, v16;
	v7 =	vld.idx.msk [tilespmem:v8+s26+$0x0], $0xffff;
	v4 =	vmul.f32 v4, v11  }
0x446: {  	v10 =	vor.u32 $0x1F, v45;
	v8 =	vld.idx.msk [tilespmem:v12+s18+$0x0], $0xffff  }
0x447: {  	v1 =	vadd.f32 v4, v1;
	v4 =	vld [tilespmem:$0x1FE40]  }
0x448: {  	v0 =	vadd.f32 v2, v0;
	v2 =	vmul.f32 v6, v13  }
0x449: {  	v5 =	vld.idx.msk [tilespmem:v5+s26+$0x0], $0xffff  }
0x44a: {  	v3 =	vld.idx.msk [tilespmem:v3+s26+$0x0], $0xffff;
	v0 =	vadd.f32 v2, v0;
	v2 =	vmul.f32 v9, v14  }
0x44b: {  	v6 =	vld.idx.msk [tilespmem:v10+s18+$0x0], $0xffff  }
0x44c: {  	v0 =	vadd.f32 v2, v0;
	v2 =	vmul.f32 v7, v11;
	v4 =	vmul.f32 v4, v8;
	_ =	sdelay $0x1  }
0x44d: {  	v0 =	vadd.f32 v2, v0;
	v2 =	vmul.f32 v5, v8;
	v1 =	vadd.f32 v4, v1;
	v4 =	vld [tilespmem:$0x1FE10];
	_ =	sdelay $0x1  }
0x44e: {  	v0 =	vadd.f32 v2, v0;
	v2 =	vmul.f32 v3, v6;
	v3 =	vld [tilespmem:$0x1FFF0];
	_ =	sdelay $0x1  }
0x44f: {  	v7 =	vld.idx.msk [tilespmem:v40+s2+$0x0], $0xffff  }
0x450: {  	v9 =	vld.idx.msk [tilespmem:v40+s25+$0x0], $0xffff;
	v5 =	vmov s16;
	v4 =	vmul.f32 v4, v6  }
0x451: {  	v5 =	vshll.u32 v5, $0x5  }
0x452: {  	v52 =	vor.u32 v3, v5;
	v1 =	vadd.f32 v4, v1  }
0x453: {  	v0 =	vadd.f32 v2, v0;
	v5 =	vor.u32 $0x1E, v52  }
0x454: {  	v1 =	vsub.f32 v7, v1  }
0x455: {  	s13 =	sadd.s32 $0x10, s13;
	v0 =	vsub.f32 v9, v0  }
0x456: {  	s7 =	sadd.s32 $0x10, s7;
	[tilespmem:s13+$0x0] =	vst v1  }
0x457: {  	[tilespmem:s7+$0x0] =	vst v0  }
0x458: {  	v8 =	vor.u32 $0x1D, v52;
	v0 =	vld.idx.msk [tilespmem:v5+s0+$0x0], $0xffff;
	_ =	sdelay $0x4  }
0x459: {  	v10 =	vor.u32 $0x1C, v52;
	[tilespmem:$0x1FE40] =	vst v0;
	v0 =	vld.idx.msk [tilespmem:v8+s0+$0x0], $0xffff;
	_ =	sdelay $0x4  }
0x45a: {  	v12 =	vor.u32 $0x1B, v52;
	[tilespmem:$0x1FE50] =	vst v0;
	v0 =	vld.idx.msk [tilespmem:v10+s0+$0x0], $0xffff;
	_ =	sdelay $0x4  }
0x45b: {  	v14 =	vor.u32 $0x1A, v52;
	[tilespmem:$0x1FE60] =	vst v0;
	v0 =	vld.idx.msk [tilespmem:v12+s0+$0x0], $0xffff  }
0x45c: {  	v3 =	vor.u32 $0x1F, v52  }
0x45d: {  	v20 =	vor.u32 $0x17, v52  }
0x45e: {  	v22 =	vor.u32 $0x16, v52  }
0x45f: {  	v24 =	vor.u32 $0x15, v52  }
0x460: {  	v16 =	vor.u32 $0x19, v52;
	[tilespmem:$0x1FE70] =	vst v0;
	v0 =	vld.idx.msk [tilespmem:v14+s0+$0x0], $0xffff  }
0x461: {  	v26 =	vor.u32 $0x14, v52;
	v63 =	vld.idx.msk [tilespmem:v3+s0+$0x0], $0xffff  }
0x462: {  	v28 =	vor.u32 $0x13, v52;
	v19 =	vld.idx.msk [tilespmem:v20+s0+$0x0], $0xffff  }
0x463: {  	v30 =	vor.u32 $0x12, v52;
	v21 =	vld.idx.msk [tilespmem:v22+s0+$0x0], $0xffff  }
0x464: {  	v32 =	vor.u32 $0x11, v52;
	v23 =	vld.idx.msk [tilespmem:v24+s0+$0x0], $0xffff  }
0x465: {  	v18 =	vor.u32 $0x18, v52;
	[tilespmem:$0x1FE80] =	vst v0;
	v0 =	vld.idx.msk [tilespmem:v16+s0+$0x0], $0xffff  }
0x466: {  	v34 =	vor.u32 $0x10, v52;
	v25 =	vld.idx.msk [tilespmem:v26+s0+$0x0], $0xffff  }
0x467: {  	v36 =	vor.u32 $0xF, v52;
	v27 =	vld.idx.msk [tilespmem:v28+s0+$0x0], $0xffff  }
0x468: {  	v38 =	vor.u32 $0xE, v52;
	v29 =	vld.idx.msk [tilespmem:v30+s0+$0x0], $0xffff  }
0x469: {  	v41 =	vor.u32 $0xD, v52;
	v31 =	vld.idx.msk [tilespmem:v32+s0+$0x0], $0xffff  }
0x46a: {  	[tilespmem:$0x1FE90] =	vst v0;
	v0 =	vld.idx.msk [tilespmem:v18+s0+$0x0], $0xffff  }
0x46b: {  	v43 =	vor.u32 $0xC, v52;
	v33 =	vld.idx.msk [tilespmem:v34+s0+$0x0], $0xffff  }
0x46c: {  	v46 =	vor.u32 $0xB, v52;
	v35 =	vld.idx.msk [tilespmem:v36+s0+$0x0], $0xffff  }
0x46d: {  	v48 =	vor.u32 $0xA, v52;
	v37 =	vld.idx.msk [tilespmem:v38+s0+$0x0], $0xffff  }
0x46e: {  	v50 =	vor.u32 $0x9, v52;
	v39 =	vld.idx.msk [tilespmem:v41+s0+$0x0], $0xffff  }
0x46f: {  	v53 =	vor.u32 $0x8, v52;
	[tilespmem:$0x1FEA0] =	vst v0;
	v0 =	vld [tilespmem:$0x1FEB0]  }
0x470: {  	p1 =	sne.s32 s16, $0xF0;
	v55 =	vor.u32 $0x7, v52;
	v42 =	vld.idx.msk [tilespmem:v43+s0+$0x0], $0xffff  }
.Ltmp4:
0x471: {  	v44 =	vld.idx.msk [tilespmem:v46+s0+$0x0], $0xffff;
	(pc) =	sbr.rel @p1 .LBB2_7-.Ltmp4, $4  }
0x472: {  	v47 =	vld.idx.msk [tilespmem:v48+s0+$0x0], $0xffff  }
0x473: {  	v56 =	vor.u32 $0x6, v52;
	v49 =	vld.idx.msk [tilespmem:v50+s0+$0x0], $0xffff  }
0x474: {  	v57 =	vor.u32 $0x5, v52;
	v58 =	vor.u32 $0x4, v52;
	v51 =	vld.idx.msk [tilespmem:v53+s0+$0x0], $0xffff;
	v0 =	vor.u32 s16, v0  }
0x475: {  	v59 =	vor.u32 $0x3, v52;
	v60 =	vor.u32 $0x2, v52;
	v54 =	vld.idx.msk [tilespmem:v55+s0+$0x0], $0xffff;
	s16 =	sadd.s32 $0x10, s16;
	v40 =	vmulhi.u32 $0xCCCCCCCD, v0  }
0x476: {  	_ =	sdelay $0x3  }
0x477: {  	v7 =	vld.idx.msk [tilespmem:v52+s0+$0x0], $0xffff  }
0x478: {  	v9 =	vld.idx.msk [tilespmem:v52+s26+$0x0], $0xffff  }
0x479: {  	v13 =	vld.idx.msk [tilespmem:v60+s0+$0x0], $0xffff  }
0x47a: {  	v45 =	vld.idx.msk [tilespmem:v60+s26+$0x0], $0xffff  }
0x47b: {  	v0 =	vor.u32 $0x1, v52;
	v52 =	vld.idx.msk [tilespmem:v59+s0+$0x0], $0xffff;
	v2 =	vshrl.u32 v40, $0x4  }
0x47c: {  	v59 =	vld.idx.msk [tilespmem:v59+s26+$0x0], $0xffff;
	v40 =	vshll.u32 v2, $0x5  }
0x47d: {  	v16 =	vld.idx.msk [tilespmem:v16+s26+$0x0], $0xffff  }
0x47e: {  	v10 =	vld.idx.msk [tilespmem:v10+s26+$0x0], $0xffff;
	v1 =	vor.u32 $0x1, v40  }
0x47f: {  	v8 =	vld.idx.msk [tilespmem:v8+s26+$0x0], $0xffff;
	v6 =	vor.u32 $0x2, v40  }
0x480: {  	v11 =	vor.u32 $0x3, v40;
	v4 =	vld.idx.msk [tilespmem:v0+s0+$0x0], $0xffff  }
0x481: {  	v17 =	vor.u32 $0x4, v40;
	v15 =	vld.idx.msk [tilespmem:v40+s18+$0x0], $0xffff  }
0x482: {  	v0 =	vld.idx.msk [tilespmem:v0+s26+$0x0], $0xffff  }
0x483: {  	v1 =	vld.idx.msk [tilespmem:v1+s18+$0x0], $0xffff  }
0x484: {  	v60 =	vor.u32 $0x5, v40;
	v6 =	vld.idx.msk [tilespmem:v6+s18+$0x0], $0xffff  }
0x485: {  	v11 =	vld.idx.msk [tilespmem:v11+s18+$0x0], $0xffff  }
0x486: {  	v17 =	vld.idx.msk [tilespmem:v17+s18+$0x0], $0xffff;
	v7 =	vmul.f32 v7, v15  }
0x487: {  	v61 =	vor.u32 $0x6, v40;
	v9 =	vmul.f32 v9, v15;
	v15 =	vld.idx.msk [tilespmem:v58+s0+$0x0], $0xffff  }
0x488: {  	v58 =	vld.idx.msk [tilespmem:v58+s26+$0x0], $0xffff;
	v4 =	vmul.f32 v4, v1;
	v7 =	vadd.f32 $0.0e+00, v7  }
0x489: {  	v0 =	vmul.f32 v0, v1;
	v1 =	vadd.f32 $0.0e+00, v9;
	v9 =	vld.idx.msk [tilespmem:v60+s18+$0x0], $0xffff  }
0x48a: {  	v4 =	vadd.f32 v4, v7;
	v7 =	vmul.f32 v13, v6;
	v13 =	vld.idx.msk [tilespmem:v57+s0+$0x0], $0xffff  }
0x48b: {  	v60 =	vor.u32 $0x7, v40;
	v0 =	vadd.f32 v0, v1;
	v1 =	vmul.f32 v45, v6;
	v6 =	vld.idx.msk [tilespmem:v57+s26+$0x0], $0xffff  }
0x48c: {  	v57 =	vmul.f32 v52, v11;
	v45 =	vld.idx.msk [tilespmem:v61+s18+$0x0], $0xffff;
	v52 =	vor.u32 $0x8, v40  }
0x48d: {  	v61 =	vmul.f32 v59, v11;
	v11 =	vld.idx.msk [tilespmem:v56+s0+$0x0], $0xffff  }
0x48e: {  	v4 =	vadd.f32 v7, v4;
	v0 =	vadd.f32 v1, v0;
	v7 =	vld.idx.msk [tilespmem:v56+s26+$0x0], $0xffff;
	v56 =	vor.u32 $0x9, v40  }
0x48f: {  	v59 =	vld.idx.msk [tilespmem:v53+s26+$0x0], $0xffff;
	v15 =	vmul.f32 v15, v17  }
0x490: {  	v4 =	vadd.f32 v57, v4;
	v0 =	vadd.f32 v61, v0;
	v61 =	vmul.f32 v58, v17;
	v17 =	vld.idx.msk [tilespmem:v60+s18+$0x0], $0xffff  }
0x491: {  	v60 =	vor.u32 $0xB, v40;
	v58 =	vld.idx.msk [tilespmem:v52+s18+$0x0], $0xffff  }
0x492: {  	v13 =	vmul.f32 v13, v9;
	v4 =	vadd.f32 v15, v4;
	v15 =	vld.idx.msk [tilespmem:v55+s26+$0x0], $0xffff  }
0x493: {  	v55 =	vor.u32 $0xA, v40;
	v0 =	vadd.f32 v61, v0;
	v61 =	vmul.f32 v7, v45;
	v7 =	vld.idx.msk [tilespmem:v56+s18+$0x0], $0xffff  }
0x494: {  	v57 =	vmul.f32 v6, v9;
	v11 =	vmul.f32 v11, v45;
	v45 =	vld.idx.msk [tilespmem:v50+s26+$0x0], $0xffff  }
0x495: {  	v4 =	vadd.f32 v13, v4;
	v52 =	vmul.f32 v54, v17;
	v54 =	vld.idx.msk [tilespmem:v48+s26+$0x0], $0xffff  }
0x496: {  	v0 =	vadd.f32 v57, v0;
	v56 =	vmul.f32 v51, v58;
	v57 =	vmul.f32 v59, v58;
	v58 =	vld.idx.msk [tilespmem:v60+s18+$0x0], $0xffff  }
0x497: {  	v4 =	vadd.f32 v11, v4;
	v11 =	vor.u32 $0xC, v40;
	v59 =	vld.idx.msk [tilespmem:v46+s26+$0x0], $0xffff  }
0x498: {  	v0 =	vadd.f32 v61, v0;
	v60 =	vor.u32 $0xE, v40;
	v53 =	vmul.f32 v15, v17;
	v15 =	vld.idx.msk [tilespmem:v55+s18+$0x0], $0xffff  }
0x499: {  	v51 =	vld.idx.msk [tilespmem:v43+s26+$0x0], $0xffff;
	v4 =	vadd.f32 v52, v4  }
0x49a: {  	v46 =	vld.idx.msk [tilespmem:v36+s26+$0x0], $0xffff;
	v55 =	vor.u32 $0xD, v40;
	v61 =	vmul.f32 v49, v7;
	v0 =	vadd.f32 v53, v0  }
0x49b: {  	v49 =	vmul.f32 v45, v7;
	v52 =	vor.u32 $0xF, v40;
	v4 =	vadd.f32 v56, v4;
	v56 =	vld.idx.msk [tilespmem:v41+s26+$0x0], $0xffff  }
0x49c: {  	v0 =	vadd.f32 v57, v0;
	v50 =	vld.idx.msk [tilespmem:v11+s18+$0x0], $0xffff;
	v57 =	vor.u32 $0x10, v40;
	v44 =	vmul.f32 v44, v58  }
0x49d: {  	v58 =	vmul.f32 v59, v58;
	v59 =	vld.idx.msk [tilespmem:v60+s18+$0x0], $0xffff;
	v4 =	vadd.f32 v61, v4;
	v53 =	vmul.f32 v47, v15  }
0x49e: {  	v60 =	vld.idx.msk [tilespmem:v38+s26+$0x0], $0xffff;
	v54 =	vmul.f32 v54, v15;
	v0 =	vadd.f32 v49, v0  }
0x49f: {  	v55 =	vld.idx.msk [tilespmem:v55+s18+$0x0], $0xffff;
	v61 =	vor.u32 $0x11, v40;
	v4 =	vadd.f32 v53, v4  }
0x4a0: {  	v47 =	vor.u32 $0x12, v40;
	v45 =	vld.idx.msk [tilespmem:v52+s18+$0x0], $0xffff;
	v0 =	vadd.f32 v54, v0  }
0x4a1: {  	v4 =	vadd.f32 v44, v4;
	v42 =	vmul.f32 v42, v50;
	v44 =	vmul.f32 v51, v50;
	v50 =	vld.idx.msk [tilespmem:v57+s18+$0x0], $0xffff  }
0x4a2: {  	v51 =	vld.idx.msk [tilespmem:v34+s26+$0x0], $0xffff  }
0x4a3: {  	v52 =	vor.u32 $0x13, v40;
	v53 =	vmul.f32 v60, v59;
	v60 =	vld.idx.msk [tilespmem:v30+s26+$0x0], $0xffff;
	v0 =	vadd.f32 v58, v0  }
0x4a4: {  	v48 =	vmul.f32 v39, v55;
	v54 =	vld.idx.msk [tilespmem:v61+s18+$0x0], $0xffff;
	v4 =	vadd.f32 v42, v4  }
0x4a5: {  	v49 =	vmul.f32 v56, v55;
	v55 =	vld.idx.msk [tilespmem:v32+s26+$0x0], $0xffff;
	v0 =	vadd.f32 v44, v0  }
0x4a6: {  	v37 =	vmul.f32 v37, v59;
	v59 =	vld.idx.msk [tilespmem:v47+s18+$0x0], $0xffff;
	v4 =	vadd.f32 v48, v4  }
0x4a7: {  	v39 =	vld.idx.msk [tilespmem:v28+s26+$0x0], $0xffff;
	v0 =	vadd.f32 v49, v0  }
0x4a8: {  	v56 =	vor.u32 $0x14, v40;
	v57 =	vmul.f32 v35, v45;
	v38 =	vld.idx.msk [tilespmem:v52+s18+$0x0], $0xffff;
	v4 =	vadd.f32 v37, v4  }
0x4a9: {  	v61 =	vor.u32 $0x15, v40;
	v58 =	vmul.f32 v46, v45;
	v35 =	vld [tilespmem:$0x1FEA0];
	v0 =	vadd.f32 v53, v0  }
0x4aa: {  	v44 =	vld.idx.msk [tilespmem:v26+s26+$0x0], $0xffff;
	v36 =	vmul.f32 v33, v50;
	v4 =	vadd.f32 v57, v4  }
0x4ab: {  	v41 =	vor.u32 $0x16, v40;
	v49 =	vld.idx.msk [tilespmem:v24+s26+$0x0], $0xffff;
	v37 =	vmul.f32 v51, v50;
	v0 =	vadd.f32 v58, v0  }
0x4ac: {  	v33 =	vld.idx.msk [tilespmem:v14+s26+$0x0], $0xffff;
	v31 =	vmul.f32 v31, v54;
	v4 =	vadd.f32 v36, v4  }
0x4ad: {  	v42 =	vmul.f32 v55, v54;
	v43 =	vld.idx.msk [tilespmem:v56+s18+$0x0], $0xffff;
	v0 =	vadd.f32 v37, v0  }
0x4ae: {  	v45 =	vor.u32 $0x17, v40;
	v46 =	vmul.f32 v29, v59;
	v48 =	vld.idx.msk [tilespmem:v61+s18+$0x0], $0xffff;
	v4 =	vadd.f32 v31, v4  }
0x4af: {  	v47 =	vmul.f32 v60, v59;
	v54 =	vld.idx.msk [tilespmem:v22+s26+$0x0], $0xffff;
	v0 =	vadd.f32 v42, v0  }
0x4b0: {  	v50 =	vor.u32 $0x18, v40;
	v51 =	vmul.f32 v27, v38;
	v53 =	vld.idx.msk [tilespmem:v41+s18+$0x0], $0xffff;
	v4 =	vadd.f32 v46, v4  }
0x4b1: {  	v52 =	vmul.f32 v39, v38;
	v38 =	vld.idx.msk [tilespmem:v12+s26+$0x0], $0xffff;
	v0 =	vadd.f32 v47, v0  }
0x4b2: {  	v55 =	vor.u32 $0x19, v40;
	v41 =	vld [tilespmem:$0x1FE90];
	v25 =	vmul.f32 v25, v43;
	v4 =	vadd.f32 v51, v4  }
0x4b3: {  	v57 =	vld.idx.msk [tilespmem:v45+s18+$0x0], $0xffff;
	v56 =	vmul.f32 v44, v43;
	v0 =	vadd.f32 v52, v0  }
0x4b4: {  	v59 =	vor.u32 $0x1A, v40;
	v58 =	vld.idx.msk [tilespmem:v20+s26+$0x0], $0xffff;
	v60 =	vmul.f32 v23, v48;
	v4 =	vadd.f32 v25, v4  }
0x4b5: {  	v26 =	vor.u32 $0x1B, v40;
	v61 =	vmul.f32 v49, v48;
	v24 =	vld.idx.msk [tilespmem:v50+s18+$0x0], $0xffff;
	v0 =	vadd.f32 v56, v0  }
0x4b6: {  	v27 =	vmul.f32 v21, v53;
	v25 =	vld.idx.msk [tilespmem:v18+s26+$0x0], $0xffff;
	v4 =	vadd.f32 v60, v4  }
0x4b7: {  	v30 =	vor.u32 $0x1C, v40;
	v29 =	vld.idx.msk [tilespmem:v55+s18+$0x0], $0xffff;
	v28 =	vmul.f32 v54, v53;
	v0 =	vadd.f32 v61, v0  }
0x4b8: {  	v45 =	vld [tilespmem:$0x1FE80];
	v19 =	vmul.f32 v19, v57;
	v4 =	vadd.f32 v27, v4  }
0x4b9: {  	v32 =	vld.idx.msk [tilespmem:v59+s18+$0x0], $0xffff;
	v31 =	vmul.f32 v58, v57;
	v0 =	vadd.f32 v28, v0  }
0x4ba: {  	v34 =	vor.u32 $0x1D, v40;
	v37 =	vld.idx.msk [tilespmem:v26+s18+$0x0], $0xffff;
	v14 =	vmul.f32 v35, v24;
	v4 =	vadd.f32 v19, v4  }
0x4bb: {  	v39 =	vor.u32 $0x1E, v40;
	v48 =	vld [tilespmem:$0x1FE70];
	v36 =	vmul.f32 v25, v24;
	v0 =	vadd.f32 v31, v0  }
0x4bc: {  	v43 =	vld.idx.msk [tilespmem:v30+s18+$0x0], $0xffff;
	v4 =	vadd.f32 v14, v4;
	v14 =	vmul.f32 v41, v29  }
0x4bd: {  	v42 =	vmul.f32 v16, v29;
	v51 =	vld [tilespmem:$0x1FE60];
	v0 =	vadd.f32 v36, v0  }
0x4be: {  	v44 =	vor.u32 $0x1F, v40;
	v54 =	vld [tilespmem:$0x1FE50];
	v16 =	vmul.f32 v45, v32;
	v4 =	vadd.f32 v14, v4  }
0x4bf: {  	v47 =	vld.idx.msk [tilespmem:v34+s18+$0x0], $0xffff;
	v46 =	vmul.f32 v33, v32;
	v0 =	vadd.f32 v42, v0  }
0x4c0: {  	v50 =	vld.idx.msk [tilespmem:v39+s18+$0x0], $0xffff;
	v9 =	vmul.f32 v48, v37;
	v4 =	vadd.f32 v16, v4  }
0x4c1: {  	v49 =	vmul.f32 v38, v37;
	v56 =	vld [tilespmem:$0x1FE40];
	v0 =	vadd.f32 v46, v0  }
0x4c2: {  	v5 =	vld.idx.msk [tilespmem:v5+s26+$0x0], $0xffff;
	v4 =	vadd.f32 v9, v4;
	v9 =	vmul.f32 v51, v43  }
0x4c3: {  	v53 =	vld.idx.msk [tilespmem:v44+s18+$0x0], $0xffff;
	v52 =	vmul.f32 v10, v43;
	v0 =	vadd.f32 v49, v0  }
0x4c4: {  	v3 =	vld.idx.msk [tilespmem:v3+s26+$0x0], $0xffff;
	v4 =	vadd.f32 v9, v4;
	v9 =	vmul.f32 v54, v47  }
0x4c5: {  	v55 =	vmul.f32 v8, v47;
	v0 =	vadd.f32 v52, v0  }
0x4c6: {  	v6 =	vmul.f32 v56, v50;
	v4 =	vadd.f32 v9, v4  }
0x4c7: {  	v58 =	vld.idx.msk [tilespmem:v2+s2+$0x0], $0xffff;
	v57 =	vmul.f32 v5, v50;
	v0 =	vadd.f32 v55, v0  }
0x4c8: {  	v2 =	vld.idx.msk [tilespmem:v2+s25+$0x0], $0xffff;
	v59 =	vmul.f32 v63, v53;
	v4 =	vadd.f32 v6, v4  }
0x4c9: {  	v60 =	vmul.f32 v3, v53;
	v0 =	vadd.f32 v57, v0  }
0x4ca: {  	v61 =	vadd.f32 v59, v4  }
.Ltmp5:
0x4cb: {  	v0 =	vadd.f32 v60, v0;
	(pc) =	sbr.rel @p0 .LBB2_10-.Ltmp5, $4  }
0x4cc: {  	v63 =	vsub.f32 v58, v61  }
0x4cd: {  	s1 =	sadd.s32 $0x10, s13;
	v0 =	vsub.f32 v2, v0  }
0x4ce: {  	s16 =	sadd.s32 $0x10, s7;
	[tilespmem:s1+$0x0] =	vst v63  }
0x4cf: {  	v62 =	vld [tilespmem:$0x1FFF0];
	[tilespmem:s16+$0x0] =	vst v0  }
0x4d0: {  	s1 =	sshrl.u32 s12, $0x2  }
0x4d1: {  	s3 =	sadd.s32 $0x700, s1  }
0x4d2: {  	[tilespmem:s0], [sflag:$0x3] =	stream.indirect.gather [hbm4b:s4+s17], $0x20, s3, s17, $0xb8;
	[tilespmem:$0x1C000] =	vst v63  }
0x4d3: {  	s1 =	sadd.s32 $0x780, s1  }
0x4d4: {  	[tilespmem:s23], [sflag:$0x3] =	stream.indirect.gather [hbm4b:s4+s17], $0x20, s1, s17, $0xb8;
	[tilespmem:$0x1C000] =	vst v63  }
.Ltmp6:
0x4d5: {  	_ = 	snop;
	(pc) =	sbr.rel .LBB2_4-.Ltmp6, $4  }
0x4d6: {  	s11 =	sadd.s32 $0x1, s11;
	s15 =	sadd.s32 $0x200, s15  }
0x4d7: {  	[tilespmem:s26], [sflag:$0x3] =	stream.indirect.gather [hbm4b:s5+s17], $0x20, s3, s17, $0xb8;
	[tilespmem:$0x1C000] =	vst v63  }
0x4d8: {  	s8 =	sadd.s32 $0x200, s8;
	s9 =	sadd.s32 $0x200, s9;
	s10 =	sadd.s32 $0x200, s10  }
0x4d9: {  	v2 =	vmov v62;
	[tilespmem:s30], [sflag:$0x3] =	stream.indirect.gather [hbm4b:s5+s17], $0x20, s1, s17, $0xb8;
	[tilespmem:$0x1C000] =	vst v63  }
.LBB2_11:
0x4da: {  	_ =	sfence.sel $0x180000  }
0x4db: {  	[bflag:$0x0] =	sbarrier.arrive $0xFFFF  }
0x4dc: {  	_ =	strace $0x90000047  }
0x4dd: {  	s0 =	stileid.u32;
	[bflag:$0x2] =	sbarrier.arrive $0xFFFF  }
0x4de: {  	p0 =	sne.s32 s0, $0x0;
	s0 =	rddreg [dreg:$0x7]  }
0x4df: {  	s0 =	sadd.s32 @!p0 $0x100000, s0  }
0x4e0: {  	[sflag:s0] =	ssyncadd.tile.s32 @!p0 $0x1;
	_ =	shalt  }
.Lfunc_end2:
_tile_overlayer_lowered:
.L_overlay_start_2:
0x4e1: {  	(tag) =	ssettag $0x2  }
0x4e2: {  	s0 =	rddreg [dreg:$0x0];
	s2 =	stileid.u32  }
0x4e3: {  	s1 =	rddreg [dreg:$0x1];
	p0 =	sne.s32 s2, $0x0  }
0x4e4: {  	s3 =	rddreg [dreg:$0x2];
	[bflag:$0x3] =	sbarrier.arrive $0xFFFF;
	s2 =	simm.s32 @!p0 $0x1C04  }
0x4e5: {  	[timem:s3], [sflag:s2] =	dma.local @!p0 [hbm:s0], s1  }
0x4e6: {  	s0 =	simm.s32 @!p0 $0x4  }
0x4e7: {  	_ =	swait.ge @!p0 [sflag:s0], s1  }
0x4e8: {  	s1 =	ssub.s32 @!p0 $0x0, s1;
	[sflag:s0] =	ssyncset.done @!p0 $0x0  }
0x4e9: {  	[sflag:s0] =	ssyncadd.s32 @!p0 s1  }
0x4ea: {  	[bflag:$0x3] =	sbarrier.arrive $0xFFFF  }
0x4eb: {  	_ =	shalt  }

</sc_bundles>
